<compile_context>
chip_gen: v7x
topology: tpu7x:2x2x1
jax: 0.10.2.dev20260603
libtpu: 0.0.44.dev20260713+nightly
codegen_flags: <defaults>
</compile_context>

<pallas_src>
import functools

import jax
import jax.numpy as jnp
from jax import lax
from jax.experimental import pallas as pl
from jax.experimental.pallas import tpu as pltpu
from jax.experimental.pallas import tpu_sc as plsc

B = 16384
DG = 32
DM = 32
H1, H2, H3 = 64, 32, 16
NROW = 1000000

NC, NS = 2, 16
NW = NC * NS
BPW = B // NW
NSLOT = 6
GRP = 16
NGRP = BPW // GRP


def _sc_gather(uhi, ulo, ihi, ilo, gut, git, mut, mit):
    mesh = plsc.VectorSubcoreMesh(core_axis_name="c", subcore_axis_name="s")
    row = jax.ShapeDtypeStruct((B, DG), jnp.float32)
    blk = pltpu.VMEM((NSLOT * DG, 128), jnp.float32)
    rbuf = pltpu.VMEM((GRP, DG), jnp.float32)

    @functools.partial(
        pl.kernel,
        out_type=(row, row, row),
        mesh=mesh,
        compiler_params=pltpu.CompilerParams(needs_layout_passes=False),
        scratch_types=[
            pltpu.VMEM((BPW,), jnp.int32),
            pltpu.VMEM((BPW,), jnp.int32),
            pltpu.VMEM((BPW,), jnp.int32),
            pltpu.VMEM((BPW,), jnp.int32),
            blk, blk, blk, blk,
            rbuf, rbuf, rbuf,
            pltpu.SemaphoreType.DMA,
            pltpu.SemaphoreType.DMA,
            pltpu.SemaphoreType.DMA,
            pltpu.SemaphoreType.DMA,
            pltpu.SemaphoreType.DMA,
            pltpu.SemaphoreType.DMA,
        ],
    )
    def gather_kernel(uhi_h, ulo_h, ihi_h, ilo_h, gu_h, gi_h, mu_h, mi_h,
                      out_gmf, out_mu, out_mi,
                      thi, tlo, shi, slo, bgu, bgi, bmu, bmi,
                      rg, rmu, rmi, semA, semB, semC, semD, semE, semF):
        wid = lax.axis_index("s") * NC + lax.axis_index("c")
        base = wid * BPW
        pltpu.sync_copy(uhi_h.at[pl.ds(base, BPW)], thi)
        pltpu.sync_copy(ulo_h.at[pl.ds(base, BPW)], tlo)
        pltpu.sync_copy(ihi_h.at[pl.ds(base, BPW)], shi)
        pltpu.sync_copy(ilo_h.at[pl.ds(base, BPW)], slo)
        iota = lax.broadcasted_iota(jnp.int32, (16,), 0)

        def group(g, carry):
            gbase = g * GRP
            uv = thi[pl.ds(gbase, GRP)]
            iv = shi[pl.ds(gbase, GRP)]
            ulv = tlo[pl.ds(gbase, GRP)]
            ilv = slo[pl.ds(gbase, GRP)]
            sems = [semA, semB, semC, semD, semE, semF]

            def fire(n, slot):
                tu = uv[n] * 128
                ti = iv[n] * 128
                dst = pl.ds(slot * DG, DG)
                sem = sems[slot]
                return [
                    pltpu.async_copy(gu_h.at[:, pl.ds(tu, 128)], bgu.at[dst], sem),
                    pltpu.async_copy(gi_h.at[:, pl.ds(ti, 128)], bgi.at[dst], sem),
                    pltpu.async_copy(mu_h.at[:, pl.ds(tu, 128)], bmu.at[dst], sem),
                    pltpu.async_copy(mi_h.at[:, pl.ds(ti, 128)], bmi.at[dst], sem),
                ]

            inflight = {s: fire(s, s) for s in range(NSLOT)}
            for n in range(GRP):
                slot = n % NSLOT
                for c in inflight[slot]:
                    c.wait()
                lu = iota * 0 + ulv[n]
                li = iota * 0 + ilv[n]
                ra = iota + slot * DG
                rb = ra + 16
                g0 = plsc.load_gather(bgu, [ra, lu])
                g1 = plsc.load_gather(bgu, [rb, lu])
                h0 = plsc.load_gather(bgi, [ra, li])
                h1 = plsc.load_gather(bgi, [rb, li])
                m0 = plsc.load_gather(bmu, [ra, lu])
                m1 = plsc.load_gather(bmu, [rb, lu])
                n0 = plsc.load_gather(bmi, [ra, li])
                n1 = plsc.load_gather(bmi, [rb, li])
                lo, hi = pl.ds(0, 16), pl.ds(16, 16)
                rg[n, lo] = g0 * h0
                rg[n, hi] = g1 * h1
                rmu[n, lo] = m0
                rmu[n, hi] = m1
                rmi[n, lo] = n0
                rmi[n, hi] = n1
                if n + NSLOT < GRP:
                    inflight[slot] = fire(n + NSLOT, slot)

            osl = pl.ds(base + gbase, GRP)
            pltpu.sync_copy(rg, out_gmf.at[osl])
            pltpu.sync_copy(rmu, out_mu.at[osl])
            pltpu.sync_copy(rmi, out_mi.at[osl])
            return carry

        lax.fori_loop(0, NGRP, group, 0)

    return gather_kernel(uhi, ulo, ihi, ilo, gut, git, mut, mit)


BLK = 1024
GRID = B // BLK


def _mlp_body(gmf_r, emu, emi, lab,
              w1a, w1b, b1, w2, b2, w3, b3, wpa, wpb, bp,
              m1_r, m2_r, m3_r, pred_r, loss_r):
    i = pl.program_id(0)
    dot = functools.partial(
        lax.dot_general,
        dimension_numbers=(((1,), (1,)), ((), ())),
        preferred_element_type=jnp.float32,
    )
    m1 = jnp.maximum(dot(emu[...], w1a[...]) + dot(emi[...], w1b[...]) + b1[...], 0.0)
    m2 = jnp.maximum(dot(m1, w2[...]) + b2[...], 0.0)
    m3 = jnp.maximum(dot(m2, w3[...]) + b3[...], 0.0)
    gmf = gmf_r[...]
    s = dot(gmf, wpa[...]) + dot(m3, wpb[...]) + bp[...]
    pred = jax.nn.sigmoid(s)
    m1_r[...] = m1
    m2_r[...] = m2
    m3_r[...] = m3
    pred_r[...] = pred
    p = jnp.clip(pred, 1e-7, 1.0 - 1e-7)
    y = lab[...].astype(jnp.float32)
    part = jnp.sum(-(y * jnp.log(p) + (1.0 - y) * jnp.log(1.0 - p)))

    @pl.when(i == 0)
    def _():
        loss_r[0, 0] = part

    @pl.when(i > 0)
    def _():
        loss_r[0, 0] += part

    @pl.when(i == GRID - 1)
    def _():
        loss_r[0, 0] = loss_r[0, 0] / B


def _tc_mlp(gmf, emu, emi, lab2, W1a, W1b, b1, W2, b2, W3, b3, Wpa, Wpb, bp):
    bspec = lambda d: pl.BlockSpec((BLK, d), lambda i: (i, 0))
    wspec = lambda r, c: pl.BlockSpec((r, c), lambda i: (0, 0))
    return pl.pallas_call(
        _mlp_body,
        grid=(GRID,),
        in_specs=[
            bspec(DG), bspec(DM), bspec(DM), bspec(1),
            wspec(H1, DM), wspec(H1, DM), wspec(1, H1),
            wspec(H2, H1), wspec(1, H2),
            wspec(H3, H2), wspec(1, H3),
            wspec(1, DG), wspec(1, H3), wspec(1, 1),
        ],
        out_specs=[
            bspec(H1), bspec(H2), bspec(H3), bspec(1),
            pl.BlockSpec(memory_space=pltpu.SMEM, block_shape=(1, 1),
                         index_map=lambda i: (0, 0)),
        ],
        out_shape=[
            jax.ShapeDtypeStruct((B, H1), jnp.float32),
            jax.ShapeDtypeStruct((B, H2), jnp.float32),
            jax.ShapeDtypeStruct((B, H3), jnp.float32),
            jax.ShapeDtypeStruct((B, 1), jnp.float32),
            jax.ShapeDtypeStruct((1, 1), jnp.float32),
        ],
    )(gmf, emu, emi, lab2, W1a, W1b, b1, W2, b2, W3, b3, Wpa, Wpb, bp)


def kernel(user, item, label, eu_gmf, ei_gmf, eu_mlp, ei_mlp,
           W1, b1, W2, b2, W3, b3, Wp, bp):
    uhi = lax.shift_right_logical(user, 7)
    ulo = jnp.bitwise_and(user, 127)
    ihi = lax.shift_right_logical(item, 7)
    ilo = jnp.bitwise_and(item, 127)
    gmf, emu, emi = _sc_gather(uhi, ulo, ihi, ilo,
                               eu_gmf.T, ei_gmf.T, eu_mlp.T, ei_mlp.T)
    W1a, W1b = W1[:, :DM], W1[:, DM:]
    Wpa, Wpb = Wp[:, :DG], Wp[:, DG:]
    m1, m2, m3, pred2, loss = _tc_mlp(
        gmf, emu, emi, label.reshape(B, 1),
        W1a, W1b, b1.reshape(1, H1), W2, b2.reshape(1, H2),
        W3, b3.reshape(1, H3), Wpa, Wpb, bp.reshape(1, 1),
    )
    return (loss[0, 0], m1, m2, m3, pred2.reshape(-1))

# --- scband reference (transcript-rebuilt; emitter-appended) ---
"""Pipeline reference for scband-neu-mf-9955734192891 (READ-ONLY COPY).

The authoritative reference and input builder live on the scoring server;
editing this copy changes nothing except your own understanding.
"""

import jax, jax.numpy as jnp
import numpy as np

B = 16384
U = 1000000
I = 1000000
DG = 32
DM = 32
HIDDEN = [64, 32, 16]


def setup_inputs(seed: int = 0) -> dict:
    key = jax.random.key(seed)
    ks = jax.random.split(key, 16)
    user = jax.random.randint(ks[0], (B,), 0, U, dtype=jnp.int32)
    item = jax.random.randint(ks[1], (B,), 0, I, dtype=jnp.int32)
    label = jax.random.randint(ks[2], (B,), 0, 2, dtype=jnp.int32)
    # embedding tables (normal std=0.01 as in torch init)
    eu_gmf = 0.01 * jax.random.normal(ks[3], (U, DG), dtype=jnp.float32)
    ei_gmf = 0.01 * jax.random.normal(ks[4], (I, DG), dtype=jnp.float32)
    eu_mlp = 0.01 * jax.random.normal(ks[5], (U, DM), dtype=jnp.float32)
    ei_mlp = 0.01 * jax.random.normal(ks[6], (I, DM), dtype=jnp.float32)
    # MLP linear layers, torch layout: weight (out, in)
    def xavier(k, out_d, in_d):
        lim = float(np.sqrt(6.0 / (in_d + out_d)))
        return jax.random.uniform(k, (out_d, in_d), jnp.float32, -lim, lim)
    W1 = xavier(ks[7], HIDDEN[0], 2 * DM)
    b1 = jnp.zeros((HIDDEN[0],), jnp.float32)
    W2 = xavier(ks[8], HIDDEN[1], HIDDEN[0])
    b2 = jnp.zeros((HIDDEN[1],), jnp.float32)
    W3 = xavier(ks[9], HIDDEN[2], HIDDEN[1])
    b3 = jnp.zeros((HIDDEN[2],), jnp.float32)
    Wp = xavier(ks[10], 1, HIDDEN[2] + DG)
    bp = jnp.zeros((1,), jnp.float32)
    return {
        'user': user, 'item': item, 'label': label,
        'eu_gmf': eu_gmf, 'ei_gmf': ei_gmf, 'eu_mlp': eu_mlp, 'ei_mlp': ei_mlp,
        'W1': W1, 'b1': b1, 'W2': W2, 'b2': b2, 'W3': W3, 'b3': b3,
        'Wp': Wp, 'bp': bp,
    }


def reference(user, item, label, eu_gmf, ei_gmf, eu_mlp, ei_mlp,
              W1, b1, W2, b2, W3, b3, Wp, bp):
    # GMF branch: elementwise product of user/item embeddings
    eg_u = jnp.take(eu_gmf, user, axis=0)
    eg_i = jnp.take(ei_gmf, item, axis=0)
    output_GMF = eg_u * eg_i
    # MLP branch (dropout p=0.0 / eval mode -> identity)
    em_u = jnp.take(eu_mlp, user, axis=0)
    em_i = jnp.take(ei_mlp, item, axis=0)
    x = jnp.concatenate([em_u, em_i], axis=-1)
    m1 = jax.nn.relu(x @ W1.T + b1)
    m2 = jax.nn.relu(m1 @ W2.T + b2)
    m3 = jax.nn.relu(m2 @ W3.T + b3)
    concat = jnp.concatenate([output_GMF, m3], axis=-1)
    prediction = jax.nn.sigmoid(concat @ Wp.T + bp).reshape(-1)
    y = label.astype(jnp.float32)
    p = jnp.clip(prediction, 1e-7, 1.0 - 1e-7)
    loss = jnp.mean(-(y * jnp.log(p) + (1.0 - y) * jnp.log(1.0 - p)))
    return (loss, m1, m2, m3, prediction)

if __name__ == "__main__":
    import jax
    _d = setup_inputs()
    print(jax.jit(kernel)(*tuple(_d.values())))

</pallas_src>

<mosaic_0001>
#map = affine_map<(d0, d1) -> (0)>
#map1 = affine_map<(d0, d1) -> (0, 0)>
module attributes {stable_mosaic.version = 14 : i64} {
  func.func @gather_kernel(%arg0: i32, %arg1: i32, %arg2: memref<16384xi32, #tpu.memory_space<hbm>>, %arg3: memref<16384xi32, #tpu.memory_space<hbm>>, %arg4: memref<16384xi32, #tpu.memory_space<hbm>>, %arg5: memref<16384xi32, #tpu.memory_space<hbm>>, %arg6: memref<32x1000000xf32, #tpu.memory_space<hbm>>, %arg7: memref<32x1000000xf32, #tpu.memory_space<hbm>>, %arg8: memref<32x1000000xf32, #tpu.memory_space<hbm>>, %arg9: memref<32x1000000xf32, #tpu.memory_space<hbm>>, %arg10: memref<16384x32xf32, #tpu.memory_space<hbm>>, %arg11: memref<16384x32xf32, #tpu.memory_space<hbm>>, %arg12: memref<16384x32xf32, #tpu.memory_space<hbm>>, %arg13: memref<512xi32, #tpu.memory_space<vmem>>, %arg14: memref<512xi32, #tpu.memory_space<vmem>>, %arg15: memref<512xi32, #tpu.memory_space<vmem>>, %arg16: memref<512xi32, #tpu.memory_space<vmem>>, %arg17: memref<192x128xf32, #tpu.memory_space<vmem>>, %arg18: memref<192x128xf32, #tpu.memory_space<vmem>>, %arg19: memref<192x128xf32, #tpu.memory_space<vmem>>, %arg20: memref<192x128xf32, #tpu.memory_space<vmem>>, %arg21: memref<16x32xf32, #tpu.memory_space<vmem>>, %arg22: memref<16x32xf32, #tpu.memory_space<vmem>>, %arg23: memref<16x32xf32, #tpu.memory_space<vmem>>, %arg24: memref<!tpu.dma_semaphore, #tpu.memory_space<semaphore_mem>>, %arg25: memref<!tpu.dma_semaphore, #tpu.memory_space<semaphore_mem>>, %arg26: memref<!tpu.dma_semaphore, #tpu.memory_space<semaphore_mem>>, %arg27: memref<!tpu.dma_semaphore, #tpu.memory_space<semaphore_mem>>, %arg28: memref<!tpu.dma_semaphore, #tpu.memory_space<semaphore_mem>>, %arg29: memref<!tpu.dma_semaphore, #tpu.memory_space<semaphore_mem>>) attributes {dimension_semantics = [#tpu.dimension_semantics<core_parallel>, #tpu.dimension_semantics<subcore_parallel>], iteration_bounds = array<i64: 2, 16>, scalar_prefetch = 0 : i64, scratch_operands = 17 : i64, tpu.core_type = #tpu.core_type<sc_vector_subcore>, window_params = [{transform_indices = #map}, {transform_indices = #map}, {transform_indices = #map}, {transform_indices = #map}, {transform_indices = #map1}, {transform_indices = #map1}, {transform_indices = #map1}, {transform_indices = #map1}, {transform_indices = #map1}, {transform_indices = #map1}, {transform_indices = #map1}]} {
    %mul3A = arith.constant 2 : i32
    %mul3A_0 = arith.muli %arg1, %mul3A : i32
    %add3A = arith.addi %mul3A_0, %arg0 : i32
    %mul3A_1 = arith.constant 512 : i32
    %mul3A_2 = arith.muli %add3A, %mul3A_1 : i32
    "tpu.region"() ({
      %run_scoped3A = tpu.sem_alloc : memref<!tpu.dma_semaphore, #tpu.memory_space<semaphore_mem>>
      %dma_start3A = tpu.memref_slice %arg2[%mul3A_2] : memref<16384xi32, #tpu.memory_space<hbm>> -> memref<512xi32, #tpu.memory_space<hbm>>
      %dma_start3A_8 = tpu.memref_slice %arg2[%mul3A_2] : memref<16384xi32, #tpu.memory_space<hbm>> -> memref<512xi32, #tpu.memory_space<hbm>>
      tpu.enqueue_dma source(%dma_start3A_8 : memref<512xi32, #tpu.memory_space<hbm>>) target(%arg13 : memref<512xi32, #tpu.memory_space<vmem>>) target_semaphore(%run_scoped3A : memref<!tpu.dma_semaphore, #tpu.memory_space<semaphore_mem>>)
      %dma_wait3A = tpu.memref_slice %arg2[%mul3A_2] : memref<16384xi32, #tpu.memory_space<hbm>> -> memref<512xi32, #tpu.memory_space<hbm>>
      %dma_wait3A_9 = tpu.memref_slice %arg2[%mul3A_2] : memref<16384xi32, #tpu.memory_space<hbm>> -> memref<512xi32, #tpu.memory_space<hbm>>
      tpu.wait_dma2 semaphore(%run_scoped3A : memref<!tpu.dma_semaphore, #tpu.memory_space<semaphore_mem>>) src(%dma_wait3A_9 : memref<512xi32, #tpu.memory_space<hbm>>) dst(%arg13 : memref<512xi32, #tpu.memory_space<vmem>>)
      tpu.yield
    }) : () -> ()
    "tpu.region"() ({
      %run_scoped3A = tpu.sem_alloc : memref<!tpu.dma_semaphore, #tpu.memory_space<semaphore_mem>>
      %dma_start3A = tpu.memref_slice %arg3[%mul3A_2] : memref<16384xi32, #tpu.memory_space<hbm>> -> memref<512xi32, #tpu.memory_space<hbm>>
      %dma_start3A_8 = tpu.memref_slice %arg3[%mul3A_2] : memref<16384xi32, #tpu.memory_space<hbm>> -> memref<512xi32, #tpu.memory_space<hbm>>
      tpu.enqueue_dma source(%dma_start3A_8 : memref<512xi32, #tpu.memory_space<hbm>>) target(%arg14 : memref<512xi32, #tpu.memory_space<vmem>>) target_semaphore(%run_scoped3A : memref<!tpu.dma_semaphore, #tpu.memory_space<semaphore_mem>>)
      %dma_wait3A = tpu.memref_slice %arg3[%mul3A_2] : memref<16384xi32, #tpu.memory_space<hbm>> -> memref<512xi32, #tpu.memory_space<hbm>>
      %dma_wait3A_9 = tpu.memref_slice %arg3[%mul3A_2] : memref<16384xi32, #tpu.memory_space<hbm>> -> memref<512xi32, #tpu.memory_space<hbm>>
      tpu.wait_dma2 semaphore(%run_scoped3A : memref<!tpu.dma_semaphore, #tpu.memory_space<semaphore_mem>>) src(%dma_wait3A_9 : memref<512xi32, #tpu.memory_space<hbm>>) dst(%arg14 : memref<512xi32, #tpu.memory_space<vmem>>)
      tpu.yield
    }) : () -> ()
    "tpu.region"() ({
      %run_scoped3A = tpu.sem_alloc : memref<!tpu.dma_semaphore, #tpu.memory_space<semaphore_mem>>
      %dma_start3A = tpu.memref_slice %arg4[%mul3A_2] : memref<16384xi32, #tpu.memory_space<hbm>> -> memref<512xi32, #tpu.memory_space<hbm>>
      %dma_start3A_8 = tpu.memref_slice %arg4[%mul3A_2] : memref<16384xi32, #tpu.memory_space<hbm>> -> memref<512xi32, #tpu.memory_space<hbm>>
      tpu.enqueue_dma source(%dma_start3A_8 : memref<512xi32, #tpu.memory_space<hbm>>) target(%arg15 : memref<512xi32, #tpu.memory_space<vmem>>) target_semaphore(%run_scoped3A : memref<!tpu.dma_semaphore, #tpu.memory_space<semaphore_mem>>)
      %dma_wait3A = tpu.memref_slice %arg4[%mul3A_2] : memref<16384xi32, #tpu.memory_space<hbm>> -> memref<512xi32, #tpu.memory_space<hbm>>
      %dma_wait3A_9 = tpu.memref_slice %arg4[%mul3A_2] : memref<16384xi32, #tpu.memory_space<hbm>> -> memref<512xi32, #tpu.memory_space<hbm>>
      tpu.wait_dma2 semaphore(%run_scoped3A : memref<!tpu.dma_semaphore, #tpu.memory_space<semaphore_mem>>) src(%dma_wait3A_9 : memref<512xi32, #tpu.memory_space<hbm>>) dst(%arg15 : memref<512xi32, #tpu.memory_space<vmem>>)
      tpu.yield
    }) : () -> ()
    "tpu.region"() ({
      %run_scoped3A = tpu.sem_alloc : memref<!tpu.dma_semaphore, #tpu.memory_space<semaphore_mem>>
      %dma_start3A = tpu.memref_slice %arg5[%mul3A_2] : memref<16384xi32, #tpu.memory_space<hbm>> -> memref<512xi32, #tpu.memory_space<hbm>>
      %dma_start3A_8 = tpu.memref_slice %arg5[%mul3A_2] : memref<16384xi32, #tpu.memory_space<hbm>> -> memref<512xi32, #tpu.memory_space<hbm>>
      tpu.enqueue_dma source(%dma_start3A_8 : memref<512xi32, #tpu.memory_space<hbm>>) target(%arg16 : memref<512xi32, #tpu.memory_space<vmem>>) target_semaphore(%run_scoped3A : memref<!tpu.dma_semaphore, #tpu.memory_space<semaphore_mem>>)
      %dma_wait3A = tpu.memref_slice %arg5[%mul3A_2] : memref<16384xi32, #tpu.memory_space<hbm>> -> memref<512xi32, #tpu.memory_space<hbm>>
      %dma_wait3A_9 = tpu.memref_slice %arg5[%mul3A_2] : memref<16384xi32, #tpu.memory_space<hbm>> -> memref<512xi32, #tpu.memory_space<hbm>>
      tpu.wait_dma2 semaphore(%run_scoped3A : memref<!tpu.dma_semaphore, #tpu.memory_space<semaphore_mem>>) src(%dma_wait3A_9 : memref<512xi32, #tpu.memory_space<hbm>>) dst(%arg16 : memref<512xi32, #tpu.memory_space<vmem>>)
      tpu.yield
    }) : () -> ()
    %iota3A = tpu.iota {dimensions = array<i32: 0>} : vector<16xi32>
    %scan3A = arith.constant 0 : i32
    %scan3A_3 = arith.constant 0 : i32
    %scan3A_4 = arith.constant 32 : i32
    %scan3A_5 = arith.addi %scan3A_3, %scan3A_4 : i32
    %scan3A_6 = arith.constant 1 : i32
    scf.for %scan3A_8 = %scan3A_3 to %scan3A_5 step %scan3A_6  : i32 {
      %mul3A_9 = arith.constant 16 : i32
      %mul3A_10 = arith.muli %scan3A_8, %mul3A_9 : i32
      %get3A = arith.index_cast %mul3A_10 : i32 to index
      %get3A_11 = tpu.vector_load %arg13[%get3A] {strides = array<i32>} : memref<512xi32, #tpu.memory_space<vmem>>, vector<16xi32>,
      %get3A_12 = arith.index_cast %mul3A_10 : i32 to index
      %get3A_13 = tpu.vector_load %arg15[%get3A_12] {strides = array<i32>} : memref<512xi32, #tpu.memory_space<vmem>>, vector<16xi32>,
      %get3A_14 = arith.index_cast %mul3A_10 : i32 to index
      %get3A_15 = tpu.vector_load %arg14[%get3A_14] {strides = array<i32>} : memref<512xi32, #tpu.memory_space<vmem>>, vector<16xi32>,
      %get3A_16 = arith.index_cast %mul3A_10 : i32 to index
      %get3A_17 = tpu.vector_load %arg16[%get3A_16] {strides = array<i32>} : memref<512xi32, #tpu.memory_space<vmem>>, vector<16xi32>,
      %slice3A = vector.extract_strided_slice %get3A_11 {offsets = [0], sizes = [1], strides = [1]} : vector<16xi32> to vector<1xi32>
      %squeeze3A = vector.extract %slice3A[0] : i32 from vector<1xi32>
      %mul3A_18 = arith.constant 128 : i32
      %mul3A_19 = arith.muli %squeeze3A, %mul3A_18 : i32
      %slice3A_20 = vector.extract_strided_slice %get3A_13 {offsets = [0], sizes = [1], strides = [1]} : vector<16xi32> to vector<1xi32>
      %squeeze3A_21 = vector.extract %slice3A_20[0] : i32 from vector<1xi32>
      %mul3A_22 = arith.constant 128 : i32
      %mul3A_23 = arith.muli %squeeze3A_21, %mul3A_22 : i32
      %dma_start3A = arith.constant 0 : i32
      %dma_start3A_24 = arith.constant 0 : i32
      %dma_start3A_25 = tpu.memref_slice %arg17[%dma_start3A, %dma_start3A_24] : memref<192x128xf32, #tpu.memory_space<vmem>> -> memref<32x128xf32, #tpu.memory_space<vmem>>
      %dma_start3A_26 = arith.constant 0 : i32
      %dma_start3A_27 = tpu.memref_slice %arg6[%dma_start3A_26, %mul3A_19] : memref<32x1000000xf32, #tpu.memory_space<hbm>> -> memref<32x128xf32, #tpu.memory_space<hbm>>
      %dma_start3A_28 = arith.constant 0 : i32
      %dma_start3A_29 = arith.constant 0 : i32
      %dma_start3A_30 = tpu.memref_slice %arg17[%dma_start3A_28, %dma_start3A_29] : memref<192x128xf32, #tpu.memory_space<vmem>> -> memref<32x128xf32, #tpu.memory_space<vmem>>
      %dma_start3A_31 = arith.constant 0 : i32
      %dma_start3A_32 = tpu.memref_slice %arg6[%dma_start3A_31, %mul3A_19] : memref<32x1000000xf32, #tpu.memory_space<hbm>> -> memref<32x128xf32, #tpu.memory_space<hbm>>
      tpu.enqueue_dma source(%dma_start3A_32 : memref<32x128xf32, #tpu.memory_space<hbm>>) target(%dma_start3A_30 : memref<32x128xf32, #tpu.memory_space<vmem>>) target_semaphore(%arg24 : memref<!tpu.dma_semaphore, #tpu.memory_space<semaphore_mem>>)
      %dma_start3A_33 = arith.constant 0 : i32
      %dma_start3A_34 = arith.constant 0 : i32
      %dma_start3A_35 = tpu.memref_slice %arg18[%dma_start3A_33, %dma_start3A_34] : memref<192x128xf32, #tpu.memory_space<vmem>> -> memref<32x128xf32, #tpu.memory_space<vmem>>
      %dma_start3A_36 = arith.constant 0 : i32
      %dma_start3A_37 = tpu.memref_slice %arg7[%dma_start3A_36, %mul3A_23] : memref<32x1000000xf32, #tpu.memory_space<hbm>> -> memref<32x128xf32, #tpu.memory_space<hbm>>
      %dma_start3A_38 = arith.constant 0 : i32
      %dma_start3A_39 = arith.constant 0 : i32
      %dma_start3A_40 = tpu.memref_slice %arg18[%dma_start3A_38, %dma_start3A_39] : memref<192x128xf32, #tpu.memory_space<vmem>> -> memref<32x128xf32, #tpu.memory_space<vmem>>
      %dma_start3A_41 = arith.constant 0 : i32
      %dma_start3A_42 = tpu.memref_slice %arg7[%dma_start3A_41, %mul3A_23] : memref<32x1000000xf32, #tpu.memory_space<hbm>> -> memref<32x128xf32, #tpu.memory_space<hbm>>
      tpu.enqueue_dma source(%dma_start3A_42 : memref<32x128xf32, #tpu.memory_space<hbm>>) target(%dma_start3A_40 : memref<32x128xf32, #tpu.memory_space<vmem>>) target_semaphore(%arg24 : memref<!tpu.dma_semaphore, #tpu.memory_space<semaphore_mem>>)
      %dma_start3A_43 = arith.constant 0 : i32
      %dma_start3A_44 = arith.constant 0 : i32
      %dma_start3A_45 = tpu.memref_slice %arg19[%dma_start3A_43, %dma_start3A_44] : memref<192x128xf32, #tpu.memory_space<vmem>> -> memref<32x128xf32, #tpu.memory_space<vmem>>
      %dma_start3A_46 = arith.constant 0 : i32
      %dma_start3A_47 = tpu.memref_slice %arg8[%dma_start3A_46, %mul3A_19] : memref<32x1000000xf32, #tpu.memory_space<hbm>> -> memref<32x128xf32, #tpu.memory_space<hbm>>
      %dma_start3A_48 = arith.constant 0 : i32
      %dma_start3A_49 = arith.constant 0 : i32
      %dma_start3A_50 = tpu.memref_slice %arg19[%dma_start3A_48, %dma_start3A_49] : memref<192x128xf32, #tpu.memory_space<vmem>> -> memref<32x128xf32, #tpu.memory_space<vmem>>
      %dma_start3A_51 = arith.constant 0 : i32
      %dma_start3A_52 = tpu.memref_slice %arg8[%dma_start3A_51, %mul3A_19] : memref<32x1000000xf32, #tpu.memory_space<hbm>> -> memref<32x128xf32, #tpu.memory_space<hbm>>
      tpu.enqueue_dma source(%dma_start3A_52 : memref<32x128xf32, #tpu.memory_space<hbm>>) target(%dma_start3A_50 : memref<32x128xf32, #tpu.memory_space<vmem>>) target_semaphore(%arg24 : memref<!tpu.dma_semaphore, #tpu.memory_space<semaphore_mem>>)
      %dma_start3A_53 = arith.constant 0 : i32
      %dma_start3A_54 = arith.constant 0 : i32
      %dma_start3A_55 = tpu.memref_slice %arg20[%dma_start3A_53, %dma_start3A_54] : memref<192x128xf32, #tpu.memory_space<vmem>> -> memref<32x128xf32, #tpu.memory_space<vmem>>
      %dma_start3A_56 = arith.constant 0 : i32
      %dma_start3A_57 = tpu.memref_slice %arg9[%dma_start3A_56, %mul3A_23] : memref<32x1000000xf32, #tpu.memory_space<hbm>> -> memref<32x128xf32, #tpu.memory_space<hbm>>
      %dma_start3A_58 = arith.constant 0 : i32
      %dma_start3A_59 = arith.constant 0 : i32
      %dma_start3A_60 = tpu.memref_slice %arg20[%dma_start3A_58, %dma_start3A_59] : memref<192x128xf32, #tpu.memory_space<vmem>> -> memref<32x128xf32, #tpu.memory_space<vmem>>
      %dma_start3A_61 = arith.constant 0 : i32
      %dma_start3A_62 = tpu.memref_slice %arg9[%dma_start3A_61, %mul3A_23] : memref<32x1000000xf32, #tpu.memory_space<hbm>> -> memref<32x128xf32, #tpu.memory_space<hbm>>
      tpu.enqueue_dma source(%dma_start3A_62 : memref<32x128xf32, #tpu.memory_space<hbm>>) target(%dma_start3A_60 : memref<32x128xf32, #tpu.memory_space<vmem>>) target_semaphore(%arg24 : memref<!tpu.dma_semaphore, #tpu.memory_space<semaphore_mem>>)
      %slice3A_63 = vector.extract_strided_slice %get3A_11 {offsets = [1], sizes = [1], strides = [1]} : vector<16xi32> to vector<1xi32>
      %squeeze3A_64 = vector.extract %slice3A_63[0] : i32 from vector<1xi32>
      %mul3A_65 = arith.constant 128 : i32
      %mul3A_66 = arith.muli %squeeze3A_64, %mul3A_65 : i32
      %slice3A_67 = vector.extract_strided_slice %get3A_13 {offsets = [1], sizes = [1], strides = [1]} : vector<16xi32> to vector<1xi32>
      %squeeze3A_68 = vector.extract %slice3A_67[0] : i32 from vector<1xi32>
      %mul3A_69 = arith.constant 128 : i32
      %mul3A_70 = arith.muli %squeeze3A_68, %mul3A_69 : i32
      %dma_start3A_71 = arith.constant 32 : i32
      %dma_start3A_72 = arith.constant 0 : i32
      %dma_start3A_73 = tpu.memref_slice %arg17[%dma_start3A_71, %dma_start3A_72] : memref<192x128xf32, #tpu.memory_space<vmem>> -> memref<32x128xf32, #tpu.memory_space<vmem>>
      %dma_start3A_74 = arith.constant 0 : i32
      %dma_start3A_75 = tpu.memref_slice %arg6[%dma_start3A_74, %mul3A_66] : memref<32x1000000xf32, #tpu.memory_space<hbm>> -> memref<32x128xf32, #tpu.memory_space<hbm>>
      %dma_start3A_76 = arith.constant 32 : i32
      %dma_start3A_77 = arith.constant 0 : i32
      %dma_start3A_78 = tpu.memref_slice %arg17[%dma_start3A_76, %dma_start3A_77] : memref<192x128xf32, #tpu.memory_space<vmem>> -> memref<32x128xf32, #tpu.memory_space<vmem>>
      %dma_start3A_79 = arith.constant 0 : i32
      %dma_start3A_80 = tpu.memref_slice %arg6[%dma_start3A_79, %mul3A_66] : memref<32x1000000xf32, #tpu.memory_space<hbm>> -> memref<32x128xf32, #tpu.memory_space<hbm>>
      tpu.enqueue_dma source(%dma_start3A_80 : memref<32x128xf32, #tpu.memory_space<hbm>>) target(%dma_start3A_78 : memref<32x128xf32, #tpu.memory_space<vmem>>) target_semaphore(%arg25 : memref<!tpu.dma_semaphore, #tpu.memory_space<semaphore_mem>>)
      %dma_start3A_81 = arith.constant 32 : i32
      %dma_start3A_82 = arith.constant 0 : i32
      %dma_start3A_83 = tpu.memref_slice %arg18[%dma_start3A_81, %dma_start3A_82] : memref<192x128xf32, #tpu.memory_space<vmem>> -> memref<32x128xf32, #tpu.memory_space<vmem>>
      %dma_start3A_84 = arith.constant 0 : i32
      %dma_start3A_85 = tpu.memref_slice %arg7[%dma_start3A_84, %mul3A_70] : memref<32x1000000xf32, #tpu.memory_space<hbm>> -> memref<32x128xf32, #tpu.memory_space<hbm>>
      %dma_start3A_86 = arith.constant 32 : i32
      %dma_start3A_87 = arith.constant 0 : i32
      %dma_start3A_88 = tpu.memref_slice %arg18[%dma_start3A_86, %dma_start3A_87] : memref<192x128xf32, #tpu.memory_space<vmem>> -> memref<32x128xf32, #tpu.memory_space<vmem>>
      %dma_start3A_89 = arith.constant 0 : i32
      %dma_start3A_90 = tpu.memref_slice %arg7[%dma_start3A_89, %mul3A_70] : memref<32x1000000xf32, #tpu.memory_space<hbm>> -> memref<32x128xf32, #tpu.memory_space<hbm>>
      tpu.enqueue_dma source(%dma_start3A_90 : memref<32x128xf32, #tpu.memory_space<hbm>>) target(%dma_start3A_88 : memref<32x128xf32, #tpu.memory_space<vmem>>) target_semaphore(%arg25 : memref<!tpu.dma_semaphore, #tpu.memory_space<semaphore_mem>>)
      %dma_start3A_91 = arith.constant 32 : i32
      %dma_start3A_92 = arith.constant 0 : i32
      %dma_start3A_93 = tpu.memref_slice %arg19[%dma_start3A_91, %dma_start3A_92] : memref<192x128xf32, #tpu.memory_space<vmem>> -> memref<32x128xf32, #tpu.memory_space<vmem>>
      %dma_start3A_94 = arith.constant 0 : i32
      %dma_start3A_95 = tpu.memref_slice %arg8[%dma_start3A_94, %mul3A_66] : memref<32x1000000xf32, #tpu.memory_space<hbm>> -> memref<32x128xf32, #tpu.memory_space<hbm>>
      %dma_start3A_96 = arith.constant 32 : i32
      %dma_start3A_97 = arith.constant 0 : i32
      %dma_start3A_98 = tpu.memref_slice %arg19[%dma_start3A_96, %dma_start3A_97] : memref<192x128xf32, #tpu.memory_space<vmem>> -> memref<32x128xf32, #tpu.memory_space<vmem>>
      %dma_start3A_99 = arith.constant 0 : i32
      %dma_start3A_100 = tpu.memref_slice %arg8[%dma_start3A_99, %mul3A_66] : memref<32x1000000xf32, #tpu.memory_space<hbm>> -> memref<32x128xf32, #tpu.memory_space<hbm>>
      tpu.enqueue_dma source(%dma_start3A_100 : memref<32x128xf32, #tpu.memory_space<hbm>>) target(%dma_start3A_98 : memref<32x128xf32, #tpu.memory_space<vmem>>) target_semaphore(%arg25 : memref<!tpu.dma_semaphore, #tpu.memory_space<semaphore_mem>>)
      %dma_start3A_101 = arith.constant 32 : i32
      %dma_start3A_102 = arith.constant 0 : i32
      %dma_start3A_103 = tpu.memref_slice %arg20[%dma_start3A_101, %dma_start3A_102] : memref<192x128xf32, #tpu.memory_space<vmem>> -> memref<32x128xf32, #tpu.memory_space<vmem>>
      %dma_start3A_104 = arith.constant 0 : i32
      %dma_start3A_105 = tpu.memref_slice %arg9[%dma_start3A_104, %mul3A_70] : memref<32x1000000xf32, #tpu.memory_space<hbm>> -> memref<32x128xf32, #tpu.memory_space<hbm>>
      %dma_start3A_106 = arith.constant 32 : i32
      %dma_start3A_107 = arith.constant 0 : i32
      %dma_start3A_108 = tpu.memref_slice %arg20[%dma_start3A_106, %dma_start3A_107] : memref<192x128xf32, #tpu.memory_space<vmem>> -> memref<32x128xf32, #tpu.memory_space<vmem>>
      %dma_start3A_109 = arith.constant 0 : i32
      %dma_start3A_110 = tpu.memref_slice %arg9[%dma_start3A_109, %mul3A_70] : memref<32x1000000xf32, #tpu.memory_space<hbm>> -> memref<32x128xf32, #tpu.memory_space<hbm>>
      tpu.enqueue_dma source(%dma_start3A_110 : memref<32x128xf32, #tpu.memory_space<hbm>>) target(%dma_start3A_108 : memref<32x128xf32, #tpu.memory_space<vmem>>) target_semaphore(%arg25 : memref<!tpu.dma_semaphore, #tpu.memory_space<semaphore_mem>>)
      %slice3A_111 = vector.extract_strided_slice %get3A_11 {offsets = [2], sizes = [1], strides = [1]} : vector<16xi32> to vector<1xi32>
      %squeeze3A_112 = vector.extract %slice3A_111[0] : i32 from vector<1xi32>
      %mul3A_113 = arith.constant 128 : i32
      %mul3A_114 = arith.muli %squeeze3A_112, %mul3A_113 : i32
      %slice3A_115 = vector.extract_strided_slice %get3A_13 {offsets = [2], sizes = [1], strides = [1]} : vector<16xi32> to vector<1xi32>
      %squeeze3A_116 = vector.extract %slice3A_115[0] : i32 from vector<1xi32>
      %mul3A_117 = arith.constant 128 : i32
      %mul3A_118 = arith.muli %squeeze3A_116, %mul3A_117 : i32
      %dma_start3A_119 = arith.constant 64 : i32
      %dma_start3A_120 = arith.constant 0 : i32
      %dma_start3A_121 = tpu.memref_slice %arg17[%dma_start3A_119, %dma_start3A_120] : memref<192x128xf32, #tpu.memory_space<vmem>> -> memref<32x128xf32, #tpu.memory_space<vmem>>
      %dma_start3A_122 = arith.constant 0 : i32
      %dma_start3A_123 = tpu.memref_slice %arg6[%dma_start3A_122, %mul3A_114] : memref<32x1000000xf32, #tpu.memory_space<hbm>> -> memref<32x128xf32, #tpu.memory_space<hbm>>
      %dma_start3A_124 = arith.constant 64 : i32
      %dma_start3A_125 = arith.constant 0 : i32
      %dma_start3A_126 = tpu.memref_slice %arg17[%dma_start3A_124, %dma_start3A_125] : memref<192x128xf32, #tpu.memory_space<vmem>> -> memref<32x128xf32, #tpu.memory_space<vmem>>
      %dma_start3A_127 = arith.constant 0 : i32
      %dma_start3A_128 = tpu.memref_slice %arg6[%dma_start3A_127, %mul3A_114] : memref<32x1000000xf32, #tpu.memory_space<hbm>> -> memref<32x128xf32, #tpu.memory_space<hbm>>
      tpu.enqueue_dma source(%dma_start3A_128 : memref<32x128xf32, #tpu.memory_space<hbm>>) target(%dma_start3A_126 : memref<32x128xf32, #tpu.memory_space<vmem>>) target_semaphore(%arg26 : memref<!tpu.dma_semaphore, #tpu.memory_space<semaphore_mem>>)
      %dma_start3A_129 = arith.constant 64 : i32
      %dma_start3A_130 = arith.constant 0 : i32
      %dma_start3A_131 = tpu.memref_slice %arg18[%dma_start3A_129, %dma_start3A_130] : memref<192x128xf32, #tpu.memory_space<vmem>> -> memref<32x128xf32, #tpu.memory_space<vmem>>
      %dma_start3A_132 = arith.constant 0 : i32
      %dma_start3A_133 = tpu.memref_slice %arg7[%dma_start3A_132, %mul3A_118] : memref<32x1000000xf32, #tpu.memory_space<hbm>> -> memref<32x128xf32, #tpu.memory_space<hbm>>
      %dma_start3A_134 = arith.constant 64 : i32
      %dma_start3A_135 = arith.constant 0 : i32
      %dma_start3A_136 = tpu.memref_slice %arg18[%dma_start3A_134, %dma_start3A_135] : memref<192x128xf32, #tpu.memory_space<vmem>> -> memref<32x128xf32, #tpu.memory_space<vmem>>
      %dma_start3A_137 = arith.constant 0 : i32
      %dma_start3A_138 = tpu.memref_slice %arg7[%dma_start3A_137, %mul3A_118] : memref<32x1000000xf32, #tpu.memory_space<hbm>> -> memref<32x128xf32, #tpu.memory_space<hbm>>
      tpu.enqueue_dma source(%dma_start3A_138 : memref<32x128xf32, #tpu.memory_space<hbm>>) target(%dma_start3A_136 : memref<32x128xf32, #tpu.memory_space<vmem>>) target_semaphore(%arg26 : memref<!tpu.dma_semaphore, #tpu.memory_space<semaphore_mem>>)
      %dma_start3A_139 = arith.constant 64 : i32
      %dma_start3A_140 = arith.constant 0 : i32
      %dma_start3A_141 = tpu.memref_slice %arg19[%dma_start3A_139, %dma_start3A_140] : memref<192x128xf32, #tpu.memory_space<vmem>> -> memref<32x128xf32, #tpu.memory_space<vmem>>
      %dma_start3A_142 = arith.constant 0 : i32
      %dma_start3A_143 = tpu.memref_slice %arg8[%dma_start3A_142, %mul3A_114] : memref<32x1000000xf32, #tpu.memory_space<hbm>> -> memref<32x128xf32, #tpu.memory_space<hbm>>
      %dma_start3A_144 = arith.constant 64 : i32
      %dma_start3A_145 = arith.constant 0 : i32
      %dma_start3A_146 = tpu.memref_slice %arg19[%dma_start3A_144, %dma_start3A_145] : memref<192x128xf32, #tpu.memory_space<vmem>> -> memref<32x128xf32, #tpu.memory_space<vmem>>
      %dma_start3A_147 = arith.constant 0 : i32
      %dma_start3A_148 = tpu.memref_slice %arg8[%dma_start3A_147, %mul3A_114] : memref<32x1000000xf32, #tpu.memory_space<hbm>> -> memref<32x128xf32, #tpu.memory_space<hbm>>
      tpu.enqueue_dma source(%dma_start3A_148 : memref<32x128xf32, #tpu.memory_space<hbm>>) target(%dma_start3A_146 : memref<32x128xf32, #tpu.memory_space<vmem>>) target_semaphore(%arg26 : memref<!tpu.dma_semaphore, #tpu.memory_space<semaphore_mem>>)
      %dma_start3A_149 = arith.constant 64 : i32
      %dma_start3A_150 = arith.constant 0 : i32
      %dma_start3A_151 = tpu.memref_slice %arg20[%dma_start3A_149, %dma_start3A_150] : memref<192x128xf32, #tpu.memory_space<vmem>> -> memref<32x128xf32, #tpu.memory_space<vmem>>
      %dma_start3A_152 = arith.constant 0 : i32
      %dma_start3A_153 = tpu.memref_slice %arg9[%dma_start3A_152, %mul3A_118] : memref<32x1000000xf32, #tpu.memory_space<hbm>> -> memref<32x128xf32, #tpu.memory_space<hbm>>
      %dma_start3A_154 = arith.constant 64 : i32
      %dma_start3A_155 = arith.constant 0 : i32
      %dma_start3A_156 = tpu.memref_slice %arg20[%dma_start3A_154, %dma_start3A_155] : memref<192x128xf32, #tpu.memory_space<vmem>> -> memref<32x128xf32, #tpu.memory_space<vmem>>
      %dma_start3A_157 = arith.constant 0 : i32
      %dma_start3A_158 = tpu.memref_slice %arg9[%dma_start3A_157, %mul3A_118] : memref<32x1000000xf32, #tpu.memory_space<hbm>> -> memref<32x128xf32, #tpu.memory_space<hbm>>
      tpu.enqueue_dma source(%dma_start3A_158 : memref<32x128xf32, #tpu.memory_space<hbm>>) target(%dma_start3A_156 : memref<32x128xf32, #tpu.memory_space<vmem>>) target_semaphore(%arg26 : memref<!tpu.dma_semaphore, #tpu.memory_space<semaphore_mem>>)
      %slice3A_159 = vector.extract_strided_slice %get3A_11 {offsets = [3], sizes = [1], strides = [1]} : vector<16xi32> to vector<1xi32>
      %squeeze3A_160 = vector.extract %slice3A_159[0] : i32 from vector<1xi32>
      %mul3A_161 = arith.constant 128 : i32
      %mul3A_162 = arith.muli %squeeze3A_160, %mul3A_161 : i32
      %slice3A_163 = vector.extract_strided_slice %get3A_13 {offsets = [3], sizes = [1], strides = [1]} : vector<16xi32> to vector<1xi32>
      %squeeze3A_164 = vector.extract %slice3A_163[0] : i32 from vector<1xi32>
      %mul3A_165 = arith.constant 128 : i32
      %mul3A_166 = arith.muli %squeeze3A_164, %mul3A_165 : i32
      %dma_start3A_167 = arith.constant 96 : i32
      %dma_start3A_168 = arith.constant 0 : i32
      %dma_start3A_169 = tpu.memref_slice %arg17[%dma_start3A_167, %dma_start3A_168] : memref<192x128xf32, #tpu.memory_space<vmem>> -> memref<32x128xf32, #tpu.memory_space<vmem>>
      %dma_start3A_170 = arith.constant 0 : i32
      %dma_start3A_171 = tpu.memref_slice %arg6[%dma_start3A_170, %mul3A_162] : memref<32x1000000xf32, #tpu.memory_space<hbm>> -> memref<32x128xf32, #tpu.memory_space<hbm>>
      %dma_start3A_172 = arith.constant 96 : i32
      %dma_start3A_173 = arith.constant 0 : i32
      %dma_start3A_174 = tpu.memref_slice %arg17[%dma_start3A_172, %dma_start3A_173] : memref<192x128xf32, #tpu.memory_space<vmem>> -> memref<32x128xf32, #tpu.memory_space<vmem>>
      %dma_start3A_175 = arith.constant 0 : i32
      %dma_start3A_176 = tpu.memref_slice %arg6[%dma_start3A_175, %mul3A_162] : memref<32x1000000xf32, #tpu.memory_space<hbm>> -> memref<32x128xf32, #tpu.memory_space<hbm>>
      tpu.enqueue_dma source(%dma_start3A_176 : memref<32x128xf32, #tpu.memory_space<hbm>>) target(%dma_start3A_174 : memref<32x128xf32, #tpu.memory_space<vmem>>) target_semaphore(%arg27 : memref<!tpu.dma_semaphore, #tpu.memory_space<semaphore_mem>>)
      %dma_start3A_177 = arith.constant 96 : i32
      %dma_start3A_178 = arith.constant 0 : i32
      %dma_start3A_179 = tpu.memref_slice %arg18[%dma_start3A_177, %dma_start3A_178] : memref<192x128xf32, #tpu.memory_space<vmem>> -> memref<32x128xf32, #tpu.memory_space<vmem>>
      %dma_start3A_180 = arith.constant 0 : i32
      %dma_start3A_181 = tpu.memref_slice %arg7[%dma_start3A_180, %mul3A_166] : memref<32x1000000xf32, #tpu.memory_space<hbm>> -> memref<32x128xf32, #tpu.memory_space<hbm>>
      %dma_start3A_182 = arith.constant 96 : i32
      %dma_start3A_183 = arith.constant 0 : i32
      %dma_start3A_184 = tpu.memref_slice %arg18[%dma_start3A_182, %dma_start3A_183] : memref<192x128xf32, #tpu.memory_space<vmem>> -> memref<32x128xf32, #tpu.memory_space<vmem>>
      %dma_start3A_185 = arith.constant 0 : i32
      %dma_start3A_186 = tpu.memref_slice %arg7[%dma_start3A_185, %mul3A_166] : memref<32x1000000xf32, #tpu.memory_space<hbm>> -> memref<32x128xf32, #tpu.memory_space<hbm>>
      tpu.enqueue_dma source(%dma_start3A_186 : memref<32x128xf32, #tpu.memory_space<hbm>>) target(%dma_start3A_184 : memref<32x128xf32, #tpu.memory_space<vmem>>) target_semaphore(%arg27 : memref<!tpu.dma_semaphore, #tpu.memory_space<semaphore_mem>>)
      %dma_start3A_187 = arith.constant 96 : i32
      %dma_start3A_188 = arith.constant 0 : i32
      %dma_start3A_189 = tpu.memref_slice %arg19[%dma_start3A_187, %dma_start3A_188] : memref<192x128xf32, #tpu.memory_space<vmem>> -> memref<32x128xf32, #tpu.memory_space<vmem>>
      %dma_start3A_190 = arith.constant 0 : i32
      %dma_start3A_191 = tpu.memref_slice %arg8[%dma_start3A_190, %mul3A_162] : memref<32x1000000xf32, #tpu.memory_space<hbm>> -> memref<32x128xf32, #tpu.memory_space<hbm>>
      %dma_start3A_192 = arith.constant 96 : i32
      %dma_start3A_193 = arith.constant 0 : i32
      %dma_start3A_194 = tpu.memref_slice %arg19[%dma_start3A_192, %dma_start3A_193] : memref<192x128xf32, #tpu.memory_space<vmem>> -> memref<32x128xf32, #tpu.memory_space<vmem>>
      %dma_start3A_195 = arith.constant 0 : i32
      %dma_start3A_196 = tpu.memref_slice %arg8[%dma_start3A_195, %mul3A_162] : memref<32x1000000xf32, #tpu.memory_space<hbm>> -> memref<32x128xf32, #tpu.memory_space<hbm>>
      tpu.enqueue_dma source(%dma_start3A_196 : memref<32x128xf32, #tpu.memory_space<hbm>>) target(%dma_start3A_194 : memref<32x128xf32, #tpu.memory_space<vmem>>) target_semaphore(%arg27 : memref<!tpu.dma_semaphore, #tpu.memory_space<semaphore_mem>>)
      %dma_start3A_197 = arith.constant 96 : i32
      %dma_start3A_198 = arith.constant 0 : i32
      %dma_start3A_199 = tpu.memref_slice %arg20[%dma_start3A_197, %dma_start3A_198] : memref<192x128xf32, #tpu.memory_space<vmem>> -> memref<32x128xf32, #tpu.memory_space<vmem>>
      %dma_start3A_200 = arith.constant 0 : i32
      %dma_start3A_201 = tpu.memref_slice %arg9[%dma_start3A_200, %mul3A_166] : memref<32x1000000xf32, #tpu.memory_space<hbm>> -> memref<32x128xf32, #tpu.memory_space<hbm>>
      %dma_start3A_202 = arith.constant 96 : i32
      %dma_start3A_203 = arith.constant 0 : i32
      %dma_start3A_204 = tpu.memref_slice %arg20[%dma_start3A_202, %dma_start3A_203] : memref<192x128xf32, #tpu.memory_space<vmem>> -> memref<32x128xf32, #tpu.memory_space<vmem>>
      %dma_start3A_205 = arith.constant 0 : i32
      %dma_start3A_206 = tpu.memref_slice %arg9[%dma_start3A_205, %mul3A_166] : memref<32x1000000xf32, #tpu.memory_space<hbm>> -> memref<32x128xf32, #tpu.memory_space<hbm>>
      tpu.enqueue_dma source(%dma_start3A_206 : memref<32x128xf32, #tpu.memory_space<hbm>>) target(%dma_start3A_204 : memref<32x128xf32, #tpu.memory_space<vmem>>) target_semaphore(%arg27 : memref<!tpu.dma_semaphore, #tpu.memory_space<semaphore_mem>>)
      %slice3A_207 = vector.extract_strided_slice %get3A_11 {offsets = [4], sizes = [1], strides = [1]} : vector<16xi32> to vector<1xi32>
      %squeeze3A_208 = vector.extract %slice3A_207[0] : i32 from vector<1xi32>
      %mul3A_209 = arith.constant 128 : i32
      %mul3A_210 = arith.muli %squeeze3A_208, %mul3A_209 : i32
      %slice3A_211 = vector.extract_strided_slice %get3A_13 {offsets = [4], sizes = [1], strides = [1]} : vector<16xi32> to vector<1xi32>
      %squeeze3A_212 = vector.extract %slice3A_211[0] : i32 from vector<1xi32>
      %mul3A_213 = arith.constant 128 : i32
      %mul3A_214 = arith.muli %squeeze3A_212, %mul3A_213 : i32
      %dma_start3A_215 = arith.constant 128 : i32
      %dma_start3A_216 = arith.constant 0 : i32
      %dma_start3A_217 = tpu.memref_slice %arg17[%dma_start3A_215, %dma_start3A_216] : memref<192x128xf32, #tpu.memory_space<vmem>> -> memref<32x128xf32, #tpu.memory_space<vmem>>
      %dma_start3A_218 = arith.constant 0 : i32
      %dma_start3A_219 = tpu.memref_slice %arg6[%dma_start3A_218, %mul3A_210] : memref<32x1000000xf32, #tpu.memory_space<hbm>> -> memref<32x128xf32, #tpu.memory_space<hbm>>
      %dma_start3A_220 = arith.constant 128 : i32
      %dma_start3A_221 = arith.constant 0 : i32
      %dma_start3A_222 = tpu.memref_slice %arg17[%dma_start3A_220, %dma_start3A_221] : memref<192x128xf32, #tpu.memory_space<vmem>> -> memref<32x128xf32, #tpu.memory_space<vmem>>
      %dma_start3A_223 = arith.constant 0 : i32
      %dma_start3A_224 = tpu.memref_slice %arg6[%dma_start3A_223, %mul3A_210] : memref<32x1000000xf32, #tpu.memory_space<hbm>> -> memref<32x128xf32, #tpu.memory_space<hbm>>
      tpu.enqueue_dma source(%dma_start3A_224 : memref<32x128xf32, #tpu.memory_space<hbm>>) target(%dma_start3A_222 : memref<32x128xf32, #tpu.memory_space<vmem>>) target_semaphore(%arg28 : memref<!tpu.dma_semaphore, #tpu.memory_space<semaphore_mem>>)
      %dma_start3A_225 = arith.constant 128 : i32
      %dma_start3A_226 = arith.constant 0 : i32
      %dma_start3A_227 = tpu.memref_slice %arg18[%dma_start3A_225, %dma_start3A_226] : memref<192x128xf32, #tpu.memory_space<vmem>> -> memref<32x128xf32, #tpu.memory_space<vmem>>
      %dma_start3A_228 = arith.constant 0 : i32
      %dma_start3A_229 = tpu.memref_slice %arg7[%dma_start3A_228, %mul3A_214] : memref<32x1000000xf32, #tpu.memory_space<hbm>> -> memref<32x128xf32, #tpu.memory_space<hbm>>
      %dma_start3A_230 = arith.constant 128 : i32
      %dma_start3A_231 = arith.constant 0 : i32
      %dma_start3A_232 = tpu.memref_slice %arg18[%dma_start3A_230, %dma_start3A_231] : memref<192x128xf32, #tpu.memory_space<vmem>> -> memref<32x128xf32, #tpu.memory_space<vmem>>
      %dma_start3A_233 = arith.constant 0 : i32
      %dma_start3A_234 = tpu.memref_slice %arg7[%dma_start3A_233, %mul3A_214] : memref<32x1000000xf32, #tpu.memory_space<hbm>> -> memref<32x128xf32, #tpu.memory_space<hbm>>
      tpu.enqueue_dma source(%dma_start3A_234 : memref<32x128xf32, #tpu.memory_space<hbm>>) target(%dma_start3A_232 : memref<32x128xf32, #tpu.memory_space<vmem>>) target_semaphore(%arg28 : memref<!tpu.dma_semaphore, #tpu.memory_space<semaphore_mem>>)
      %dma_start3A_235 = arith.constant 128 : i32
      %dma_start3A_236 = arith.constant 0 : i32
      %dma_start3A_237 = tpu.memref_slice %arg19[%dma_start3A_235, %dma_start3A_236] : memref<192x128xf32, #tpu.memory_space<vmem>> -> memref<32x128xf32, #tpu.memory_space<vmem>>
      %dma_start3A_238 = arith.constant 0 : i32
      %dma_start3A_239 = tpu.memref_slice %arg8[%dma_start3A_238, %mul3A_210] : memref<32x1000000xf32, #tpu.memory_space<hbm>> -> memref<32x128xf32, #tpu.memory_space<hbm>>
      %dma_start3A_240 = arith.constant 128 : i32
      %dma_start3A_241 = arith.constant 0 : i32
      %dma_start3A_242 = tpu.memref_slice %arg19[%dma_start3A_240, %dma_start3A_241] : memref<192x128xf32, #tpu.memory_space<vmem>> -> memref<32x128xf32, #tpu.memory_space<vmem>>
      %dma_start3A_243 = arith.constant 0 : i32
      %dma_start3A_244 = tpu.memref_slice %arg8[%dma_start3A_243, %mul3A_210] : memref<32x1000000xf32, #tpu.memory_space<hbm>> -> memref<32x128xf32, #tpu.memory_space<hbm>>
      tpu.enqueue_dma source(%dma_start3A_244 : memref<32x128xf32, #tpu.memory_space<hbm>>) target(%dma_start3A_242 : memref<32x128xf32, #tpu.memory_space<vmem>>) target_semaphore(%arg28 : memref<!tpu.dma_semaphore, #tpu.memory_space<semaphore_mem>>)
      %dma_start3A_245 = arith.constant 128 : i32
      %dma_start3A_246 = arith.constant 0 : i32
      %dma_start3A_247 = tpu.memref_slice %arg20[%dma_start3A_245, %dma_start3A_246] : memref<192x128xf32, #tpu.memory_space<vmem>> -> memref<32x128xf32, #tpu.memory_space<vmem>>
      %dma_start3A_248 = arith.constant 0 : i32
      %dma_start3A_249 = tpu.memref_slice %arg9[%dma_start3A_248, %mul3A_214] : memref<32x1000000xf32, #tpu.memory_space<hbm>> -> memref<32x128xf32, #tpu.memory_space<hbm>>
      %dma_start3A_250 = arith.constant 128 : i32
      %dma_start3A_251 = arith.constant 0 : i32
      %dma_start3A_252 = tpu.memref_slice %arg20[%dma_start3A_250, %dma_start3A_251] : memref<192x128xf32, #tpu.memory_space<vmem>> -> memref<32x128xf32, #tpu.memory_space<vmem>>
      %dma_start3A_253 = arith.constant 0 : i32
      %dma_start3A_254 = tpu.memref_slice %arg9[%dma_start3A_253, %mul3A_214] : memref<32x1000000xf32, #tpu.memory_space<hbm>> -> memref<32x128xf32, #tpu.memory_space<hbm>>
      tpu.enqueue_dma source(%dma_start3A_254 : memref<32x128xf32, #tpu.memory_space<hbm>>) target(%dma_start3A_252 : memref<32x128xf32, #tpu.memory_space<vmem>>) target_semaphore(%arg28 : memref<!tpu.dma_semaphore, #tpu.memory_space<semaphore_mem>>)
      %slice3A_255 = vector.extract_strided_slice %get3A_11 {offsets = [5], sizes = [1], strides = [1]} : vector<16xi32> to vector<1xi32>
      %squeeze3A_256 = vector.extract %slice3A_255[0] : i32 from vector<1xi32>
      %mul3A_257 = arith.constant 128 : i32
      %mul3A_258 = arith.muli %squeeze3A_256, %mul3A_257 : i32
      %slice3A_259 = vector.extract_strided_slice %get3A_13 {offsets = [5], sizes = [1], strides = [1]} : vector<16xi32> to vector<1xi32>
      %squeeze3A_260 = vector.extract %slice3A_259[0] : i32 from vector<1xi32>
      %mul3A_261 = arith.constant 128 : i32
      %mul3A_262 = arith.muli %squeeze3A_260, %mul3A_261 : i32
      %dma_start3A_263 = arith.constant 160 : i32
      %dma_start3A_264 = arith.constant 0 : i32
      %dma_start3A_265 = tpu.memref_slice %arg17[%dma_start3A_263, %dma_start3A_264] : memref<192x128xf32, #tpu.memory_space<vmem>> -> memref<32x128xf32, #tpu.memory_space<vmem>>
      %dma_start3A_266 = arith.constant 0 : i32
      %dma_start3A_267 = tpu.memref_slice %arg6[%dma_start3A_266, %mul3A_258] : memref<32x1000000xf32, #tpu.memory_space<hbm>> -> memref<32x128xf32, #tpu.memory_space<hbm>>
      %dma_start3A_268 = arith.constant 160 : i32
      %dma_start3A_269 = arith.constant 0 : i32
      %dma_start3A_270 = tpu.memref_slice %arg17[%dma_start3A_268, %dma_start3A_269] : memref<192x128xf32, #tpu.memory_space<vmem>> -> memref<32x128xf32, #tpu.memory_space<vmem>>
      %dma_start3A_271 = arith.constant 0 : i32
      %dma_start3A_272 = tpu.memref_slice %arg6[%dma_start3A_271, %mul3A_258] : memref<32x1000000xf32, #tpu.memory_space<hbm>> -> memref<32x128xf32, #tpu.memory_space<hbm>>
      tpu.enqueue_dma source(%dma_start3A_272 : memref<32x128xf32, #tpu.memory_space<hbm>>) target(%dma_start3A_270 : memref<32x128xf32, #tpu.memory_space<vmem>>) target_semaphore(%arg29 : memref<!tpu.dma_semaphore, #tpu.memory_space<semaphore_mem>>)
      %dma_start3A_273 = arith.constant 160 : i32
      %dma_start3A_274 = arith.constant 0 : i32
      %dma_start3A_275 = tpu.memref_slice %arg18[%dma_start3A_273, %dma_start3A_274] : memref<192x128xf32, #tpu.memory_space<vmem>> -> memref<32x128xf32, #tpu.memory_space<vmem>>
      %dma_start3A_276 = arith.constant 0 : i32
      %dma_start3A_277 = tpu.memref_slice %arg7[%dma_start3A_276, %mul3A_262] : memref<32x1000000xf32, #tpu.memory_space<hbm>> -> memref<32x128xf32, #tpu.memory_space<hbm>>
      %dma_start3A_278 = arith.constant 160 : i32
      %dma_start3A_279 = arith.constant 0 : i32
      %dma_start3A_280 = tpu.memref_slice %arg18[%dma_start3A_278, %dma_start3A_279] : memref<192x128xf32, #tpu.memory_space<vmem>> -> memref<32x128xf32, #tpu.memory_space<vmem>>
      %dma_start3A_281 = arith.constant 0 : i32
      %dma_start3A_282 = tpu.memref_slice %arg7[%dma_start3A_281, %mul3A_262] : memref<32x1000000xf32, #tpu.memory_space<hbm>> -> memref<32x128xf32, #tpu.memory_space<hbm>>
      tpu.enqueue_dma source(%dma_start3A_282 : memref<32x128xf32, #tpu.memory_space<hbm>>) target(%dma_start3A_280 : memref<32x128xf32, #tpu.memory_space<vmem>>) target_semaphore(%arg29 : memref<!tpu.dma_semaphore, #tpu.memory_space<semaphore_mem>>)
      %dma_start3A_283 = arith.constant 160 : i32
      %dma_start3A_284 = arith.constant 0 : i32
      %dma_start3A_285 = tpu.memref_slice %arg19[%dma_start3A_283, %dma_start3A_284] : memref<192x128xf32, #tpu.memory_space<vmem>> -> memref<32x128xf32, #tpu.memory_space<vmem>>
      %dma_start3A_286 = arith.constant 0 : i32
      %dma_start3A_287 = tpu.memref_slice %arg8[%dma_start3A_286, %mul3A_258] : memref<32x1000000xf32, #tpu.memory_space<hbm>> -> memref<32x128xf32, #tpu.memory_space<hbm>>
      %dma_start3A_288 = arith.constant 160 : i32
      %dma_start3A_289 = arith.constant 0 : i32
      %dma_start3A_290 = tpu.memref_slice %arg19[%dma_start3A_288, %dma_start3A_289] : memref<192x128xf32, #tpu.memory_space<vmem>> -> memref<32x128xf32, #tpu.memory_space<vmem>>
      %dma_start3A_291 = arith.constant 0 : i32
      %dma_start3A_292 = tpu.memref_slice %arg8[%dma_start3A_291, %mul3A_258] : memref<32x1000000xf32, #tpu.memory_space<hbm>> -> memref<32x128xf32, #tpu.memory_space<hbm>>
      tpu.enqueue_dma source(%dma_start3A_292 : memref<32x128xf32, #tpu.memory_space<hbm>>) target(%dma_start3A_290 : memref<32x128xf32, #tpu.memory_space<vmem>>) target_semaphore(%arg29 : memref<!tpu.dma_semaphore, #tpu.memory_space<semaphore_mem>>)
      %dma_start3A_293 = arith.constant 160 : i32
      %dma_start3A_294 = arith.constant 0 : i32
      %dma_start3A_295 = tpu.memref_slice %arg20[%dma_start3A_293, %dma_start3A_294] : memref<192x128xf32, #tpu.memory_space<vmem>> -> memref<32x128xf32, #tpu.memory_space<vmem>>
      %dma_start3A_296 = arith.constant 0 : i32
      %dma_start3A_297 = tpu.memref_slice %arg9[%dma_start3A_296, %mul3A_262] : memref<32x1000000xf32, #tpu.memory_space<hbm>> -> memref<32x128xf32, #tpu.memory_space<hbm>>
      %dma_start3A_298 = arith.constant 160 : i32
      %dma_start3A_299 = arith.constant 0 : i32
      %dma_start3A_300 = tpu.memref_slice %arg20[%dma_start3A_298, %dma_start3A_299] : memref<192x128xf32, #tpu.memory_space<vmem>> -> memref<32x128xf32, #tpu.memory_space<vmem>>
      %dma_start3A_301 = arith.constant 0 : i32
      %dma_start3A_302 = tpu.memref_slice %arg9[%dma_start3A_301, %mul3A_262] : memref<32x1000000xf32, #tpu.memory_space<hbm>> -> memref<32x128xf32, #tpu.memory_space<hbm>>
      tpu.enqueue_dma source(%dma_start3A_302 : memref<32x128xf32, #tpu.memory_space<hbm>>) target(%dma_start3A_300 : memref<32x128xf32, #tpu.memory_space<vmem>>) target_semaphore(%arg29 : memref<!tpu.dma_semaphore, #tpu.memory_space<semaphore_mem>>)
      %dma_wait3A = arith.constant 0 : i32
      %dma_wait3A_303 = arith.constant 0 : i32
      %dma_wait3A_304 = tpu.memref_slice %arg17[%dma_wait3A, %dma_wait3A_303] : memref<192x128xf32, #tpu.memory_space<vmem>> -> memref<32x128xf32, #tpu.memory_space<vmem>>
      %dma_wait3A_305 = arith.constant 0 : i32
      %dma_wait3A_306 = tpu.memref_slice %arg6[%dma_wait3A_305, %mul3A_19] : memref<32x1000000xf32, #tpu.memory_space<hbm>> -> memref<32x128xf32, #tpu.memory_space<hbm>>
      %dma_wait3A_307 = arith.constant 0 : i32
      %dma_wait3A_308 = arith.constant 0 : i32
      %dma_wait3A_309 = tpu.memref_slice %arg17[%dma_wait3A_307, %dma_wait3A_308] : memref<192x128xf32, #tpu.memory_space<vmem>> -> memref<32x128xf32, #tpu.memory_space<vmem>>
      %dma_wait3A_310 = arith.constant 0 : i32
      %dma_wait3A_311 = tpu.memref_slice %arg6[%dma_wait3A_310, %mul3A_19] : memref<32x1000000xf32, #tpu.memory_space<hbm>> -> memref<32x128xf32, #tpu.memory_space<hbm>>
      tpu.wait_dma2 semaphore(%arg24 : memref<!tpu.dma_semaphore, #tpu.memory_space<semaphore_mem>>) src(%dma_wait3A_311 : memref<32x128xf32, #tpu.memory_space<hbm>>) dst(%dma_wait3A_309 : memref<32x128xf32, #tpu.memory_space<vmem>>)
      %dma_wait3A_312 = arith.constant 0 : i32
      %dma_wait3A_313 = arith.constant 0 : i32
      %dma_wait3A_314 = tpu.memref_slice %arg18[%dma_wait3A_312, %dma_wait3A_313] : memref<192x128xf32, #tpu.memory_space<vmem>> -> memref<32x128xf32, #tpu.memory_space<vmem>>
      %dma_wait3A_315 = arith.constant 0 : i32
      %dma_wait3A_316 = tpu.memref_slice %arg7[%dma_wait3A_315, %mul3A_23] : memref<32x1000000xf32, #tpu.memory_space<hbm>> -> memref<32x128xf32, #tpu.memory_space<hbm>>
      %dma_wait3A_317 = arith.constant 0 : i32
      %dma_wait3A_318 = arith.constant 0 : i32
      %dma_wait3A_319 = tpu.memref_slice %arg18[%dma_wait3A_317, %dma_wait3A_318] : memref<192x128xf32, #tpu.memory_space<vmem>> -> memref<32x128xf32, #tpu.memory_space<vmem>>
      %dma_wait3A_320 = arith.constant 0 : i32
      %dma_wait3A_321 = tpu.memref_slice %arg7[%dma_wait3A_320, %mul3A_23] : memref<32x1000000xf32, #tpu.memory_space<hbm>> -> memref<32x128xf32, #tpu.memory_space<hbm>>
      tpu.wait_dma2 semaphore(%arg24 : memref<!tpu.dma_semaphore, #tpu.memory_space<semaphore_mem>>) src(%dma_wait3A_321 : memref<32x128xf32, #tpu.memory_space<hbm>>) dst(%dma_wait3A_319 : memref<32x128xf32, #tpu.memory_space<vmem>>)
      %dma_wait3A_322 = arith.constant 0 : i32
      %dma_wait3A_323 = arith.constant 0 : i32
      %dma_wait3A_324 = tpu.memref_slice %arg19[%dma_wait3A_322, %dma_wait3A_323] : memref<192x128xf32, #tpu.memory_space<vmem>> -> memref<32x128xf32, #tpu.memory_space<vmem>>
      %dma_wait3A_325 = arith.constant 0 : i32
      %dma_wait3A_326 = tpu.memref_slice %arg8[%dma_wait3A_325, %mul3A_19] : memref<32x1000000xf32, #tpu.memory_space<hbm>> -> memref<32x128xf32, #tpu.memory_space<hbm>>
      %dma_wait3A_327 = arith.constant 0 : i32
      %dma_wait3A_328 = arith.constant 0 : i32
      %dma_wait3A_329 = tpu.memref_slice %arg19[%dma_wait3A_327, %dma_wait3A_328] : memref<192x128xf32, #tpu.memory_space<vmem>> -> memref<32x128xf32, #tpu.memory_space<vmem>>
      %dma_wait3A_330 = arith.constant 0 : i32
      %dma_wait3A_331 = tpu.memref_slice %arg8[%dma_wait3A_330, %mul3A_19] : memref<32x1000000xf32, #tpu.memory_space<hbm>> -> memref<32x128xf32, #tpu.memory_space<hbm>>
      tpu.wait_dma2 semaphore(%arg24 : memref<!tpu.dma_semaphore, #tpu.memory_space<semaphore_mem>>) src(%dma_wait3A_331 : memref<32x128xf32, #tpu.memory_space<hbm>>) dst(%dma_wait3A_329 : memref<32x128xf32, #tpu.memory_space<vmem>>)
      %dma_wait3A_332 = arith.constant 0 : i32
      %dma_wait3A_333 = arith.constant 0 : i32
      %dma_wait3A_334 = tpu.memref_slice %arg20[%dma_wait3A_332, %dma_wait3A_333] : memref<192x128xf32, #tpu.memory_space<vmem>> -> memref<32x128xf32, #tpu.memory_space<vmem>>
      %dma_wait3A_335 = arith.constant 0 : i32
      %dma_wait3A_336 = tpu.memref_slice %arg9[%dma_wait3A_335, %mul3A_23] : memref<32x1000000xf32, #tpu.memory_space<hbm>> -> memref<32x128xf32, #tpu.memory_space<hbm>>
      %dma_wait3A_337 = arith.constant 0 : i32
      %dma_wait3A_338 = arith.constant 0 : i32
      %dma_wait3A_339 = tpu.memref_slice %arg20[%dma_wait3A_337, %dma_wait3A_338] : memref<192x128xf32, #tpu.memory_space<vmem>> -> memref<32x128xf32, #tpu.memory_space<vmem>>
      %dma_wait3A_340 = arith.constant 0 : i32
      %dma_wait3A_341 = tpu.memref_slice %arg9[%dma_wait3A_340, %mul3A_23] : memref<32x1000000xf32, #tpu.memory_space<hbm>> -> memref<32x128xf32, #tpu.memory_space<hbm>>
      tpu.wait_dma2 semaphore(%arg24 : memref<!tpu.dma_semaphore, #tpu.memory_space<semaphore_mem>>) src(%dma_wait3A_341 : memref<32x128xf32, #tpu.memory_space<hbm>>) dst(%dma_wait3A_339 : memref<32x128xf32, #tpu.memory_space<vmem>>)
      %mul3A_342 = arith.constant 0 : i32
      %mul3A_343 = vector.broadcast %mul3A_342 : i32 to vector<16xi32>
      %mul3A_344 = arith.muli %iota3A, %mul3A_343 : vector<16xi32>
      %slice3A_345 = vector.extract_strided_slice %get3A_15 {offsets = [0], sizes = [1], strides = [1]} : vector<16xi32> to vector<1xi32>
      %squeeze3A_346 = vector.extract %slice3A_345[0] : i32 from vector<1xi32>
      %add3A_347 = vector.broadcast %squeeze3A_346 : i32 to vector<16xi32>
      %add3A_348 = arith.addi %mul3A_344, %add3A_347 : vector<16xi32>
      %mul3A_349 = arith.constant 0 : i32
      %mul3A_350 = vector.broadcast %mul3A_349 : i32 to vector<16xi32>
      %mul3A_351 = arith.muli %iota3A, %mul3A_350 : vector<16xi32>
      %slice3A_352 = vector.extract_strided_slice %get3A_17 {offsets = [0], sizes = [1], strides = [1]} : vector<16xi32> to vector<1xi32>
      %squeeze3A_353 = vector.extract %slice3A_352[0] : i32 from vector<1xi32>
      %add3A_354 = vector.broadcast %squeeze3A_353 : i32 to vector<16xi32>
      %add3A_355 = arith.addi %mul3A_351, %add3A_354 : vector<16xi32>
      %add3A_356 = arith.constant 0 : i32
      %add3A_357 = vector.broadcast %add3A_356 : i32 to vector<16xi32>
      %add3A_358 = arith.addi %iota3A, %add3A_357 : vector<16xi32>
      %add3A_359 = arith.constant 16 : i32
      %add3A_360 = vector.broadcast %add3A_359 : i32 to vector<16xi32>
      %add3A_361 = arith.addi %add3A_358, %add3A_360 : vector<16xi32>
      %gather3A = tpu.vector_load_idx %arg17[%add3A_358, %add3A_348] : memref<192x128xf32, #tpu.memory_space<vmem>>[vector<16xi32>, vector<16xi32>], vector<16xf32>,
      %gather3A_362 = tpu.vector_load_idx %arg17[%add3A_361, %add3A_348] : memref<192x128xf32, #tpu.memory_space<vmem>>[vector<16xi32>, vector<16xi32>], vector<16xf32>,
      %gather3A_363 = tpu.vector_load_idx %arg18[%add3A_358, %add3A_355] : memref<192x128xf32, #tpu.memory_space<vmem>>[vector<16xi32>, vector<16xi32>], vector<16xf32>,
      %gather3A_364 = tpu.vector_load_idx %arg18[%add3A_361, %add3A_355] : memref<192x128xf32, #tpu.memory_space<vmem>>[vector<16xi32>, vector<16xi32>], vector<16xf32>,
      %gather3A_365 = tpu.vector_load_idx %arg19[%add3A_358, %add3A_348] : memref<192x128xf32, #tpu.memory_space<vmem>>[vector<16xi32>, vector<16xi32>], vector<16xf32>,
      %gather3A_366 = tpu.vector_load_idx %arg19[%add3A_361, %add3A_348] : memref<192x128xf32, #tpu.memory_space<vmem>>[vector<16xi32>, vector<16xi32>], vector<16xf32>,
      %gather3A_367 = tpu.vector_load_idx %arg20[%add3A_358, %add3A_355] : memref<192x128xf32, #tpu.memory_space<vmem>>[vector<16xi32>, vector<16xi32>], vector<16xf32>,
      %gather3A_368 = tpu.vector_load_idx %arg20[%add3A_361, %add3A_355] : memref<192x128xf32, #tpu.memory_space<vmem>>[vector<16xi32>, vector<16xi32>], vector<16xf32>,
      %mul3A_369 = arith.mulf %gather3A, %gather3A_363 : vector<16xf32>
      %swap3A = arith.constant 0 : i32
      %swap3A_370 = arith.index_cast %swap3A : i32 to index
      %swap3A_371 = arith.constant 0 : index
      %swap3A_372 = tpu.vector_load %arg21[%swap3A_370, %swap3A_371] {strides = array<i32>} : memref<16x32xf32, #tpu.memory_space<vmem>>, vector<16xf32>,
      tpu.vector_store %arg21[%swap3A_370, %swap3A_371], %mul3A_369 {strides = array<i32>} : memref<16x32xf32, #tpu.memory_space<vmem>>, vector<16xf32>,
      %mul3A_373 = arith.mulf %gather3A_362, %gather3A_364 : vector<16xf32>
      %swap3A_374 = arith.constant 0 : i32
      %swap3A_375 = arith.index_cast %swap3A_374 : i32 to index
      %swap3A_376 = arith.constant 16 : index
      %swap3A_377 = tpu.vector_load %arg21[%swap3A_375, %swap3A_376] {strides = array<i32>} : memref<16x32xf32, #tpu.memory_space<vmem>>, vector<16xf32>,
      tpu.vector_store %arg21[%swap3A_375, %swap3A_376], %mul3A_373 {strides = array<i32>} : memref<16x32xf32, #tpu.memory_space<vmem>>, vector<16xf32>,
      %swap3A_378 = arith.constant 0 : i32
      %swap3A_379 = arith.index_cast %swap3A_378 : i32 to index
      %swap3A_380 = arith.constant 0 : index
      %swap3A_381 = tpu.vector_load %arg22[%swap3A_379, %swap3A_380] {strides = array<i32>} : memref<16x32xf32, #tpu.memory_space<vmem>>, vector<16xf32>,
      tpu.vector_store %arg22[%swap3A_379, %swap3A_380], %gather3A_365 {strides = array<i32>} : memref<16x32xf32, #tpu.memory_space<vmem>>, vector<16xf32>,
      %swap3A_382 = arith.constant 0 : i32
      %swap3A_383 = arith.index_cast %swap3A_382 : i32 to index
      %swap3A_384 = arith.constant 16 : index
      %swap3A_385 = tpu.vector_load %arg22[%swap3A_383, %swap3A_384] {strides = array<i32>} : memref<16x32xf32, #tpu.memory_space<vmem>>, vector<16xf32>,
      tpu.vector_store %arg22[%swap3A_383, %swap3A_384], %gather3A_366 {strides = array<i32>} : memref<16x32xf32, #tpu.memory_space<vmem>>, vector<16xf32>,
      %swap3A_386 = arith.constant 0 : i32
      %swap3A_387 = arith.index_cast %swap3A_386 : i32 to index
      %swap3A_388 = arith.constant 0 : index
      %swap3A_389 = tpu.vector_load %arg23[%swap3A_387, %swap3A_388] {strides = array<i32>} : memref<16x32xf32, #tpu.memory_space<vmem>>, vector<16xf32>,
      tpu.vector_store %arg23[%swap3A_387, %swap3A_388], %gather3A_367 {strides = array<i32>} : memref<16x32xf32, #tpu.memory_space<vmem>>, vector<16xf32>,
      %swap3A_390 = arith.constant 0 : i32
      %swap3A_391 = arith.index_cast %swap3A_390 : i32 to index
      %swap3A_392 = arith.constant 16 : index
      %swap3A_393 = tpu.vector_load %arg23[%swap3A_391, %swap3A_392] {strides = array<i32>} : memref<16x32xf32, #tpu.memory_space<vmem>>, vector<16xf32>,
      tpu.vector_store %arg23[%swap3A_391, %swap3A_392], %gather3A_368 {strides = array<i32>} : memref<16x32xf32, #tpu.memory_space<vmem>>, vector<16xf32>,
      %slice3A_394 = vector.extract_strided_slice %get3A_11 {offsets = [6], sizes = [1], strides = [1]} : vector<16xi32> to vector<1xi32>
      %squeeze3A_395 = vector.extract %slice3A_394[0] : i32 from vector<1xi32>
      %mul3A_396 = arith.constant 128 : i32
      %mul3A_397 = arith.muli %squeeze3A_395, %mul3A_396 : i32
      %slice3A_398 = vector.extract_strided_slice %get3A_13 {offsets = [6], sizes = [1], strides = [1]} : vector<16xi32> to vector<1xi32>
      %squeeze3A_399 = vector.extract %slice3A_398[0] : i32 from vector<1xi32>
      %mul3A_400 = arith.constant 128 : i32
      %mul3A_401 = arith.muli %squeeze3A_399, %mul3A_400 : i32
      %dma_start3A_402 = arith.constant 0 : i32
      %dma_start3A_403 = arith.constant 0 : i32
      %dma_start3A_404 = tpu.memref_slice %arg17[%dma_start3A_402, %dma_start3A_403] : memref<192x128xf32, #tpu.memory_space<vmem>> -> memref<32x128xf32, #tpu.memory_space<vmem>>
      %dma_start3A_405 = arith.constant 0 : i32
      %dma_start3A_406 = tpu.memref_slice %arg6[%dma_start3A_405, %mul3A_397] : memref<32x1000000xf32, #tpu.memory_space<hbm>> -> memref<32x128xf32, #tpu.memory_space<hbm>>
      %dma_start3A_407 = arith.constant 0 : i32
      %dma_start3A_408 = arith.constant 0 : i32
      %dma_start3A_409 = tpu.memref_slice %arg17[%dma_start3A_407, %dma_start3A_408] : memref<192x128xf32, #tpu.memory_space<vmem>> -> memref<32x128xf32, #tpu.memory_space<vmem>>
      %dma_start3A_410 = arith.constant 0 : i32
      %dma_start3A_411 = tpu.memref_slice %arg6[%dma_start3A_410, %mul3A_397] : memref<32x1000000xf32, #tpu.memory_space<hbm>> -> memref<32x128xf32, #tpu.memory_space<hbm>>
      tpu.enqueue_dma source(%dma_start3A_411 : memref<32x128xf32, #tpu.memory_space<hbm>>) target(%dma_start3A_409 : memref<32x128xf32, #tpu.memory_space<vmem>>) target_semaphore(%arg24 : memref<!tpu.dma_semaphore, #tpu.memory_space<semaphore_mem>>)
      %dma_start3A_412 = arith.constant 0 : i32
      %dma_start3A_413 = arith.constant 0 : i32
      %dma_start3A_414 = tpu.memref_slice %arg18[%dma_start3A_412, %dma_start3A_413] : memref<192x128xf32, #tpu.memory_space<vmem>> -> memref<32x128xf32, #tpu.memory_space<vmem>>
      %dma_start3A_415 = arith.constant 0 : i32
      %dma_start3A_416 = tpu.memref_slice %arg7[%dma_start3A_415, %mul3A_401] : memref<32x1000000xf32, #tpu.memory_space<hbm>> -> memref<32x128xf32, #tpu.memory_space<hbm>>
      %dma_start3A_417 = arith.constant 0 : i32
      %dma_start3A_418 = arith.constant 0 : i32
      %dma_start3A_419 = tpu.memref_slice %arg18[%dma_start3A_417, %dma_start3A_418] : memref<192x128xf32, #tpu.memory_space<vmem>> -> memref<32x128xf32, #tpu.memory_space<vmem>>
      %dma_start3A_420 = arith.constant 0 : i32
      %dma_start3A_421 = tpu.memref_slice %arg7[%dma_start3A_420, %mul3A_401] : memref<32x1000000xf32, #tpu.memory_space<hbm>> -> memref<32x128xf32, #tpu.memory_space<hbm>>
      tpu.enqueue_dma source(%dma_start3A_421 : memref<32x128xf32, #tpu.memory_space<hbm>>) target(%dma_start3A_419 : memref<32x128xf32, #tpu.memory_space<vmem>>) target_semaphore(%arg24 : memref<!tpu.dma_semaphore, #tpu.memory_space<semaphore_mem>>)
      %dma_start3A_422 = arith.constant 0 : i32
      %dma_start3A_423 = arith.constant 0 : i32
      %dma_start3A_424 = tpu.memref_slice %arg19[%dma_start3A_422, %dma_start3A_423] : memref<192x128xf32, #tpu.memory_space<vmem>> -> memref<32x128xf32, #tpu.memory_space<vmem>>
      %dma_start3A_425 = arith.constant 0 : i32
      %dma_start3A_426 = tpu.memref_slice %arg8[%dma_start3A_425, %mul3A_397] : memref<32x1000000xf32, #tpu.memory_space<hbm>> -> memref<32x128xf32, #tpu.memory_space<hbm>>
      %dma_start3A_427 = arith.constant 0 : i32
      %dma_start3A_428 = arith.constant 0 : i32
      %dma_start3A_429 = tpu.memref_slice %arg19[%dma_start3A_427, %dma_start3A_428] : memref<192x128xf32, #tpu.memory_space<vmem>> -> memref<32x128xf32, #tpu.memory_space<vmem>>
      %dma_start3A_430 = arith.constant 0 : i32
      %dma_start3A_431 = tpu.memref_slice %arg8[%dma_start3A_430, %mul3A_397] : memref<32x1000000xf32, #tpu.memory_space<hbm>> -> memref<32x128xf32, #tpu.memory_space<hbm>>
      tpu.enqueue_dma source(%dma_start3A_431 : memref<32x128xf32, #tpu.memory_space<hbm>>) target(%dma_start3A_429 : memref<32x128xf32, #tpu.memory_space<vmem>>) target_semaphore(%arg24 : memref<!tpu.dma_semaphore, #tpu.memory_space<semaphore_mem>>)
      %dma_start3A_432 = arith.constant 0 : i32
      %dma_start3A_433 = arith.constant 0 : i32
      %dma_start3A_434 = tpu.memref_slice %arg20[%dma_start3A_432, %dma_start3A_433] : memref<192x128xf32, #tpu.memory_space<vmem>> -> memref<32x128xf32, #tpu.memory_space<vmem>>
      %dma_start3A_435 = arith.constant 0 : i32
      %dma_start3A_436 = tpu.memref_slice %arg9[%dma_start3A_435, %mul3A_401] : memref<32x1000000xf32, #tpu.memory_space<hbm>> -> memref<32x128xf32, #tpu.memory_space<hbm>>
      %dma_start3A_437 = arith.constant 0 : i32
      %dma_start3A_438 = arith.constant 0 : i32
      %dma_start3A_439 = tpu.memref_slice %arg20[%dma_start3A_437, %dma_start3A_438] : memref<192x128xf32, #tpu.memory_space<vmem>> -> memref<32x128xf32, #tpu.memory_space<vmem>>
      %dma_start3A_440 = arith.constant 0 : i32
      %dma_start3A_441 = tpu.memref_slice %arg9[%dma_start3A_440, %mul3A_401] : memref<32x1000000xf32, #tpu.memory_space<hbm>> -> memref<32x128xf32, #tpu.memory_space<hbm>>
      tpu.enqueue_dma source(%dma_start3A_441 : memref<32x128xf32, #tpu.memory_space<hbm>>) target(%dma_start3A_439 : memref<32x128xf32, #tpu.memory_space<vmem>>) target_semaphore(%arg24 : memref<!tpu.dma_semaphore, #tpu.memory_space<semaphore_mem>>)
      %dma_wait3A_442 = arith.constant 32 : i32
      %dma_wait3A_443 = arith.constant 0 : i32
      %dma_wait3A_444 = tpu.memref_slice %arg17[%dma_wait3A_442, %dma_wait3A_443] : memref<192x128xf32, #tpu.memory_space<vmem>> -> memref<32x128xf32, #tpu.memory_space<vmem>>
      %dma_wait3A_445 = arith.constant 0 : i32
      %dma_wait3A_446 = tpu.memref_slice %arg6[%dma_wait3A_445, %mul3A_66] : memref<32x1000000xf32, #tpu.memory_space<hbm>> -> memref<32x128xf32, #tpu.memory_space<hbm>>
      %dma_wait3A_447 = arith.constant 32 : i32
      %dma_wait3A_448 = arith.constant 0 : i32
      %dma_wait3A_449 = tpu.memref_slice %arg17[%dma_wait3A_447, %dma_wait3A_448] : memref<192x128xf32, #tpu.memory_space<vmem>> -> memref<32x128xf32, #tpu.memory_space<vmem>>
      %dma_wait3A_450 = arith.constant 0 : i32
      %dma_wait3A_451 = tpu.memref_slice %arg6[%dma_wait3A_450, %mul3A_66] : memref<32x1000000xf32, #tpu.memory_space<hbm>> -> memref<32x128xf32, #tpu.memory_space<hbm>>
      tpu.wait_dma2 semaphore(%arg25 : memref<!tpu.dma_semaphore, #tpu.memory_space<semaphore_mem>>) src(%dma_wait3A_451 : memref<32x128xf32, #tpu.memory_space<hbm>>) dst(%dma_wait3A_449 : memref<32x128xf32, #tpu.memory_space<vmem>>)
      %dma_wait3A_452 = arith.constant 32 : i32
      %dma_wait3A_453 = arith.constant 0 : i32
      %dma_wait3A_454 = tpu.memref_slice %arg18[%dma_wait3A_452, %dma_wait3A_453] : memref<192x128xf32, #tpu.memory_space<vmem>> -> memref<32x128xf32, #tpu.memory_space<vmem>>
      %dma_wait3A_455 = arith.constant 0 : i32
      %dma_wait3A_456 = tpu.memref_slice %arg7[%dma_wait3A_455, %mul3A_70] : memref<32x1000000xf32, #tpu.memory_space<hbm>> -> memref<32x128xf32, #tpu.memory_space<hbm>>
      %dma_wait3A_457 = arith.constant 32 : i32
      %dma_wait3A_458 = arith.constant 0 : i32
      %dma_wait3A_459 = tpu.memref_slice %arg18[%dma_wait3A_457, %dma_wait3A_458] : memref<192x128xf32, #tpu.memory_space<vmem>> -> memref<32x128xf32, #tpu.memory_space<vmem>>
      %dma_wait3A_460 = arith.constant 0 : i32
      %dma_wait3A_461 = tpu.memref_slice %arg7[%dma_wait3A_460, %mul3A_70] : memref<32x1000000xf32, #tpu.memory_space<hbm>> -> memref<32x128xf32, #tpu.memory_space<hbm>>
      tpu.wait_dma2 semaphore(%arg25 : memref<!tpu.dma_semaphore, #tpu.memory_space<semaphore_mem>>) src(%dma_wait3A_461 : memref<32x128xf32, #tpu.memory_space<hbm>>) dst(%dma_wait3A_459 : memref<32x128xf32, #tpu.memory_space<vmem>>)
      %dma_wait3A_462 = arith.constant 32 : i32
      %dma_wait3A_463 = arith.constant 0 : i32
      %dma_wait3A_464 = tpu.memref_slice %arg19[%dma_wait3A_462, %dma_wait3A_463] : memref<192x128xf32, #tpu.memory_space<vmem>> -> memref<32x128xf32, #tpu.memory_space<vmem>>
      %dma_wait3A_465 = arith.constant 0 : i32
      %dma_wait3A_466 = tpu.memref_slice %arg8[%dma_wait3A_465, %mul3A_66] : memref<32x1000000xf32, #tpu.memory_space<hbm>> -> memref<32x128xf32, #tpu.memory_space<hbm>>
      %dma_wait3A_467 = arith.constant 32 : i32
      %dma_wait3A_468 = arith.constant 0 : i32
      %dma_wait3A_469 = tpu.memref_slice %arg19[%dma_wait3A_467, %dma_wait3A_468] : memref<192x128xf32, #tpu.memory_space<vmem>> -> memref<32x128xf32, #tpu.memory_space<vmem>>
      %dma_wait3A_470 = arith.constant 0 : i32
      %dma_wait3A_471 = tpu.memref_slice %arg8[%dma_wait3A_470, %mul3A_66] : memref<32x1000000xf32, #tpu.memory_space<hbm>> -> memref<32x128xf32, #tpu.memory_space<hbm>>
      tpu.wait_dma2 semaphore(%arg25 : memref<!tpu.dma_semaphore, #tpu.memory_space<semaphore_mem>>) src(%dma_wait3A_471 : memref<32x128xf32, #tpu.memory_space<hbm>>) dst(%dma_wait3A_469 : memref<32x128xf32, #tpu.memory_space<vmem>>)
      %dma_wait3A_472 = arith.constant 32 : i32
      %dma_wait3A_473 = arith.constant 0 : i32
      %dma_wait3A_474 = tpu.memref_slice %arg20[%dma_wait3A_472, %dma_wait3A_473] : memref<192x128xf32, #tpu.memory_space<vmem>> -> memref<32x128xf32, #tpu.memory_space<vmem>>
      %dma_wait3A_475 = arith.constant 0 : i32
      %dma_wait3A_476 = tpu.memref_slice %arg9[%dma_wait3A_475, %mul3A_70] : memref<32x1000000xf32, #tpu.memory_space<hbm>> -> memref<32x128xf32, #tpu.memory_space<hbm>>
      %dma_wait3A_477 = arith.constant 32 : i32
      %dma_wait3A_478 = arith.constant 0 : i32
      %dma_wait3A_479 = tpu.memref_slice %arg20[%dma_wait3A_477, %dma_wait3A_478] : memref<192x128xf32, #tpu.memory_space<vmem>> -> memref<32x128xf32, #tpu.memory_space<vmem>>
      %dma_wait3A_480 = arith.constant 0 : i32
      %dma_wait3A_481 = tpu.memref_slice %arg9[%dma_wait3A_480, %mul3A_70] : memref<32x1000000xf32, #tpu.memory_space<hbm>> -> memref<32x128xf32, #tpu.memory_space<hbm>>
      tpu.wait_dma2 semaphore(%arg25 : memref<!tpu.dma_semaphore, #tpu.memory_space<semaphore_mem>>) src(%dma_wait3A_481 : memref<32x128xf32, #tpu.memory_space<hbm>>) dst(%dma_wait3A_479 : memref<32x128xf32, #tpu.memory_space<vmem>>)
      %mul3A_482 = arith.constant 0 : i32
      %mul3A_483 = vector.broadcast %mul3A_482 : i32 to vector<16xi32>
      %mul3A_484 = arith.muli %iota3A, %mul3A_483 : vector<16xi32>
      %slice3A_485 = vector.extract_strided_slice %get3A_15 {offsets = [1], sizes = [1], strides = [1]} : vector<16xi32> to vector<1xi32>
      %squeeze3A_486 = vector.extract %slice3A_485[0] : i32 from vector<1xi32>
      %add3A_487 = vector.broadcast %squeeze3A_486 : i32 to vector<16xi32>
      %add3A_488 = arith.addi %mul3A_484, %add3A_487 : vector<16xi32>
      %mul3A_489 = arith.constant 0 : i32
      %mul3A_490 = vector.broadcast %mul3A_489 : i32 to vector<16xi32>
      %mul3A_491 = arith.muli %iota3A, %mul3A_490 : vector<16xi32>
      %slice3A_492 = vector.extract_strided_slice %get3A_17 {offsets = [1], sizes = [1], strides = [1]} : vector<16xi32> to vector<1xi32>
      %squeeze3A_493 = vector.extract %slice3A_492[0] : i32 from vector<1xi32>
      %add3A_494 = vector.broadcast %squeeze3A_493 : i32 to vector<16xi32>
      %add3A_495 = arith.addi %mul3A_491, %add3A_494 : vector<16xi32>
      %add3A_496 = arith.constant 32 : i32
      %add3A_497 = vector.broadcast %add3A_496 : i32 to vector<16xi32>
      %add3A_498 = arith.addi %iota3A, %add3A_497 : vector<16xi32>
      %add3A_499 = arith.constant 16 : i32
      %add3A_500 = vector.broadcast %add3A_499 : i32 to vector<16xi32>
      %add3A_501 = arith.addi %add3A_498, %add3A_500 : vector<16xi32>
      %gather3A_502 = tpu.vector_load_idx %arg17[%add3A_498, %add3A_488] : memref<192x128xf32, #tpu.memory_space<vmem>>[vector<16xi32>, vector<16xi32>], vector<16xf32>,
      %gather3A_503 = tpu.vector_load_idx %arg17[%add3A_501, %add3A_488] : memref<192x128xf32, #tpu.memory_space<vmem>>[vector<16xi32>, vector<16xi32>], vector<16xf32>,
      %gather3A_504 = tpu.vector_load_idx %arg18[%add3A_498, %add3A_495] : memref<192x128xf32, #tpu.memory_space<vmem>>[vector<16xi32>, vector<16xi32>], vector<16xf32>,
      %gather3A_505 = tpu.vector_load_idx %arg18[%add3A_501, %add3A_495] : memref<192x128xf32, #tpu.memory_space<vmem>>[vector<16xi32>, vector<16xi32>], vector<16xf32>,
      %gather3A_506 = tpu.vector_load_idx %arg19[%add3A_498, %add3A_488] : memref<192x128xf32, #tpu.memory_space<vmem>>[vector<16xi32>, vector<16xi32>], vector<16xf32>,
      %gather3A_507 = tpu.vector_load_idx %arg19[%add3A_501, %add3A_488] : memref<192x128xf32, #tpu.memory_space<vmem>>[vector<16xi32>, vector<16xi32>], vector<16xf32>,
      %gather3A_508 = tpu.vector_load_idx %arg20[%add3A_498, %add3A_495] : memref<192x128xf32, #tpu.memory_space<vmem>>[vector<16xi32>, vector<16xi32>], vector<16xf32>,
      %gather3A_509 = tpu.vector_load_idx %arg20[%add3A_501, %add3A_495] : memref<192x128xf32, #tpu.memory_space<vmem>>[vector<16xi32>, vector<16xi32>], vector<16xf32>,
      %mul3A_510 = arith.mulf %gather3A_502, %gather3A_504 : vector<16xf32>
      %swap3A_511 = arith.constant 1 : i32
      %swap3A_512 = arith.index_cast %swap3A_511 : i32 to index
      %swap3A_513 = arith.constant 0 : index
      %swap3A_514 = tpu.vector_load %arg21[%swap3A_512, %swap3A_513] {strides = array<i32>} : memref<16x32xf32, #tpu.memory_space<vmem>>, vector<16xf32>,
      tpu.vector_store %arg21[%swap3A_512, %swap3A_513], %mul3A_510 {strides = array<i32>} : memref<16x32xf32, #tpu.memory_space<vmem>>, vector<16xf32>,
      %mul3A_515 = arith.mulf %gather3A_503, %gather3A_505 : vector<16xf32>
      %swap3A_516 = arith.constant 1 : i32
      %swap3A_517 = arith.index_cast %swap3A_516 : i32 to index
      %swap3A_518 = arith.constant 16 : index
      %swap3A_519 = tpu.vector_load %arg21[%swap3A_517, %swap3A_518] {strides = array<i32>} : memref<16x32xf32, #tpu.memory_space<vmem>>, vector<16xf32>,
      tpu.vector_store %arg21[%swap3A_517, %swap3A_518], %mul3A_515 {strides = array<i32>} : memref<16x32xf32, #tpu.memory_space<vmem>>, vector<16xf32>,
      %swap3A_520 = arith.constant 1 : i32
      %swap3A_521 = arith.index_cast %swap3A_520 : i32 to index
      %swap3A_522 = arith.constant 0 : index
      %swap3A_523 = tpu.vector_load %arg22[%swap3A_521, %swap3A_522] {strides = array<i32>} : memref<16x32xf32, #tpu.memory_space<vmem>>, vector<16xf32>,
      tpu.vector_store %arg22[%swap3A_521, %swap3A_522], %gather3A_506 {strides = array<i32>} : memref<16x32xf32, #tpu.memory_space<vmem>>, vector<16xf32>,
      %swap3A_524 = arith.constant 1 : i32
      %swap3A_525 = arith.index_cast %swap3A_524 : i32 to index
      %swap3A_526 = arith.constant 16 : index
      %swap3A_527 = tpu.vector_load %arg22[%swap3A_525, %swap3A_526] {strides = array<i32>} : memref<16x32xf32, #tpu.memory_space<vmem>>, vector<16xf32>,
      tpu.vector_store %arg22[%swap3A_525, %swap3A_526], %gather3A_507 {strides = array<i32>} : memref<16x32xf32, #tpu.memory_space<vmem>>, vector<16xf32>,
      %swap3A_528 = arith.constant 1 : i32
      %swap3A_529 = arith.index_cast %swap3A_528 : i32 to index
      %swap3A_530 = arith.constant 0 : index
      %swap3A_531 = tpu.vector_load %arg23[%swap3A_529, %swap3A_530] {strides = array<i32>} : memref<16x32xf32, #tpu.memory_space<vmem>>, vector<16xf32>,
      tpu.vector_store %arg23[%swap3A_529, %swap3A_530], %gather3A_508 {strides = array<i32>} : memref<16x32xf32, #tpu.memory_space<vmem>>, vector<16xf32>,
      %swap3A_532 = arith.constant 1 : i32
      %swap3A_533 = arith.index_cast %swap3A_532 : i32 to index
      %swap3A_534 = arith.constant 16 : index
      %swap3A_535 = tpu.vector_load %arg23[%swap3A_533, %swap3A_534] {strides = array<i32>} : memref<16x32xf32, #tpu.memory_space<vmem>>, vector<16xf32>,
      tpu.vector_store %arg23[%swap3A_533, %swap3A_534], %gather3A_509 {strides = array<i32>} : memref<16x32xf32, #tpu.memory_space<vmem>>, vector<16xf32>,
      %slice3A_536 = vector.extract_strided_slice %get3A_11 {offsets = [7], sizes = [1], strides = [1]} : vector<16xi32> to vector<1xi32>
      %squeeze3A_537 = vector.extract %slice3A_536[0] : i32 from vector<1xi32>
      %mul3A_538 = arith.constant 128 : i32
      %mul3A_539 = arith.muli %squeeze3A_537, %mul3A_538 : i32
      %slice3A_540 = vector.extract_strided_slice %get3A_13 {offsets = [7], sizes = [1], strides = [1]} : vector<16xi32> to vector<1xi32>
      %squeeze3A_541 = vector.extract %slice3A_540[0] : i32 from vector<1xi32>
      %mul3A_542 = arith.constant 128 : i32
      %mul3A_543 = arith.muli %squeeze3A_541, %mul3A_542 : i32
      %dma_start3A_544 = arith.constant 32 : i32
      %dma_start3A_545 = arith.constant 0 : i32
      %dma_start3A_546 = tpu.memref_slice %arg17[%dma_start3A_544, %dma_start3A_545] : memref<192x128xf32, #tpu.memory_space<vmem>> -> memref<32x128xf32, #tpu.memory_space<vmem>>
      %dma_start3A_547 = arith.constant 0 : i32
      %dma_start3A_548 = tpu.memref_slice %arg6[%dma_start3A_547, %mul3A_539] : memref<32x1000000xf32, #tpu.memory_space<hbm>> -> memref<32x128xf32, #tpu.memory_space<hbm>>
      %dma_start3A_549 = arith.constant 32 : i32
      %dma_start3A_550 = arith.constant 0 : i32
      %dma_start3A_551 = tpu.memref_slice %arg17[%dma_start3A_549, %dma_start3A_550] : memref<192x128xf32, #tpu.memory_space<vmem>> -> memref<32x128xf32, #tpu.memory_space<vmem>>
      %dma_start3A_552 = arith.constant 0 : i32
      %dma_start3A_553 = tpu.memref_slice %arg6[%dma_start3A_552, %mul3A_539] : memref<32x1000000xf32, #tpu.memory_space<hbm>> -> memref<32x128xf32, #tpu.memory_space<hbm>>
      tpu.enqueue_dma source(%dma_start3A_553 : memref<32x128xf32, #tpu.memory_space<hbm>>) target(%dma_start3A_551 : memref<32x128xf32, #tpu.memory_space<vmem>>) target_semaphore(%arg25 : memref<!tpu.dma_semaphore, #tpu.memory_space<semaphore_mem>>)
      %dma_start3A_554 = arith.constant 32 : i32
      %dma_start3A_555 = arith.constant 0 : i32
      %dma_start3A_556 = tpu.memref_slice %arg18[%dma_start3A_554, %dma_start3A_555] : memref<192x128xf32, #tpu.memory_space<vmem>> -> memref<32x128xf32, #tpu.memory_space<vmem>>
      %dma_start3A_557 = arith.constant 0 : i32
      %dma_start3A_558 = tpu.memref_slice %arg7[%dma_start3A_557, %mul3A_543] : memref<32x1000000xf32, #tpu.memory_space<hbm>> -> memref<32x128xf32, #tpu.memory_space<hbm>>
      %dma_start3A_559 = arith.constant 32 : i32
      %dma_start3A_560 = arith.constant 0 : i32
      %dma_start3A_561 = tpu.memref_slice %arg18[%dma_start3A_559, %dma_start3A_560] : memref<192x128xf32, #tpu.memory_space<vmem>> -> memref<32x128xf32, #tpu.memory_space<vmem>>
      %dma_start3A_562 = arith.constant 0 : i32
      %dma_start3A_563 = tpu.memref_slice %arg7[%dma_start3A_562, %mul3A_543] : memref<32x1000000xf32, #tpu.memory_space<hbm>> -> memref<32x128xf32, #tpu.memory_space<hbm>>
      tpu.enqueue_dma source(%dma_start3A_563 : memref<32x128xf32, #tpu.memory_space<hbm>>) target(%dma_start3A_561 : memref<32x128xf32, #tpu.memory_space<vmem>>) target_semaphore(%arg25 : memref<!tpu.dma_semaphore, #tpu.memory_space<semaphore_mem>>)
      %dma_start3A_564 = arith.constant 32 : i32
      %dma_start3A_565 = arith.constant 0 : i32
      %dma_start3A_566 = tpu.memref_slice %arg19[%dma_start3A_564, %dma_start3A_565] : memref<192x128xf32, #tpu.memory_space<vmem>> -> memref<32x128xf32, #tpu.memory_space<vmem>>
      %dma_start3A_567 = arith.constant 0 : i32
      %dma_start3A_568 = tpu.memref_slice %arg8[%dma_start3A_567, %mul3A_539] : memref<32x1000000xf32, #tpu.memory_space<hbm>> -> memref<32x128xf32, #tpu.memory_space<hbm>>
      %dma_start3A_569 = arith.constant 32 : i32
      %dma_start3A_570 = arith.constant 0 : i32
      %dma_start3A_571 = tpu.memref_slice %arg19[%dma_start3A_569, %dma_start3A_570] : memref<192x128xf32, #tpu.memory_space<vmem>> -> memref<32x128xf32, #tpu.memory_space<vmem>>
      %dma_start3A_572 = arith.constant 0 : i32
      %dma_start3A_573 = tpu.memref_slice %arg8[%dma_start3A_572, %mul3A_539] : memref<32x1000000xf32, #tpu.memory_space<hbm>> -> memref<32x128xf32, #tpu.memory_space<hbm>>
      tpu.enqueue_dma source(%dma_start3A_573 : memref<32x128xf32, #tpu.memory_space<hbm>>) target(%dma_start3A_571 : memref<32x128xf32, #tpu.memory_space<vmem>>) target_semaphore(%arg25 : memref<!tpu.dma_semaphore, #tpu.memory_space<semaphore_mem>>)
      %dma_start3A_574 = arith.constant 32 : i32
      %dma_start3A_575 = arith.constant 0 : i32
      %dma_start3A_576 = tpu.memref_slice %arg20[%dma_start3A_574, %dma_start3A_575] : memref<192x128xf32, #tpu.memory_space<vmem>> -> memref<32x128xf32, #tpu.memory_space<vmem>>
      %dma_start3A_577 = arith.constant 0 : i32
      %dma_start3A_578 = tpu.memref_slice %arg9[%dma_start3A_577, %mul3A_543] : memref<32x1000000xf32, #tpu.memory_space<hbm>> -> memref<32x128xf32, #tpu.memory_space<hbm>>
      %dma_start3A_579 = arith.constant 32 : i32
      %dma_start3A_580 = arith.constant 0 : i32
      %dma_start3A_581 = tpu.memref_slice %arg20[%dma_start3A_579, %dma_start3A_580] : memref<192x128xf32, #tpu.memory_space<vmem>> -> memref<32x128xf32, #tpu.memory_space<vmem>>
      %dma_start3A_582 = arith.constant 0 : i32
      %dma_start3A_583 = tpu.memref_slice %arg9[%dma_start3A_582, %mul3A_543] : memref<32x1000000xf32, #tpu.memory_space<hbm>> -> memref<32x128xf32, #tpu.memory_space<hbm>>
      tpu.enqueue_dma source(%dma_start3A_583 : memref<32x128xf32, #tpu.memory_space<hbm>>) target(%dma_start3A_581 : memref<32x128xf32, #tpu.memory_space<vmem>>) target_semaphore(%arg25 : memref<!tpu.dma_semaphore, #tpu.memory_space<semaphore_mem>>)
      %dma_wait3A_584 = arith.constant 64 : i32
      %dma_wait3A_585 = arith.constant 0 : i32
      %dma_wait3A_586 = tpu.memref_slice %arg17[%dma_wait3A_584, %dma_wait3A_585] : memref<192x128xf32, #tpu.memory_space<vmem>> -> memref<32x128xf32, #tpu.memory_space<vmem>>
      %dma_wait3A_587 = arith.constant 0 : i32
      %dma_wait3A_588 = tpu.memref_slice %arg6[%dma_wait3A_587, %mul3A_114] : memref<32x1000000xf32, #tpu.memory_space<hbm>> -> memref<32x128xf32, #tpu.memory_space<hbm>>
      %dma_wait3A_589 = arith.constant 64 : i32
      %dma_wait3A_590 = arith.constant 0 : i32
      %dma_wait3A_591 = tpu.memref_slice %arg17[%dma_wait3A_589, %dma_wait3A_590] : memref<192x128xf32, #tpu.memory_space<vmem>> -> memref<32x128xf32, #tpu.memory_space<vmem>>
      %dma_wait3A_592 = arith.constant 0 : i32
      %dma_wait3A_593 = tpu.memref_slice %arg6[%dma_wait3A_592, %mul3A_114] : memref<32x1000000xf32, #tpu.memory_space<hbm>> -> memref<32x128xf32, #tpu.memory_space<hbm>>
      tpu.wait_dma2 semaphore(%arg26 : memref<!tpu.dma_semaphore, #tpu.memory_space<semaphore_mem>>) src(%dma_wait3A_593 : memref<32x128xf32, #tpu.memory_space<hbm>>) dst(%dma_wait3A_591 : memref<32x128xf32, #tpu.memory_space<vmem>>)
      %dma_wait3A_594 = arith.constant 64 : i32
      %dma_wait3A_595 = arith.constant 0 : i32
      %dma_wait3A_596 = tpu.memref_slice %arg18[%dma_wait3A_594, %dma_wait3A_595] : memref<192x128xf32, #tpu.memory_space<vmem>> -> memref<32x128xf32, #tpu.memory_space<vmem>>
      %dma_wait3A_597 = arith.constant 0 : i32
      %dma_wait3A_598 = tpu.memref_slice %arg7[%dma_wait3A_597, %mul3A_118] : memref<32x1000000xf32, #tpu.memory_space<hbm>> -> memref<32x128xf32, #tpu.memory_space<hbm>>
      %dma_wait3A_599 = arith.constant 64 : i32
      %dma_wait3A_600 = arith.constant 0 : i32
      %dma_wait3A_601 = tpu.memref_slice %arg18[%dma_wait3A_599, %dma_wait3A_600] : memref<192x128xf32, #tpu.memory_space<vmem>> -> memref<32x128xf32, #tpu.memory_space<vmem>>
      %dma_wait3A_602 = arith.constant 0 : i32
      %dma_wait3A_603 = tpu.memref_slice %arg7[%dma_wait3A_602, %mul3A_118] : memref<32x1000000xf32, #tpu.memory_space<hbm>> -> memref<32x128xf32, #tpu.memory_space<hbm>>
      tpu.wait_dma2 semaphore(%arg26 : memref<!tpu.dma_semaphore, #tpu.memory_space<semaphore_mem>>) src(%dma_wait3A_603 : memref<32x128xf32, #tpu.memory_space<hbm>>) dst(%dma_wait3A_601 : memref<32x128xf32, #tpu.memory_space<vmem>>)
      %dma_wait3A_604 = arith.constant 64 : i32
      %dma_wait3A_605 = arith.constant 0 : i32
      %dma_wait3A_606 = tpu.memref_slice %arg19[%dma_wait3A_604, %dma_wait3A_605] : memref<192x128xf32, #tpu.memory_space<vmem>> -> memref<32x128xf32, #tpu.memory_space<vmem>>
      %dma_wait3A_607 = arith.constant 0 : i32
      %dma_wait3A_608 = tpu.memref_slice %arg8[%dma_wait3A_607, %mul3A_114] : memref<32x1000000xf32, #tpu.memory_space<hbm>> -> memref<32x128xf32, #tpu.memory_space<hbm>>
      %dma_wait3A_609 = arith.constant 64 : i32
      %dma_wait3A_610 = arith.constant 0 : i32
      %dma_wait3A_611 = tpu.memref_slice %arg19[%dma_wait3A_609, %dma_wait3A_610] : memref<192x128xf32, #tpu.memory_space<vmem>> -> memref<32x128xf32, #tpu.memory_space<vmem>>
      %dma_wait3A_612 = arith.constant 0 : i32
      %dma_wait3A_613 = tpu.memref_slice %arg8[%dma_wait3A_612, %mul3A_114] : memref<32x1000000xf32, #tpu.memory_space<hbm>> -> memref<32x128xf32, #tpu.memory_space<hbm>>
      tpu.wait_dma2 semaphore(%arg26 : memref<!tpu.dma_semaphore, #tpu.memory_space<semaphore_mem>>) src(%dma_wait3A_613 : memref<32x128xf32, #tpu.memory_space<hbm>>) dst(%dma_wait3A_611 : memref<32x128xf32, #tpu.memory_space<vmem>>)
      %dma_wait3A_614 = arith.constant 64 : i32
      %dma_wait3A_615 = arith.constant 0 : i32
      %dma_wait3A_616 = tpu.memref_slice %arg20[%dma_wait3A_614, %dma_wait3A_615] : memref<192x128xf32, #tpu.memory_space<vmem>> -> memref<32x128xf32, #tpu.memory_space<vmem>>
      %dma_wait3A_617 = arith.constant 0 : i32
      %dma_wait3A_618 = tpu.memref_slice %arg9[%dma_wait3A_617, %mul3A_118] : memref<32x1000000xf32, #tpu.memory_space<hbm>> -> memref<32x128xf32, #tpu.memory_space<hbm>>
      %dma_wait3A_619 = arith.constant 64 : i32
      %dma_wait3A_620 = arith.constant 0 : i32
      %dma_wait3A_621 = tpu.memref_slice %arg20[%dma_wait3A_619, %dma_wait3A_620] : memref<192x128xf32, #tpu.memory_space<vmem>> -> memref<32x128xf32, #tpu.memory_space<vmem>>
      %dma_wait3A_622 = arith.constant 0 : i32
      %dma_wait3A_623 = tpu.memref_slice %arg9[%dma_wait3A_622, %mul3A_118] : memref<32x1000000xf32, #tpu.memory_space<hbm>> -> memref<32x128xf32, #tpu.memory_space<hbm>>
      tpu.wait_dma2 semaphore(%arg26 : memref<!tpu.dma_semaphore, #tpu.memory_space<semaphore_mem>>) src(%dma_wait3A_623 : memref<32x128xf32, #tpu.memory_space<hbm>>) dst(%dma_wait3A_621 : memref<32x128xf32, #tpu.memory_space<vmem>>)
      %mul3A_624 = arith.constant 0 : i32
      %mul3A_625 = vector.broadcast %mul3A_624 : i32 to vector<16xi32>
      %mul3A_626 = arith.muli %iota3A, %mul3A_625 : vector<16xi32>
      %slice3A_627 = vector.extract_strided_slice %get3A_15 {offsets = [2], sizes = [1], strides = [1]} : vector<16xi32> to vector<1xi32>
      %squeeze3A_628 = vector.extract %slice3A_627[0] : i32 from vector<1xi32>
      %add3A_629 = vector.broadcast %squeeze3A_628 : i32 to vector<16xi32>
      %add3A_630 = arith.addi %mul3A_626, %add3A_629 : vector<16xi32>
      %mul3A_631 = arith.constant 0 : i32
      %mul3A_632 = vector.broadcast %mul3A_631 : i32 to vector<16xi32>
      %mul3A_633 = arith.muli %iota3A, %mul3A_632 : vector<16xi32>
      %slice3A_634 = vector.extract_strided_slice %get3A_17 {offsets = [2], sizes = [1], strides = [1]} : vector<16xi32> to vector<1xi32>
      %squeeze3A_635 = vector.extract %slice3A_634[0] : i32 from vector<1xi32>
      %add3A_636 = vector.broadcast %squeeze3A_635 : i32 to vector<16xi32>
      %add3A_637 = arith.addi %mul3A_633, %add3A_636 : vector<16xi32>
      %add3A_638 = arith.constant 64 : i32
      %add3A_639 = vector.broadcast %add3A_638 : i32 to vector<16xi32>
      %add3A_640 = arith.addi %iota3A, %add3A_639 : vector<16xi32>
      %add3A_641 = arith.constant 16 : i32
      %add3A_642 = vector.broadcast %add3A_641 : i32 to vector<16xi32>
      %add3A_643 = arith.addi %add3A_640, %add3A_642 : vector<16xi32>
      %gather3A_644 = tpu.vector_load_idx %arg17[%add3A_640, %add3A_630] : memref<192x128xf32, #tpu.memory_space<vmem>>[vector<16xi32>, vector<16xi32>], vector<16xf32>,
      %gather3A_645 = tpu.vector_load_idx %arg17[%add3A_643, %add3A_630] : memref<192x128xf32, #tpu.memory_space<vmem>>[vector<16xi32>, vector<16xi32>], vector<16xf32>,
      %gather3A_646 = tpu.vector_load_idx %arg18[%add3A_640, %add3A_637] : memref<192x128xf32, #tpu.memory_space<vmem>>[vector<16xi32>, vector<16xi32>], vector<16xf32>,
      %gather3A_647 = tpu.vector_load_idx %arg18[%add3A_643, %add3A_637] : memref<192x128xf32, #tpu.memory_space<vmem>>[vector<16xi32>, vector<16xi32>], vector<16xf32>,
      %gather3A_648 = tpu.vector_load_idx %arg19[%add3A_640, %add3A_630] : memref<192x128xf32, #tpu.memory_space<vmem>>[vector<16xi32>, vector<16xi32>], vector<16xf32>,
      %gather3A_649 = tpu.vector_load_idx %arg19[%add3A_643, %add3A_630] : memref<192x128xf32, #tpu.memory_space<vmem>>[vector<16xi32>, vector<16xi32>], vector<16xf32>,
      %gather3A_650 = tpu.vector_load_idx %arg20[%add3A_640, %add3A_637] : memref<192x128xf32, #tpu.memory_space<vmem>>[vector<16xi32>, vector<16xi32>], vector<16xf32>,
      %gather3A_651 = tpu.vector_load_idx %arg20[%add3A_643, %add3A_637] : memref<192x128xf32, #tpu.memory_space<vmem>>[vector<16xi32>, vector<16xi32>], vector<16xf32>,
      %mul3A_652 = arith.mulf %gather3A_644, %gather3A_646 : vector<16xf32>
      %swap3A_653 = arith.constant 2 : i32
      %swap3A_654 = arith.index_cast %swap3A_653 : i32 to index
      %swap3A_655 = arith.constant 0 : index
      %swap3A_656 = tpu.vector_load %arg21[%swap3A_654, %swap3A_655] {strides = array<i32>} : memref<16x32xf32, #tpu.memory_space<vmem>>, vector<16xf32>,
      tpu.vector_store %arg21[%swap3A_654, %swap3A_655], %mul3A_652 {strides = array<i32>} : memref<16x32xf32, #tpu.memory_space<vmem>>, vector<16xf32>,
      %mul3A_657 = arith.mulf %gather3A_645, %gather3A_647 : vector<16xf32>
      %swap3A_658 = arith.constant 2 : i32
      %swap3A_659 = arith.index_cast %swap3A_658 : i32 to index
      %swap3A_660 = arith.constant 16 : index
      %swap3A_661 = tpu.vector_load %arg21[%swap3A_659, %swap3A_660] {strides = array<i32>} : memref<16x32xf32, #tpu.memory_space<vmem>>, vector<16xf32>,
      tpu.vector_store %arg21[%swap3A_659, %swap3A_660], %mul3A_657 {strides = array<i32>} : memref<16x32xf32, #tpu.memory_space<vmem>>, vector<16xf32>,
      %swap3A_662 = arith.constant 2 : i32
      %swap3A_663 = arith.index_cast %swap3A_662 : i32 to index
      %swap3A_664 = arith.constant 0 : index
      %swap3A_665 = tpu.vector_load %arg22[%swap3A_663, %swap3A_664] {strides = array<i32>} : memref<16x32xf32, #tpu.memory_space<vmem>>, vector<16xf32>,
      tpu.vector_store %arg22[%swap3A_663, %swap3A_664], %gather3A_648 {strides = array<i32>} : memref<16x32xf32, #tpu.memory_space<vmem>>, vector<16xf32>,
      %swap3A_666 = arith.constant 2 : i32
      %swap3A_667 = arith.index_cast %swap3A_666 : i32 to index
      %swap3A_668 = arith.constant 16 : index
      %swap3A_669 = tpu.vector_load %arg22[%swap3A_667, %swap3A_668] {strides = array<i32>} : memref<16x32xf32, #tpu.memory_space<vmem>>, vector<16xf32>,
      tpu.vector_store %arg22[%swap3A_667, %swap3A_668], %gather3A_649 {strides = array<i32>} : memref<16x32xf32, #tpu.memory_space<vmem>>, vector<16xf32>,
      %swap3A_670 = arith.constant 2 : i32
      %swap3A_671 = arith.index_cast %swap3A_670 : i32 to index
      %swap3A_672 = arith.constant 0 : index
      %swap3A_673 = tpu.vector_load %arg23[%swap3A_671, %swap3A_672] {strides = array<i32>} : memref<16x32xf32, #tpu.memory_space<vmem>>, vector<16xf32>,
      tpu.vector_store %arg23[%swap3A_671, %swap3A_672], %gather3A_650 {strides = array<i32>} : memref<16x32xf32, #tpu.memory_space<vmem>>, vector<16xf32>,
      %swap3A_674 = arith.constant 2 : i32
      %swap3A_675 = arith.index_cast %swap3A_674 : i32 to index
      %swap3A_676 = arith.constant 16 : index
      %swap3A_677 = tpu.vector_load %arg23[%swap3A_675, %swap3A_676] {strides = array<i32>} : memref<16x32xf32, #tpu.memory_space<vmem>>, vector<16xf32>,
      tpu.vector_store %arg23[%swap3A_675, %swap3A_676], %gather3A_651 {strides = array<i32>} : memref<16x32xf32, #tpu.memory_space<vmem>>, vector<16xf32>,
      %slice3A_678 = vector.extract_strided_slice %get3A_11 {offsets = [8], sizes = [1], strides = [1]} : vector<16xi32> to vector<1xi32>
      %squeeze3A_679 = vector.extract %slice3A_678[0] : i32 from vector<1xi32>
      %mul3A_680 = arith.constant 128 : i32
      %mul3A_681 = arith.muli %squeeze3A_679, %mul3A_680 : i32
      %slice3A_682 = vector.extract_strided_slice %get3A_13 {offsets = [8], sizes = [1], strides = [1]} : vector<16xi32> to vector<1xi32>
      %squeeze3A_683 = vector.extract %slice3A_682[0] : i32 from vector<1xi32>
      %mul3A_684 = arith.constant 128 : i32
      %mul3A_685 = arith.muli %squeeze3A_683, %mul3A_684 : i32
      %dma_start3A_686 = arith.constant 64 : i32
      %dma_start3A_687 = arith.constant 0 : i32
      %dma_start3A_688 = tpu.memref_slice %arg17[%dma_start3A_686, %dma_start3A_687] : memref<192x128xf32, #tpu.memory_space<vmem>> -> memref<32x128xf32, #tpu.memory_space<vmem>>
      %dma_start3A_689 = arith.constant 0 : i32
      %dma_start3A_690 = tpu.memref_slice %arg6[%dma_start3A_689, %mul3A_681] : memref<32x1000000xf32, #tpu.memory_space<hbm>> -> memref<32x128xf32, #tpu.memory_space<hbm>>
      %dma_start3A_691 = arith.constant 64 : i32
      %dma_start3A_692 = arith.constant 0 : i32
      %dma_start3A_693 = tpu.memref_slice %arg17[%dma_start3A_691, %dma_start3A_692] : memref<192x128xf32, #tpu.memory_space<vmem>> -> memref<32x128xf32, #tpu.memory_space<vmem>>
      %dma_start3A_694 = arith.constant 0 : i32
      %dma_start3A_695 = tpu.memref_slice %arg6[%dma_start3A_694, %mul3A_681] : memref<32x1000000xf32, #tpu.memory_space<hbm>> -> memref<32x128xf32, #tpu.memory_space<hbm>>
      tpu.enqueue_dma source(%dma_start3A_695 : memref<32x128xf32, #tpu.memory_space<hbm>>) target(%dma_start3A_693 : memref<32x128xf32, #tpu.memory_space<vmem>>) target_semaphore(%arg26 : memref<!tpu.dma_semaphore, #tpu.memory_space<semaphore_mem>>)
      %dma_start3A_696 = arith.constant 64 : i32
      %dma_start3A_697 = arith.constant 0 : i32
      %dma_start3A_698 = tpu.memref_slice %arg18[%dma_start3A_696, %dma_start3A_697] : memref<192x128xf32, #tpu.memory_space<vmem>> -> memref<32x128xf32, #tpu.memory_space<vmem>>
      %dma_start3A_699 = arith.constant 0 : i32
      %dma_start3A_700 = tpu.memref_slice %arg7[%dma_start3A_699, %mul3A_685] : memref<32x1000000xf32, #tpu.memory_space<hbm>> -> memref<32x128xf32, #tpu.memory_space<hbm>>
      %dma_start3A_701 = arith.constant 64 : i32
      %dma_start3A_702 = arith.constant 0 : i32
      %dma_start3A_703 = tpu.memref_slice %arg18[%dma_start3A_701, %dma_start3A_702] : memref<192x128xf32, #tpu.memory_space<vmem>> -> memref<32x128xf32, #tpu.memory_space<vmem>>
      %dma_start3A_704 = arith.constant 0 : i32
      %dma_start3A_705 = tpu.memref_slice %arg7[%dma_start3A_704, %mul3A_685] : memref<32x1000000xf32, #tpu.memory_space<hbm>> -> memref<32x128xf32, #tpu.memory_space<hbm>>
      tpu.enqueue_dma source(%dma_start3A_705 : memref<32x128xf32, #tpu.memory_space<hbm>>) target(%dma_start3A_703 : memref<32x128xf32, #tpu.memory_space<vmem>>) target_semaphore(%arg26 : memref<!tpu.dma_semaphore, #tpu.memory_space<semaphore_mem>>)
      %dma_start3A_706 = arith.constant 64 : i32
      %dma_start3A_707 = arith.constant 0 : i32
      %dma_start3A_708 = tpu.memref_slice %arg19[%dma_start3A_706, %dma_start3A_707] : memref<192x128xf32, #tpu.memory_space<vmem>> -> memref<32x128xf32, #tpu.memory_space<vmem>>
      %dma_start3A_709 = arith.constant 0 : i32
      %dma_start3A_710 = tpu.memref_slice %arg8[%dma_start3A_709, %mul3A_681] : memref<32x1000000xf32, #tpu.memory_space<hbm>> -> memref<32x128xf32, #tpu.memory_space<hbm>>
      %dma_start3A_711 = arith.constant 64 : i32
      %dma_start3A_712 = arith.constant 0 : i32
      %dma_start3A_713 = tpu.memref_slice %arg19[%dma_start3A_711, %dma_start3A_712] : memref<192x128xf32, #tpu.memory_space<vmem>> -> memref<32x128xf32, #tpu.memory_space<vmem>>
      %dma_start3A_714 = arith.constant 0 : i32
      %dma_start3A_715 = tpu.memref_slice %arg8[%dma_start3A_714, %mul3A_681] : memref<32x1000000xf32, #tpu.memory_space<hbm>> -> memref<32x128xf32, #tpu.memory_space<hbm>>
      tpu.enqueue_dma source(%dma_start3A_715 : memref<32x128xf32, #tpu.memory_space<hbm>>) target(%dma_start3A_713 : memref<32x128xf32, #tpu.memory_space<vmem>>) target_semaphore(%arg26 : memref<!tpu.dma_semaphore, #tpu.memory_space<semaphore_mem>>)
      %dma_start3A_716 = arith.constant 64 : i32
      %dma_start3A_717 = arith.constant 0 : i32
      %dma_start3A_718 = tpu.memref_slice %arg20[%dma_start3A_716, %dma_start3A_717] : memref<192x128xf32, #tpu.memory_space<vmem>> -> memref<32x128xf32, #tpu.memory_space<vmem>>
      %dma_start3A_719 = arith.constant 0 : i32
      %dma_start3A_720 = tpu.memref_slice %arg9[%dma_start3A_719, %mul3A_685] : memref<32x1000000xf32, #tpu.memory_space<hbm>> -> memref<32x128xf32, #tpu.memory_space<hbm>>
      %dma_start3A_721 = arith.constant 64 : i32
      %dma_start3A_722 = arith.constant 0 : i32
      %dma_start3A_723 = tpu.memref_slice %arg20[%dma_start3A_721, %dma_start3A_722] : memref<192x128xf32, #tpu.memory_space<vmem>> -> memref<32x128xf32, #tpu.memory_space<vmem>>
      %dma_start3A_724 = arith.constant 0 : i32
      %dma_start3A_725 = tpu.memref_slice %arg9[%dma_start3A_724, %mul3A_685] : memref<32x1000000xf32, #tpu.memory_space<hbm>> -> memref<32x128xf32, #tpu.memory_space<hbm>>
      tpu.enqueue_dma source(%dma_start3A_725 : memref<32x128xf32, #tpu.memory_space<hbm>>) target(%dma_start3A_723 : memref<32x128xf32, #tpu.memory_space<vmem>>) target_semaphore(%arg26 : memref<!tpu.dma_semaphore, #tpu.memory_space<semaphore_mem>>)
      %dma_wait3A_726 = arith.constant 96 : i32
      %dma_wait3A_727 = arith.constant 0 : i32
      %dma_wait3A_728 = tpu.memref_slice %arg17[%dma_wait3A_726, %dma_wait3A_727] : memref<192x128xf32, #tpu.memory_space<vmem>> -> memref<32x128xf32, #tpu.memory_space<vmem>>
      %dma_wait3A_729 = arith.constant 0 : i32
      %dma_wait3A_730 = tpu.memref_slice %arg6[%dma_wait3A_729, %mul3A_162] : memref<32x1000000xf32, #tpu.memory_space<hbm>> -> memref<32x128xf32, #tpu.memory_space<hbm>>
      %dma_wait3A_731 = arith.constant 96 : i32
      %dma_wait3A_732 = arith.constant 0 : i32
      %dma_wait3A_733 = tpu.memref_slice %arg17[%dma_wait3A_731, %dma_wait3A_732] : memref<192x128xf32, #tpu.memory_space<vmem>> -> memref<32x128xf32, #tpu.memory_space<vmem>>
      %dma_wait3A_734 = arith.constant 0 : i32
      %dma_wait3A_735 = tpu.memref_slice %arg6[%dma_wait3A_734, %mul3A_162] : memref<32x1000000xf32, #tpu.memory_space<hbm>> -> memref<32x128xf32, #tpu.memory_space<hbm>>
      tpu.wait_dma2 semaphore(%arg27 : memref<!tpu.dma_semaphore, #tpu.memory_space<semaphore_mem>>) src(%dma_wait3A_735 : memref<32x128xf32, #tpu.memory_space<hbm>>) dst(%dma_wait3A_733 : memref<32x128xf32, #tpu.memory_space<vmem>>)
      %dma_wait3A_736 = arith.constant 96 : i32
      %dma_wait3A_737 = arith.constant 0 : i32
      %dma_wait3A_738 = tpu.memref_slice %arg18[%dma_wait3A_736, %dma_wait3A_737] : memref<192x128xf32, #tpu.memory_space<vmem>> -> memref<32x128xf32, #tpu.memory_space<vmem>>
      %dma_wait3A_739 = arith.constant 0 : i32
      %dma_wait3A_740 = tpu.memref_slice %arg7[%dma_wait3A_739, %mul3A_166] : memref<32x1000000xf32, #tpu.memory_space<hbm>> -> memref<32x128xf32, #tpu.memory_space<hbm>>
      %dma_wait3A_741 = arith.constant 96 : i32
      %dma_wait3A_742 = arith.constant 0 : i32
      %dma_wait3A_743 = tpu.memref_slice %arg18[%dma_wait3A_741, %dma_wait3A_742] : memref<192x128xf32, #tpu.memory_space<vmem>> -> memref<32x128xf32, #tpu.memory_space<vmem>>
      %dma_wait3A_744 = arith.constant 0 : i32
      %dma_wait3A_745 = tpu.memref_slice %arg7[%dma_wait3A_744, %mul3A_166] : memref<32x1000000xf32, #tpu.memory_space<hbm>> -> memref<32x128xf32, #tpu.memory_space<hbm>>
      tpu.wait_dma2 semaphore(%arg27 : memref<!tpu.dma_semaphore, #tpu.memory_space<semaphore_mem>>) src(%dma_wait3A_745 : memref<32x128xf32, #tpu.memory_space<hbm>>) dst(%dma_wait3A_743 : memref<32x128xf32, #tpu.memory_space<vmem>>)
      %dma_wait3A_746 = arith.constant 96 : i32
      %dma_wait3A_747 = arith.constant 0 : i32
      %dma_wait3A_748 = tpu.memref_slice %arg19[%dma_wait3A_746, %dma_wait3A_747] : memref<192x128xf32, #tpu.memory_space<vmem>> -> memref<32x128xf32, #tpu.memory_space<vmem>>
      %dma_wait3A_749 = arith.constant 0 : i32
      %dma_wait3A_750 = tpu.memref_slice %arg8[%dma_wait3A_749, %mul3A_162] : memref<32x1000000xf32, #tpu.memory_space<hbm>> -> memref<32x128xf32, #tpu.memory_space<hbm>>
      %dma_wait3A_751 = arith.constant 96 : i32
      %dma_wait3A_752 = arith.constant 0 : i32
      %dma_wait3A_753 = tpu.memref_slice %arg19[%dma_wait3A_751, %dma_wait3A_752] : memref<192x128xf32, #tpu.memory_space<vmem>> -> memref<32x128xf32, #tpu.memory_space<vmem>>
      %dma_wait3A_754 = arith.constant 0 : i32
      %dma_wait3A_755 = tpu.memref_slice %arg8[%dma_wait3A_754, %mul3A_162] : memref<32x1000000xf32, #tpu.memory_space<hbm>> -> memref<32x128xf32, #tpu.memory_space<hbm>>
      tpu.wait_dma2 semaphore(%arg27 : memref<!tpu.dma_semaphore, #tpu.memory_space<semaphore_mem>>) src(%dma_wait3A_755 : memref<32x128xf32, #tpu.memory_space<hbm>>) dst(%dma_wait3A_753 : memref<32x128xf32, #tpu.memory_space<vmem>>)
      %dma_wait3A_756 = arith.constant 96 : i32
      %dma_wait3A_757 = arith.constant 0 : i32
      %dma_wait3A_758 = tpu.memref_slice %arg20[%dma_wait3A_756, %dma_wait3A_757] : memref<192x128xf32, #tpu.memory_space<vmem>> -> memref<32x128xf32, #tpu.memory_space<vmem>>
      %dma_wait3A_759 = arith.constant 0 : i32
      %dma_wait3A_760 = tpu.memref_slice %arg9[%dma_wait3A_759, %mul3A_166] : memref<32x1000000xf32, #tpu.memory_space<hbm>> -> memref<32x128xf32, #tpu.memory_space<hbm>>
      %dma_wait3A_761 = arith.constant 96 : i32
      %dma_wait3A_762 = arith.constant 0 : i32
      %dma_wait3A_763 = tpu.memref_slice %arg20[%dma_wait3A_761, %dma_wait3A_762] : memref<192x128xf32, #tpu.memory_space<vmem>> -> memref<32x128xf32, #tpu.memory_space<vmem>>
      %dma_wait3A_764 = arith.constant 0 : i32
      %dma_wait3A_765 = tpu.memref_slice %arg9[%dma_wait3A_764, %mul3A_166] : memref<32x1000000xf32, #tpu.memory_space<hbm>> -> memref<32x128xf32, #tpu.memory_space<hbm>>
      tpu.wait_dma2 semaphore(%arg27 : memref<!tpu.dma_semaphore, #tpu.memory_space<semaphore_mem>>) src(%dma_wait3A_765 : memref<32x128xf32, #tpu.memory_space<hbm>>) dst(%dma_wait3A_763 : memref<32x128xf32, #tpu.memory_space<vmem>>)
      %mul3A_766 = arith.constant 0 : i32
      %mul3A_767 = vector.broadcast %mul3A_766 : i32 to vector<16xi32>
      %mul3A_768 = arith.muli %iota3A, %mul3A_767 : vector<16xi32>
      %slice3A_769 = vector.extract_strided_slice %get3A_15 {offsets = [3], sizes = [1], strides = [1]} : vector<16xi32> to vector<1xi32>
      %squeeze3A_770 = vector.extract %slice3A_769[0] : i32 from vector<1xi32>
      %add3A_771 = vector.broadcast %squeeze3A_770 : i32 to vector<16xi32>
      %add3A_772 = arith.addi %mul3A_768, %add3A_771 : vector<16xi32>
      %mul3A_773 = arith.constant 0 : i32
      %mul3A_774 = vector.broadcast %mul3A_773 : i32 to vector<16xi32>
      %mul3A_775 = arith.muli %iota3A, %mul3A_774 : vector<16xi32>
      %slice3A_776 = vector.extract_strided_slice %get3A_17 {offsets = [3], sizes = [1], strides = [1]} : vector<16xi32> to vector<1xi32>
      %squeeze3A_777 = vector.extract %slice3A_776[0] : i32 from vector<1xi32>
      %add3A_778 = vector.broadcast %squeeze3A_777 : i32 to vector<16xi32>
      %add3A_779 = arith.addi %mul3A_775, %add3A_778 : vector<16xi32>
      %add3A_780 = arith.constant 96 : i32
      %add3A_781 = vector.broadcast %add3A_780 : i32 to vector<16xi32>
      %add3A_782 = arith.addi %iota3A, %add3A_781 : vector<16xi32>
      %add3A_783 = arith.constant 16 : i32
      %add3A_784 = vector.broadcast %add3A_783 : i32 to vector<16xi32>
      %add3A_785 = arith.addi %add3A_782, %add3A_784 : vector<16xi32>
      %gather3A_786 = tpu.vector_load_idx %arg17[%add3A_782, %add3A_772] : memref<192x128xf32, #tpu.memory_space<vmem>>[vector<16xi32>, vector<16xi32>], vector<16xf32>,
      %gather3A_787 = tpu.vector_load_idx %arg17[%add3A_785, %add3A_772] : memref<192x128xf32, #tpu.memory_space<vmem>>[vector<16xi32>, vector<16xi32>], vector<16xf32>,
      %gather3A_788 = tpu.vector_load_idx %arg18[%add3A_782, %add3A_779] : memref<192x128xf32, #tpu.memory_space<vmem>>[vector<16xi32>, vector<16xi32>], vector<16xf32>,
      %gather3A_789 = tpu.vector_load_idx %arg18[%add3A_785, %add3A_779] : memref<192x128xf32, #tpu.memory_space<vmem>>[vector<16xi32>, vector<16xi32>], vector<16xf32>,
      %gather3A_790 = tpu.vector_load_idx %arg19[%add3A_782, %add3A_772] : memref<192x128xf32, #tpu.memory_space<vmem>>[vector<16xi32>, vector<16xi32>], vector<16xf32>,
      %gather3A_791 = tpu.vector_load_idx %arg19[%add3A_785, %add3A_772] : memref<192x128xf32, #tpu.memory_space<vmem>>[vector<16xi32>, vector<16xi32>], vector<16xf32>,
      %gather3A_792 = tpu.vector_load_idx %arg20[%add3A_782, %add3A_779] : memref<192x128xf32, #tpu.memory_space<vmem>>[vector<16xi32>, vector<16xi32>], vector<16xf32>,
      %gather3A_793 = tpu.vector_load_idx %arg20[%add3A_785, %add3A_779] : memref<192x128xf32, #tpu.memory_space<vmem>>[vector<16xi32>, vector<16xi32>], vector<16xf32>,
      %mul3A_794 = arith.mulf %gather3A_786, %gather3A_788 : vector<16xf32>
      %swap3A_795 = arith.constant 3 : i32
      %swap3A_796 = arith.index_cast %swap3A_795 : i32 to index
      %swap3A_797 = arith.constant 0 : index
      %swap3A_798 = tpu.vector_load %arg21[%swap3A_796, %swap3A_797] {strides = array<i32>} : memref<16x32xf32, #tpu.memory_space<vmem>>, vector<16xf32>,
      tpu.vector_store %arg21[%swap3A_796, %swap3A_797], %mul3A_794 {strides = array<i32>} : memref<16x32xf32, #tpu.memory_space<vmem>>, vector<16xf32>,
      %mul3A_799 = arith.mulf %gather3A_787, %gather3A_789 : vector<16xf32>
      %swap3A_800 = arith.constant 3 : i32
      %swap3A_801 = arith.index_cast %swap3A_800 : i32 to index
      %swap3A_802 = arith.constant 16 : index
      %swap3A_803 = tpu.vector_load %arg21[%swap3A_801, %swap3A_802] {strides = array<i32>} : memref<16x32xf32, #tpu.memory_space<vmem>>, vector<16xf32>,
      tpu.vector_store %arg21[%swap3A_801, %swap3A_802], %mul3A_799 {strides = array<i32>} : memref<16x32xf32, #tpu.memory_space<vmem>>, vector<16xf32>,
      %swap3A_804 = arith.constant 3 : i32
      %swap3A_805 = arith.index_cast %swap3A_804 : i32 to index
      %swap3A_806 = arith.constant 0 : index
      %swap3A_807 = tpu.vector_load %arg22[%swap3A_805, %swap3A_806] {strides = array<i32>} : memref<16x32xf32, #tpu.memory_space<vmem>>, vector<16xf32>,
      tpu.vector_store %arg22[%swap3A_805, %swap3A_806], %gather3A_790 {strides = array<i32>} : memref<16x32xf32, #tpu.memory_space<vmem>>, vector<16xf32>,
      %swap3A_808 = arith.constant 3 : i32
      %swap3A_809 = arith.index_cast %swap3A_808 : i32 to index
      %swap3A_810 = arith.constant 16 : index
      %swap3A_811 = tpu.vector_load %arg22[%swap3A_809, %swap3A_810] {strides = array<i32>} : memref<16x32xf32, #tpu.memory_space<vmem>>, vector<16xf32>,
      tpu.vector_store %arg22[%swap3A_809, %swap3A_810], %gather3A_791 {strides = array<i32>} : memref<16x32xf32, #tpu.memory_space<vmem>>, vector<16xf32>,
      %swap3A_812 = arith.constant 3 : i32
      %swap3A_813 = arith.index_cast %swap3A_812 : i32 to index
      %swap3A_814 = arith.constant 0 : index
      %swap3A_815 = tpu.vector_load %arg23[%swap3A_813, %swap3A_814] {strides = array<i32>} : memref<16x32xf32, #tpu.memory_space<vmem>>, vector<16xf32>,
      tpu.vector_store %arg23[%swap3A_813, %swap3A_814], %gather3A_792 {strides = array<i32>} : memref<16x32xf32, #tpu.memory_space<vmem>>, vector<16xf32>,
      %swap3A_816 = arith.constant 3 : i32
      %swap3A_817 = arith.index_cast %swap3A_816 : i32 to index
      %swap3A_818 = arith.constant 16 : index
      %swap3A_819 = tpu.vector_load %arg23[%swap3A_817, %swap3A_818] {strides = array<i32>} : memref<16x32xf32, #tpu.memory_space<vmem>>, vector<16xf32>,
      tpu.vector_store %arg23[%swap3A_817, %swap3A_818], %gather3A_793 {strides = array<i32>} : memref<16x32xf32, #tpu.memory_space<vmem>>, vector<16xf32>,
      %slice3A_820 = vector.extract_strided_slice %get3A_11 {offsets = [9], sizes = [1], strides = [1]} : vector<16xi32> to vector<1xi32>
      %squeeze3A_821 = vector.extract %slice3A_820[0] : i32 from vector<1xi32>
      %mul3A_822 = arith.constant 128 : i32
      %mul3A_823 = arith.muli %squeeze3A_821, %mul3A_822 : i32
      %slice3A_824 = vector.extract_strided_slice %get3A_13 {offsets = [9], sizes = [1], strides = [1]} : vector<16xi32> to vector<1xi32>
      %squeeze3A_825 = vector.extract %slice3A_824[0] : i32 from vector<1xi32>
      %mul3A_826 = arith.constant 128 : i32
      %mul3A_827 = arith.muli %squeeze3A_825, %mul3A_826 : i32
      %dma_start3A_828 = arith.constant 96 : i32
      %dma_start3A_829 = arith.constant 0 : i32
      %dma_start3A_830 = tpu.memref_slice %arg17[%dma_start3A_828, %dma_start3A_829] : memref<192x128xf32, #tpu.memory_space<vmem>> -> memref<32x128xf32, #tpu.memory_space<vmem>>
      %dma_start3A_831 = arith.constant 0 : i32
      %dma_start3A_832 = tpu.memref_slice %arg6[%dma_start3A_831, %mul3A_823] : memref<32x1000000xf32, #tpu.memory_space<hbm>> -> memref<32x128xf32, #tpu.memory_space<hbm>>
      %dma_start3A_833 = arith.constant 96 : i32
      %dma_start3A_834 = arith.constant 0 : i32
      %dma_start3A_835 = tpu.memref_slice %arg17[%dma_start3A_833, %dma_start3A_834] : memref<192x128xf32, #tpu.memory_space<vmem>> -> memref<32x128xf32, #tpu.memory_space<vmem>>
      %dma_start3A_836 = arith.constant 0 : i32
      %dma_start3A_837 = tpu.memref_slice %arg6[%dma_start3A_836, %mul3A_823] : memref<32x1000000xf32, #tpu.memory_space<hbm>> -> memref<32x128xf32, #tpu.memory_space<hbm>>
      tpu.enqueue_dma source(%dma_start3A_837 : memref<32x128xf32, #tpu.memory_space<hbm>>) target(%dma_start3A_835 : memref<32x128xf32, #tpu.memory_space<vmem>>) target_semaphore(%arg27 : memref<!tpu.dma_semaphore, #tpu.memory_space<semaphore_mem>>)
      %dma_start3A_838 = arith.constant 96 : i32
      %dma_start3A_839 = arith.constant 0 : i32
      %dma_start3A_840 = tpu.memref_slice %arg18[%dma_start3A_838, %dma_start3A_839] : memref<192x128xf32, #tpu.memory_space<vmem>> -> memref<32x128xf32, #tpu.memory_space<vmem>>
      %dma_start3A_841 = arith.constant 0 : i32
      %dma_start3A_842 = tpu.memref_slice %arg7[%dma_start3A_841, %mul3A_827] : memref<32x1000000xf32, #tpu.memory_space<hbm>> -> memref<32x128xf32, #tpu.memory_space<hbm>>
      %dma_start3A_843 = arith.constant 96 : i32
      %dma_start3A_844 = arith.constant 0 : i32
      %dma_start3A_845 = tpu.memref_slice %arg18[%dma_start3A_843, %dma_start3A_844] : memref<192x128xf32, #tpu.memory_space<vmem>> -> memref<32x128xf32, #tpu.memory_space<vmem>>
      %dma_start3A_846 = arith.constant 0 : i32
      %dma_start3A_847 = tpu.memref_slice %arg7[%dma_start3A_846, %mul3A_827] : memref<32x1000000xf32, #tpu.memory_space<hbm>> -> memref<32x128xf32, #tpu.memory_space<hbm>>
      tpu.enqueue_dma source(%dma_start3A_847 : memref<32x128xf32, #tpu.memory_space<hbm>>) target(%dma_start3A_845 : memref<32x128xf32, #tpu.memory_space<vmem>>) target_semaphore(%arg27 : memref<!tpu.dma_semaphore, #tpu.memory_space<semaphore_mem>>)
      %dma_start3A_848 = arith.constant 96 : i32
      %dma_start3A_849 = arith.constant 0 : i32
      %dma_start3A_850 = tpu.memref_slice %arg19[%dma_start3A_848, %dma_start3A_849] : memref<192x128xf32, #tpu.memory_space<vmem>> -> memref<32x128xf32, #tpu.memory_space<vmem>>
      %dma_start3A_851 = arith.constant 0 : i32
      %dma_start3A_852 = tpu.memref_slice %arg8[%dma_start3A_851, %mul3A_823] : memref<32x1000000xf32, #tpu.memory_space<hbm>> -> memref<32x128xf32, #tpu.memory_space<hbm>>
      %dma_start3A_853 = arith.constant 96 : i32
      %dma_start3A_854 = arith.constant 0 : i32
      %dma_start3A_855 = tpu.memref_slice %arg19[%dma_start3A_853, %dma_start3A_854] : memref<192x128xf32, #tpu.memory_space<vmem>> -> memref<32x128xf32, #tpu.memory_space<vmem>>
      %dma_start3A_856 = arith.constant 0 : i32
      %dma_start3A_857 = tpu.memref_slice %arg8[%dma_start3A_856, %mul3A_823] : memref<32x1000000xf32, #tpu.memory_space<hbm>> -> memref<32x128xf32, #tpu.memory_space<hbm>>
      tpu.enqueue_dma source(%dma_start3A_857 : memref<32x128xf32, #tpu.memory_space<hbm>>) target(%dma_start3A_855 : memref<32x128xf32, #tpu.memory_space<vmem>>) target_semaphore(%arg27 : memref<!tpu.dma_semaphore, #tpu.memory_space<semaphore_mem>>)
      %dma_start3A_858 = arith.constant 96 : i32
      %dma_start3A_859 = arith.constant 0 : i32
      %dma_start3A_860 = tpu.memref_slice %arg20[%dma_start3A_858, %dma_start3A_859] : memref<192x128xf32, #tpu.memory_space<vmem>> -> memref<32x128xf32, #tpu.memory_space<vmem>>
      %dma_start3A_861 = arith.constant 0 : i32
      %dma_start3A_862 = tpu.memref_slice %arg9[%dma_start3A_861, %mul3A_827] : memref<32x1000000xf32, #tpu.memory_space<hbm>> -> memref<32x128xf32, #tpu.memory_space<hbm>>
      %dma_start3A_863 = arith.constant 96 : i32
      %dma_start3A_864 = arith.constant 0 : i32
      %dma_start3A_865 = tpu.memref_slice %arg20[%dma_start3A_863, %dma_start3A_864] : memref<192x128xf32, #tpu.memory_space<vmem>> -> memref<32x128xf32, #tpu.memory_space<vmem>>
      %dma_start3A_866 = arith.constant 0 : i32
      %dma_start3A_867 = tpu.memref_slice %arg9[%dma_start3A_866, %mul3A_827] : memref<32x1000000xf32, #tpu.memory_space<hbm>> -> memref<32x128xf32, #tpu.memory_space<hbm>>
      tpu.enqueue_dma source(%dma_start3A_867 : memref<32x128xf32, #tpu.memory_space<hbm>>) target(%dma_start3A_865 : memref<32x128xf32, #tpu.memory_space<vmem>>) target_semaphore(%arg27 : memref<!tpu.dma_semaphore, #tpu.memory_space<semaphore_mem>>)
      %dma_wait3A_868 = arith.constant 128 : i32
      %dma_wait3A_869 = arith.constant 0 : i32
      %dma_wait3A_870 = tpu.memref_slice %arg17[%dma_wait3A_868, %dma_wait3A_869] : memref<192x128xf32, #tpu.memory_space<vmem>> -> memref<32x128xf32, #tpu.memory_space<vmem>>
      %dma_wait3A_871 = arith.constant 0 : i32
      %dma_wait3A_872 = tpu.memref_slice %arg6[%dma_wait3A_871, %mul3A_210] : memref<32x1000000xf32, #tpu.memory_space<hbm>> -> memref<32x128xf32, #tpu.memory_space<hbm>>
      %dma_wait3A_873 = arith.constant 128 : i32
      %dma_wait3A_874 = arith.constant 0 : i32
      %dma_wait3A_875 = tpu.memref_slice %arg17[%dma_wait3A_873, %dma_wait3A_874] : memref<192x128xf32, #tpu.memory_space<vmem>> -> memref<32x128xf32, #tpu.memory_space<vmem>>
      %dma_wait3A_876 = arith.constant 0 : i32
      %dma_wait3A_877 = tpu.memref_slice %arg6[%dma_wait3A_876, %mul3A_210] : memref<32x1000000xf32, #tpu.memory_space<hbm>> -> memref<32x128xf32, #tpu.memory_space<hbm>>
      tpu.wait_dma2 semaphore(%arg28 : memref<!tpu.dma_semaphore, #tpu.memory_space<semaphore_mem>>) src(%dma_wait3A_877 : memref<32x128xf32, #tpu.memory_space<hbm>>) dst(%dma_wait3A_875 : memref<32x128xf32, #tpu.memory_space<vmem>>)
      %dma_wait3A_878 = arith.constant 128 : i32
      %dma_wait3A_879 = arith.constant 0 : i32
      %dma_wait3A_880 = tpu.memref_slice %arg18[%dma_wait3A_878, %dma_wait3A_879] : memref<192x128xf32, #tpu.memory_space<vmem>> -> memref<32x128xf32, #tpu.memory_space<vmem>>
      %dma_wait3A_881 = arith.constant 0 : i32
      %dma_wait3A_882 = tpu.memref_slice %arg7[%dma_wait3A_881, %mul3A_214] : memref<32x1000000xf32, #tpu.memory_space<hbm>> -> memref<32x128xf32, #tpu.memory_space<hbm>>
      %dma_wait3A_883 = arith.constant 128 : i32
      %dma_wait3A_884 = arith.constant 0 : i32
      %dma_wait3A_885 = tpu.memref_slice %arg18[%dma_wait3A_883, %dma_wait3A_884] : memref<192x128xf32, #tpu.memory_space<vmem>> -> memref<32x128xf32, #tpu.memory_space<vmem>>
      %dma_wait3A_886 = arith.constant 0 : i32
      %dma_wait3A_887 = tpu.memref_slice %arg7[%dma_wait3A_886, %mul3A_214] : memref<32x1000000xf32, #tpu.memory_space<hbm>> -> memref<32x128xf32, #tpu.memory_space<hbm>>
      tpu.wait_dma2 semaphore(%arg28 : memref<!tpu.dma_semaphore, #tpu.memory_space<semaphore_mem>>) src(%dma_wait3A_887 : memref<32x128xf32, #tpu.memory_space<hbm>>) dst(%dma_wait3A_885 : memref<32x128xf32, #tpu.memory_space<vmem>>)
      %dma_wait3A_888 = arith.constant 128 : i32
      %dma_wait3A_889 = arith.constant 0 : i32
      %dma_wait3A_890 = tpu.memref_slice %arg19[%dma_wait3A_888, %dma_wait3A_889] : memref<192x128xf32, #tpu.memory_space<vmem>> -> memref<32x128xf32, #tpu.memory_space<vmem>>
      %dma_wait3A_891 = arith.constant 0 : i32
      %dma_wait3A_892 = tpu.memref_slice %arg8[%dma_wait3A_891, %mul3A_210] : memref<32x1000000xf32, #tpu.memory_space<hbm>> -> memref<32x128xf32, #tpu.memory_space<hbm>>
      %dma_wait3A_893 = arith.constant 128 : i32
      %dma_wait3A_894 = arith.constant 0 : i32
      %dma_wait3A_895 = tpu.memref_slice %arg19[%dma_wait3A_893, %dma_wait3A_894] : memref<192x128xf32, #tpu.memory_space<vmem>> -> memref<32x128xf32, #tpu.memory_space<vmem>>
      %dma_wait3A_896 = arith.constant 0 : i32
      %dma_wait3A_897 = tpu.memref_slice %arg8[%dma_wait3A_896, %mul3A_210] : memref<32x1000000xf32, #tpu.memory_space<hbm>> -> memref<32x128xf32, #tpu.memory_space<hbm>>
      tpu.wait_dma2 semaphore(%arg28 : memref<!tpu.dma_semaphore, #tpu.memory_space<semaphore_mem>>) src(%dma_wait3A_897 : memref<32x128xf32, #tpu.memory_space<hbm>>) dst(%dma_wait3A_895 : memref<32x128xf32, #tpu.memory_space<vmem>>)
      %dma_wait3A_898 = arith.constant 128 : i32
      %dma_wait3A_899 = arith.constant 0 : i32
      %dma_wait3A_900 = tpu.memref_slice %arg20[%dma_wait3A_898, %dma_wait3A_899] : memref<192x128xf32, #tpu.memory_space<vmem>> -> memref<32x128xf32, #tpu.memory_space<vmem>>
      %dma_wait3A_901 = arith.constant 0 : i32
      %dma_wait3A_902 = tpu.memref_slice %arg9[%dma_wait3A_901, %mul3A_214] : memref<32x1000000xf32, #tpu.memory_space<hbm>> -> memref<32x128xf32, #tpu.memory_space<hbm>>
      %dma_wait3A_903 = arith.constant 128 : i32
      %dma_wait3A_904 = arith.constant 0 : i32
      %dma_wait3A_905 = tpu.memref_slice %arg20[%dma_wait3A_903, %dma_wait3A_904] : memref<192x128xf32, #tpu.memory_space<vmem>> -> memref<32x128xf32, #tpu.memory_space<vmem>>
      %dma_wait3A_906 = arith.constant 0 : i32
      %dma_wait3A_907 = tpu.memref_slice %arg9[%dma_wait3A_906, %mul3A_214] : memref<32x1000000xf32, #tpu.memory_space<hbm>> -> memref<32x128xf32, #tpu.memory_space<hbm>>
      tpu.wait_dma2 semaphore(%arg28 : memref<!tpu.dma_semaphore, #tpu.memory_space<semaphore_mem>>) src(%dma_wait3A_907 : memref<32x128xf32, #tpu.memory_space<hbm>>) dst(%dma_wait3A_905 : memref<32x128xf32, #tpu.memory_space<vmem>>)
      %mul3A_908 = arith.constant 0 : i32
      %mul3A_909 = vector.broadcast %mul3A_908 : i32 to vector<16xi32>
      %mul3A_910 = arith.muli %iota3A, %mul3A_909 : vector<16xi32>
      %slice3A_911 = vector.extract_strided_slice %get3A_15 {offsets = [4], sizes = [1], strides = [1]} : vector<16xi32> to vector<1xi32>
      %squeeze3A_912 = vector.extract %slice3A_911[0] : i32 from vector<1xi32>
      %add3A_913 = vector.broadcast %squeeze3A_912 : i32 to vector<16xi32>
      %add3A_914 = arith.addi %mul3A_910, %add3A_913 : vector<16xi32>
      %mul3A_915 = arith.constant 0 : i32
      %mul3A_916 = vector.broadcast %mul3A_915 : i32 to vector<16xi32>
      %mul3A_917 = arith.muli %iota3A, %mul3A_916 : vector<16xi32>
      %slice3A_918 = vector.extract_strided_slice %get3A_17 {offsets = [4], sizes = [1], strides = [1]} : vector<16xi32> to vector<1xi32>
      %squeeze3A_919 = vector.extract %slice3A_918[0] : i32 from vector<1xi32>
      %add3A_920 = vector.broadcast %squeeze3A_919 : i32 to vector<16xi32>
      %add3A_921 = arith.addi %mul3A_917, %add3A_920 : vector<16xi32>
      %add3A_922 = arith.constant 128 : i32
      %add3A_923 = vector.broadcast %add3A_922 : i32 to vector<16xi32>
      %add3A_924 = arith.addi %iota3A, %add3A_923 : vector<16xi32>
      %add3A_925 = arith.constant 16 : i32
      %add3A_926 = vector.broadcast %add3A_925 : i32 to vector<16xi32>
      %add3A_927 = arith.addi %add3A_924, %add3A_926 : vector<16xi32>
      %gather3A_928 = tpu.vector_load_idx %arg17[%add3A_924, %add3A_914] : memref<192x128xf32, #tpu.memory_space<vmem>>[vector<16xi32>, vector<16xi32>], vector<16xf32>,
      %gather3A_929 = tpu.vector_load_idx %arg17[%add3A_927, %add3A_914] : memref<192x128xf32, #tpu.memory_space<vmem>>[vector<16xi32>, vector<16xi32>], vector<16xf32>,
      %gather3A_930 = tpu.vector_load_idx %arg18[%add3A_924, %add3A_921] : memref<192x128xf32, #tpu.memory_space<vmem>>[vector<16xi32>, vector<16xi32>], vector<16xf32>,
      %gather3A_931 = tpu.vector_load_idx %arg18[%add3A_927, %add3A_921] : memref<192x128xf32, #tpu.memory_space<vmem>>[vector<16xi32>, vector<16xi32>], vector<16xf32>,
      %gather3A_932 = tpu.vector_load_idx %arg19[%add3A_924, %add3A_914] : memref<192x128xf32, #tpu.memory_space<vmem>>[vector<16xi32>, vector<16xi32>], vector<16xf32>,
      %gather3A_933 = tpu.vector_load_idx %arg19[%add3A_927, %add3A_914] : memref<192x128xf32, #tpu.memory_space<vmem>>[vector<16xi32>, vector<16xi32>], vector<16xf32>,
      %gather3A_934 = tpu.vector_load_idx %arg20[%add3A_924, %add3A_921] : memref<192x128xf32, #tpu.memory_space<vmem>>[vector<16xi32>, vector<16xi32>], vector<16xf32>,
      %gather3A_935 = tpu.vector_load_idx %arg20[%add3A_927, %add3A_921] : memref<192x128xf32, #tpu.memory_space<vmem>>[vector<16xi32>, vector<16xi32>], vector<16xf32>,
      %mul3A_936 = arith.mulf %gather3A_928, %gather3A_930 : vector<16xf32>
      %swap3A_937 = arith.constant 4 : i32
      %swap3A_938 = arith.index_cast %swap3A_937 : i32 to index
      %swap3A_939 = arith.constant 0 : index
      %swap3A_940 = tpu.vector_load %arg21[%swap3A_938, %swap3A_939] {strides = array<i32>} : memref<16x32xf32, #tpu.memory_space<vmem>>, vector<16xf32>,
      tpu.vector_store %arg21[%swap3A_938, %swap3A_939], %mul3A_936 {strides = array<i32>} : memref<16x32xf32, #tpu.memory_space<vmem>>, vector<16xf32>,
      %mul3A_941 = arith.mulf %gather3A_929, %gather3A_931 : vector<16xf32>
      %swap3A_942 = arith.constant 4 : i32
      %swap3A_943 = arith.index_cast %swap3A_942 : i32 to index
      %swap3A_944 = arith.constant 16 : index
      %swap3A_945 = tpu.vector_load %arg21[%swap3A_943, %swap3A_944] {strides = array<i32>} : memref<16x32xf32, #tpu.memory_space<vmem>>, vector<16xf32>,
      tpu.vector_store %arg21[%swap3A_943, %swap3A_944], %mul3A_941 {strides = array<i32>} : memref<16x32xf32, #tpu.memory_space<vmem>>, vector<16xf32>,
      %swap3A_946 = arith.constant 4 : i32
      %swap3A_947 = arith.index_cast %swap3A_946 : i32 to index
      %swap3A_948 = arith.constant 0 : index
      %swap3A_949 = tpu.vector_load %arg22[%swap3A_947, %swap3A_948] {strides = array<i32>} : memref<16x32xf32, #tpu.memory_space<vmem>>, vector<16xf32>,
      tpu.vector_store %arg22[%swap3A_947, %swap3A_948], %gather3A_932 {strides = array<i32>} : memref<16x32xf32, #tpu.memory_space<vmem>>, vector<16xf32>,
      %swap3A_950 = arith.constant 4 : i32
      %swap3A_951 = arith.index_cast %swap3A_950 : i32 to index
      %swap3A_952 = arith.constant 16 : index
      %swap3A_953 = tpu.vector_load %arg22[%swap3A_951, %swap3A_952] {strides = array<i32>} : memref<16x32xf32, #tpu.memory_space<vmem>>, vector<16xf32>,
      tpu.vector_store %arg22[%swap3A_951, %swap3A_952], %gather3A_933 {strides = array<i32>} : memref<16x32xf32, #tpu.memory_space<vmem>>, vector<16xf32>,
      %swap3A_954 = arith.constant 4 : i32
      %swap3A_955 = arith.index_cast %swap3A_954 : i32 to index
      %swap3A_956 = arith.constant 0 : index
      %swap3A_957 = tpu.vector_load %arg23[%swap3A_955, %swap3A_956] {strides = array<i32>} : memref<16x32xf32, #tpu.memory_space<vmem>>, vector<16xf32>,
      tpu.vector_store %arg23[%swap3A_955, %swap3A_956], %gather3A_934 {strides = array<i32>} : memref<16x32xf32, #tpu.memory_space<vmem>>, vector<16xf32>,
      %swap3A_958 = arith.constant 4 : i32
      %swap3A_959 = arith.index_cast %swap3A_958 : i32 to index
      %swap3A_960 = arith.constant 16 : index
      %swap3A_961 = tpu.vector_load %arg23[%swap3A_959, %swap3A_960] {strides = array<i32>} : memref<16x32xf32, #tpu.memory_space<vmem>>, vector<16xf32>,
      tpu.vector_store %arg23[%swap3A_959, %swap3A_960], %gather3A_935 {strides = array<i32>} : memref<16x32xf32, #tpu.memory_space<vmem>>, vector<16xf32>,
      %slice3A_962 = vector.extract_strided_slice %get3A_11 {offsets = [10], sizes = [1], strides = [1]} : vector<16xi32> to vector<1xi32>
      %squeeze3A_963 = vector.extract %slice3A_962[0] : i32 from vector<1xi32>
      %mul3A_964 = arith.constant 128 : i32
      %mul3A_965 = arith.muli %squeeze3A_963, %mul3A_964 : i32
      %slice3A_966 = vector.extract_strided_slice %get3A_13 {offsets = [10], sizes = [1], strides = [1]} : vector<16xi32> to vector<1xi32>
      %squeeze3A_967 = vector.extract %slice3A_966[0] : i32 from vector<1xi32>
      %mul3A_968 = arith.constant 128 : i32
      %mul3A_969 = arith.muli %squeeze3A_967, %mul3A_968 : i32
      %dma_start3A_970 = arith.constant 128 : i32
      %dma_start3A_971 = arith.constant 0 : i32
      %dma_start3A_972 = tpu.memref_slice %arg17[%dma_start3A_970, %dma_start3A_971] : memref<192x128xf32, #tpu.memory_space<vmem>> -> memref<32x128xf32, #tpu.memory_space<vmem>>
      %dma_start3A_973 = arith.constant 0 : i32
      %dma_start3A_974 = tpu.memref_slice %arg6[%dma_start3A_973, %mul3A_965] : memref<32x1000000xf32, #tpu.memory_space<hbm>> -> memref<32x128xf32, #tpu.memory_space<hbm>>
      %dma_start3A_975 = arith.constant 128 : i32
      %dma_start3A_976 = arith.constant 0 : i32
      %dma_start3A_977 = tpu.memref_slice %arg17[%dma_start3A_975, %dma_start3A_976] : memref<192x128xf32, #tpu.memory_space<vmem>> -> memref<32x128xf32, #tpu.memory_space<vmem>>
      %dma_start3A_978 = arith.constant 0 : i32
      %dma_start3A_979 = tpu.memref_slice %arg6[%dma_start3A_978, %mul3A_965] : memref<32x1000000xf32, #tpu.memory_space<hbm>> -> memref<32x128xf32, #tpu.memory_space<hbm>>
      tpu.enqueue_dma source(%dma_start3A_979 : memref<32x128xf32, #tpu.memory_space<hbm>>) target(%dma_start3A_977 : memref<32x128xf32, #tpu.memory_space<vmem>>) target_semaphore(%arg28 : memref<!tpu.dma_semaphore, #tpu.memory_space<semaphore_mem>>)
      %dma_start3A_980 = arith.constant 128 : i32
      %dma_start3A_981 = arith.constant 0 : i32
      %dma_start3A_982 = tpu.memref_slice %arg18[%dma_start3A_980, %dma_start3A_981] : memref<192x128xf32, #tpu.memory_space<vmem>> -> memref<32x128xf32, #tpu.memory_space<vmem>>
      %dma_start3A_983 = arith.constant 0 : i32
      %dma_start3A_984 = tpu.memref_slice %arg7[%dma_start3A_983, %mul3A_969] : memref<32x1000000xf32, #tpu.memory_space<hbm>> -> memref<32x128xf32, #tpu.memory_space<hbm>>
      %dma_start3A_985 = arith.constant 128 : i32
      %dma_start3A_986 = arith.constant 0 : i32
      %dma_start3A_987 = tpu.memref_slice %arg18[%dma_start3A_985, %dma_start3A_986] : memref<192x128xf32, #tpu.memory_space<vmem>> -> memref<32x128xf32, #tpu.memory_space<vmem>>
      %dma_start3A_988 = arith.constant 0 : i32
      %dma_start3A_989 = tpu.memref_slice %arg7[%dma_start3A_988, %mul3A_969] : memref<32x1000000xf32, #tpu.memory_space<hbm>> -> memref<32x128xf32, #tpu.memory_space<hbm>>
      tpu.enqueue_dma source(%dma_start3A_989 : memref<32x128xf32, #tpu.memory_space<hbm>>) target(%dma_start3A_987 : memref<32x128xf32, #tpu.memory_space<vmem>>) target_semaphore(%arg28 : memref<!tpu.dma_semaphore, #tpu.memory_space<semaphore_mem>>)
      %dma_start3A_990 = arith.constant 128 : i32
      %dma_start3A_991 = arith.constant 0 : i32
      %dma_start3A_992 = tpu.memref_slice %arg19[%dma_start3A_990, %dma_start3A_991] : memref<192x128xf32, #tpu.memory_space<vmem>> -> memref<32x128xf32, #tpu.memory_space<vmem>>
      %dma_start3A_993 = arith.constant 0 : i32
      %dma_start3A_994 = tpu.memref_slice %arg8[%dma_start3A_993, %mul3A_965] : memref<32x1000000xf32, #tpu.memory_space<hbm>> -> memref<32x128xf32, #tpu.memory_space<hbm>>
      %dma_start3A_995 = arith.constant 128 : i32
      %dma_start3A_996 = arith.constant 0 : i32
      %dma_start3A_997 = tpu.memref_slice %arg19[%dma_start3A_995, %dma_start3A_996] : memref<192x128xf32, #tpu.memory_space<vmem>> -> memref<32x128xf32, #tpu.memory_space<vmem>>
      %dma_start3A_998 = arith.constant 0 : i32
      %dma_start3A_999 = tpu.memref_slice %arg8[%dma_start3A_998, %mul3A_965] : memref<32x1000000xf32, #tpu.memory_space<hbm>> -> memref<32x128xf32, #tpu.memory_space<hbm>>
      tpu.enqueue_dma source(%dma_start3A_999 : memref<32x128xf32, #tpu.memory_space<hbm>>) target(%dma_start3A_997 : memref<32x128xf32, #tpu.memory_space<vmem>>) target_semaphore(%arg28 : memref<!tpu.dma_semaphore, #tpu.memory_space<semaphore_mem>>)
      %dma_start3A_1000 = arith.constant 128 : i32
      %dma_start3A_1001 = arith.constant 0 : i32
      %dma_start3A_1002 = tpu.memref_slice %arg20[%dma_start3A_1000, %dma_start3A_1001] : memref<192x128xf32, #tpu.memory_space<vmem>> -> memref<32x128xf32, #tpu.memory_space<vmem>>
      %dma_start3A_1003 = arith.constant 0 : i32
      %dma_start3A_1004 = tpu.memref_slice %arg9[%dma_start3A_1003, %mul3A_969] : memref<32x1000000xf32, #tpu.memory_space<hbm>> -> memref<32x128xf32, #tpu.memory_space<hbm>>
      %dma_start3A_1005 = arith.constant 128 : i32
      %dma_start3A_1006 = arith.constant 0 : i32
      %dma_start3A_1007 = tpu.memref_slice %arg20[%dma_start3A_1005, %dma_start3A_1006] : memref<192x128xf32, #tpu.memory_space<vmem>> -> memref<32x128xf32, #tpu.memory_space<vmem>>
      %dma_start3A_1008 = arith.constant 0 : i32
      %dma_start3A_1009 = tpu.memref_slice %arg9[%dma_start3A_1008, %mul3A_969] : memref<32x1000000xf32, #tpu.memory_space<hbm>> -> memref<32x128xf32, #tpu.memory_space<hbm>>
      tpu.enqueue_dma source(%dma_start3A_1009 : memref<32x128xf32, #tpu.memory_space<hbm>>) target(%dma_start3A_1007 : memref<32x128xf32, #tpu.memory_space<vmem>>) target_semaphore(%arg28 : memref<!tpu.dma_semaphore, #tpu.memory_space<semaphore_mem>>)
      %dma_wait3A_1010 = arith.constant 160 : i32
      %dma_wait3A_1011 = arith.constant 0 : i32
      %dma_wait3A_1012 = tpu.memref_slice %arg17[%dma_wait3A_1010, %dma_wait3A_1011] : memref<192x128xf32, #tpu.memory_space<vmem>> -> memref<32x128xf32, #tpu.memory_space<vmem>>
      %dma_wait3A_1013 = arith.constant 0 : i32
      %dma_wait3A_1014 = tpu.memref_slice %arg6[%dma_wait3A_1013, %mul3A_258] : memref<32x1000000xf32, #tpu.memory_space<hbm>> -> memref<32x128xf32, #tpu.memory_space<hbm>>
      %dma_wait3A_1015 = arith.constant 160 : i32
      %dma_wait3A_1016 = arith.constant 0 : i32
      %dma_wait3A_1017 = tpu.memref_slice %arg17[%dma_wait3A_1015, %dma_wait3A_1016] : memref<192x128xf32, #tpu.memory_space<vmem>> -> memref<32x128xf32, #tpu.memory_space<vmem>>
      %dma_wait3A_1018 = arith.constant 0 : i32
      %dma_wait3A_1019 = tpu.memref_slice %arg6[%dma_wait3A_1018, %mul3A_258] : memref<32x1000000xf32, #tpu.memory_space<hbm>> -> memref<32x128xf32, #tpu.memory_space<hbm>>
      tpu.wait_dma2 semaphore(%arg29 : memref<!tpu.dma_semaphore, #tpu.memory_space<semaphore_mem>>) src(%dma_wait3A_1019 : memref<32x128xf32, #tpu.memory_space<hbm>>) dst(%dma_wait3A_1017 : memref<32x128xf32, #tpu.memory_space<vmem>>)
      %dma_wait3A_1020 = arith.constant 160 : i32
      %dma_wait3A_1021 = arith.constant 0 : i32
      %dma_wait3A_1022 = tpu.memref_slice %arg18[%dma_wait3A_1020, %dma_wait3A_1021] : memref<192x128xf32, #tpu.memory_space<vmem>> -> memref<32x128xf32, #tpu.memory_space<vmem>>
      %dma_wait3A_1023 = arith.constant 0 : i32
      %dma_wait3A_1024 = tpu.memref_slice %arg7[%dma_wait3A_1023, %mul3A_262] : memref<32x1000000xf32, #tpu.memory_space<hbm>> -> memref<32x128xf32, #tpu.memory_space<hbm>>
      %dma_wait3A_1025 = arith.constant 160 : i32
      %dma_wait3A_1026 = arith.constant 0 : i32
      %dma_wait3A_1027 = tpu.memref_slice %arg18[%dma_wait3A_1025, %dma_wait3A_1026] : memref<192x128xf32, #tpu.memory_space<vmem>> -> memref<32x128xf32, #tpu.memory_space<vmem>>
      %dma_wait3A_1028 = arith.constant 0 : i32
      %dma_wait3A_1029 = tpu.memref_slice %arg7[%dma_wait3A_1028, %mul3A_262] : memref<32x1000000xf32, #tpu.memory_space<hbm>> -> memref<32x128xf32, #tpu.memory_space<hbm>>
      tpu.wait_dma2 semaphore(%arg29 : memref<!tpu.dma_semaphore, #tpu.memory_space<semaphore_mem>>) src(%dma_wait3A_1029 : memref<32x128xf32, #tpu.memory_space<hbm>>) dst(%dma_wait3A_1027 : memref<32x128xf32, #tpu.memory_space<vmem>>)
      %dma_wait3A_1030 = arith.constant 160 : i32
      %dma_wait3A_1031 = arith.constant 0 : i32
      %dma_wait3A_1032 = tpu.memref_slice %arg19[%dma_wait3A_1030, %dma_wait3A_1031] : memref<192x128xf32, #tpu.memory_space<vmem>> -> memref<32x128xf32, #tpu.memory_space<vmem>>
      %dma_wait3A_1033 = arith.constant 0 : i32
      %dma_wait3A_1034 = tpu.memref_slice %arg8[%dma_wait3A_1033, %mul3A_258] : memref<32x1000000xf32, #tpu.memory_space<hbm>> -> memref<32x128xf32, #tpu.memory_space<hbm>>
      %dma_wait3A_1035 = arith.constant 160 : i32
      %dma_wait3A_1036 = arith.constant 0 : i32
      %dma_wait3A_1037 = tpu.memref_slice %arg19[%dma_wait3A_1035, %dma_wait3A_1036] : memref<192x128xf32, #tpu.memory_space<vmem>> -> memref<32x128xf32, #tpu.memory_space<vmem>>
      %dma_wait3A_1038 = arith.constant 0 : i32
      %dma_wait3A_1039 = tpu.memref_slice %arg8[%dma_wait3A_1038, %mul3A_258] : memref<32x1000000xf32, #tpu.memory_space<hbm>> -> memref<32x128xf32, #tpu.memory_space<hbm>>
      tpu.wait_dma2 semaphore(%arg29 : memref<!tpu.dma_semaphore, #tpu.memory_space<semaphore_mem>>) src(%dma_wait3A_1039 : memref<32x128xf32, #tpu.memory_space<hbm>>) dst(%dma_wait3A_1037 : memref<32x128xf32, #tpu.memory_space<vmem>>)
      %dma_wait3A_1040 = arith.constant 160 : i32
      %dma_wait3A_1041 = arith.constant 0 : i32
      %dma_wait3A_1042 = tpu.memref_slice %arg20[%dma_wait3A_1040, %dma_wait3A_1041] : memref<192x128xf32, #tpu.memory_space<vmem>> -> memref<32x128xf32, #tpu.memory_space<vmem>>
      %dma_wait3A_1043 = arith.constant 0 : i32
      %dma_wait3A_1044 = tpu.memref_slice %arg9[%dma_wait3A_1043, %mul3A_262] : memref<32x1000000xf32, #tpu.memory_space<hbm>> -> memref<32x128xf32, #tpu.memory_space<hbm>>
      %dma_wait3A_1045 = arith.constant 160 : i32
      %dma_wait3A_1046 = arith.constant 0 : i32
      %dma_wait3A_1047 = tpu.memref_slice %arg20[%dma_wait3A_1045, %dma_wait3A_1046] : memref<192x128xf32, #tpu.memory_space<vmem>> -> memref<32x128xf32, #tpu.memory_space<vmem>>
      %dma_wait3A_1048 = arith.constant 0 : i32
      %dma_wait3A_1049 = tpu.memref_slice %arg9[%dma_wait3A_1048, %mul3A_262] : memref<32x1000000xf32, #tpu.memory_space<hbm>> -> memref<32x128xf32, #tpu.memory_space<hbm>>
      tpu.wait_dma2 semaphore(%arg29 : memref<!tpu.dma_semaphore, #tpu.memory_space<semaphore_mem>>) src(%dma_wait3A_1049 : memref<32x128xf32, #tpu.memory_space<hbm>>) dst(%dma_wait3A_1047 : memref<32x128xf32, #tpu.memory_space<vmem>>)
      %mul3A_1050 = arith.constant 0 : i32
      %mul3A_1051 = vector.broadcast %mul3A_1050 : i32 to vector<16xi32>
      %mul3A_1052 = arith.muli %iota3A, %mul3A_1051 : vector<16xi32>
      %slice3A_1053 = vector.extract_strided_slice %get3A_15 {offsets = [5], sizes = [1], strides = [1]} : vector<16xi32> to vector<1xi32>
      %squeeze3A_1054 = vector.extract %slice3A_1053[0] : i32 from vector<1xi32>
      %add3A_1055 = vector.broadcast %squeeze3A_1054 : i32 to vector<16xi32>
      %add3A_1056 = arith.addi %mul3A_1052, %add3A_1055 : vector<16xi32>
      %mul3A_1057 = arith.constant 0 : i32
      %mul3A_1058 = vector.broadcast %mul3A_1057 : i32 to vector<16xi32>
      %mul3A_1059 = arith.muli %iota3A, %mul3A_1058 : vector<16xi32>
      %slice3A_1060 = vector.extract_strided_slice %get3A_17 {offsets = [5], sizes = [1], strides = [1]} : vector<16xi32> to vector<1xi32>
      %squeeze3A_1061 = vector.extract %slice3A_1060[0] : i32 from vector<1xi32>
      %add3A_1062 = vector.broadcast %squeeze3A_1061 : i32 to vector<16xi32>
      %add3A_1063 = arith.addi %mul3A_1059, %add3A_1062 : vector<16xi32>
      %add3A_1064 = arith.constant 160 : i32
      %add3A_1065 = vector.broadcast %add3A_1064 : i32 to vector<16xi32>
      %add3A_1066 = arith.addi %iota3A, %add3A_1065 : vector<16xi32>
      %add3A_1067 = arith.constant 16 : i32
      %add3A_1068 = vector.broadcast %add3A_1067 : i32 to vector<16xi32>
      %add3A_1069 = arith.addi %add3A_1066, %add3A_1068 : vector<16xi32>
      %gather3A_1070 = tpu.vector_load_idx %arg17[%add3A_1066, %add3A_1056] : memref<192x128xf32, #tpu.memory_space<vmem>>[vector<16xi32>, vector<16xi32>], vector<16xf32>,
      %gather3A_1071 = tpu.vector_load_idx %arg17[%add3A_1069, %add3A_1056] : memref<192x128xf32, #tpu.memory_space<vmem>>[vector<16xi32>, vector<16xi32>], vector<16xf32>,
      %gather3A_1072 = tpu.vector_load_idx %arg18[%add3A_1066, %add3A_1063] : memref<192x128xf32, #tpu.memory_space<vmem>>[vector<16xi32>, vector<16xi32>], vector<16xf32>,
      %gather3A_1073 = tpu.vector_load_idx %arg18[%add3A_1069, %add3A_1063] : memref<192x128xf32, #tpu.memory_space<vmem>>[vector<16xi32>, vector<16xi32>], vector<16xf32>,
      %gather3A_1074 = tpu.vector_load_idx %arg19[%add3A_1066, %add3A_1056] : memref<192x128xf32, #tpu.memory_space<vmem>>[vector<16xi32>, vector<16xi32>], vector<16xf32>,
      %gather3A_1075 = tpu.vector_load_idx %arg19[%add3A_1069, %add3A_1056] : memref<192x128xf32, #tpu.memory_space<vmem>>[vector<16xi32>, vector<16xi32>], vector<16xf32>,
      %gather3A_1076 = tpu.vector_load_idx %arg20[%add3A_1066, %add3A_1063] : memref<192x128xf32, #tpu.memory_space<vmem>>[vector<16xi32>, vector<16xi32>], vector<16xf32>,
      %gather3A_1077 = tpu.vector_load_idx %arg20[%add3A_1069, %add3A_1063] : memref<192x128xf32, #tpu.memory_space<vmem>>[vector<16xi32>, vector<16xi32>], vector<16xf32>,
      %mul3A_1078 = arith.mulf %gather3A_1070, %gather3A_1072 : vector<16xf32>
      %swap3A_1079 = arith.constant 5 : i32
      %swap3A_1080 = arith.index_cast %swap3A_1079 : i32 to index
      %swap3A_1081 = arith.constant 0 : index
      %swap3A_1082 = tpu.vector_load %arg21[%swap3A_1080, %swap3A_1081] {strides = array<i32>} : memref<16x32xf32, #tpu.memory_space<vmem>>, vector<16xf32>,
      tpu.vector_store %arg21[%swap3A_1080, %swap3A_1081], %mul3A_1078 {strides = array<i32>} : memref<16x32xf32, #tpu.memory_space<vmem>>, vector<16xf32>,
      %mul3A_1083 = arith.mulf %gather3A_1071, %gather3A_1073 : vector<16xf32>
      %swap3A_1084 = arith.constant 5 : i32
      %swap3A_1085 = arith.index_cast %swap3A_1084 : i32 to index
      %swap3A_1086 = arith.constant 16 : index
      %swap3A_1087 = tpu.vector_load %arg21[%swap3A_1085, %swap3A_1086] {strides = array<i32>} : memref<16x32xf32, #tpu.memory_space<vmem>>, vector<16xf32>,
      tpu.vector_store %arg21[%swap3A_1085, %swap3A_1086], %mul3A_1083 {strides = array<i32>} : memref<16x32xf32, #tpu.memory_space<vmem>>, vector<16xf32>,
      %swap3A_1088 = arith.constant 5 : i32
      %swap3A_1089 = arith.index_cast %swap3A_1088 : i32 to index
      %swap3A_1090 = arith.constant 0 : index
      %swap3A_1091 = tpu.vector_load %arg22[%swap3A_1089, %swap3A_1090] {strides = array<i32>} : memref<16x32xf32, #tpu.memory_space<vmem>>, vector<16xf32>,
      tpu.vector_store %arg22[%swap3A_1089, %swap3A_1090], %gather3A_1074 {strides = array<i32>} : memref<16x32xf32, #tpu.memory_space<vmem>>, vector<16xf32>,
      %swap3A_1092 = arith.constant 5 : i32
      %swap3A_1093 = arith.index_cast %swap3A_1092 : i32 to index
      %swap3A_1094 = arith.constant 16 : index
      %swap3A_1095 = tpu.vector_load %arg22[%swap3A_1093, %swap3A_1094] {strides = array<i32>} : memref<16x32xf32, #tpu.memory_space<vmem>>, vector<16xf32>,
      tpu.vector_store %arg22[%swap3A_1093, %swap3A_1094], %gather3A_1075 {strides = array<i32>} : memref<16x32xf32, #tpu.memory_space<vmem>>, vector<16xf32>,
      %swap3A_1096 = arith.constant 5 : i32
      %swap3A_1097 = arith.index_cast %swap3A_1096 : i32 to index
      %swap3A_1098 = arith.constant 0 : index
      %swap3A_1099 = tpu.vector_load %arg23[%swap3A_1097, %swap3A_1098] {strides = array<i32>} : memref<16x32xf32, #tpu.memory_space<vmem>>, vector<16xf32>,
      tpu.vector_store %arg23[%swap3A_1097, %swap3A_1098], %gather3A_1076 {strides = array<i32>} : memref<16x32xf32, #tpu.memory_space<vmem>>, vector<16xf32>,
      %swap3A_1100 = arith.constant 5 : i32
      %swap3A_1101 = arith.index_cast %swap3A_1100 : i32 to index
      %swap3A_1102 = arith.constant 16 : index
      %swap3A_1103 = tpu.vector_load %arg23[%swap3A_1101, %swap3A_1102] {strides = array<i32>} : memref<16x32xf32, #tpu.memory_space<vmem>>, vector<16xf32>,
      tpu.vector_store %arg23[%swap3A_1101, %swap3A_1102], %gather3A_1077 {strides = array<i32>} : memref<16x32xf32, #tpu.memory_space<vmem>>, vector<16xf32>,
      %slice3A_1104 = vector.extract_strided_slice %get3A_11 {offsets = [11], sizes = [1], strides = [1]} : vector<16xi32> to vector<1xi32>
      %squeeze3A_1105 = vector.extract %slice3A_1104[0] : i32 from vector<1xi32>
      %mul3A_1106 = arith.constant 128 : i32
      %mul3A_1107 = arith.muli %squeeze3A_1105, %mul3A_1106 : i32
      %slice3A_1108 = vector.extract_strided_slice %get3A_13 {offsets = [11], sizes = [1], strides = [1]} : vector<16xi32> to vector<1xi32>
      %squeeze3A_1109 = vector.extract %slice3A_1108[0] : i32 from vector<1xi32>
      %mul3A_1110 = arith.constant 128 : i32
      %mul3A_1111 = arith.muli %squeeze3A_1109, %mul3A_1110 : i32
      %dma_start3A_1112 = arith.constant 160 : i32
      %dma_start3A_1113 = arith.constant 0 : i32
      %dma_start3A_1114 = tpu.memref_slice %arg17[%dma_start3A_1112, %dma_start3A_1113] : memref<192x128xf32, #tpu.memory_space<vmem>> -> memref<32x128xf32, #tpu.memory_space<vmem>>
      %dma_start3A_1115 = arith.constant 0 : i32
      %dma_start3A_1116 = tpu.memref_slice %arg6[%dma_start3A_1115, %mul3A_1107] : memref<32x1000000xf32, #tpu.memory_space<hbm>> -> memref<32x128xf32, #tpu.memory_space<hbm>>
      %dma_start3A_1117 = arith.constant 160 : i32
      %dma_start3A_1118 = arith.constant 0 : i32
      %dma_start3A_1119 = tpu.memref_slice %arg17[%dma_start3A_1117, %dma_start3A_1118] : memref<192x128xf32, #tpu.memory_space<vmem>> -> memref<32x128xf32, #tpu.memory_space<vmem>>
      %dma_start3A_1120 = arith.constant 0 : i32
      %dma_start3A_1121 = tpu.memref_slice %arg6[%dma_start3A_1120, %mul3A_1107] : memref<32x1000000xf32, #tpu.memory_space<hbm>> -> memref<32x128xf32, #tpu.memory_space<hbm>>
      tpu.enqueue_dma source(%dma_start3A_1121 : memref<32x128xf32, #tpu.memory_space<hbm>>) target(%dma_start3A_1119 : memref<32x128xf32, #tpu.memory_space<vmem>>) target_semaphore(%arg29 : memref<!tpu.dma_semaphore, #tpu.memory_space<semaphore_mem>>)
      %dma_start3A_1122 = arith.constant 160 : i32
      %dma_start3A_1123 = arith.constant 0 : i32
      %dma_start3A_1124 = tpu.memref_slice %arg18[%dma_start3A_1122, %dma_start3A_1123] : memref<192x128xf32, #tpu.memory_space<vmem>> -> memref<32x128xf32, #tpu.memory_space<vmem>>
      %dma_start3A_1125 = arith.constant 0 : i32
      %dma_start3A_1126 = tpu.memref_slice %arg7[%dma_start3A_1125, %mul3A_1111] : memref<32x1000000xf32, #tpu.memory_space<hbm>> -> memref<32x128xf32, #tpu.memory_space<hbm>>
      %dma_start3A_1127 = arith.constant 160 : i32
      %dma_start3A_1128 = arith.constant 0 : i32
      %dma_start3A_1129 = tpu.memref_slice %arg18[%dma_start3A_1127, %dma_start3A_1128] : memref<192x128xf32, #tpu.memory_space<vmem>> -> memref<32x128xf32, #tpu.memory_space<vmem>>
      %dma_start3A_1130 = arith.constant 0 : i32
      %dma_start3A_1131 = tpu.memref_slice %arg7[%dma_start3A_1130, %mul3A_1111] : memref<32x1000000xf32, #tpu.memory_space<hbm>> -> memref<32x128xf32, #tpu.memory_space<hbm>>
      tpu.enqueue_dma source(%dma_start3A_1131 : memref<32x128xf32, #tpu.memory_space<hbm>>) target(%dma_start3A_1129 : memref<32x128xf32, #tpu.memory_space<vmem>>) target_semaphore(%arg29 : memref<!tpu.dma_semaphore, #tpu.memory_space<semaphore_mem>>)
      %dma_start3A_1132 = arith.constant 160 : i32
      %dma_start3A_1133 = arith.constant 0 : i32
      %dma_start3A_1134 = tpu.memref_slice %arg19[%dma_start3A_1132, %dma_start3A_1133] : memref<192x128xf32, #tpu.memory_space<vmem>> -> memref<32x128xf32, #tpu.memory_space<vmem>>
      %dma_start3A_1135 = arith.constant 0 : i32
      %dma_start3A_1136 = tpu.memref_slice %arg8[%dma_start3A_1135, %mul3A_1107] : memref<32x1000000xf32, #tpu.memory_space<hbm>> -> memref<32x128xf32, #tpu.memory_space<hbm>>
      %dma_start3A_1137 = arith.constant 160 : i32
      %dma_start3A_1138 = arith.constant 0 : i32
      %dma_start3A_1139 = tpu.memref_slice %arg19[%dma_start3A_1137, %dma_start3A_1138] : memref<192x128xf32, #tpu.memory_space<vmem>> -> memref<32x128xf32, #tpu.memory_space<vmem>>
      %dma_start3A_1140 = arith.constant 0 : i32
      %dma_start3A_1141 = tpu.memref_slice %arg8[%dma_start3A_1140, %mul3A_1107] : memref<32x1000000xf32, #tpu.memory_space<hbm>> -> memref<32x128xf32, #tpu.memory_space<hbm>>
      tpu.enqueue_dma source(%dma_start3A_1141 : memref<32x128xf32, #tpu.memory_space<hbm>>) target(%dma_start3A_1139 : memref<32x128xf32, #tpu.memory_space<vmem>>) target_semaphore(%arg29 : memref<!tpu.dma_semaphore, #tpu.memory_space<semaphore_mem>>)
      %dma_start3A_1142 = arith.constant 160 : i32
      %dma_start3A_1143 = arith.constant 0 : i32
      %dma_start3A_1144 = tpu.memref_slice %arg20[%dma_start3A_1142, %dma_start3A_1143] : memref<192x128xf32, #tpu.memory_space<vmem>> -> memref<32x128xf32, #tpu.memory_space<vmem>>
      %dma_start3A_1145 = arith.constant 0 : i32
      %dma_start3A_1146 = tpu.memref_slice %arg9[%dma_start3A_1145, %mul3A_1111] : memref<32x1000000xf32, #tpu.memory_space<hbm>> -> memref<32x128xf32, #tpu.memory_space<hbm>>
      %dma_start3A_1147 = arith.constant 160 : i32
      %dma_start3A_1148 = arith.constant 0 : i32
      %dma_start3A_1149 = tpu.memref_slice %arg20[%dma_start3A_1147, %dma_start3A_1148] : memref<192x128xf32, #tpu.memory_space<vmem>> -> memref<32x128xf32, #tpu.memory_space<vmem>>
      %dma_start3A_1150 = arith.constant 0 : i32
      %dma_start3A_1151 = tpu.memref_slice %arg9[%dma_start3A_1150, %mul3A_1111] : memref<32x1000000xf32, #tpu.memory_space<hbm>> -> memref<32x128xf32, #tpu.memory_space<hbm>>
      tpu.enqueue_dma source(%dma_start3A_1151 : memref<32x128xf32, #tpu.memory_space<hbm>>) target(%dma_start3A_1149 : memref<32x128xf32, #tpu.memory_space<vmem>>) target_semaphore(%arg29 : memref<!tpu.dma_semaphore, #tpu.memory_space<semaphore_mem>>)
      %dma_wait3A_1152 = arith.constant 0 : i32
      %dma_wait3A_1153 = arith.constant 0 : i32
      %dma_wait3A_1154 = tpu.memref_slice %arg17[%dma_wait3A_1152, %dma_wait3A_1153] : memref<192x128xf32, #tpu.memory_space<vmem>> -> memref<32x128xf32, #tpu.memory_space<vmem>>
      %dma_wait3A_1155 = arith.constant 0 : i32
      %dma_wait3A_1156 = tpu.memref_slice %arg6[%dma_wait3A_1155, %mul3A_397] : memref<32x1000000xf32, #tpu.memory_space<hbm>> -> memref<32x128xf32, #tpu.memory_space<hbm>>
      %dma_wait3A_1157 = arith.constant 0 : i32
      %dma_wait3A_1158 = arith.constant 0 : i32
      %dma_wait3A_1159 = tpu.memref_slice %arg17[%dma_wait3A_1157, %dma_wait3A_1158] : memref<192x128xf32, #tpu.memory_space<vmem>> -> memref<32x128xf32, #tpu.memory_space<vmem>>
      %dma_wait3A_1160 = arith.constant 0 : i32
      %dma_wait3A_1161 = tpu.memref_slice %arg6[%dma_wait3A_1160, %mul3A_397] : memref<32x1000000xf32, #tpu.memory_space<hbm>> -> memref<32x128xf32, #tpu.memory_space<hbm>>
      tpu.wait_dma2 semaphore(%arg24 : memref<!tpu.dma_semaphore, #tpu.memory_space<semaphore_mem>>) src(%dma_wait3A_1161 : memref<32x128xf32, #tpu.memory_space<hbm>>) dst(%dma_wait3A_1159 : memref<32x128xf32, #tpu.memory_space<vmem>>)
      %dma_wait3A_1162 = arith.constant 0 : i32
      %dma_wait3A_1163 = arith.constant 0 : i32
      %dma_wait3A_1164 = tpu.memref_slice %arg18[%dma_wait3A_1162, %dma_wait3A_1163] : memref<192x128xf32, #tpu.memory_space<vmem>> -> memref<32x128xf32, #tpu.memory_space<vmem>>
      %dma_wait3A_1165 = arith.constant 0 : i32
      %dma_wait3A_1166 = tpu.memref_slice %arg7[%dma_wait3A_1165, %mul3A_401] : memref<32x1000000xf32, #tpu.memory_space<hbm>> -> memref<32x128xf32, #tpu.memory_space<hbm>>
      %dma_wait3A_1167 = arith.constant 0 : i32
      %dma_wait3A_1168 = arith.constant 0 : i32
      %dma_wait3A_1169 = tpu.memref_slice %arg18[%dma_wait3A_1167, %dma_wait3A_1168] : memref<192x128xf32, #tpu.memory_space<vmem>> -> memref<32x128xf32, #tpu.memory_space<vmem>>
      %dma_wait3A_1170 = arith.constant 0 : i32
      %dma_wait3A_1171 = tpu.memref_slice %arg7[%dma_wait3A_1170, %mul3A_401] : memref<32x1000000xf32, #tpu.memory_space<hbm>> -> memref<32x128xf32, #tpu.memory_space<hbm>>
      tpu.wait_dma2 semaphore(%arg24 : memref<!tpu.dma_semaphore, #tpu.memory_space<semaphore_mem>>) src(%dma_wait3A_1171 : memref<32x128xf32, #tpu.memory_space<hbm>>) dst(%dma_wait3A_1169 : memref<32x128xf32, #tpu.memory_space<vmem>>)
      %dma_wait3A_1172 = arith.constant 0 : i32
      %dma_wait3A_1173 = arith.constant 0 : i32
      %dma_wait3A_1174 = tpu.memref_slice %arg19[%dma_wait3A_1172, %dma_wait3A_1173] : memref<192x128xf32, #tpu.memory_space<vmem>> -> memref<32x128xf32, #tpu.memory_space<vmem>>
      %dma_wait3A_1175 = arith.constant 0 : i32
      %dma_wait3A_1176 = tpu.memref_slice %arg8[%dma_wait3A_1175, %mul3A_397] : memref<32x1000000xf32, #tpu.memory_space<hbm>> -> memref<32x128xf32, #tpu.memory_space<hbm>>
      %dma_wait3A_1177 = arith.constant 0 : i32
      %dma_wait3A_1178 = arith.constant 0 : i32
      %dma_wait3A_1179 = tpu.memref_slice %arg19[%dma_wait3A_1177, %dma_wait3A_1178] : memref<192x128xf32, #tpu.memory_space<vmem>> -> memref<32x128xf32, #tpu.memory_space<vmem>>
      %dma_wait3A_1180 = arith.constant 0 : i32
      %dma_wait3A_1181 = tpu.memref_slice %arg8[%dma_wait3A_1180, %mul3A_397] : memref<32x1000000xf32, #tpu.memory_space<hbm>> -> memref<32x128xf32, #tpu.memory_space<hbm>>
      tpu.wait_dma2 semaphore(%arg24 : memref<!tpu.dma_semaphore, #tpu.memory_space<semaphore_mem>>) src(%dma_wait3A_1181 : memref<32x128xf32, #tpu.memory_space<hbm>>) dst(%dma_wait3A_1179 : memref<32x128xf32, #tpu.memory_space<vmem>>)
      %dma_wait3A_1182 = arith.constant 0 : i32
      %dma_wait3A_1183 = arith.constant 0 : i32
      %dma_wait3A_1184 = tpu.memref_slice %arg20[%dma_wait3A_1182, %dma_wait3A_1183] : memref<192x128xf32, #tpu.memory_space<vmem>> -> memref<32x128xf32, #tpu.memory_space<vmem>>
      %dma_wait3A_1185 = arith.constant 0 : i32
      %dma_wait3A_1186 = tpu.memref_slice %arg9[%dma_wait3A_1185, %mul3A_401] : memref<32x1000000xf32, #tpu.memory_space<hbm>> -> memref<32x128xf32, #tpu.memory_space<hbm>>
      %dma_wait3A_1187 = arith.constant 0 : i32
      %dma_wait3A_1188 = arith.constant 0 : i32
      %dma_wait3A_1189 = tpu.memref_slice %arg20[%dma_wait3A_1187, %dma_wait3A_1188] : memref<192x128xf32, #tpu.memory_space<vmem>> -> memref<32x128xf32, #tpu.memory_space<vmem>>
      %dma_wait3A_1190 = arith.constant 0 : i32
      %dma_wait3A_1191 = tpu.memref_slice %arg9[%dma_wait3A_1190, %mul3A_401] : memref<32x1000000xf32, #tpu.memory_space<hbm>> -> memref<32x128xf32, #tpu.memory_space<hbm>>
      tpu.wait_dma2 semaphore(%arg24 : memref<!tpu.dma_semaphore, #tpu.memory_space<semaphore_mem>>) src(%dma_wait3A_1191 : memref<32x128xf32, #tpu.memory_space<hbm>>) dst(%dma_wait3A_1189 : memref<32x128xf32, #tpu.memory_space<vmem>>)
      %mul3A_1192 = arith.constant 0 : i32
      %mul3A_1193 = vector.broadcast %mul3A_1192 : i32 to vector<16xi32>
      %mul3A_1194 = arith.muli %iota3A, %mul3A_1193 : vector<16xi32>
      %slice3A_1195 = vector.extract_strided_slice %get3A_15 {offsets = [6], sizes = [1], strides = [1]} : vector<16xi32> to vector<1xi32>
      %squeeze3A_1196 = vector.extract %slice3A_1195[0] : i32 from vector<1xi32>
      %add3A_1197 = vector.broadcast %squeeze3A_1196 : i32 to vector<16xi32>
      %add3A_1198 = arith.addi %mul3A_1194, %add3A_1197 : vector<16xi32>
      %mul3A_1199 = arith.constant 0 : i32
      %mul3A_1200 = vector.broadcast %mul3A_1199 : i32 to vector<16xi32>
      %mul3A_1201 = arith.muli %iota3A, %mul3A_1200 : vector<16xi32>
      %slice3A_1202 = vector.extract_strided_slice %get3A_17 {offsets = [6], sizes = [1], strides = [1]} : vector<16xi32> to vector<1xi32>
      %squeeze3A_1203 = vector.extract %slice3A_1202[0] : i32 from vector<1xi32>
      %add3A_1204 = vector.broadcast %squeeze3A_1203 : i32 to vector<16xi32>
      %add3A_1205 = arith.addi %mul3A_1201, %add3A_1204 : vector<16xi32>
      %add3A_1206 = arith.constant 0 : i32
      %add3A_1207 = vector.broadcast %add3A_1206 : i32 to vector<16xi32>
      %add3A_1208 = arith.addi %iota3A, %add3A_1207 : vector<16xi32>
      %add3A_1209 = arith.constant 16 : i32
      %add3A_1210 = vector.broadcast %add3A_1209 : i32 to vector<16xi32>
      %add3A_1211 = arith.addi %add3A_1208, %add3A_1210 : vector<16xi32>
      %gather3A_1212 = tpu.vector_load_idx %arg17[%add3A_1208, %add3A_1198] : memref<192x128xf32, #tpu.memory_space<vmem>>[vector<16xi32>, vector<16xi32>], vector<16xf32>,
      %gather3A_1213 = tpu.vector_load_idx %arg17[%add3A_1211, %add3A_1198] : memref<192x128xf32, #tpu.memory_space<vmem>>[vector<16xi32>, vector<16xi32>], vector<16xf32>,
      %gather3A_1214 = tpu.vector_load_idx %arg18[%add3A_1208, %add3A_1205] : memref<192x128xf32, #tpu.memory_space<vmem>>[vector<16xi32>, vector<16xi32>], vector<16xf32>,
      %gather3A_1215 = tpu.vector_load_idx %arg18[%add3A_1211, %add3A_1205] : memref<192x128xf32, #tpu.memory_space<vmem>>[vector<16xi32>, vector<16xi32>], vector<16xf32>,
      %gather3A_1216 = tpu.vector_load_idx %arg19[%add3A_1208, %add3A_1198] : memref<192x128xf32, #tpu.memory_space<vmem>>[vector<16xi32>, vector<16xi32>], vector<16xf32>,
      %gather3A_1217 = tpu.vector_load_idx %arg19[%add3A_1211, %add3A_1198] : memref<192x128xf32, #tpu.memory_space<vmem>>[vector<16xi32>, vector<16xi32>], vector<16xf32>,
      %gather3A_1218 = tpu.vector_load_idx %arg20[%add3A_1208, %add3A_1205] : memref<192x128xf32, #tpu.memory_space<vmem>>[vector<16xi32>, vector<16xi32>], vector<16xf32>,
      %gather3A_1219 = tpu.vector_load_idx %arg20[%add3A_1211, %add3A_1205] : memref<192x128xf32, #tpu.memory_space<vmem>>[vector<16xi32>, vector<16xi32>], vector<16xf32>,
      %mul3A_1220 = arith.mulf %gather3A_1212, %gather3A_1214 : vector<16xf32>
      %swap3A_1221 = arith.constant 6 : i32
      %swap3A_1222 = arith.index_cast %swap3A_1221 : i32 to index
      %swap3A_1223 = arith.constant 0 : index
      %swap3A_1224 = tpu.vector_load %arg21[%swap3A_1222, %swap3A_1223] {strides = array<i32>} : memref<16x32xf32, #tpu.memory_space<vmem>>, vector<16xf32>,
      tpu.vector_store %arg21[%swap3A_1222, %swap3A_1223], %mul3A_1220 {strides = array<i32>} : memref<16x32xf32, #tpu.memory_space<vmem>>, vector<16xf32>,
      %mul3A_1225 = arith.mulf %gather3A_1213, %gather3A_1215 : vector<16xf32>
      %swap3A_1226 = arith.constant 6 : i32
      %swap3A_1227 = arith.index_cast %swap3A_1226 : i32 to index
      %swap3A_1228 = arith.constant 16 : index
      %swap3A_1229 = tpu.vector_load %arg21[%swap3A_1227, %swap3A_1228] {strides = array<i32>} : memref<16x32xf32, #tpu.memory_space<vmem>>, vector<16xf32>,
      tpu.vector_store %arg21[%swap3A_1227, %swap3A_1228], %mul3A_1225 {strides = array<i32>} : memref<16x32xf32, #tpu.memory_space<vmem>>, vector<16xf32>,
      %swap3A_1230 = arith.constant 6 : i32
      %swap3A_1231 = arith.index_cast %swap3A_1230 : i32 to index
      %swap3A_1232 = arith.constant 0 : index
      %swap3A_1233 = tpu.vector_load %arg22[%swap3A_1231, %swap3A_1232] {strides = array<i32>} : memref<16x32xf32, #tpu.memory_space<vmem>>, vector<16xf32>,
      tpu.vector_store %arg22[%swap3A_1231, %swap3A_1232], %gather3A_1216 {strides = array<i32>} : memref<16x32xf32, #tpu.memory_space<vmem>>, vector<16xf32>,
      %swap3A_1234 = arith.constant 6 : i32
      %swap3A_1235 = arith.index_cast %swap3A_1234 : i32 to index
      %swap3A_1236 = arith.constant 16 : index
      %swap3A_1237 = tpu.vector_load %arg22[%swap3A_1235, %swap3A_1236] {strides = array<i32>} : memref<16x32xf32, #tpu.memory_space<vmem>>, vector<16xf32>,
      tpu.vector_store %arg22[%swap3A_1235, %swap3A_1236], %gather3A_1217 {strides = array<i32>} : memref<16x32xf32, #tpu.memory_space<vmem>>, vector<16xf32>,
      %swap3A_1238 = arith.constant 6 : i32
      %swap3A_1239 = arith.index_cast %swap3A_1238 : i32 to index
      %swap3A_1240 = arith.constant 0 : index
      %swap3A_1241 = tpu.vector_load %arg23[%swap3A_1239, %swap3A_1240] {strides = array<i32>} : memref<16x32xf32, #tpu.memory_space<vmem>>, vector<16xf32>,
      tpu.vector_store %arg23[%swap3A_1239, %swap3A_1240], %gather3A_1218 {strides = array<i32>} : memref<16x32xf32, #tpu.memory_space<vmem>>, vector<16xf32>,
      %swap3A_1242 = arith.constant 6 : i32
      %swap3A_1243 = arith.index_cast %swap3A_1242 : i32 to index
      %swap3A_1244 = arith.constant 16 : index
      %swap3A_1245 = tpu.vector_load %arg23[%swap3A_1243, %swap3A_1244] {strides = array<i32>} : memref<16x32xf32, #tpu.memory_space<vmem>>, vector<16xf32>,
      tpu.vector_store %arg23[%swap3A_1243, %swap3A_1244], %gather3A_1219 {strides = array<i32>} : memref<16x32xf32, #tpu.memory_space<vmem>>, vector<16xf32>,
      %slice3A_1246 = vector.extract_strided_slice %get3A_11 {offsets = [12], sizes = [1], strides = [1]} : vector<16xi32> to vector<1xi32>
      %squeeze3A_1247 = vector.extract %slice3A_1246[0] : i32 from vector<1xi32>
      %mul3A_1248 = arith.constant 128 : i32
      %mul3A_1249 = arith.muli %squeeze3A_1247, %mul3A_1248 : i32
      %slice3A_1250 = vector.extract_strided_slice %get3A_13 {offsets = [12], sizes = [1], strides = [1]} : vector<16xi32> to vector<1xi32>
      %squeeze3A_1251 = vector.extract %slice3A_1250[0] : i32 from vector<1xi32>
      %mul3A_1252 = arith.constant 128 : i32
      %mul3A_1253 = arith.muli %squeeze3A_1251, %mul3A_1252 : i32
      %dma_start3A_1254 = arith.constant 0 : i32
      %dma_start3A_1255 = arith.constant 0 : i32
      %dma_start3A_1256 = tpu.memref_slice %arg17[%dma_start3A_1254, %dma_start3A_1255] : memref<192x128xf32, #tpu.memory_space<vmem>> -> memref<32x128xf32, #tpu.memory_space<vmem>>
      %dma_start3A_1257 = arith.constant 0 : i32
      %dma_start3A_1258 = tpu.memref_slice %arg6[%dma_start3A_1257, %mul3A_1249] : memref<32x1000000xf32, #tpu.memory_space<hbm>> -> memref<32x128xf32, #tpu.memory_space<hbm>>
      %dma_start3A_1259 = arith.constant 0 : i32
      %dma_start3A_1260 = arith.constant 0 : i32
      %dma_start3A_1261 = tpu.memref_slice %arg17[%dma_start3A_1259, %dma_start3A_1260] : memref<192x128xf32, #tpu.memory_space<vmem>> -> memref<32x128xf32, #tpu.memory_space<vmem>>
      %dma_start3A_1262 = arith.constant 0 : i32
      %dma_start3A_1263 = tpu.memref_slice %arg6[%dma_start3A_1262, %mul3A_1249] : memref<32x1000000xf32, #tpu.memory_space<hbm>> -> memref<32x128xf32, #tpu.memory_space<hbm>>
      tpu.enqueue_dma source(%dma_start3A_1263 : memref<32x128xf32, #tpu.memory_space<hbm>>) target(%dma_start3A_1261 : memref<32x128xf32, #tpu.memory_space<vmem>>) target_semaphore(%arg24 : memref<!tpu.dma_semaphore, #tpu.memory_space<semaphore_mem>>)
      %dma_start3A_1264 = arith.constant 0 : i32
      %dma_start3A_1265 = arith.constant 0 : i32
      %dma_start3A_1266 = tpu.memref_slice %arg18[%dma_start3A_1264, %dma_start3A_1265] : memref<192x128xf32, #tpu.memory_space<vmem>> -> memref<32x128xf32, #tpu.memory_space<vmem>>
      %dma_start3A_1267 = arith.constant 0 : i32
      %dma_start3A_1268 = tpu.memref_slice %arg7[%dma_start3A_1267, %mul3A_1253] : memref<32x1000000xf32, #tpu.memory_space<hbm>> -> memref<32x128xf32, #tpu.memory_space<hbm>>
      %dma_start3A_1269 = arith.constant 0 : i32
      %dma_start3A_1270 = arith.constant 0 : i32
      %dma_start3A_1271 = tpu.memref_slice %arg18[%dma_start3A_1269, %dma_start3A_1270] : memref<192x128xf32, #tpu.memory_space<vmem>> -> memref<32x128xf32, #tpu.memory_space<vmem>>
      %dma_start3A_1272 = arith.constant 0 : i32
      %dma_start3A_1273 = tpu.memref_slice %arg7[%dma_start3A_1272, %mul3A_1253] : memref<32x1000000xf32, #tpu.memory_space<hbm>> -> memref<32x128xf32, #tpu.memory_space<hbm>>
      tpu.enqueue_dma source(%dma_start3A_1273 : memref<32x128xf32, #tpu.memory_space<hbm>>) target(%dma_start3A_1271 : memref<32x128xf32, #tpu.memory_space<vmem>>) target_semaphore(%arg24 : memref<!tpu.dma_semaphore, #tpu.memory_space<semaphore_mem>>)
      %dma_start3A_1274 = arith.constant 0 : i32
      %dma_start3A_1275 = arith.constant 0 : i32
      %dma_start3A_1276 = tpu.memref_slice %arg19[%dma_start3A_1274, %dma_start3A_1275] : memref<192x128xf32, #tpu.memory_space<vmem>> -> memref<32x128xf32, #tpu.memory_space<vmem>>
      %dma_start3A_1277 = arith.constant 0 : i32
      %dma_start3A_1278 = tpu.memref_slice %arg8[%dma_start3A_1277, %mul3A_1249] : memref<32x1000000xf32, #tpu.memory_space<hbm>> -> memref<32x128xf32, #tpu.memory_space<hbm>>
      %dma_start3A_1279 = arith.constant 0 : i32
      %dma_start3A_1280 = arith.constant 0 : i32
      %dma_start3A_1281 = tpu.memref_slice %arg19[%dma_start3A_1279, %dma_start3A_1280] : memref<192x128xf32, #tpu.memory_space<vmem>> -> memref<32x128xf32, #tpu.memory_space<vmem>>
      %dma_start3A_1282 = arith.constant 0 : i32
      %dma_start3A_1283 = tpu.memref_slice %arg8[%dma_start3A_1282, %mul3A_1249] : memref<32x1000000xf32, #tpu.memory_space<hbm>> -> memref<32x128xf32, #tpu.memory_space<hbm>>
      tpu.enqueue_dma source(%dma_start3A_1283 : memref<32x128xf32, #tpu.memory_space<hbm>>) target(%dma_start3A_1281 : memref<32x128xf32, #tpu.memory_space<vmem>>) target_semaphore(%arg24 : memref<!tpu.dma_semaphore, #tpu.memory_space<semaphore_mem>>)
      %dma_start3A_1284 = arith.constant 0 : i32
      %dma_start3A_1285 = arith.constant 0 : i32
      %dma_start3A_1286 = tpu.memref_slice %arg20[%dma_start3A_1284, %dma_start3A_1285] : memref<192x128xf32, #tpu.memory_space<vmem>> -> memref<32x128xf32, #tpu.memory_space<vmem>>
      %dma_start3A_1287 = arith.constant 0 : i32
      %dma_start3A_1288 = tpu.memref_slice %arg9[%dma_start3A_1287, %mul3A_1253] : memref<32x1000000xf32, #tpu.memory_space<hbm>> -> memref<32x128xf32, #tpu.memory_space<hbm>>
      %dma_start3A_1289 = arith.constant 0 : i32
      %dma_start3A_1290 = arith.constant 0 : i32
      %dma_start3A_1291 = tpu.memref_slice %arg20[%dma_start3A_1289, %dma_start3A_1290] : memref<192x128xf32, #tpu.memory_space<vmem>> -> memref<32x128xf32, #tpu.memory_space<vmem>>
      %dma_start3A_1292 = arith.constant 0 : i32
      %dma_start3A_1293 = tpu.memref_slice %arg9[%dma_start3A_1292, %mul3A_1253] : memref<32x1000000xf32, #tpu.memory_space<hbm>> -> memref<32x128xf32, #tpu.memory_space<hbm>>
      tpu.enqueue_dma source(%dma_start3A_1293 : memref<32x128xf32, #tpu.memory_space<hbm>>) target(%dma_start3A_1291 : memref<32x128xf32, #tpu.memory_space<vmem>>) target_semaphore(%arg24 : memref<!tpu.dma_semaphore, #tpu.memory_space<semaphore_mem>>)
      %dma_wait3A_1294 = arith.constant 32 : i32
      %dma_wait3A_1295 = arith.constant 0 : i32
      %dma_wait3A_1296 = tpu.memref_slice %arg17[%dma_wait3A_1294, %dma_wait3A_1295] : memref<192x128xf32, #tpu.memory_space<vmem>> -> memref<32x128xf32, #tpu.memory_space<vmem>>
      %dma_wait3A_1297 = arith.constant 0 : i32
      %dma_wait3A_1298 = tpu.memref_slice %arg6[%dma_wait3A_1297, %mul3A_539] : memref<32x1000000xf32, #tpu.memory_space<hbm>> -> memref<32x128xf32, #tpu.memory_space<hbm>>
      %dma_wait3A_1299 = arith.constant 32 : i32
      %dma_wait3A_1300 = arith.constant 0 : i32
      %dma_wait3A_1301 = tpu.memref_slice %arg17[%dma_wait3A_1299, %dma_wait3A_1300] : memref<192x128xf32, #tpu.memory_space<vmem>> -> memref<32x128xf32, #tpu.memory_space<vmem>>
      %dma_wait3A_1302 = arith.constant 0 : i32
      %dma_wait3A_1303 = tpu.memref_slice %arg6[%dma_wait3A_1302, %mul3A_539] : memref<32x1000000xf32, #tpu.memory_space<hbm>> -> memref<32x128xf32, #tpu.memory_space<hbm>>
      tpu.wait_dma2 semaphore(%arg25 : memref<!tpu.dma_semaphore, #tpu.memory_space<semaphore_mem>>) src(%dma_wait3A_1303 : memref<32x128xf32, #tpu.memory_space<hbm>>) dst(%dma_wait3A_1301 : memref<32x128xf32, #tpu.memory_space<vmem>>)
      %dma_wait3A_1304 = arith.constant 32 : i32
      %dma_wait3A_1305 = arith.constant 0 : i32
      %dma_wait3A_1306 = tpu.memref_slice %arg18[%dma_wait3A_1304, %dma_wait3A_1305] : memref<192x128xf32, #tpu.memory_space<vmem>> -> memref<32x128xf32, #tpu.memory_space<vmem>>
      %dma_wait3A_1307 = arith.constant 0 : i32
      %dma_wait3A_1308 = tpu.memref_slice %arg7[%dma_wait3A_1307, %mul3A_543] : memref<32x1000000xf32, #tpu.memory_space<hbm>> -> memref<32x128xf32, #tpu.memory_space<hbm>>
      %dma_wait3A_1309 = arith.constant 32 : i32
      %dma_wait3A_1310 = arith.constant 0 : i32
      %dma_wait3A_1311 = tpu.memref_slice %arg18[%dma_wait3A_1309, %dma_wait3A_1310] : memref<192x128xf32, #tpu.memory_space<vmem>> -> memref<32x128xf32, #tpu.memory_space<vmem>>
      %dma_wait3A_1312 = arith.constant 0 : i32
      %dma_wait3A_1313 = tpu.memref_slice %arg7[%dma_wait3A_1312, %mul3A_543] : memref<32x1000000xf32, #tpu.memory_space<hbm>> -> memref<32x128xf32, #tpu.memory_space<hbm>>
      tpu.wait_dma2 semaphore(%arg25 : memref<!tpu.dma_semaphore, #tpu.memory_space<semaphore_mem>>) src(%dma_wait3A_1313 : memref<32x128xf32, #tpu.memory_space<hbm>>) dst(%dma_wait3A_1311 : memref<32x128xf32, #tpu.memory_space<vmem>>)
      %dma_wait3A_1314 = arith.constant 32 : i32
      %dma_wait3A_1315 = arith.constant 0 : i32
      %dma_wait3A_1316 = tpu.memref_slice %arg19[%dma_wait3A_1314, %dma_wait3A_1315] : memref<192x128xf32, #tpu.memory_space<vmem>> -> memref<32x128xf32, #tpu.memory_space<vmem>>
      %dma_wait3A_1317 = arith.constant 0 : i32
      %dma_wait3A_1318 = tpu.memref_slice %arg8[%dma_wait3A_1317, %mul3A_539] : memref<32x1000000xf32, #tpu.memory_space<hbm>> -> memref<32x128xf32, #tpu.memory_space<hbm>>
      %dma_wait3A_1319 = arith.constant 32 : i32
      %dma_wait3A_1320 = arith.constant 0 : i32
      %dma_wait3A_1321 = tpu.memref_slice %arg19[%dma_wait3A_1319, %dma_wait3A_1320] : memref<192x128xf32, #tpu.memory_space<vmem>> -> memref<32x128xf32, #tpu.memory_space<vmem>>
      %dma_wait3A_1322 = arith.constant 0 : i32
      %dma_wait3A_1323 = tpu.memref_slice %arg8[%dma_wait3A_1322, %mul3A_539] : memref<32x1000000xf32, #tpu.memory_space<hbm>> -> memref<32x128xf32, #tpu.memory_space<hbm>>
      tpu.wait_dma2 semaphore(%arg25 : memref<!tpu.dma_semaphore, #tpu.memory_space<semaphore_mem>>) src(%dma_wait3A_1323 : memref<32x128xf32, #tpu.memory_space<hbm>>) dst(%dma_wait3A_1321 : memref<32x128xf32, #tpu.memory_space<vmem>>)
      %dma_wait3A_1324 = arith.constant 32 : i32
      %dma_wait3A_1325 = arith.constant 0 : i32
      %dma_wait3A_1326 = tpu.memref_slice %arg20[%dma_wait3A_1324, %dma_wait3A_1325] : memref<192x128xf32, #tpu.memory_space<vmem>> -> memref<32x128xf32, #tpu.memory_space<vmem>>
      %dma_wait3A_1327 = arith.constant 0 : i32
      %dma_wait3A_1328 = tpu.memref_slice %arg9[%dma_wait3A_1327, %mul3A_543] : memref<32x1000000xf32, #tpu.memory_space<hbm>> -> memref<32x128xf32, #tpu.memory_space<hbm>>
      %dma_wait3A_1329 = arith.constant 32 : i32
      %dma_wait3A_1330 = arith.constant 0 : i32
      %dma_wait3A_1331 = tpu.memref_slice %arg20[%dma_wait3A_1329, %dma_wait3A_1330] : memref<192x128xf32, #tpu.memory_space<vmem>> -> memref<32x128xf32, #tpu.memory_space<vmem>>
      %dma_wait3A_1332 = arith.constant 0 : i32
      %dma_wait3A_1333 = tpu.memref_slice %arg9[%dma_wait3A_1332, %mul3A_543] : memref<32x1000000xf32, #tpu.memory_space<hbm>> -> memref<32x128xf32, #tpu.memory_space<hbm>>
      tpu.wait_dma2 semaphore(%arg25 : memref<!tpu.dma_semaphore, #tpu.memory_space<semaphore_mem>>) src(%dma_wait3A_1333 : memref<32x128xf32, #tpu.memory_space<hbm>>) dst(%dma_wait3A_1331 : memref<32x128xf32, #tpu.memory_space<vmem>>)
      %mul3A_1334 = arith.constant 0 : i32
      %mul3A_1335 = vector.broadcast %mul3A_1334 : i32 to vector<16xi32>
      %mul3A_1336 = arith.muli %iota3A, %mul3A_1335 : vector<16xi32>
      %slice3A_1337 = vector.extract_strided_slice %get3A_15 {offsets = [7], sizes = [1], strides = [1]} : vector<16xi32> to vector<1xi32>
      %squeeze3A_1338 = vector.extract %slice3A_1337[0] : i32 from vector<1xi32>
      %add3A_1339 = vector.broadcast %squeeze3A_1338 : i32 to vector<16xi32>
      %add3A_1340 = arith.addi %mul3A_1336, %add3A_1339 : vector<16xi32>
      %mul3A_1341 = arith.constant 0 : i32
      %mul3A_1342 = vector.broadcast %mul3A_1341 : i32 to vector<16xi32>
      %mul3A_1343 = arith.muli %iota3A, %mul3A_1342 : vector<16xi32>
      %slice3A_1344 = vector.extract_strided_slice %get3A_17 {offsets = [7], sizes = [1], strides = [1]} : vector<16xi32> to vector<1xi32>
      %squeeze3A_1345 = vector.extract %slice3A_1344[0] : i32 from vector<1xi32>
      %add3A_1346 = vector.broadcast %squeeze3A_1345 : i32 to vector<16xi32>
      %add3A_1347 = arith.addi %mul3A_1343, %add3A_1346 : vector<16xi32>
      %add3A_1348 = arith.constant 32 : i32
      %add3A_1349 = vector.broadcast %add3A_1348 : i32 to vector<16xi32>
      %add3A_1350 = arith.addi %iota3A, %add3A_1349 : vector<16xi32>
      %add3A_1351 = arith.constant 16 : i32
      %add3A_1352 = vector.broadcast %add3A_1351 : i32 to vector<16xi32>
      %add3A_1353 = arith.addi %add3A_1350, %add3A_1352 : vector<16xi32>
      %gather3A_1354 = tpu.vector_load_idx %arg17[%add3A_1350, %add3A_1340] : memref<192x128xf32, #tpu.memory_space<vmem>>[vector<16xi32>, vector<16xi32>], vector<16xf32>,
      %gather3A_1355 = tpu.vector_load_idx %arg17[%add3A_1353, %add3A_1340] : memref<192x128xf32, #tpu.memory_space<vmem>>[vector<16xi32>, vector<16xi32>], vector<16xf32>,
      %gather3A_1356 = tpu.vector_load_idx %arg18[%add3A_1350, %add3A_1347] : memref<192x128xf32, #tpu.memory_space<vmem>>[vector<16xi32>, vector<16xi32>], vector<16xf32>,
      %gather3A_1357 = tpu.vector_load_idx %arg18[%add3A_1353, %add3A_1347] : memref<192x128xf32, #tpu.memory_space<vmem>>[vector<16xi32>, vector<16xi32>], vector<16xf32>,
      %gather3A_1358 = tpu.vector_load_idx %arg19[%add3A_1350, %add3A_1340] : memref<192x128xf32, #tpu.memory_space<vmem>>[vector<16xi32>, vector<16xi32>], vector<16xf32>,
      %gather3A_1359 = tpu.vector_load_idx %arg19[%add3A_1353, %add3A_1340] : memref<192x128xf32, #tpu.memory_space<vmem>>[vector<16xi32>, vector<16xi32>], vector<16xf32>,
      %gather3A_1360 = tpu.vector_load_idx %arg20[%add3A_1350, %add3A_1347] : memref<192x128xf32, #tpu.memory_space<vmem>>[vector<16xi32>, vector<16xi32>], vector<16xf32>,
      %gather3A_1361 = tpu.vector_load_idx %arg20[%add3A_1353, %add3A_1347] : memref<192x128xf32, #tpu.memory_space<vmem>>[vector<16xi32>, vector<16xi32>], vector<16xf32>,
      %mul3A_1362 = arith.mulf %gather3A_1354, %gather3A_1356 : vector<16xf32>
      %swap3A_1363 = arith.constant 7 : i32
      %swap3A_1364 = arith.index_cast %swap3A_1363 : i32 to index
      %swap3A_1365 = arith.constant 0 : index
      %swap3A_1366 = tpu.vector_load %arg21[%swap3A_1364, %swap3A_1365] {strides = array<i32>} : memref<16x32xf32, #tpu.memory_space<vmem>>, vector<16xf32>,
      tpu.vector_store %arg21[%swap3A_1364, %swap3A_1365], %mul3A_1362 {strides = array<i32>} : memref<16x32xf32, #tpu.memory_space<vmem>>, vector<16xf32>,
      %mul3A_1367 = arith.mulf %gather3A_1355, %gather3A_1357 : vector<16xf32>
      %swap3A_1368 = arith.constant 7 : i32
      %swap3A_1369 = arith.index_cast %swap3A_1368 : i32 to index
      %swap3A_1370 = arith.constant 16 : index
      %swap3A_1371 = tpu.vector_load %arg21[%swap3A_1369, %swap3A_1370] {strides = array<i32>} : memref<16x32xf32, #tpu.memory_space<vmem>>, vector<16xf32>,
      tpu.vector_store %arg21[%swap3A_1369, %swap3A_1370], %mul3A_1367 {strides = array<i32>} : memref<16x32xf32, #tpu.memory_space<vmem>>, vector<16xf32>,
      %swap3A_1372 = arith.constant 7 : i32
      %swap3A_1373 = arith.index_cast %swap3A_1372 : i32 to index
      %swap3A_1374 = arith.constant 0 : index
      %swap3A_1375 = tpu.vector_load %arg22[%swap3A_1373, %swap3A_1374] {strides = array<i32>} : memref<16x32xf32, #tpu.memory_space<vmem>>, vector<16xf32>,
      tpu.vector_store %arg22[%swap3A_1373, %swap3A_1374], %gather3A_1358 {strides = array<i32>} : memref<16x32xf32, #tpu.memory_space<vmem>>, vector<16xf32>,
      %swap3A_1376 = arith.constant 7 : i32
      %swap3A_1377 = arith.index_cast %swap3A_1376 : i32 to index
      %swap3A_1378 = arith.constant 16 : index
      %swap3A_1379 = tpu.vector_load %arg22[%swap3A_1377, %swap3A_1378] {strides = array<i32>} : memref<16x32xf32, #tpu.memory_space<vmem>>, vector<16xf32>,
      tpu.vector_store %arg22[%swap3A_1377, %swap3A_1378], %gather3A_1359 {strides = array<i32>} : memref<16x32xf32, #tpu.memory_space<vmem>>, vector<16xf32>,
      %swap3A_1380 = arith.constant 7 : i32
      %swap3A_1381 = arith.index_cast %swap3A_1380 : i32 to index
      %swap3A_1382 = arith.constant 0 : index
      %swap3A_1383 = tpu.vector_load %arg23[%swap3A_1381, %swap3A_1382] {strides = array<i32>} : memref<16x32xf32, #tpu.memory_space<vmem>>, vector<16xf32>,
      tpu.vector_store %arg23[%swap3A_1381, %swap3A_1382], %gather3A_1360 {strides = array<i32>} : memref<16x32xf32, #tpu.memory_space<vmem>>, vector<16xf32>,
      %swap3A_1384 = arith.constant 7 : i32
      %swap3A_1385 = arith.index_cast %swap3A_1384 : i32 to index
      %swap3A_1386 = arith.constant 16 : index
      %swap3A_1387 = tpu.vector_load %arg23[%swap3A_1385, %swap3A_1386] {strides = array<i32>} : memref<16x32xf32, #tpu.memory_space<vmem>>, vector<16xf32>,
      tpu.vector_store %arg23[%swap3A_1385, %swap3A_1386], %gather3A_1361 {strides = array<i32>} : memref<16x32xf32, #tpu.memory_space<vmem>>, vector<16xf32>,
      %slice3A_1388 = vector.extract_strided_slice %get3A_11 {offsets = [13], sizes = [1], strides = [1]} : vector<16xi32> to vector<1xi32>
      %squeeze3A_1389 = vector.extract %slice3A_1388[0] : i32 from vector<1xi32>
      %mul3A_1390 = arith.constant 128 : i32
      %mul3A_1391 = arith.muli %squeeze3A_1389, %mul3A_1390 : i32
      %slice3A_1392 = vector.extract_strided_slice %get3A_13 {offsets = [13], sizes = [1], strides = [1]} : vector<16xi32> to vector<1xi32>
      %squeeze3A_1393 = vector.extract %slice3A_1392[0] : i32 from vector<1xi32>
      %mul3A_1394 = arith.constant 128 : i32
      %mul3A_1395 = arith.muli %squeeze3A_1393, %mul3A_1394 : i32
      %dma_start3A_1396 = arith.constant 32 : i32
      %dma_start3A_1397 = arith.constant 0 : i32
      %dma_start3A_1398 = tpu.memref_slice %arg17[%dma_start3A_1396, %dma_start3A_1397] : memref<192x128xf32, #tpu.memory_space<vmem>> -> memref<32x128xf32, #tpu.memory_space<vmem>>
      %dma_start3A_1399 = arith.constant 0 : i32
      %dma_start3A_1400 = tpu.memref_slice %arg6[%dma_start3A_1399, %mul3A_1391] : memref<32x1000000xf32, #tpu.memory_space<hbm>> -> memref<32x128xf32, #tpu.memory_space<hbm>>
      %dma_start3A_1401 = arith.constant 32 : i32
      %dma_start3A_1402 = arith.constant 0 : i32
      %dma_start3A_1403 = tpu.memref_slice %arg17[%dma_start3A_1401, %dma_start3A_1402] : memref<192x128xf32, #tpu.memory_space<vmem>> -> memref<32x128xf32, #tpu.memory_space<vmem>>
      %dma_start3A_1404 = arith.constant 0 : i32
      %dma_start3A_1405 = tpu.memref_slice %arg6[%dma_start3A_1404, %mul3A_1391] : memref<32x1000000xf32, #tpu.memory_space<hbm>> -> memref<32x128xf32, #tpu.memory_space<hbm>>
      tpu.enqueue_dma source(%dma_start3A_1405 : memref<32x128xf32, #tpu.memory_space<hbm>>) target(%dma_start3A_1403 : memref<32x128xf32, #tpu.memory_space<vmem>>) target_semaphore(%arg25 : memref<!tpu.dma_semaphore, #tpu.memory_space<semaphore_mem>>)
      %dma_start3A_1406 = arith.constant 32 : i32
      %dma_start3A_1407 = arith.constant 0 : i32
      %dma_start3A_1408 = tpu.memref_slice %arg18[%dma_start3A_1406, %dma_start3A_1407] : memref<192x128xf32, #tpu.memory_space<vmem>> -> memref<32x128xf32, #tpu.memory_space<vmem>>
      %dma_start3A_1409 = arith.constant 0 : i32
      %dma_start3A_1410 = tpu.memref_slice %arg7[%dma_start3A_1409, %mul3A_1395] : memref<32x1000000xf32, #tpu.memory_space<hbm>> -> memref<32x128xf32, #tpu.memory_space<hbm>>
      %dma_start3A_1411 = arith.constant 32 : i32
      %dma_start3A_1412 = arith.constant 0 : i32
      %dma_start3A_1413 = tpu.memref_slice %arg18[%dma_start3A_1411, %dma_start3A_1412] : memref<192x128xf32, #tpu.memory_space<vmem>> -> memref<32x128xf32, #tpu.memory_space<vmem>>
      %dma_start3A_1414 = arith.constant 0 : i32
      %dma_start3A_1415 = tpu.memref_slice %arg7[%dma_start3A_1414, %mul3A_1395] : memref<32x1000000xf32, #tpu.memory_space<hbm>> -> memref<32x128xf32, #tpu.memory_space<hbm>>
      tpu.enqueue_dma source(%dma_start3A_1415 : memref<32x128xf32, #tpu.memory_space<hbm>>) target(%dma_start3A_1413 : memref<32x128xf32, #tpu.memory_space<vmem>>) target_semaphore(%arg25 : memref<!tpu.dma_semaphore, #tpu.memory_space<semaphore_mem>>)
      %dma_start3A_1416 = arith.constant 32 : i32
      %dma_start3A_1417 = arith.constant 0 : i32
      %dma_start3A_1418 = tpu.memref_slice %arg19[%dma_start3A_1416, %dma_start3A_1417] : memref<192x128xf32, #tpu.memory_space<vmem>> -> memref<32x128xf32, #tpu.memory_space<vmem>>
      %dma_start3A_1419 = arith.constant 0 : i32
      %dma_start3A_1420 = tpu.memref_slice %arg8[%dma_start3A_1419, %mul3A_1391] : memref<32x1000000xf32, #tpu.memory_space<hbm>> -> memref<32x128xf32, #tpu.memory_space<hbm>>
      %dma_start3A_1421 = arith.constant 32 : i32
      %dma_start3A_1422 = arith.constant 0 : i32
      %dma_start3A_1423 = tpu.memref_slice %arg19[%dma_start3A_1421, %dma_start3A_1422] : memref<192x128xf32, #tpu.memory_space<vmem>> -> memref<32x128xf32, #tpu.memory_space<vmem>>
      %dma_start3A_1424 = arith.constant 0 : i32
      %dma_start3A_1425 = tpu.memref_slice %arg8[%dma_start3A_1424, %mul3A_1391] : memref<32x1000000xf32, #tpu.memory_space<hbm>> -> memref<32x128xf32, #tpu.memory_space<hbm>>
      tpu.enqueue_dma source(%dma_start3A_1425 : memref<32x128xf32, #tpu.memory_space<hbm>>) target(%dma_start3A_1423 : memref<32x128xf32, #tpu.memory_space<vmem>>) target_semaphore(%arg25 : memref<!tpu.dma_semaphore, #tpu.memory_space<semaphore_mem>>)
      %dma_start3A_1426 = arith.constant 32 : i32
      %dma_start3A_1427 = arith.constant 0 : i32
      %dma_start3A_1428 = tpu.memref_slice %arg20[%dma_start3A_1426, %dma_start3A_1427] : memref<192x128xf32, #tpu.memory_space<vmem>> -> memref<32x128xf32, #tpu.memory_space<vmem>>
      %dma_start3A_1429 = arith.constant 0 : i32
      %dma_start3A_1430 = tpu.memref_slice %arg9[%dma_start3A_1429, %mul3A_1395] : memref<32x1000000xf32, #tpu.memory_space<hbm>> -> memref<32x128xf32, #tpu.memory_space<hbm>>
      %dma_start3A_1431 = arith.constant 32 : i32
      %dma_start3A_1432 = arith.constant 0 : i32
      %dma_start3A_1433 = tpu.memref_slice %arg20[%dma_start3A_1431, %dma_start3A_1432] : memref<192x128xf32, #tpu.memory_space<vmem>> -> memref<32x128xf32, #tpu.memory_space<vmem>>
      %dma_start3A_1434 = arith.constant 0 : i32
      %dma_start3A_1435 = tpu.memref_slice %arg9[%dma_start3A_1434, %mul3A_1395] : memref<32x1000000xf32, #tpu.memory_space<hbm>> -> memref<32x128xf32, #tpu.memory_space<hbm>>
      tpu.enqueue_dma source(%dma_start3A_1435 : memref<32x128xf32, #tpu.memory_space<hbm>>) target(%dma_start3A_1433 : memref<32x128xf32, #tpu.memory_space<vmem>>) target_semaphore(%arg25 : memref<!tpu.dma_semaphore, #tpu.memory_space<semaphore_mem>>)
      %dma_wait3A_1436 = arith.constant 64 : i32
      %dma_wait3A_1437 = arith.constant 0 : i32
      %dma_wait3A_1438 = tpu.memref_slice %arg17[%dma_wait3A_1436, %dma_wait3A_1437] : memref<192x128xf32, #tpu.memory_space<vmem>> -> memref<32x128xf32, #tpu.memory_space<vmem>>
      %dma_wait3A_1439 = arith.constant 0 : i32
      %dma_wait3A_1440 = tpu.memref_slice %arg6[%dma_wait3A_1439, %mul3A_681] : memref<32x1000000xf32, #tpu.memory_space<hbm>> -> memref<32x128xf32, #tpu.memory_space<hbm>>
      %dma_wait3A_1441 = arith.constant 64 : i32
      %dma_wait3A_1442 = arith.constant 0 : i32
      %dma_wait3A_1443 = tpu.memref_slice %arg17[%dma_wait3A_1441, %dma_wait3A_1442] : memref<192x128xf32, #tpu.memory_space<vmem>> -> memref<32x128xf32, #tpu.memory_space<vmem>>
      %dma_wait3A_1444 = arith.constant 0 : i32
      %dma_wait3A_1445 = tpu.memref_slice %arg6[%dma_wait3A_1444, %mul3A_681] : memref<32x1000000xf32, #tpu.memory_space<hbm>> -> memref<32x128xf32, #tpu.memory_space<hbm>>
      tpu.wait_dma2 semaphore(%arg26 : memref<!tpu.dma_semaphore, #tpu.memory_space<semaphore_mem>>) src(%dma_wait3A_1445 : memref<32x128xf32, #tpu.memory_space<hbm>>) dst(%dma_wait3A_1443 : memref<32x128xf32, #tpu.memory_space<vmem>>)
      %dma_wait3A_1446 = arith.constant 64 : i32
      %dma_wait3A_1447 = arith.constant 0 : i32
      %dma_wait3A_1448 = tpu.memref_slice %arg18[%dma_wait3A_1446, %dma_wait3A_1447] : memref<192x128xf32, #tpu.memory_space<vmem>> -> memref<32x128xf32, #tpu.memory_space<vmem>>
      %dma_wait3A_1449 = arith.constant 0 : i32
      %dma_wait3A_1450 = tpu.memref_slice %arg7[%dma_wait3A_1449, %mul3A_685] : memref<32x1000000xf32, #tpu.memory_space<hbm>> -> memref<32x128xf32, #tpu.memory_space<hbm>>
      %dma_wait3A_1451 = arith.constant 64 : i32
      %dma_wait3A_1452 = arith.constant 0 : i32
      %dma_wait3A_1453 = tpu.memref_slice %arg18[%dma_wait3A_1451, %dma_wait3A_1452] : memref<192x128xf32, #tpu.memory_space<vmem>> -> memref<32x128xf32, #tpu.memory_space<vmem>>
      %dma_wait3A_1454 = arith.constant 0 : i32
      %dma_wait3A_1455 = tpu.memref_slice %arg7[%dma_wait3A_1454, %mul3A_685] : memref<32x1000000xf32, #tpu.memory_space<hbm>> -> memref<32x128xf32, #tpu.memory_space<hbm>>
      tpu.wait_dma2 semaphore(%arg26 : memref<!tpu.dma_semaphore, #tpu.memory_space<semaphore_mem>>) src(%dma_wait3A_1455 : memref<32x128xf32, #tpu.memory_space<hbm>>) dst(%dma_wait3A_1453 : memref<32x128xf32, #tpu.memory_space<vmem>>)
      %dma_wait3A_1456 = arith.constant 64 : i32
      %dma_wait3A_1457 = arith.constant 0 : i32
      %dma_wait3A_1458 = tpu.memref_slice %arg19[%dma_wait3A_1456, %dma_wait3A_1457] : memref<192x128xf32, #tpu.memory_space<vmem>> -> memref<32x128xf32, #tpu.memory_space<vmem>>
      %dma_wait3A_1459 = arith.constant 0 : i32
      %dma_wait3A_1460 = tpu.memref_slice %arg8[%dma_wait3A_1459, %mul3A_681] : memref<32x1000000xf32, #tpu.memory_space<hbm>> -> memref<32x128xf32, #tpu.memory_space<hbm>>
      %dma_wait3A_1461 = arith.constant 64 : i32
      %dma_wait3A_1462 = arith.constant 0 : i32
      %dma_wait3A_1463 = tpu.memref_slice %arg19[%dma_wait3A_1461, %dma_wait3A_1462] : memref<192x128xf32, #tpu.memory_space<vmem>> -> memref<32x128xf32, #tpu.memory_space<vmem>>
      %dma_wait3A_1464 = arith.constant 0 : i32
      %dma_wait3A_1465 = tpu.memref_slice %arg8[%dma_wait3A_1464, %mul3A_681] : memref<32x1000000xf32, #tpu.memory_space<hbm>> -> memref<32x128xf32, #tpu.memory_space<hbm>>
      tpu.wait_dma2 semaphore(%arg26 : memref<!tpu.dma_semaphore, #tpu.memory_space<semaphore_mem>>) src(%dma_wait3A_1465 : memref<32x128xf32, #tpu.memory_space<hbm>>) dst(%dma_wait3A_1463 : memref<32x128xf32, #tpu.memory_space<vmem>>)
      %dma_wait3A_1466 = arith.constant 64 : i32
      %dma_wait3A_1467 = arith.constant 0 : i32
      %dma_wait3A_1468 = tpu.memref_slice %arg20[%dma_wait3A_1466, %dma_wait3A_1467] : memref<192x128xf32, #tpu.memory_space<vmem>> -> memref<32x128xf32, #tpu.memory_space<vmem>>
      %dma_wait3A_1469 = arith.constant 0 : i32
      %dma_wait3A_1470 = tpu.memref_slice %arg9[%dma_wait3A_1469, %mul3A_685] : memref<32x1000000xf32, #tpu.memory_space<hbm>> -> memref<32x128xf32, #tpu.memory_space<hbm>>
      %dma_wait3A_1471 = arith.constant 64 : i32
      %dma_wait3A_1472 = arith.constant 0 : i32
      %dma_wait3A_1473 = tpu.memref_slice %arg20[%dma_wait3A_1471, %dma_wait3A_1472] : memref<192x128xf32, #tpu.memory_space<vmem>> -> memref<32x128xf32, #tpu.memory_space<vmem>>
      %dma_wait3A_1474 = arith.constant 0 : i32
      %dma_wait3A_1475 = tpu.memref_slice %arg9[%dma_wait3A_1474, %mul3A_685] : memref<32x1000000xf32, #tpu.memory_space<hbm>> -> memref<32x128xf32, #tpu.memory_space<hbm>>
      tpu.wait_dma2 semaphore(%arg26 : memref<!tpu.dma_semaphore, #tpu.memory_space<semaphore_mem>>) src(%dma_wait3A_1475 : memref<32x128xf32, #tpu.memory_space<hbm>>) dst(%dma_wait3A_1473 : memref<32x128xf32, #tpu.memory_space<vmem>>)
      %mul3A_1476 = arith.constant 0 : i32
      %mul3A_1477 = vector.broadcast %mul3A_1476 : i32 to vector<16xi32>
      %mul3A_1478 = arith.muli %iota3A, %mul3A_1477 : vector<16xi32>
      %slice3A_1479 = vector.extract_strided_slice %get3A_15 {offsets = [8], sizes = [1], strides = [1]} : vector<16xi32> to vector<1xi32>
      %squeeze3A_1480 = vector.extract %slice3A_1479[0] : i32 from vector<1xi32>
      %add3A_1481 = vector.broadcast %squeeze3A_1480 : i32 to vector<16xi32>
      %add3A_1482 = arith.addi %mul3A_1478, %add3A_1481 : vector<16xi32>
      %mul3A_1483 = arith.constant 0 : i32
      %mul3A_1484 = vector.broadcast %mul3A_1483 : i32 to vector<16xi32>
      %mul3A_1485 = arith.muli %iota3A, %mul3A_1484 : vector<16xi32>
      %slice3A_1486 = vector.extract_strided_slice %get3A_17 {offsets = [8], sizes = [1], strides = [1]} : vector<16xi32> to vector<1xi32>
      %squeeze3A_1487 = vector.extract %slice3A_1486[0] : i32 from vector<1xi32>
      %add3A_1488 = vector.broadcast %squeeze3A_1487 : i32 to vector<16xi32>
      %add3A_1489 = arith.addi %mul3A_1485, %add3A_1488 : vector<16xi32>
      %add3A_1490 = arith.constant 64 : i32
      %add3A_1491 = vector.broadcast %add3A_1490 : i32 to vector<16xi32>
      %add3A_1492 = arith.addi %iota3A, %add3A_1491 : vector<16xi32>
      %add3A_1493 = arith.constant 16 : i32
      %add3A_1494 = vector.broadcast %add3A_1493 : i32 to vector<16xi32>
      %add3A_1495 = arith.addi %add3A_1492, %add3A_1494 : vector<16xi32>
      %gather3A_1496 = tpu.vector_load_idx %arg17[%add3A_1492, %add3A_1482] : memref<192x128xf32, #tpu.memory_space<vmem>>[vector<16xi32>, vector<16xi32>], vector<16xf32>,
      %gather3A_1497 = tpu.vector_load_idx %arg17[%add3A_1495, %add3A_1482] : memref<192x128xf32, #tpu.memory_space<vmem>>[vector<16xi32>, vector<16xi32>], vector<16xf32>,
      %gather3A_1498 = tpu.vector_load_idx %arg18[%add3A_1492, %add3A_1489] : memref<192x128xf32, #tpu.memory_space<vmem>>[vector<16xi32>, vector<16xi32>], vector<16xf32>,
      %gather3A_1499 = tpu.vector_load_idx %arg18[%add3A_1495, %add3A_1489] : memref<192x128xf32, #tpu.memory_space<vmem>>[vector<16xi32>, vector<16xi32>], vector<16xf32>,
      %gather3A_1500 = tpu.vector_load_idx %arg19[%add3A_1492, %add3A_1482] : memref<192x128xf32, #tpu.memory_space<vmem>>[vector<16xi32>, vector<16xi32>], vector<16xf32>,
      %gather3A_1501 = tpu.vector_load_idx %arg19[%add3A_1495, %add3A_1482] : memref<192x128xf32, #tpu.memory_space<vmem>>[vector<16xi32>, vector<16xi32>], vector<16xf32>,
      %gather3A_1502 = tpu.vector_load_idx %arg20[%add3A_1492, %add3A_1489] : memref<192x128xf32, #tpu.memory_space<vmem>>[vector<16xi32>, vector<16xi32>], vector<16xf32>,
      %gather3A_1503 = tpu.vector_load_idx %arg20[%add3A_1495, %add3A_1489] : memref<192x128xf32, #tpu.memory_space<vmem>>[vector<16xi32>, vector<16xi32>], vector<16xf32>,
      %mul3A_1504 = arith.mulf %gather3A_1496, %gather3A_1498 : vector<16xf32>
      %swap3A_1505 = arith.constant 8 : i32
      %swap3A_1506 = arith.index_cast %swap3A_1505 : i32 to index
      %swap3A_1507 = arith.constant 0 : index
      %swap3A_1508 = tpu.vector_load %arg21[%swap3A_1506, %swap3A_1507] {strides = array<i32>} : memref<16x32xf32, #tpu.memory_space<vmem>>, vector<16xf32>,
      tpu.vector_store %arg21[%swap3A_1506, %swap3A_1507], %mul3A_1504 {strides = array<i32>} : memref<16x32xf32, #tpu.memory_space<vmem>>, vector<16xf32>,
      %mul3A_1509 = arith.mulf %gather3A_1497, %gather3A_1499 : vector<16xf32>
      %swap3A_1510 = arith.constant 8 : i32
      %swap3A_1511 = arith.index_cast %swap3A_1510 : i32 to index
      %swap3A_1512 = arith.constant 16 : index
      %swap3A_1513 = tpu.vector_load %arg21[%swap3A_1511, %swap3A_1512] {strides = array<i32>} : memref<16x32xf32, #tpu.memory_space<vmem>>, vector<16xf32>,
      tpu.vector_store %arg21[%swap3A_1511, %swap3A_1512], %mul3A_1509 {strides = array<i32>} : memref<16x32xf32, #tpu.memory_space<vmem>>, vector<16xf32>,
      %swap3A_1514 = arith.constant 8 : i32
      %swap3A_1515 = arith.index_cast %swap3A_1514 : i32 to index
      %swap3A_1516 = arith.constant 0 : index
      %swap3A_1517 = tpu.vector_load %arg22[%swap3A_1515, %swap3A_1516] {strides = array<i32>} : memref<16x32xf32, #tpu.memory_space<vmem>>, vector<16xf32>,
      tpu.vector_store %arg22[%swap3A_1515, %swap3A_1516], %gather3A_1500 {strides = array<i32>} : memref<16x32xf32, #tpu.memory_space<vmem>>, vector<16xf32>,
      %swap3A_1518 = arith.constant 8 : i32
      %swap3A_1519 = arith.index_cast %swap3A_1518 : i32 to index
      %swap3A_1520 = arith.constant 16 : index
      %swap3A_1521 = tpu.vector_load %arg22[%swap3A_1519, %swap3A_1520] {strides = array<i32>} : memref<16x32xf32, #tpu.memory_space<vmem>>, vector<16xf32>,
      tpu.vector_store %arg22[%swap3A_1519, %swap3A_1520], %gather3A_1501 {strides = array<i32>} : memref<16x32xf32, #tpu.memory_space<vmem>>, vector<16xf32>,
      %swap3A_1522 = arith.constant 8 : i32
      %swap3A_1523 = arith.index_cast %swap3A_1522 : i32 to index
      %swap3A_1524 = arith.constant 0 : index
      %swap3A_1525 = tpu.vector_load %arg23[%swap3A_1523, %swap3A_1524] {strides = array<i32>} : memref<16x32xf32, #tpu.memory_space<vmem>>, vector<16xf32>,
      tpu.vector_store %arg23[%swap3A_1523, %swap3A_1524], %gather3A_1502 {strides = array<i32>} : memref<16x32xf32, #tpu.memory_space<vmem>>, vector<16xf32>,
      %swap3A_1526 = arith.constant 8 : i32
      %swap3A_1527 = arith.index_cast %swap3A_1526 : i32 to index
      %swap3A_1528 = arith.constant 16 : index
      %swap3A_1529 = tpu.vector_load %arg23[%swap3A_1527, %swap3A_1528] {strides = array<i32>} : memref<16x32xf32, #tpu.memory_space<vmem>>, vector<16xf32>,
      tpu.vector_store %arg23[%swap3A_1527, %swap3A_1528], %gather3A_1503 {strides = array<i32>} : memref<16x32xf32, #tpu.memory_space<vmem>>, vector<16xf32>,
      %slice3A_1530 = vector.extract_strided_slice %get3A_11 {offsets = [14], sizes = [1], strides = [1]} : vector<16xi32> to vector<1xi32>
      %squeeze3A_1531 = vector.extract %slice3A_1530[0] : i32 from vector<1xi32>
      %mul3A_1532 = arith.constant 128 : i32
      %mul3A_1533 = arith.muli %squeeze3A_1531, %mul3A_1532 : i32
      %slice3A_1534 = vector.extract_strided_slice %get3A_13 {offsets = [14], sizes = [1], strides = [1]} : vector<16xi32> to vector<1xi32>
      %squeeze3A_1535 = vector.extract %slice3A_1534[0] : i32 from vector<1xi32>
      %mul3A_1536 = arith.constant 128 : i32
      %mul3A_1537 = arith.muli %squeeze3A_1535, %mul3A_1536 : i32
      %dma_start3A_1538 = arith.constant 64 : i32
      %dma_start3A_1539 = arith.constant 0 : i32
      %dma_start3A_1540 = tpu.memref_slice %arg17[%dma_start3A_1538, %dma_start3A_1539] : memref<192x128xf32, #tpu.memory_space<vmem>> -> memref<32x128xf32, #tpu.memory_space<vmem>>
      %dma_start3A_1541 = arith.constant 0 : i32
      %dma_start3A_1542 = tpu.memref_slice %arg6[%dma_start3A_1541, %mul3A_1533] : memref<32x1000000xf32, #tpu.memory_space<hbm>> -> memref<32x128xf32, #tpu.memory_space<hbm>>
      %dma_start3A_1543 = arith.constant 64 : i32
      %dma_start3A_1544 = arith.constant 0 : i32
      %dma_start3A_1545 = tpu.memref_slice %arg17[%dma_start3A_1543, %dma_start3A_1544] : memref<192x128xf32, #tpu.memory_space<vmem>> -> memref<32x128xf32, #tpu.memory_space<vmem>>
      %dma_start3A_1546 = arith.constant 0 : i32
      %dma_start3A_1547 = tpu.memref_slice %arg6[%dma_start3A_1546, %mul3A_1533] : memref<32x1000000xf32, #tpu.memory_space<hbm>> -> memref<32x128xf32, #tpu.memory_space<hbm>>
      tpu.enqueue_dma source(%dma_start3A_1547 : memref<32x128xf32, #tpu.memory_space<hbm>>) target(%dma_start3A_1545 : memref<32x128xf32, #tpu.memory_space<vmem>>) target_semaphore(%arg26 : memref<!tpu.dma_semaphore, #tpu.memory_space<semaphore_mem>>)
      %dma_start3A_1548 = arith.constant 64 : i32
      %dma_start3A_1549 = arith.constant 0 : i32
      %dma_start3A_1550 = tpu.memref_slice %arg18[%dma_start3A_1548, %dma_start3A_1549] : memref<192x128xf32, #tpu.memory_space<vmem>> -> memref<32x128xf32, #tpu.memory_space<vmem>>
      %dma_start3A_1551 = arith.constant 0 : i32
      %dma_start3A_1552 = tpu.memref_slice %arg7[%dma_start3A_1551, %mul3A_1537] : memref<32x1000000xf32, #tpu.memory_space<hbm>> -> memref<32x128xf32, #tpu.memory_space<hbm>>
      %dma_start3A_1553 = arith.constant 64 : i32
      %dma_start3A_1554 = arith.constant 0 : i32
      %dma_start3A_1555 = tpu.memref_slice %arg18[%dma_start3A_1553, %dma_start3A_1554] : memref<192x128xf32, #tpu.memory_space<vmem>> -> memref<32x128xf32, #tpu.memory_space<vmem>>
      %dma_start3A_1556 = arith.constant 0 : i32
      %dma_start3A_1557 = tpu.memref_slice %arg7[%dma_start3A_1556, %mul3A_1537] : memref<32x1000000xf32, #tpu.memory_space<hbm>> -> memref<32x128xf32, #tpu.memory_space<hbm>>
      tpu.enqueue_dma source(%dma_start3A_1557 : memref<32x128xf32, #tpu.memory_space<hbm>>) target(%dma_start3A_1555 : memref<32x128xf32, #tpu.memory_space<vmem>>) target_semaphore(%arg26 : memref<!tpu.dma_semaphore, #tpu.memory_space<semaphore_mem>>)
      %dma_start3A_1558 = arith.constant 64 : i32
      %dma_start3A_1559 = arith.constant 0 : i32
      %dma_start3A_1560 = tpu.memref_slice %arg19[%dma_start3A_1558, %dma_start3A_1559] : memref<192x128xf32, #tpu.memory_space<vmem>> -> memref<32x128xf32, #tpu.memory_space<vmem>>
      %dma_start3A_1561 = arith.constant 0 : i32
      %dma_start3A_1562 = tpu.memref_slice %arg8[%dma_start3A_1561, %mul3A_1533] : memref<32x1000000xf32, #tpu.memory_space<hbm>> -> memref<32x128xf32, #tpu.memory_space<hbm>>
      %dma_start3A_1563 = arith.constant 64 : i32
      %dma_start3A_1564 = arith.constant 0 : i32
      %dma_start3A_1565 = tpu.memref_slice %arg19[%dma_start3A_1563, %dma_start3A_1564] : memref<192x128xf32, #tpu.memory_space<vmem>> -> memref<32x128xf32, #tpu.memory_space<vmem>>
      %dma_start3A_1566 = arith.constant 0 : i32
      %dma_start3A_1567 = tpu.memref_slice %arg8[%dma_start3A_1566, %mul3A_1533] : memref<32x1000000xf32, #tpu.memory_space<hbm>> -> memref<32x128xf32, #tpu.memory_space<hbm>>
      tpu.enqueue_dma source(%dma_start3A_1567 : memref<32x128xf32, #tpu.memory_space<hbm>>) target(%dma_start3A_1565 : memref<32x128xf32, #tpu.memory_space<vmem>>) target_semaphore(%arg26 : memref<!tpu.dma_semaphore, #tpu.memory_space<semaphore_mem>>)
      %dma_start3A_1568 = arith.constant 64 : i32
      %dma_start3A_1569 = arith.constant 0 : i32
      %dma_start3A_1570 = tpu.memref_slice %arg20[%dma_start3A_1568, %dma_start3A_1569] : memref<192x128xf32, #tpu.memory_space<vmem>> -> memref<32x128xf32, #tpu.memory_space<vmem>>
      %dma_start3A_1571 = arith.constant 0 : i32
      %dma_start3A_1572 = tpu.memref_slice %arg9[%dma_start3A_1571, %mul3A_1537] : memref<32x1000000xf32, #tpu.memory_space<hbm>> -> memref<32x128xf32, #tpu.memory_space<hbm>>
      %dma_start3A_1573 = arith.constant 64 : i32
      %dma_start3A_1574 = arith.constant 0 : i32
      %dma_start3A_1575 = tpu.memref_slice %arg20[%dma_start3A_1573, %dma_start3A_1574] : memref<192x128xf32, #tpu.memory_space<vmem>> -> memref<32x128xf32, #tpu.memory_space<vmem>>
      %dma_start3A_1576 = arith.constant 0 : i32
      %dma_start3A_1577 = tpu.memref_slice %arg9[%dma_start3A_1576, %mul3A_1537] : memref<32x1000000xf32, #tpu.memory_space<hbm>> -> memref<32x128xf32, #tpu.memory_space<hbm>>
      tpu.enqueue_dma source(%dma_start3A_1577 : memref<32x128xf32, #tpu.memory_space<hbm>>) target(%dma_start3A_1575 : memref<32x128xf32, #tpu.memory_space<vmem>>) target_semaphore(%arg26 : memref<!tpu.dma_semaphore, #tpu.memory_space<semaphore_mem>>)
      %dma_wait3A_1578 = arith.constant 96 : i32
      %dma_wait3A_1579 = arith.constant 0 : i32
      %dma_wait3A_1580 = tpu.memref_slice %arg17[%dma_wait3A_1578, %dma_wait3A_1579] : memref<192x128xf32, #tpu.memory_space<vmem>> -> memref<32x128xf32, #tpu.memory_space<vmem>>
      %dma_wait3A_1581 = arith.constant 0 : i32
      %dma_wait3A_1582 = tpu.memref_slice %arg6[%dma_wait3A_1581, %mul3A_823] : memref<32x1000000xf32, #tpu.memory_space<hbm>> -> memref<32x128xf32, #tpu.memory_space<hbm>>
      %dma_wait3A_1583 = arith.constant 96 : i32
      %dma_wait3A_1584 = arith.constant 0 : i32
      %dma_wait3A_1585 = tpu.memref_slice %arg17[%dma_wait3A_1583, %dma_wait3A_1584] : memref<192x128xf32, #tpu.memory_space<vmem>> -> memref<32x128xf32, #tpu.memory_space<vmem>>
      %dma_wait3A_1586 = arith.constant 0 : i32
      %dma_wait3A_1587 = tpu.memref_slice %arg6[%dma_wait3A_1586, %mul3A_823] : memref<32x1000000xf32, #tpu.memory_space<hbm>> -> memref<32x128xf32, #tpu.memory_space<hbm>>
      tpu.wait_dma2 semaphore(%arg27 : memref<!tpu.dma_semaphore, #tpu.memory_space<semaphore_mem>>) src(%dma_wait3A_1587 : memref<32x128xf32, #tpu.memory_space<hbm>>) dst(%dma_wait3A_1585 : memref<32x128xf32, #tpu.memory_space<vmem>>)
      %dma_wait3A_1588 = arith.constant 96 : i32
      %dma_wait3A_1589 = arith.constant 0 : i32
      %dma_wait3A_1590 = tpu.memref_slice %arg18[%dma_wait3A_1588, %dma_wait3A_1589] : memref<192x128xf32, #tpu.memory_space<vmem>> -> memref<32x128xf32, #tpu.memory_space<vmem>>
      %dma_wait3A_1591 = arith.constant 0 : i32
      %dma_wait3A_1592 = tpu.memref_slice %arg7[%dma_wait3A_1591, %mul3A_827] : memref<32x1000000xf32, #tpu.memory_space<hbm>> -> memref<32x128xf32, #tpu.memory_space<hbm>>
      %dma_wait3A_1593 = arith.constant 96 : i32
      %dma_wait3A_1594 = arith.constant 0 : i32
      %dma_wait3A_1595 = tpu.memref_slice %arg18[%dma_wait3A_1593, %dma_wait3A_1594] : memref<192x128xf32, #tpu.memory_space<vmem>> -> memref<32x128xf32, #tpu.memory_space<vmem>>
      %dma_wait3A_1596 = arith.constant 0 : i32
      %dma_wait3A_1597 = tpu.memref_slice %arg7[%dma_wait3A_1596, %mul3A_827] : memref<32x1000000xf32, #tpu.memory_space<hbm>> -> memref<32x128xf32, #tpu.memory_space<hbm>>
      tpu.wait_dma2 semaphore(%arg27 : memref<!tpu.dma_semaphore, #tpu.memory_space<semaphore_mem>>) src(%dma_wait3A_1597 : memref<32x128xf32, #tpu.memory_space<hbm>>) dst(%dma_wait3A_1595 : memref<32x128xf32, #tpu.memory_space<vmem>>)
      %dma_wait3A_1598 = arith.constant 96 : i32
      %dma_wait3A_1599 = arith.constant 0 : i32
      %dma_wait3A_1600 = tpu.memref_slice %arg19[%dma_wait3A_1598, %dma_wait3A_1599] : memref<192x128xf32, #tpu.memory_space<vmem>> -> memref<32x128xf32, #tpu.memory_space<vmem>>
      %dma_wait3A_1601 = arith.constant 0 : i32
      %dma_wait3A_1602 = tpu.memref_slice %arg8[%dma_wait3A_1601, %mul3A_823] : memref<32x1000000xf32, #tpu.memory_space<hbm>> -> memref<32x128xf32, #tpu.memory_space<hbm>>
      %dma_wait3A_1603 = arith.constant 96 : i32
      %dma_wait3A_1604 = arith.constant 0 : i32
      %dma_wait3A_1605 = tpu.memref_slice %arg19[%dma_wait3A_1603, %dma_wait3A_1604] : memref<192x128xf32, #tpu.memory_space<vmem>> -> memref<32x128xf32, #tpu.memory_space<vmem>>
      %dma_wait3A_1606 = arith.constant 0 : i32
      %dma_wait3A_1607 = tpu.memref_slice %arg8[%dma_wait3A_1606, %mul3A_823] : memref<32x1000000xf32, #tpu.memory_space<hbm>> -> memref<32x128xf32, #tpu.memory_space<hbm>>
      tpu.wait_dma2 semaphore(%arg27 : memref<!tpu.dma_semaphore, #tpu.memory_space<semaphore_mem>>) src(%dma_wait3A_1607 : memref<32x128xf32, #tpu.memory_space<hbm>>) dst(%dma_wait3A_1605 : memref<32x128xf32, #tpu.memory_space<vmem>>)
      %dma_wait3A_1608 = arith.constant 96 : i32
      %dma_wait3A_1609 = arith.constant 0 : i32
      %dma_wait3A_1610 = tpu.memref_slice %arg20[%dma_wait3A_1608, %dma_wait3A_1609] : memref<192x128xf32, #tpu.memory_space<vmem>> -> memref<32x128xf32, #tpu.memory_space<vmem>>
      %dma_wait3A_1611 = arith.constant 0 : i32
      %dma_wait3A_1612 = tpu.memref_slice %arg9[%dma_wait3A_1611, %mul3A_827] : memref<32x1000000xf32, #tpu.memory_space<hbm>> -> memref<32x128xf32, #tpu.memory_space<hbm>>
      %dma_wait3A_1613 = arith.constant 96 : i32
      %dma_wait3A_1614 = arith.constant 0 : i32
      %dma_wait3A_1615 = tpu.memref_slice %arg20[%dma_wait3A_1613, %dma_wait3A_1614] : memref<192x128xf32, #tpu.memory_space<vmem>> -> memref<32x128xf32, #tpu.memory_space<vmem>>
      %dma_wait3A_1616 = arith.constant 0 : i32
      %dma_wait3A_1617 = tpu.memref_slice %arg9[%dma_wait3A_1616, %mul3A_827] : memref<32x1000000xf32, #tpu.memory_space<hbm>> -> memref<32x128xf32, #tpu.memory_space<hbm>>
      tpu.wait_dma2 semaphore(%arg27 : memref<!tpu.dma_semaphore, #tpu.memory_space<semaphore_mem>>) src(%dma_wait3A_1617 : memref<32x128xf32, #tpu.memory_space<hbm>>) dst(%dma_wait3A_1615 : memref<32x128xf32, #tpu.memory_space<vmem>>)
      %mul3A_1618 = arith.constant 0 : i32
      %mul3A_1619 = vector.broadcast %mul3A_1618 : i32 to vector<16xi32>
      %mul3A_1620 = arith.muli %iota3A, %mul3A_1619 : vector<16xi32>
      %slice3A_1621 = vector.extract_strided_slice %get3A_15 {offsets = [9], sizes = [1], strides = [1]} : vector<16xi32> to vector<1xi32>
      %squeeze3A_1622 = vector.extract %slice3A_1621[0] : i32 from vector<1xi32>
      %add3A_1623 = vector.broadcast %squeeze3A_1622 : i32 to vector<16xi32>
      %add3A_1624 = arith.addi %mul3A_1620, %add3A_1623 : vector<16xi32>
      %mul3A_1625 = arith.constant 0 : i32
      %mul3A_1626 = vector.broadcast %mul3A_1625 : i32 to vector<16xi32>
      %mul3A_1627 = arith.muli %iota3A, %mul3A_1626 : vector<16xi32>
      %slice3A_1628 = vector.extract_strided_slice %get3A_17 {offsets = [9], sizes = [1], strides = [1]} : vector<16xi32> to vector<1xi32>
      %squeeze3A_1629 = vector.extract %slice3A_1628[0] : i32 from vector<1xi32>
      %add3A_1630 = vector.broadcast %squeeze3A_1629 : i32 to vector<16xi32>
      %add3A_1631 = arith.addi %mul3A_1627, %add3A_1630 : vector<16xi32>
      %add3A_1632 = arith.constant 96 : i32
      %add3A_1633 = vector.broadcast %add3A_1632 : i32 to vector<16xi32>
      %add3A_1634 = arith.addi %iota3A, %add3A_1633 : vector<16xi32>
      %add3A_1635 = arith.constant 16 : i32
      %add3A_1636 = vector.broadcast %add3A_1635 : i32 to vector<16xi32>
      %add3A_1637 = arith.addi %add3A_1634, %add3A_1636 : vector<16xi32>
      %gather3A_1638 = tpu.vector_load_idx %arg17[%add3A_1634, %add3A_1624] : memref<192x128xf32, #tpu.memory_space<vmem>>[vector<16xi32>, vector<16xi32>], vector<16xf32>,
      %gather3A_1639 = tpu.vector_load_idx %arg17[%add3A_1637, %add3A_1624] : memref<192x128xf32, #tpu.memory_space<vmem>>[vector<16xi32>, vector<16xi32>], vector<16xf32>,
      %gather3A_1640 = tpu.vector_load_idx %arg18[%add3A_1634, %add3A_1631] : memref<192x128xf32, #tpu.memory_space<vmem>>[vector<16xi32>, vector<16xi32>], vector<16xf32>,
      %gather3A_1641 = tpu.vector_load_idx %arg18[%add3A_1637, %add3A_1631] : memref<192x128xf32, #tpu.memory_space<vmem>>[vector<16xi32>, vector<16xi32>], vector<16xf32>,
      %gather3A_1642 = tpu.vector_load_idx %arg19[%add3A_1634, %add3A_1624] : memref<192x128xf32, #tpu.memory_space<vmem>>[vector<16xi32>, vector<16xi32>], vector<16xf32>,
      %gather3A_1643 = tpu.vector_load_idx %arg19[%add3A_1637, %add3A_1624] : memref<192x128xf32, #tpu.memory_space<vmem>>[vector<16xi32>, vector<16xi32>], vector<16xf32>,
      %gather3A_1644 = tpu.vector_load_idx %arg20[%add3A_1634, %add3A_1631] : memref<192x128xf32, #tpu.memory_space<vmem>>[vector<16xi32>, vector<16xi32>], vector<16xf32>,
      %gather3A_1645 = tpu.vector_load_idx %arg20[%add3A_1637, %add3A_1631] : memref<192x128xf32, #tpu.memory_space<vmem>>[vector<16xi32>, vector<16xi32>], vector<16xf32>,
      %mul3A_1646 = arith.mulf %gather3A_1638, %gather3A_1640 : vector<16xf32>
      %swap3A_1647 = arith.constant 9 : i32
      %swap3A_1648 = arith.index_cast %swap3A_1647 : i32 to index
      %swap3A_1649 = arith.constant 0 : index
      %swap3A_1650 = tpu.vector_load %arg21[%swap3A_1648, %swap3A_1649] {strides = array<i32>} : memref<16x32xf32, #tpu.memory_space<vmem>>, vector<16xf32>,
      tpu.vector_store %arg21[%swap3A_1648, %swap3A_1649], %mul3A_1646 {strides = array<i32>} : memref<16x32xf32, #tpu.memory_space<vmem>>, vector<16xf32>,
      %mul3A_1651 = arith.mulf %gather3A_1639, %gather3A_1641 : vector<16xf32>
      %swap3A_1652 = arith.constant 9 : i32
      %swap3A_1653 = arith.index_cast %swap3A_1652 : i32 to index
      %swap3A_1654 = arith.constant 16 : index
      %swap3A_1655 = tpu.vector_load %arg21[%swap3A_1653, %swap3A_1654] {strides = array<i32>} : memref<16x32xf32, #tpu.memory_space<vmem>>, vector<16xf32>,
      tpu.vector_store %arg21[%swap3A_1653, %swap3A_1654], %mul3A_1651 {strides = array<i32>} : memref<16x32xf32, #tpu.memory_space<vmem>>, vector<16xf32>,
      %swap3A_1656 = arith.constant 9 : i32
      %swap3A_1657 = arith.index_cast %swap3A_1656 : i32 to index
      %swap3A_1658 = arith.constant 0 : index
      %swap3A_1659 = tpu.vector_load %arg22[%swap3A_1657, %swap3A_1658] {strides = array<i32>} : memref<16x32xf32, #tpu.memory_space<vmem>>, vector<16xf32>,
      tpu.vector_store %arg22[%swap3A_1657, %swap3A_1658], %gather3A_1642 {strides = array<i32>} : memref<16x32xf32, #tpu.memory_space<vmem>>, vector<16xf32>,
      %swap3A_1660 = arith.constant 9 : i32
      %swap3A_1661 = arith.index_cast %swap3A_1660 : i32 to index
      %swap3A_1662 = arith.constant 16 : index
      %swap3A_1663 = tpu.vector_load %arg22[%swap3A_1661, %swap3A_1662] {strides = array<i32>} : memref<16x32xf32, #tpu.memory_space<vmem>>, vector<16xf32>,
      tpu.vector_store %arg22[%swap3A_1661, %swap3A_1662], %gather3A_1643 {strides = array<i32>} : memref<16x32xf32, #tpu.memory_space<vmem>>, vector<16xf32>,
      %swap3A_1664 = arith.constant 9 : i32
      %swap3A_1665 = arith.index_cast %swap3A_1664 : i32 to index
      %swap3A_1666 = arith.constant 0 : index
      %swap3A_1667 = tpu.vector_load %arg23[%swap3A_1665, %swap3A_1666] {strides = array<i32>} : memref<16x32xf32, #tpu.memory_space<vmem>>, vector<16xf32>,
      tpu.vector_store %arg23[%swap3A_1665, %swap3A_1666], %gather3A_1644 {strides = array<i32>} : memref<16x32xf32, #tpu.memory_space<vmem>>, vector<16xf32>,
      %swap3A_1668 = arith.constant 9 : i32
      %swap3A_1669 = arith.index_cast %swap3A_1668 : i32 to index
      %swap3A_1670 = arith.constant 16 : index
      %swap3A_1671 = tpu.vector_load %arg23[%swap3A_1669, %swap3A_1670] {strides = array<i32>} : memref<16x32xf32, #tpu.memory_space<vmem>>, vector<16xf32>,
      tpu.vector_store %arg23[%swap3A_1669, %swap3A_1670], %gather3A_1645 {strides = array<i32>} : memref<16x32xf32, #tpu.memory_space<vmem>>, vector<16xf32>,
      %slice3A_1672 = vector.extract_strided_slice %get3A_11 {offsets = [15], sizes = [1], strides = [1]} : vector<16xi32> to vector<1xi32>
      %squeeze3A_1673 = vector.extract %slice3A_1672[0] : i32 from vector<1xi32>
      %mul3A_1674 = arith.constant 128 : i32
      %mul3A_1675 = arith.muli %squeeze3A_1673, %mul3A_1674 : i32
      %slice3A_1676 = vector.extract_strided_slice %get3A_13 {offsets = [15], sizes = [1], strides = [1]} : vector<16xi32> to vector<1xi32>
      %squeeze3A_1677 = vector.extract %slice3A_1676[0] : i32 from vector<1xi32>
      %mul3A_1678 = arith.constant 128 : i32
      %mul3A_1679 = arith.muli %squeeze3A_1677, %mul3A_1678 : i32
      %dma_start3A_1680 = arith.constant 96 : i32
      %dma_start3A_1681 = arith.constant 0 : i32
      %dma_start3A_1682 = tpu.memref_slice %arg17[%dma_start3A_1680, %dma_start3A_1681] : memref<192x128xf32, #tpu.memory_space<vmem>> -> memref<32x128xf32, #tpu.memory_space<vmem>>
      %dma_start3A_1683 = arith.constant 0 : i32
      %dma_start3A_1684 = tpu.memref_slice %arg6[%dma_start3A_1683, %mul3A_1675] : memref<32x1000000xf32, #tpu.memory_space<hbm>> -> memref<32x128xf32, #tpu.memory_space<hbm>>
      %dma_start3A_1685 = arith.constant 96 : i32
      %dma_start3A_1686 = arith.constant 0 : i32
      %dma_start3A_1687 = tpu.memref_slice %arg17[%dma_start3A_1685, %dma_start3A_1686] : memref<192x128xf32, #tpu.memory_space<vmem>> -> memref<32x128xf32, #tpu.memory_space<vmem>>
      %dma_start3A_1688 = arith.constant 0 : i32
      %dma_start3A_1689 = tpu.memref_slice %arg6[%dma_start3A_1688, %mul3A_1675] : memref<32x1000000xf32, #tpu.memory_space<hbm>> -> memref<32x128xf32, #tpu.memory_space<hbm>>
      tpu.enqueue_dma source(%dma_start3A_1689 : memref<32x128xf32, #tpu.memory_space<hbm>>) target(%dma_start3A_1687 : memref<32x128xf32, #tpu.memory_space<vmem>>) target_semaphore(%arg27 : memref<!tpu.dma_semaphore, #tpu.memory_space<semaphore_mem>>)
      %dma_start3A_1690 = arith.constant 96 : i32
      %dma_start3A_1691 = arith.constant 0 : i32
      %dma_start3A_1692 = tpu.memref_slice %arg18[%dma_start3A_1690, %dma_start3A_1691] : memref<192x128xf32, #tpu.memory_space<vmem>> -> memref<32x128xf32, #tpu.memory_space<vmem>>
      %dma_start3A_1693 = arith.constant 0 : i32
      %dma_start3A_1694 = tpu.memref_slice %arg7[%dma_start3A_1693, %mul3A_1679] : memref<32x1000000xf32, #tpu.memory_space<hbm>> -> memref<32x128xf32, #tpu.memory_space<hbm>>
      %dma_start3A_1695 = arith.constant 96 : i32
      %dma_start3A_1696 = arith.constant 0 : i32
      %dma_start3A_1697 = tpu.memref_slice %arg18[%dma_start3A_1695, %dma_start3A_1696] : memref<192x128xf32, #tpu.memory_space<vmem>> -> memref<32x128xf32, #tpu.memory_space<vmem>>
      %dma_start3A_1698 = arith.constant 0 : i32
      %dma_start3A_1699 = tpu.memref_slice %arg7[%dma_start3A_1698, %mul3A_1679] : memref<32x1000000xf32, #tpu.memory_space<hbm>> -> memref<32x128xf32, #tpu.memory_space<hbm>>
      tpu.enqueue_dma source(%dma_start3A_1699 : memref<32x128xf32, #tpu.memory_space<hbm>>) target(%dma_start3A_1697 : memref<32x128xf32, #tpu.memory_space<vmem>>) target_semaphore(%arg27 : memref<!tpu.dma_semaphore, #tpu.memory_space<semaphore_mem>>)
      %dma_start3A_1700 = arith.constant 96 : i32
      %dma_start3A_1701 = arith.constant 0 : i32
      %dma_start3A_1702 = tpu.memref_slice %arg19[%dma_start3A_1700, %dma_start3A_1701] : memref<192x128xf32, #tpu.memory_space<vmem>> -> memref<32x128xf32, #tpu.memory_space<vmem>>
      %dma_start3A_1703 = arith.constant 0 : i32
      %dma_start3A_1704 = tpu.memref_slice %arg8[%dma_start3A_1703, %mul3A_1675] : memref<32x1000000xf32, #tpu.memory_space<hbm>> -> memref<32x128xf32, #tpu.memory_space<hbm>>
      %dma_start3A_1705 = arith.constant 96 : i32
      %dma_start3A_1706 = arith.constant 0 : i32
      %dma_start3A_1707 = tpu.memref_slice %arg19[%dma_start3A_1705, %dma_start3A_1706] : memref<192x128xf32, #tpu.memory_space<vmem>> -> memref<32x128xf32, #tpu.memory_space<vmem>>
      %dma_start3A_1708 = arith.constant 0 : i32
      %dma_start3A_1709 = tpu.memref_slice %arg8[%dma_start3A_1708, %mul3A_1675] : memref<32x1000000xf32, #tpu.memory_space<hbm>> -> memref<32x128xf32, #tpu.memory_space<hbm>>
      tpu.enqueue_dma source(%dma_start3A_1709 : memref<32x128xf32, #tpu.memory_space<hbm>>) target(%dma_start3A_1707 : memref<32x128xf32, #tpu.memory_space<vmem>>) target_semaphore(%arg27 : memref<!tpu.dma_semaphore, #tpu.memory_space<semaphore_mem>>)
      %dma_start3A_1710 = arith.constant 96 : i32
      %dma_start3A_1711 = arith.constant 0 : i32
      %dma_start3A_1712 = tpu.memref_slice %arg20[%dma_start3A_1710, %dma_start3A_1711] : memref<192x128xf32, #tpu.memory_space<vmem>> -> memref<32x128xf32, #tpu.memory_space<vmem>>
      %dma_start3A_1713 = arith.constant 0 : i32
      %dma_start3A_1714 = tpu.memref_slice %arg9[%dma_start3A_1713, %mul3A_1679] : memref<32x1000000xf32, #tpu.memory_space<hbm>> -> memref<32x128xf32, #tpu.memory_space<hbm>>
      %dma_start3A_1715 = arith.constant 96 : i32
      %dma_start3A_1716 = arith.constant 0 : i32
      %dma_start3A_1717 = tpu.memref_slice %arg20[%dma_start3A_1715, %dma_start3A_1716] : memref<192x128xf32, #tpu.memory_space<vmem>> -> memref<32x128xf32, #tpu.memory_space<vmem>>
      %dma_start3A_1718 = arith.constant 0 : i32
      %dma_start3A_1719 = tpu.memref_slice %arg9[%dma_start3A_1718, %mul3A_1679] : memref<32x1000000xf32, #tpu.memory_space<hbm>> -> memref<32x128xf32, #tpu.memory_space<hbm>>
      tpu.enqueue_dma source(%dma_start3A_1719 : memref<32x128xf32, #tpu.memory_space<hbm>>) target(%dma_start3A_1717 : memref<32x128xf32, #tpu.memory_space<vmem>>) target_semaphore(%arg27 : memref<!tpu.dma_semaphore, #tpu.memory_space<semaphore_mem>>)
      %dma_wait3A_1720 = arith.constant 128 : i32
      %dma_wait3A_1721 = arith.constant 0 : i32
      %dma_wait3A_1722 = tpu.memref_slice %arg17[%dma_wait3A_1720, %dma_wait3A_1721] : memref<192x128xf32, #tpu.memory_space<vmem>> -> memref<32x128xf32, #tpu.memory_space<vmem>>
      %dma_wait3A_1723 = arith.constant 0 : i32
      %dma_wait3A_1724 = tpu.memref_slice %arg6[%dma_wait3A_1723, %mul3A_965] : memref<32x1000000xf32, #tpu.memory_space<hbm>> -> memref<32x128xf32, #tpu.memory_space<hbm>>
      %dma_wait3A_1725 = arith.constant 128 : i32
      %dma_wait3A_1726 = arith.constant 0 : i32
      %dma_wait3A_1727 = tpu.memref_slice %arg17[%dma_wait3A_1725, %dma_wait3A_1726] : memref<192x128xf32, #tpu.memory_space<vmem>> -> memref<32x128xf32, #tpu.memory_space<vmem>>
      %dma_wait3A_1728 = arith.constant 0 : i32
      %dma_wait3A_1729 = tpu.memref_slice %arg6[%dma_wait3A_1728, %mul3A_965] : memref<32x1000000xf32, #tpu.memory_space<hbm>> -> memref<32x128xf32, #tpu.memory_space<hbm>>
      tpu.wait_dma2 semaphore(%arg28 : memref<!tpu.dma_semaphore, #tpu.memory_space<semaphore_mem>>) src(%dma_wait3A_1729 : memref<32x128xf32, #tpu.memory_space<hbm>>) dst(%dma_wait3A_1727 : memref<32x128xf32, #tpu.memory_space<vmem>>)
      %dma_wait3A_1730 = arith.constant 128 : i32
      %dma_wait3A_1731 = arith.constant 0 : i32
      %dma_wait3A_1732 = tpu.memref_slice %arg18[%dma_wait3A_1730, %dma_wait3A_1731] : memref<192x128xf32, #tpu.memory_space<vmem>> -> memref<32x128xf32, #tpu.memory_space<vmem>>
      %dma_wait3A_1733 = arith.constant 0 : i32
      %dma_wait3A_1734 = tpu.memref_slice %arg7[%dma_wait3A_1733, %mul3A_969] : memref<32x1000000xf32, #tpu.memory_space<hbm>> -> memref<32x128xf32, #tpu.memory_space<hbm>>
      %dma_wait3A_1735 = arith.constant 128 : i32
      %dma_wait3A_1736 = arith.constant 0 : i32
      %dma_wait3A_1737 = tpu.memref_slice %arg18[%dma_wait3A_1735, %dma_wait3A_1736] : memref<192x128xf32, #tpu.memory_space<vmem>> -> memref<32x128xf32, #tpu.memory_space<vmem>>
      %dma_wait3A_1738 = arith.constant 0 : i32
      %dma_wait3A_1739 = tpu.memref_slice %arg7[%dma_wait3A_1738, %mul3A_969] : memref<32x1000000xf32, #tpu.memory_space<hbm>> -> memref<32x128xf32, #tpu.memory_space<hbm>>
      tpu.wait_dma2 semaphore(%arg28 : memref<!tpu.dma_semaphore, #tpu.memory_space<semaphore_mem>>) src(%dma_wait3A_1739 : memref<32x128xf32, #tpu.memory_space<hbm>>) dst(%dma_wait3A_1737 : memref<32x128xf32, #tpu.memory_space<vmem>>)
      %dma_wait3A_1740 = arith.constant 128 : i32
      %dma_wait3A_1741 = arith.constant 0 : i32
      %dma_wait3A_1742 = tpu.memref_slice %arg19[%dma_wait3A_1740, %dma_wait3A_1741] : memref<192x128xf32, #tpu.memory_space<vmem>> -> memref<32x128xf32, #tpu.memory_space<vmem>>
      %dma_wait3A_1743 = arith.constant 0 : i32
      %dma_wait3A_1744 = tpu.memref_slice %arg8[%dma_wait3A_1743, %mul3A_965] : memref<32x1000000xf32, #tpu.memory_space<hbm>> -> memref<32x128xf32, #tpu.memory_space<hbm>>
      %dma_wait3A_1745 = arith.constant 128 : i32
      %dma_wait3A_1746 = arith.constant 0 : i32
      %dma_wait3A_1747 = tpu.memref_slice %arg19[%dma_wait3A_1745, %dma_wait3A_1746] : memref<192x128xf32, #tpu.memory_space<vmem>> -> memref<32x128xf32, #tpu.memory_space<vmem>>
      %dma_wait3A_1748 = arith.constant 0 : i32
      %dma_wait3A_1749 = tpu.memref_slice %arg8[%dma_wait3A_1748, %mul3A_965] : memref<32x1000000xf32, #tpu.memory_space<hbm>> -> memref<32x128xf32, #tpu.memory_space<hbm>>
      tpu.wait_dma2 semaphore(%arg28 : memref<!tpu.dma_semaphore, #tpu.memory_space<semaphore_mem>>) src(%dma_wait3A_1749 : memref<32x128xf32, #tpu.memory_space<hbm>>) dst(%dma_wait3A_1747 : memref<32x128xf32, #tpu.memory_space<vmem>>)
      %dma_wait3A_1750 = arith.constant 128 : i32
      %dma_wait3A_1751 = arith.constant 0 : i32
      %dma_wait3A_1752 = tpu.memref_slice %arg20[%dma_wait3A_1750, %dma_wait3A_1751] : memref<192x128xf32, #tpu.memory_space<vmem>> -> memref<32x128xf32, #tpu.memory_space<vmem>>
      %dma_wait3A_1753 = arith.constant 0 : i32
      %dma_wait3A_1754 = tpu.memref_slice %arg9[%dma_wait3A_1753, %mul3A_969] : memref<32x1000000xf32, #tpu.memory_space<hbm>> -> memref<32x128xf32, #tpu.memory_space<hbm>>
      %dma_wait3A_1755 = arith.constant 128 : i32
      %dma_wait3A_1756 = arith.constant 0 : i32
      %dma_wait3A_1757 = tpu.memref_slice %arg20[%dma_wait3A_1755, %dma_wait3A_1756] : memref<192x128xf32, #tpu.memory_space<vmem>> -> memref<32x128xf32, #tpu.memory_space<vmem>>
      %dma_wait3A_1758 = arith.constant 0 : i32
      %dma_wait3A_1759 = tpu.memref_slice %arg9[%dma_wait3A_1758, %mul3A_969] : memref<32x1000000xf32, #tpu.memory_space<hbm>> -> memref<32x128xf32, #tpu.memory_space<hbm>>
      tpu.wait_dma2 semaphore(%arg28 : memref<!tpu.dma_semaphore, #tpu.memory_space<semaphore_mem>>) src(%dma_wait3A_1759 : memref<32x128xf32, #tpu.memory_space<hbm>>) dst(%dma_wait3A_1757 : memref<32x128xf32, #tpu.memory_space<vmem>>)
      %mul3A_1760 = arith.constant 0 : i32
      %mul3A_1761 = vector.broadcast %mul3A_1760 : i32 to vector<16xi32>
      %mul3A_1762 = arith.muli %iota3A, %mul3A_1761 : vector<16xi32>
      %slice3A_1763 = vector.extract_strided_slice %get3A_15 {offsets = [10], sizes = [1], strides = [1]} : vector<16xi32> to vector<1xi32>
      %squeeze3A_1764 = vector.extract %slice3A_1763[0] : i32 from vector<1xi32>
      %add3A_1765 = vector.broadcast %squeeze3A_1764 : i32 to vector<16xi32>
      %add3A_1766 = arith.addi %mul3A_1762, %add3A_1765 : vector<16xi32>
      %mul3A_1767 = arith.constant 0 : i32
      %mul3A_1768 = vector.broadcast %mul3A_1767 : i32 to vector<16xi32>
      %mul3A_1769 = arith.muli %iota3A, %mul3A_1768 : vector<16xi32>
      %slice3A_1770 = vector.extract_strided_slice %get3A_17 {offsets = [10], sizes = [1], strides = [1]} : vector<16xi32> to vector<1xi32>
      %squeeze3A_1771 = vector.extract %slice3A_1770[0] : i32 from vector<1xi32>
      %add3A_1772 = vector.broadcast %squeeze3A_1771 : i32 to vector<16xi32>
      %add3A_1773 = arith.addi %mul3A_1769, %add3A_1772 : vector<16xi32>
      %add3A_1774 = arith.constant 128 : i32
      %add3A_1775 = vector.broadcast %add3A_1774 : i32 to vector<16xi32>
      %add3A_1776 = arith.addi %iota3A, %add3A_1775 : vector<16xi32>
      %add3A_1777 = arith.constant 16 : i32
      %add3A_1778 = vector.broadcast %add3A_1777 : i32 to vector<16xi32>
      %add3A_1779 = arith.addi %add3A_1776, %add3A_1778 : vector<16xi32>
      %gather3A_1780 = tpu.vector_load_idx %arg17[%add3A_1776, %add3A_1766] : memref<192x128xf32, #tpu.memory_space<vmem>>[vector<16xi32>, vector<16xi32>], vector<16xf32>,
      %gather3A_1781 = tpu.vector_load_idx %arg17[%add3A_1779, %add3A_1766] : memref<192x128xf32, #tpu.memory_space<vmem>>[vector<16xi32>, vector<16xi32>], vector<16xf32>,
      %gather3A_1782 = tpu.vector_load_idx %arg18[%add3A_1776, %add3A_1773] : memref<192x128xf32, #tpu.memory_space<vmem>>[vector<16xi32>, vector<16xi32>], vector<16xf32>,
      %gather3A_1783 = tpu.vector_load_idx %arg18[%add3A_1779, %add3A_1773] : memref<192x128xf32, #tpu.memory_space<vmem>>[vector<16xi32>, vector<16xi32>], vector<16xf32>,
      %gather3A_1784 = tpu.vector_load_idx %arg19[%add3A_1776, %add3A_1766] : memref<192x128xf32, #tpu.memory_space<vmem>>[vector<16xi32>, vector<16xi32>], vector<16xf32>,
      %gather3A_1785 = tpu.vector_load_idx %arg19[%add3A_1779, %add3A_1766] : memref<192x128xf32, #tpu.memory_space<vmem>>[vector<16xi32>, vector<16xi32>], vector<16xf32>,
      %gather3A_1786 = tpu.vector_load_idx %arg20[%add3A_1776, %add3A_1773] : memref<192x128xf32, #tpu.memory_space<vmem>>[vector<16xi32>, vector<16xi32>], vector<16xf32>,
      %gather3A_1787 = tpu.vector_load_idx %arg20[%add3A_1779, %add3A_1773] : memref<192x128xf32, #tpu.memory_space<vmem>>[vector<16xi32>, vector<16xi32>], vector<16xf32>,
      %mul3A_1788 = arith.mulf %gather3A_1780, %gather3A_1782 : vector<16xf32>
      %swap3A_1789 = arith.constant 10 : i32
      %swap3A_1790 = arith.index_cast %swap3A_1789 : i32 to index
      %swap3A_1791 = arith.constant 0 : index
      %swap3A_1792 = tpu.vector_load %arg21[%swap3A_1790, %swap3A_1791] {strides = array<i32>} : memref<16x32xf32, #tpu.memory_space<vmem>>, vector<16xf32>,
      tpu.vector_store %arg21[%swap3A_1790, %swap3A_1791], %mul3A_1788 {strides = array<i32>} : memref<16x32xf32, #tpu.memory_space<vmem>>, vector<16xf32>,
      %mul3A_1793 = arith.mulf %gather3A_1781, %gather3A_1783 : vector<16xf32>
      %swap3A_1794 = arith.constant 10 : i32
      %swap3A_1795 = arith.index_cast %swap3A_1794 : i32 to index
      %swap3A_1796 = arith.constant 16 : index
      %swap3A_1797 = tpu.vector_load %arg21[%swap3A_1795, %swap3A_1796] {strides = array<i32>} : memref<16x32xf32, #tpu.memory_space<vmem>>, vector<16xf32>,
      tpu.vector_store %arg21[%swap3A_1795, %swap3A_1796], %mul3A_1793 {strides = array<i32>} : memref<16x32xf32, #tpu.memory_space<vmem>>, vector<16xf32>,
      %swap3A_1798 = arith.constant 10 : i32
      %swap3A_1799 = arith.index_cast %swap3A_1798 : i32 to index
      %swap3A_1800 = arith.constant 0 : index
      %swap3A_1801 = tpu.vector_load %arg22[%swap3A_1799, %swap3A_1800] {strides = array<i32>} : memref<16x32xf32, #tpu.memory_space<vmem>>, vector<16xf32>,
      tpu.vector_store %arg22[%swap3A_1799, %swap3A_1800], %gather3A_1784 {strides = array<i32>} : memref<16x32xf32, #tpu.memory_space<vmem>>, vector<16xf32>,
      %swap3A_1802 = arith.constant 10 : i32
      %swap3A_1803 = arith.index_cast %swap3A_1802 : i32 to index
      %swap3A_1804 = arith.constant 16 : index
      %swap3A_1805 = tpu.vector_load %arg22[%swap3A_1803, %swap3A_1804] {strides = array<i32>} : memref<16x32xf32, #tpu.memory_space<vmem>>, vector<16xf32>,
      tpu.vector_store %arg22[%swap3A_1803, %swap3A_1804], %gather3A_1785 {strides = array<i32>} : memref<16x32xf32, #tpu.memory_space<vmem>>, vector<16xf32>,
      %swap3A_1806 = arith.constant 10 : i32
      %swap3A_1807 = arith.index_cast %swap3A_1806 : i32 to index
      %swap3A_1808 = arith.constant 0 : index
      %swap3A_1809 = tpu.vector_load %arg23[%swap3A_1807, %swap3A_1808] {strides = array<i32>} : memref<16x32xf32, #tpu.memory_space<vmem>>, vector<16xf32>,
      tpu.vector_store %arg23[%swap3A_1807, %swap3A_1808], %gather3A_1786 {strides = array<i32>} : memref<16x32xf32, #tpu.memory_space<vmem>>, vector<16xf32>,
      %swap3A_1810 = arith.constant 10 : i32
      %swap3A_1811 = arith.index_cast %swap3A_1810 : i32 to index
      %swap3A_1812 = arith.constant 16 : index
      %swap3A_1813 = tpu.vector_load %arg23[%swap3A_1811, %swap3A_1812] {strides = array<i32>} : memref<16x32xf32, #tpu.memory_space<vmem>>, vector<16xf32>,
      tpu.vector_store %arg23[%swap3A_1811, %swap3A_1812], %gather3A_1787 {strides = array<i32>} : memref<16x32xf32, #tpu.memory_space<vmem>>, vector<16xf32>,
      %dma_wait3A_1814 = arith.constant 160 : i32
      %dma_wait3A_1815 = arith.constant 0 : i32
      %dma_wait3A_1816 = tpu.memref_slice %arg17[%dma_wait3A_1814, %dma_wait3A_1815] : memref<192x128xf32, #tpu.memory_space<vmem>> -> memref<32x128xf32, #tpu.memory_space<vmem>>
      %dma_wait3A_1817 = arith.constant 0 : i32
      %dma_wait3A_1818 = tpu.memref_slice %arg6[%dma_wait3A_1817, %mul3A_1107] : memref<32x1000000xf32, #tpu.memory_space<hbm>> -> memref<32x128xf32, #tpu.memory_space<hbm>>
      %dma_wait3A_1819 = arith.constant 160 : i32
      %dma_wait3A_1820 = arith.constant 0 : i32
      %dma_wait3A_1821 = tpu.memref_slice %arg17[%dma_wait3A_1819, %dma_wait3A_1820] : memref<192x128xf32, #tpu.memory_space<vmem>> -> memref<32x128xf32, #tpu.memory_space<vmem>>
      %dma_wait3A_1822 = arith.constant 0 : i32
      %dma_wait3A_1823 = tpu.memref_slice %arg6[%dma_wait3A_1822, %mul3A_1107] : memref<32x1000000xf32, #tpu.memory_space<hbm>> -> memref<32x128xf32, #tpu.memory_space<hbm>>
      tpu.wait_dma2 semaphore(%arg29 : memref<!tpu.dma_semaphore, #tpu.memory_space<semaphore_mem>>) src(%dma_wait3A_1823 : memref<32x128xf32, #tpu.memory_space<hbm>>) dst(%dma_wait3A_1821 : memref<32x128xf32, #tpu.memory_space<vmem>>)
      %dma_wait3A_1824 = arith.constant 160 : i32
      %dma_wait3A_1825 = arith.constant 0 : i32
      %dma_wait3A_1826 = tpu.memref_slice %arg18[%dma_wait3A_1824, %dma_wait3A_1825] : memref<192x128xf32, #tpu.memory_space<vmem>> -> memref<32x128xf32, #tpu.memory_space<vmem>>
      %dma_wait3A_1827 = arith.constant 0 : i32
      %dma_wait3A_1828 = tpu.memref_slice %arg7[%dma_wait3A_1827, %mul3A_1111] : memref<32x1000000xf32, #tpu.memory_space<hbm>> -> memref<32x128xf32, #tpu.memory_space<hbm>>
      %dma_wait3A_1829 = arith.constant 160 : i32
      %dma_wait3A_1830 = arith.constant 0 : i32
      %dma_wait3A_1831 = tpu.memref_slice %arg18[%dma_wait3A_1829, %dma_wait3A_1830] : memref<192x128xf32, #tpu.memory_space<vmem>> -> memref<32x128xf32, #tpu.memory_space<vmem>>
      %dma_wait3A_1832 = arith.constant 0 : i32
      %dma_wait3A_1833 = tpu.memref_slice %arg7[%dma_wait3A_1832, %mul3A_1111] : memref<32x1000000xf32, #tpu.memory_space<hbm>> -> memref<32x128xf32, #tpu.memory_space<hbm>>
      tpu.wait_dma2 semaphore(%arg29 : memref<!tpu.dma_semaphore, #tpu.memory_space<semaphore_mem>>) src(%dma_wait3A_1833 : memref<32x128xf32, #tpu.memory_space<hbm>>) dst(%dma_wait3A_1831 : memref<32x128xf32, #tpu.memory_space<vmem>>)
      %dma_wait3A_1834 = arith.constant 160 : i32
      %dma_wait3A_1835 = arith.constant 0 : i32
      %dma_wait3A_1836 = tpu.memref_slice %arg19[%dma_wait3A_1834, %dma_wait3A_1835] : memref<192x128xf32, #tpu.memory_space<vmem>> -> memref<32x128xf32, #tpu.memory_space<vmem>>
      %dma_wait3A_1837 = arith.constant 0 : i32
      %dma_wait3A_1838 = tpu.memref_slice %arg8[%dma_wait3A_1837, %mul3A_1107] : memref<32x1000000xf32, #tpu.memory_space<hbm>> -> memref<32x128xf32, #tpu.memory_space<hbm>>
      %dma_wait3A_1839 = arith.constant 160 : i32
      %dma_wait3A_1840 = arith.constant 0 : i32
      %dma_wait3A_1841 = tpu.memref_slice %arg19[%dma_wait3A_1839, %dma_wait3A_1840] : memref<192x128xf32, #tpu.memory_space<vmem>> -> memref<32x128xf32, #tpu.memory_space<vmem>>
      %dma_wait3A_1842 = arith.constant 0 : i32
      %dma_wait3A_1843 = tpu.memref_slice %arg8[%dma_wait3A_1842, %mul3A_1107] : memref<32x1000000xf32, #tpu.memory_space<hbm>> -> memref<32x128xf32, #tpu.memory_space<hbm>>
      tpu.wait_dma2 semaphore(%arg29 : memref<!tpu.dma_semaphore, #tpu.memory_space<semaphore_mem>>) src(%dma_wait3A_1843 : memref<32x128xf32, #tpu.memory_space<hbm>>) dst(%dma_wait3A_1841 : memref<32x128xf32, #tpu.memory_space<vmem>>)
      %dma_wait3A_1844 = arith.constant 160 : i32
      %dma_wait3A_1845 = arith.constant 0 : i32
      %dma_wait3A_1846 = tpu.memref_slice %arg20[%dma_wait3A_1844, %dma_wait3A_1845] : memref<192x128xf32, #tpu.memory_space<vmem>> -> memref<32x128xf32, #tpu.memory_space<vmem>>
      %dma_wait3A_1847 = arith.constant 0 : i32
      %dma_wait3A_1848 = tpu.memref_slice %arg9[%dma_wait3A_1847, %mul3A_1111] : memref<32x1000000xf32, #tpu.memory_space<hbm>> -> memref<32x128xf32, #tpu.memory_space<hbm>>
      %dma_wait3A_1849 = arith.constant 160 : i32
      %dma_wait3A_1850 = arith.constant 0 : i32
      %dma_wait3A_1851 = tpu.memref_slice %arg20[%dma_wait3A_1849, %dma_wait3A_1850] : memref<192x128xf32, #tpu.memory_space<vmem>> -> memref<32x128xf32, #tpu.memory_space<vmem>>
      %dma_wait3A_1852 = arith.constant 0 : i32
      %dma_wait3A_1853 = tpu.memref_slice %arg9[%dma_wait3A_1852, %mul3A_1111] : memref<32x1000000xf32, #tpu.memory_space<hbm>> -> memref<32x128xf32, #tpu.memory_space<hbm>>
      tpu.wait_dma2 semaphore(%arg29 : memref<!tpu.dma_semaphore, #tpu.memory_space<semaphore_mem>>) src(%dma_wait3A_1853 : memref<32x128xf32, #tpu.memory_space<hbm>>) dst(%dma_wait3A_1851 : memref<32x128xf32, #tpu.memory_space<vmem>>)
      %mul3A_1854 = arith.constant 0 : i32
      %mul3A_1855 = vector.broadcast %mul3A_1854 : i32 to vector<16xi32>
      %mul3A_1856 = arith.muli %iota3A, %mul3A_1855 : vector<16xi32>
      %slice3A_1857 = vector.extract_strided_slice %get3A_15 {offsets = [11], sizes = [1], strides = [1]} : vector<16xi32> to vector<1xi32>
      %squeeze3A_1858 = vector.extract %slice3A_1857[0] : i32 from vector<1xi32>
      %add3A_1859 = vector.broadcast %squeeze3A_1858 : i32 to vector<16xi32>
      %add3A_1860 = arith.addi %mul3A_1856, %add3A_1859 : vector<16xi32>
      %mul3A_1861 = arith.constant 0 : i32
      %mul3A_1862 = vector.broadcast %mul3A_1861 : i32 to vector<16xi32>
      %mul3A_1863 = arith.muli %iota3A, %mul3A_1862 : vector<16xi32>
      %slice3A_1864 = vector.extract_strided_slice %get3A_17 {offsets = [11], sizes = [1], strides = [1]} : vector<16xi32> to vector<1xi32>
      %squeeze3A_1865 = vector.extract %slice3A_1864[0] : i32 from vector<1xi32>
      %add3A_1866 = vector.broadcast %squeeze3A_1865 : i32 to vector<16xi32>
      %add3A_1867 = arith.addi %mul3A_1863, %add3A_1866 : vector<16xi32>
      %add3A_1868 = arith.constant 160 : i32
      %add3A_1869 = vector.broadcast %add3A_1868 : i32 to vector<16xi32>
      %add3A_1870 = arith.addi %iota3A, %add3A_1869 : vector<16xi32>
      %add3A_1871 = arith.constant 16 : i32
      %add3A_1872 = vector.broadcast %add3A_1871 : i32 to vector<16xi32>
      %add3A_1873 = arith.addi %add3A_1870, %add3A_1872 : vector<16xi32>
      %gather3A_1874 = tpu.vector_load_idx %arg17[%add3A_1870, %add3A_1860] : memref<192x128xf32, #tpu.memory_space<vmem>>[vector<16xi32>, vector<16xi32>], vector<16xf32>,
      %gather3A_1875 = tpu.vector_load_idx %arg17[%add3A_1873, %add3A_1860] : memref<192x128xf32, #tpu.memory_space<vmem>>[vector<16xi32>, vector<16xi32>], vector<16xf32>,
      %gather3A_1876 = tpu.vector_load_idx %arg18[%add3A_1870, %add3A_1867] : memref<192x128xf32, #tpu.memory_space<vmem>>[vector<16xi32>, vector<16xi32>], vector<16xf32>,
      %gather3A_1877 = tpu.vector_load_idx %arg18[%add3A_1873, %add3A_1867] : memref<192x128xf32, #tpu.memory_space<vmem>>[vector<16xi32>, vector<16xi32>], vector<16xf32>,
      %gather3A_1878 = tpu.vector_load_idx %arg19[%add3A_1870, %add3A_1860] : memref<192x128xf32, #tpu.memory_space<vmem>>[vector<16xi32>, vector<16xi32>], vector<16xf32>,
      %gather3A_1879 = tpu.vector_load_idx %arg19[%add3A_1873, %add3A_1860] : memref<192x128xf32, #tpu.memory_space<vmem>>[vector<16xi32>, vector<16xi32>], vector<16xf32>,
      %gather3A_1880 = tpu.vector_load_idx %arg20[%add3A_1870, %add3A_1867] : memref<192x128xf32, #tpu.memory_space<vmem>>[vector<16xi32>, vector<16xi32>], vector<16xf32>,
      %gather3A_1881 = tpu.vector_load_idx %arg20[%add3A_1873, %add3A_1867] : memref<192x128xf32, #tpu.memory_space<vmem>>[vector<16xi32>, vector<16xi32>], vector<16xf32>,
      %mul3A_1882 = arith.mulf %gather3A_1874, %gather3A_1876 : vector<16xf32>
      %swap3A_1883 = arith.constant 11 : i32
      %swap3A_1884 = arith.index_cast %swap3A_1883 : i32 to index
      %swap3A_1885 = arith.constant 0 : index
      %swap3A_1886 = tpu.vector_load %arg21[%swap3A_1884, %swap3A_1885] {strides = array<i32>} : memref<16x32xf32, #tpu.memory_space<vmem>>, vector<16xf32>,
      tpu.vector_store %arg21[%swap3A_1884, %swap3A_1885], %mul3A_1882 {strides = array<i32>} : memref<16x32xf32, #tpu.memory_space<vmem>>, vector<16xf32>,
      %mul3A_1887 = arith.mulf %gather3A_1875, %gather3A_1877 : vector<16xf32>
      %swap3A_1888 = arith.constant 11 : i32
      %swap3A_1889 = arith.index_cast %swap3A_1888 : i32 to index
      %swap3A_1890 = arith.constant 16 : index
      %swap3A_1891 = tpu.vector_load %arg21[%swap3A_1889, %swap3A_1890] {strides = array<i32>} : memref<16x32xf32, #tpu.memory_space<vmem>>, vector<16xf32>,
      tpu.vector_store %arg21[%swap3A_1889, %swap3A_1890], %mul3A_1887 {strides = array<i32>} : memref<16x32xf32, #tpu.memory_space<vmem>>, vector<16xf32>,
      %swap3A_1892 = arith.constant 11 : i32
      %swap3A_1893 = arith.index_cast %swap3A_1892 : i32 to index
      %swap3A_1894 = arith.constant 0 : index
      %swap3A_1895 = tpu.vector_load %arg22[%swap3A_1893, %swap3A_1894] {strides = array<i32>} : memref<16x32xf32, #tpu.memory_space<vmem>>, vector<16xf32>,
      tpu.vector_store %arg22[%swap3A_1893, %swap3A_1894], %gather3A_1878 {strides = array<i32>} : memref<16x32xf32, #tpu.memory_space<vmem>>, vector<16xf32>,
      %swap3A_1896 = arith.constant 11 : i32
      %swap3A_1897 = arith.index_cast %swap3A_1896 : i32 to index
      %swap3A_1898 = arith.constant 16 : index
      %swap3A_1899 = tpu.vector_load %arg22[%swap3A_1897, %swap3A_1898] {strides = array<i32>} : memref<16x32xf32, #tpu.memory_space<vmem>>, vector<16xf32>,
      tpu.vector_store %arg22[%swap3A_1897, %swap3A_1898], %gather3A_1879 {strides = array<i32>} : memref<16x32xf32, #tpu.memory_space<vmem>>, vector<16xf32>,
      %swap3A_1900 = arith.constant 11 : i32
      %swap3A_1901 = arith.index_cast %swap3A_1900 : i32 to index
      %swap3A_1902 = arith.constant 0 : index
      %swap3A_1903 = tpu.vector_load %arg23[%swap3A_1901, %swap3A_1902] {strides = array<i32>} : memref<16x32xf32, #tpu.memory_space<vmem>>, vector<16xf32>,
      tpu.vector_store %arg23[%swap3A_1901, %swap3A_1902], %gather3A_1880 {strides = array<i32>} : memref<16x32xf32, #tpu.memory_space<vmem>>, vector<16xf32>,
      %swap3A_1904 = arith.constant 11 : i32
      %swap3A_1905 = arith.index_cast %swap3A_1904 : i32 to index
      %swap3A_1906 = arith.constant 16 : index
      %swap3A_1907 = tpu.vector_load %arg23[%swap3A_1905, %swap3A_1906] {strides = array<i32>} : memref<16x32xf32, #tpu.memory_space<vmem>>, vector<16xf32>,
      tpu.vector_store %arg23[%swap3A_1905, %swap3A_1906], %gather3A_1881 {strides = array<i32>} : memref<16x32xf32, #tpu.memory_space<vmem>>, vector<16xf32>,
      %dma_wait3A_1908 = arith.constant 0 : i32
      %dma_wait3A_1909 = arith.constant 0 : i32
      %dma_wait3A_1910 = tpu.memref_slice %arg17[%dma_wait3A_1908, %dma_wait3A_1909] : memref<192x128xf32, #tpu.memory_space<vmem>> -> memref<32x128xf32, #tpu.memory_space<vmem>>
      %dma_wait3A_1911 = arith.constant 0 : i32
      %dma_wait3A_1912 = tpu.memref_slice %arg6[%dma_wait3A_1911, %mul3A_1249] : memref<32x1000000xf32, #tpu.memory_space<hbm>> -> memref<32x128xf32, #tpu.memory_space<hbm>>
      %dma_wait3A_1913 = arith.constant 0 : i32
      %dma_wait3A_1914 = arith.constant 0 : i32
      %dma_wait3A_1915 = tpu.memref_slice %arg17[%dma_wait3A_1913, %dma_wait3A_1914] : memref<192x128xf32, #tpu.memory_space<vmem>> -> memref<32x128xf32, #tpu.memory_space<vmem>>
      %dma_wait3A_1916 = arith.constant 0 : i32
      %dma_wait3A_1917 = tpu.memref_slice %arg6[%dma_wait3A_1916, %mul3A_1249] : memref<32x1000000xf32, #tpu.memory_space<hbm>> -> memref<32x128xf32, #tpu.memory_space<hbm>>
      tpu.wait_dma2 semaphore(%arg24 : memref<!tpu.dma_semaphore, #tpu.memory_space<semaphore_mem>>) src(%dma_wait3A_1917 : memref<32x128xf32, #tpu.memory_space<hbm>>) dst(%dma_wait3A_1915 : memref<32x128xf32, #tpu.memory_space<vmem>>)
      %dma_wait3A_1918 = arith.constant 0 : i32
      %dma_wait3A_1919 = arith.constant 0 : i32
      %dma_wait3A_1920 = tpu.memref_slice %arg18[%dma_wait3A_1918, %dma_wait3A_1919] : memref<192x128xf32, #tpu.memory_space<vmem>> -> memref<32x128xf32, #tpu.memory_space<vmem>>
      %dma_wait3A_1921 = arith.constant 0 : i32
      %dma_wait3A_1922 = tpu.memref_slice %arg7[%dma_wait3A_1921, %mul3A_1253] : memref<32x1000000xf32, #tpu.memory_space<hbm>> -> memref<32x128xf32, #tpu.memory_space<hbm>>
      %dma_wait3A_1923 = arith.constant 0 : i32
      %dma_wait3A_1924 = arith.constant 0 : i32
      %dma_wait3A_1925 = tpu.memref_slice %arg18[%dma_wait3A_1923, %dma_wait3A_1924] : memref<192x128xf32, #tpu.memory_space<vmem>> -> memref<32x128xf32, #tpu.memory_space<vmem>>
      %dma_wait3A_1926 = arith.constant 0 : i32
      %dma_wait3A_1927 = tpu.memref_slice %arg7[%dma_wait3A_1926, %mul3A_1253] : memref<32x1000000xf32, #tpu.memory_space<hbm>> -> memref<32x128xf32, #tpu.memory_space<hbm>>
      tpu.wait_dma2 semaphore(%arg24 : memref<!tpu.dma_semaphore, #tpu.memory_space<semaphore_mem>>) src(%dma_wait3A_1927 : memref<32x128xf32, #tpu.memory_space<hbm>>) dst(%dma_wait3A_1925 : memref<32x128xf32, #tpu.memory_space<vmem>>)
      %dma_wait3A_1928 = arith.constant 0 : i32
      %dma_wait3A_1929 = arith.constant 0 : i32
      %dma_wait3A_1930 = tpu.memref_slice %arg19[%dma_wait3A_1928, %dma_wait3A_1929] : memref<192x128xf32, #tpu.memory_space<vmem>> -> memref<32x128xf32, #tpu.memory_space<vmem>>
      %dma_wait3A_1931 = arith.constant 0 : i32
      %dma_wait3A_1932 = tpu.memref_slice %arg8[%dma_wait3A_1931, %mul3A_1249] : memref<32x1000000xf32, #tpu.memory_space<hbm>> -> memref<32x128xf32, #tpu.memory_space<hbm>>
      %dma_wait3A_1933 = arith.constant 0 : i32
      %dma_wait3A_1934 = arith.constant 0 : i32
      %dma_wait3A_1935 = tpu.memref_slice %arg19[%dma_wait3A_1933, %dma_wait3A_1934] : memref<192x128xf32, #tpu.memory_space<vmem>> -> memref<32x128xf32, #tpu.memory_space<vmem>>
      %dma_wait3A_1936 = arith.constant 0 : i32
      %dma_wait3A_1937 = tpu.memref_slice %arg8[%dma_wait3A_1936, %mul3A_1249] : memref<32x1000000xf32, #tpu.memory_space<hbm>> -> memref<32x128xf32, #tpu.memory_space<hbm>>
      tpu.wait_dma2 semaphore(%arg24 : memref<!tpu.dma_semaphore, #tpu.memory_space<semaphore_mem>>) src(%dma_wait3A_1937 : memref<32x128xf32, #tpu.memory_space<hbm>>) dst(%dma_wait3A_1935 : memref<32x128xf32, #tpu.memory_space<vmem>>)
      %dma_wait3A_1938 = arith.constant 0 : i32
      %dma_wait3A_1939 = arith.constant 0 : i32
      %dma_wait3A_1940 = tpu.memref_slice %arg20[%dma_wait3A_1938, %dma_wait3A_1939] : memref<192x128xf32, #tpu.memory_space<vmem>> -> memref<32x128xf32, #tpu.memory_space<vmem>>
      %dma_wait3A_1941 = arith.constant 0 : i32
      %dma_wait3A_1942 = tpu.memref_slice %arg9[%dma_wait3A_1941, %mul3A_1253] : memref<32x1000000xf32, #tpu.memory_space<hbm>> -> memref<32x128xf32, #tpu.memory_space<hbm>>
      %dma_wait3A_1943 = arith.constant 0 : i32
      %dma_wait3A_1944 = arith.constant 0 : i32
      %dma_wait3A_1945 = tpu.memref_slice %arg20[%dma_wait3A_1943, %dma_wait3A_1944] : memref<192x128xf32, #tpu.memory_space<vmem>> -> memref<32x128xf32, #tpu.memory_space<vmem>>
      %dma_wait3A_1946 = arith.constant 0 : i32
      %dma_wait3A_1947 = tpu.memref_slice %arg9[%dma_wait3A_1946, %mul3A_1253] : memref<32x1000000xf32, #tpu.memory_space<hbm>> -> memref<32x128xf32, #tpu.memory_space<hbm>>
      tpu.wait_dma2 semaphore(%arg24 : memref<!tpu.dma_semaphore, #tpu.memory_space<semaphore_mem>>) src(%dma_wait3A_1947 : memref<32x128xf32, #tpu.memory_space<hbm>>) dst(%dma_wait3A_1945 : memref<32x128xf32, #tpu.memory_space<vmem>>)
      %mul3A_1948 = arith.constant 0 : i32
      %mul3A_1949 = vector.broadcast %mul3A_1948 : i32 to vector<16xi32>
      %mul3A_1950 = arith.muli %iota3A, %mul3A_1949 : vector<16xi32>
      %slice3A_1951 = vector.extract_strided_slice %get3A_15 {offsets = [12], sizes = [1], strides = [1]} : vector<16xi32> to vector<1xi32>
      %squeeze3A_1952 = vector.extract %slice3A_1951[0] : i32 from vector<1xi32>
      %add3A_1953 = vector.broadcast %squeeze3A_1952 : i32 to vector<16xi32>
      %add3A_1954 = arith.addi %mul3A_1950, %add3A_1953 : vector<16xi32>
      %mul3A_1955 = arith.constant 0 : i32
      %mul3A_1956 = vector.broadcast %mul3A_1955 : i32 to vector<16xi32>
      %mul3A_1957 = arith.muli %iota3A, %mul3A_1956 : vector<16xi32>
      %slice3A_1958 = vector.extract_strided_slice %get3A_17 {offsets = [12], sizes = [1], strides = [1]} : vector<16xi32> to vector<1xi32>
      %squeeze3A_1959 = vector.extract %slice3A_1958[0] : i32 from vector<1xi32>
      %add3A_1960 = vector.broadcast %squeeze3A_1959 : i32 to vector<16xi32>
      %add3A_1961 = arith.addi %mul3A_1957, %add3A_1960 : vector<16xi32>
      %add3A_1962 = arith.constant 0 : i32
      %add3A_1963 = vector.broadcast %add3A_1962 : i32 to vector<16xi32>
      %add3A_1964 = arith.addi %iota3A, %add3A_1963 : vector<16xi32>
      %add3A_1965 = arith.constant 16 : i32
      %add3A_1966 = vector.broadcast %add3A_1965 : i32 to vector<16xi32>
      %add3A_1967 = arith.addi %add3A_1964, %add3A_1966 : vector<16xi32>
      %gather3A_1968 = tpu.vector_load_idx %arg17[%add3A_1964, %add3A_1954] : memref<192x128xf32, #tpu.memory_space<vmem>>[vector<16xi32>, vector<16xi32>], vector<16xf32>,
      %gather3A_1969 = tpu.vector_load_idx %arg17[%add3A_1967, %add3A_1954] : memref<192x128xf32, #tpu.memory_space<vmem>>[vector<16xi32>, vector<16xi32>], vector<16xf32>,
      %gather3A_1970 = tpu.vector_load_idx %arg18[%add3A_1964, %add3A_1961] : memref<192x128xf32, #tpu.memory_space<vmem>>[vector<16xi32>, vector<16xi32>], vector<16xf32>,
      %gather3A_1971 = tpu.vector_load_idx %arg18[%add3A_1967, %add3A_1961] : memref<192x128xf32, #tpu.memory_space<vmem>>[vector<16xi32>, vector<16xi32>], vector<16xf32>,
      %gather3A_1972 = tpu.vector_load_idx %arg19[%add3A_1964, %add3A_1954] : memref<192x128xf32, #tpu.memory_space<vmem>>[vector<16xi32>, vector<16xi32>], vector<16xf32>,
      %gather3A_1973 = tpu.vector_load_idx %arg19[%add3A_1967, %add3A_1954] : memref<192x128xf32, #tpu.memory_space<vmem>>[vector<16xi32>, vector<16xi32>], vector<16xf32>,
      %gather3A_1974 = tpu.vector_load_idx %arg20[%add3A_1964, %add3A_1961] : memref<192x128xf32, #tpu.memory_space<vmem>>[vector<16xi32>, vector<16xi32>], vector<16xf32>,
      %gather3A_1975 = tpu.vector_load_idx %arg20[%add3A_1967, %add3A_1961] : memref<192x128xf32, #tpu.memory_space<vmem>>[vector<16xi32>, vector<16xi32>], vector<16xf32>,
      %mul3A_1976 = arith.mulf %gather3A_1968, %gather3A_1970 : vector<16xf32>
      %swap3A_1977 = arith.constant 12 : i32
      %swap3A_1978 = arith.index_cast %swap3A_1977 : i32 to index
      %swap3A_1979 = arith.constant 0 : index
      %swap3A_1980 = tpu.vector_load %arg21[%swap3A_1978, %swap3A_1979] {strides = array<i32>} : memref<16x32xf32, #tpu.memory_space<vmem>>, vector<16xf32>,
      tpu.vector_store %arg21[%swap3A_1978, %swap3A_1979], %mul3A_1976 {strides = array<i32>} : memref<16x32xf32, #tpu.memory_space<vmem>>, vector<16xf32>,
      %mul3A_1981 = arith.mulf %gather3A_1969, %gather3A_1971 : vector<16xf32>
      %swap3A_1982 = arith.constant 12 : i32
      %swap3A_1983 = arith.index_cast %swap3A_1982 : i32 to index
      %swap3A_1984 = arith.constant 16 : index
      %swap3A_1985 = tpu.vector_load %arg21[%swap3A_1983, %swap3A_1984] {strides = array<i32>} : memref<16x32xf32, #tpu.memory_space<vmem>>, vector<16xf32>,
      tpu.vector_store %arg21[%swap3A_1983, %swap3A_1984], %mul3A_1981 {strides = array<i32>} : memref<16x32xf32, #tpu.memory_space<vmem>>, vector<16xf32>,
      %swap3A_1986 = arith.constant 12 : i32
      %swap3A_1987 = arith.index_cast %swap3A_1986 : i32 to index
      %swap3A_1988 = arith.constant 0 : index
      %swap3A_1989 = tpu.vector_load %arg22[%swap3A_1987, %swap3A_1988] {strides = array<i32>} : memref<16x32xf32, #tpu.memory_space<vmem>>, vector<16xf32>,
      tpu.vector_store %arg22[%swap3A_1987, %swap3A_1988], %gather3A_1972 {strides = array<i32>} : memref<16x32xf32, #tpu.memory_space<vmem>>, vector<16xf32>,
      %swap3A_1990 = arith.constant 12 : i32
      %swap3A_1991 = arith.index_cast %swap3A_1990 : i32 to index
      %swap3A_1992 = arith.constant 16 : index
      %swap3A_1993 = tpu.vector_load %arg22[%swap3A_1991, %swap3A_1992] {strides = array<i32>} : memref<16x32xf32, #tpu.memory_space<vmem>>, vector<16xf32>,
      tpu.vector_store %arg22[%swap3A_1991, %swap3A_1992], %gather3A_1973 {strides = array<i32>} : memref<16x32xf32, #tpu.memory_space<vmem>>, vector<16xf32>,
      %swap3A_1994 = arith.constant 12 : i32
      %swap3A_1995 = arith.index_cast %swap3A_1994 : i32 to index
      %swap3A_1996 = arith.constant 0 : index
      %swap3A_1997 = tpu.vector_load %arg23[%swap3A_1995, %swap3A_1996] {strides = array<i32>} : memref<16x32xf32, #tpu.memory_space<vmem>>, vector<16xf32>,
      tpu.vector_store %arg23[%swap3A_1995, %swap3A_1996], %gather3A_1974 {strides = array<i32>} : memref<16x32xf32, #tpu.memory_space<vmem>>, vector<16xf32>,
      %swap3A_1998 = arith.constant 12 : i32
      %swap3A_1999 = arith.index_cast %swap3A_1998 : i32 to index
      %swap3A_2000 = arith.constant 16 : index
      %swap3A_2001 = tpu.vector_load %arg23[%swap3A_1999, %swap3A_2000] {strides = array<i32>} : memref<16x32xf32, #tpu.memory_space<vmem>>, vector<16xf32>,
      tpu.vector_store %arg23[%swap3A_1999, %swap3A_2000], %gather3A_1975 {strides = array<i32>} : memref<16x32xf32, #tpu.memory_space<vmem>>, vector<16xf32>,
      %dma_wait3A_2002 = arith.constant 32 : i32
      %dma_wait3A_2003 = arith.constant 0 : i32
      %dma_wait3A_2004 = tpu.memref_slice %arg17[%dma_wait3A_2002, %dma_wait3A_2003] : memref<192x128xf32, #tpu.memory_space<vmem>> -> memref<32x128xf32, #tpu.memory_space<vmem>>
      %dma_wait3A_2005 = arith.constant 0 : i32
      %dma_wait3A_2006 = tpu.memref_slice %arg6[%dma_wait3A_2005, %mul3A_1391] : memref<32x1000000xf32, #tpu.memory_space<hbm>> -> memref<32x128xf32, #tpu.memory_space<hbm>>
      %dma_wait3A_2007 = arith.constant 32 : i32
      %dma_wait3A_2008 = arith.constant 0 : i32
      %dma_wait3A_2009 = tpu.memref_slice %arg17[%dma_wait3A_2007, %dma_wait3A_2008] : memref<192x128xf32, #tpu.memory_space<vmem>> -> memref<32x128xf32, #tpu.memory_space<vmem>>
      %dma_wait3A_2010 = arith.constant 0 : i32
      %dma_wait3A_2011 = tpu.memref_slice %arg6[%dma_wait3A_2010, %mul3A_1391] : memref<32x1000000xf32, #tpu.memory_space<hbm>> -> memref<32x128xf32, #tpu.memory_space<hbm>>
      tpu.wait_dma2 semaphore(%arg25 : memref<!tpu.dma_semaphore, #tpu.memory_space<semaphore_mem>>) src(%dma_wait3A_2011 : memref<32x128xf32, #tpu.memory_space<hbm>>) dst(%dma_wait3A_2009 : memref<32x128xf32, #tpu.memory_space<vmem>>)
      %dma_wait3A_2012 = arith.constant 32 : i32
      %dma_wait3A_2013 = arith.constant 0 : i32
      %dma_wait3A_2014 = tpu.memref_slice %arg18[%dma_wait3A_2012, %dma_wait3A_2013] : memref<192x128xf32, #tpu.memory_space<vmem>> -> memref<32x128xf32, #tpu.memory_space<vmem>>
      %dma_wait3A_2015 = arith.constant 0 : i32
      %dma_wait3A_2016 = tpu.memref_slice %arg7[%dma_wait3A_2015, %mul3A_1395] : memref<32x1000000xf32, #tpu.memory_space<hbm>> -> memref<32x128xf32, #tpu.memory_space<hbm>>
      %dma_wait3A_2017 = arith.constant 32 : i32
      %dma_wait3A_2018 = arith.constant 0 : i32
      %dma_wait3A_2019 = tpu.memref_slice %arg18[%dma_wait3A_2017, %dma_wait3A_2018] : memref<192x128xf32, #tpu.memory_space<vmem>> -> memref<32x128xf32, #tpu.memory_space<vmem>>
      %dma_wait3A_2020 = arith.constant 0 : i32
      %dma_wait3A_2021 = tpu.memref_slice %arg7[%dma_wait3A_2020, %mul3A_1395] : memref<32x1000000xf32, #tpu.memory_space<hbm>> -> memref<32x128xf32, #tpu.memory_space<hbm>>
      tpu.wait_dma2 semaphore(%arg25 : memref<!tpu.dma_semaphore, #tpu.memory_space<semaphore_mem>>) src(%dma_wait3A_2021 : memref<32x128xf32, #tpu.memory_space<hbm>>) dst(%dma_wait3A_2019 : memref<32x128xf32, #tpu.memory_space<vmem>>)
      %dma_wait3A_2022 = arith.constant 32 : i32
      %dma_wait3A_2023 = arith.constant 0 : i32
      %dma_wait3A_2024 = tpu.memref_slice %arg19[%dma_wait3A_2022, %dma_wait3A_2023] : memref<192x128xf32, #tpu.memory_space<vmem>> -> memref<32x128xf32, #tpu.memory_space<vmem>>
      %dma_wait3A_2025 = arith.constant 0 : i32
      %dma_wait3A_2026 = tpu.memref_slice %arg8[%dma_wait3A_2025, %mul3A_1391] : memref<32x1000000xf32, #tpu.memory_space<hbm>> -> memref<32x128xf32, #tpu.memory_space<hbm>>
      %dma_wait3A_2027 = arith.constant 32 : i32
      %dma_wait3A_2028 = arith.constant 0 : i32
      %dma_wait3A_2029 = tpu.memref_slice %arg19[%dma_wait3A_2027, %dma_wait3A_2028] : memref<192x128xf32, #tpu.memory_space<vmem>> -> memref<32x128xf32, #tpu.memory_space<vmem>>
      %dma_wait3A_2030 = arith.constant 0 : i32
      %dma_wait3A_2031 = tpu.memref_slice %arg8[%dma_wait3A_2030, %mul3A_1391] : memref<32x1000000xf32, #tpu.memory_space<hbm>> -> memref<32x128xf32, #tpu.memory_space<hbm>>
      tpu.wait_dma2 semaphore(%arg25 : memref<!tpu.dma_semaphore, #tpu.memory_space<semaphore_mem>>) src(%dma_wait3A_2031 : memref<32x128xf32, #tpu.memory_space<hbm>>) dst(%dma_wait3A_2029 : memref<32x128xf32, #tpu.memory_space<vmem>>)
      %dma_wait3A_2032 = arith.constant 32 : i32
      %dma_wait3A_2033 = arith.constant 0 : i32
      %dma_wait3A_2034 = tpu.memref_slice %arg20[%dma_wait3A_2032, %dma_wait3A_2033] : memref<192x128xf32, #tpu.memory_space<vmem>> -> memref<32x128xf32, #tpu.memory_space<vmem>>
      %dma_wait3A_2035 = arith.constant 0 : i32
      %dma_wait3A_2036 = tpu.memref_slice %arg9[%dma_wait3A_2035, %mul3A_1395] : memref<32x1000000xf32, #tpu.memory_space<hbm>> -> memref<32x128xf32, #tpu.memory_space<hbm>>
      %dma_wait3A_2037 = arith.constant 32 : i32
      %dma_wait3A_2038 = arith.constant 0 : i32
      %dma_wait3A_2039 = tpu.memref_slice %arg20[%dma_wait3A_2037, %dma_wait3A_2038] : memref<192x128xf32, #tpu.memory_space<vmem>> -> memref<32x128xf32, #tpu.memory_space<vmem>>
      %dma_wait3A_2040 = arith.constant 0 : i32
      %dma_wait3A_2041 = tpu.memref_slice %arg9[%dma_wait3A_2040, %mul3A_1395] : memref<32x1000000xf32, #tpu.memory_space<hbm>> -> memref<32x128xf32, #tpu.memory_space<hbm>>
      tpu.wait_dma2 semaphore(%arg25 : memref<!tpu.dma_semaphore, #tpu.memory_space<semaphore_mem>>) src(%dma_wait3A_2041 : memref<32x128xf32, #tpu.memory_space<hbm>>) dst(%dma_wait3A_2039 : memref<32x128xf32, #tpu.memory_space<vmem>>)
      %mul3A_2042 = arith.constant 0 : i32
      %mul3A_2043 = vector.broadcast %mul3A_2042 : i32 to vector<16xi32>
      %mul3A_2044 = arith.muli %iota3A, %mul3A_2043 : vector<16xi32>
      %slice3A_2045 = vector.extract_strided_slice %get3A_15 {offsets = [13], sizes = [1], strides = [1]} : vector<16xi32> to vector<1xi32>
      %squeeze3A_2046 = vector.extract %slice3A_2045[0] : i32 from vector<1xi32>
      %add3A_2047 = vector.broadcast %squeeze3A_2046 : i32 to vector<16xi32>
      %add3A_2048 = arith.addi %mul3A_2044, %add3A_2047 : vector<16xi32>
      %mul3A_2049 = arith.constant 0 : i32
      %mul3A_2050 = vector.broadcast %mul3A_2049 : i32 to vector<16xi32>
      %mul3A_2051 = arith.muli %iota3A, %mul3A_2050 : vector<16xi32>
      %slice3A_2052 = vector.extract_strided_slice %get3A_17 {offsets = [13], sizes = [1], strides = [1]} : vector<16xi32> to vector<1xi32>
      %squeeze3A_2053 = vector.extract %slice3A_2052[0] : i32 from vector<1xi32>
      %add3A_2054 = vector.broadcast %squeeze3A_2053 : i32 to vector<16xi32>
      %add3A_2055 = arith.addi %mul3A_2051, %add3A_2054 : vector<16xi32>
      %add3A_2056 = arith.constant 32 : i32
      %add3A_2057 = vector.broadcast %add3A_2056 : i32 to vector<16xi32>
      %add3A_2058 = arith.addi %iota3A, %add3A_2057 : vector<16xi32>
      %add3A_2059 = arith.constant 16 : i32
      %add3A_2060 = vector.broadcast %add3A_2059 : i32 to vector<16xi32>
      %add3A_2061 = arith.addi %add3A_2058, %add3A_2060 : vector<16xi32>
      %gather3A_2062 = tpu.vector_load_idx %arg17[%add3A_2058, %add3A_2048] : memref<192x128xf32, #tpu.memory_space<vmem>>[vector<16xi32>, vector<16xi32>], vector<16xf32>,
      %gather3A_2063 = tpu.vector_load_idx %arg17[%add3A_2061, %add3A_2048] : memref<192x128xf32, #tpu.memory_space<vmem>>[vector<16xi32>, vector<16xi32>], vector<16xf32>,
      %gather3A_2064 = tpu.vector_load_idx %arg18[%add3A_2058, %add3A_2055] : memref<192x128xf32, #tpu.memory_space<vmem>>[vector<16xi32>, vector<16xi32>], vector<16xf32>,
      %gather3A_2065 = tpu.vector_load_idx %arg18[%add3A_2061, %add3A_2055] : memref<192x128xf32, #tpu.memory_space<vmem>>[vector<16xi32>, vector<16xi32>], vector<16xf32>,
      %gather3A_2066 = tpu.vector_load_idx %arg19[%add3A_2058, %add3A_2048] : memref<192x128xf32, #tpu.memory_space<vmem>>[vector<16xi32>, vector<16xi32>], vector<16xf32>,
      %gather3A_2067 = tpu.vector_load_idx %arg19[%add3A_2061, %add3A_2048] : memref<192x128xf32, #tpu.memory_space<vmem>>[vector<16xi32>, vector<16xi32>], vector<16xf32>,
      %gather3A_2068 = tpu.vector_load_idx %arg20[%add3A_2058, %add3A_2055] : memref<192x128xf32, #tpu.memory_space<vmem>>[vector<16xi32>, vector<16xi32>], vector<16xf32>,
      %gather3A_2069 = tpu.vector_load_idx %arg20[%add3A_2061, %add3A_2055] : memref<192x128xf32, #tpu.memory_space<vmem>>[vector<16xi32>, vector<16xi32>], vector<16xf32>,
      %mul3A_2070 = arith.mulf %gather3A_2062, %gather3A_2064 : vector<16xf32>
      %swap3A_2071 = arith.constant 13 : i32
      %swap3A_2072 = arith.index_cast %swap3A_2071 : i32 to index
      %swap3A_2073 = arith.constant 0 : index
      %swap3A_2074 = tpu.vector_load %arg21[%swap3A_2072, %swap3A_2073] {strides = array<i32>} : memref<16x32xf32, #tpu.memory_space<vmem>>, vector<16xf32>,
      tpu.vector_store %arg21[%swap3A_2072, %swap3A_2073], %mul3A_2070 {strides = array<i32>} : memref<16x32xf32, #tpu.memory_space<vmem>>, vector<16xf32>,
      %mul3A_2075 = arith.mulf %gather3A_2063, %gather3A_2065 : vector<16xf32>
      %swap3A_2076 = arith.constant 13 : i32
      %swap3A_2077 = arith.index_cast %swap3A_2076 : i32 to index
      %swap3A_2078 = arith.constant 16 : index
      %swap3A_2079 = tpu.vector_load %arg21[%swap3A_2077, %swap3A_2078] {strides = array<i32>} : memref<16x32xf32, #tpu.memory_space<vmem>>, vector<16xf32>,
      tpu.vector_store %arg21[%swap3A_2077, %swap3A_2078], %mul3A_2075 {strides = array<i32>} : memref<16x32xf32, #tpu.memory_space<vmem>>, vector<16xf32>,
      %swap3A_2080 = arith.constant 13 : i32
      %swap3A_2081 = arith.index_cast %swap3A_2080 : i32 to index
      %swap3A_2082 = arith.constant 0 : index
      %swap3A_2083 = tpu.vector_load %arg22[%swap3A_2081, %swap3A_2082] {strides = array<i32>} : memref<16x32xf32, #tpu.memory_space<vmem>>, vector<16xf32>,
      tpu.vector_store %arg22[%swap3A_2081, %swap3A_2082], %gather3A_2066 {strides = array<i32>} : memref<16x32xf32, #tpu.memory_space<vmem>>, vector<16xf32>,
      %swap3A_2084 = arith.constant 13 : i32
      %swap3A_2085 = arith.index_cast %swap3A_2084 : i32 to index
      %swap3A_2086 = arith.constant 16 : index
      %swap3A_2087 = tpu.vector_load %arg22[%swap3A_2085, %swap3A_2086] {strides = array<i32>} : memref<16x32xf32, #tpu.memory_space<vmem>>, vector<16xf32>,
      tpu.vector_store %arg22[%swap3A_2085, %swap3A_2086], %gather3A_2067 {strides = array<i32>} : memref<16x32xf32, #tpu.memory_space<vmem>>, vector<16xf32>,
      %swap3A_2088 = arith.constant 13 : i32
      %swap3A_2089 = arith.index_cast %swap3A_2088 : i32 to index
      %swap3A_2090 = arith.constant 0 : index
      %swap3A_2091 = tpu.vector_load %arg23[%swap3A_2089, %swap3A_2090] {strides = array<i32>} : memref<16x32xf32, #tpu.memory_space<vmem>>, vector<16xf32>,
      tpu.vector_store %arg23[%swap3A_2089, %swap3A_2090], %gather3A_2068 {strides = array<i32>} : memref<16x32xf32, #tpu.memory_space<vmem>>, vector<16xf32>,
      %swap3A_2092 = arith.constant 13 : i32
      %swap3A_2093 = arith.index_cast %swap3A_2092 : i32 to index
      %swap3A_2094 = arith.constant 16 : index
      %swap3A_2095 = tpu.vector_load %arg23[%swap3A_2093, %swap3A_2094] {strides = array<i32>} : memref<16x32xf32, #tpu.memory_space<vmem>>, vector<16xf32>,
      tpu.vector_store %arg23[%swap3A_2093, %swap3A_2094], %gather3A_2069 {strides = array<i32>} : memref<16x32xf32, #tpu.memory_space<vmem>>, vector<16xf32>,
      %dma_wait3A_2096 = arith.constant 64 : i32
      %dma_wait3A_2097 = arith.constant 0 : i32
      %dma_wait3A_2098 = tpu.memref_slice %arg17[%dma_wait3A_2096, %dma_wait3A_2097] : memref<192x128xf32, #tpu.memory_space<vmem>> -> memref<32x128xf32, #tpu.memory_space<vmem>>
      %dma_wait3A_2099 = arith.constant 0 : i32
      %dma_wait3A_2100 = tpu.memref_slice %arg6[%dma_wait3A_2099, %mul3A_1533] : memref<32x1000000xf32, #tpu.memory_space<hbm>> -> memref<32x128xf32, #tpu.memory_space<hbm>>
      %dma_wait3A_2101 = arith.constant 64 : i32
      %dma_wait3A_2102 = arith.constant 0 : i32
      %dma_wait3A_2103 = tpu.memref_slice %arg17[%dma_wait3A_2101, %dma_wait3A_2102] : memref<192x128xf32, #tpu.memory_space<vmem>> -> memref<32x128xf32, #tpu.memory_space<vmem>>
      %dma_wait3A_2104 = arith.constant 0 : i32
      %dma_wait3A_2105 = tpu.memref_slice %arg6[%dma_wait3A_2104, %mul3A_1533] : memref<32x1000000xf32, #tpu.memory_space<hbm>> -> memref<32x128xf32, #tpu.memory_space<hbm>>
      tpu.wait_dma2 semaphore(%arg26 : memref<!tpu.dma_semaphore, #tpu.memory_space<semaphore_mem>>) src(%dma_wait3A_2105 : memref<32x128xf32, #tpu.memory_space<hbm>>) dst(%dma_wait3A_2103 : memref<32x128xf32, #tpu.memory_space<vmem>>)
      %dma_wait3A_2106 = arith.constant 64 : i32
      %dma_wait3A_2107 = arith.constant 0 : i32
      %dma_wait3A_2108 = tpu.memref_slice %arg18[%dma_wait3A_2106, %dma_wait3A_2107] : memref<192x128xf32, #tpu.memory_space<vmem>> -> memref<32x128xf32, #tpu.memory_space<vmem>>
      %dma_wait3A_2109 = arith.constant 0 : i32
      %dma_wait3A_2110 = tpu.memref_slice %arg7[%dma_wait3A_2109, %mul3A_1537] : memref<32x1000000xf32, #tpu.memory_space<hbm>> -> memref<32x128xf32, #tpu.memory_space<hbm>>
      %dma_wait3A_2111 = arith.constant 64 : i32
      %dma_wait3A_2112 = arith.constant 0 : i32
      %dma_wait3A_2113 = tpu.memref_slice %arg18[%dma_wait3A_2111, %dma_wait3A_2112] : memref<192x128xf32, #tpu.memory_space<vmem>> -> memref<32x128xf32, #tpu.memory_space<vmem>>
      %dma_wait3A_2114 = arith.constant 0 : i32
      %dma_wait3A_2115 = tpu.memref_slice %arg7[%dma_wait3A_2114, %mul3A_1537] : memref<32x1000000xf32, #tpu.memory_space<hbm>> -> memref<32x128xf32, #tpu.memory_space<hbm>>
      tpu.wait_dma2 semaphore(%arg26 : memref<!tpu.dma_semaphore, #tpu.memory_space<semaphore_mem>>) src(%dma_wait3A_2115 : memref<32x128xf32, #tpu.memory_space<hbm>>) dst(%dma_wait3A_2113 : memref<32x128xf32, #tpu.memory_space<vmem>>)
      %dma_wait3A_2116 = arith.constant 64 : i32
      %dma_wait3A_2117 = arith.constant 0 : i32
      %dma_wait3A_2118 = tpu.memref_slice %arg19[%dma_wait3A_2116, %dma_wait3A_2117] : memref<192x128xf32, #tpu.memory_space<vmem>> -> memref<32x128xf32, #tpu.memory_space<vmem>>
      %dma_wait3A_2119 = arith.constant 0 : i32
      %dma_wait3A_2120 = tpu.memref_slice %arg8[%dma_wait3A_2119, %mul3A_1533] : memref<32x1000000xf32, #tpu.memory_space<hbm>> -> memref<32x128xf32, #tpu.memory_space<hbm>>
      %dma_wait3A_2121 = arith.constant 64 : i32
      %dma_wait3A_2122 = arith.constant 0 : i32
      %dma_wait3A_2123 = tpu.memref_slice %arg19[%dma_wait3A_2121, %dma_wait3A_2122] : memref<192x128xf32, #tpu.memory_space<vmem>> -> memref<32x128xf32, #tpu.memory_space<vmem>>
      %dma_wait3A_2124 = arith.constant 0 : i32
      %dma_wait3A_2125 = tpu.memref_slice %arg8[%dma_wait3A_2124, %mul3A_1533] : memref<32x1000000xf32, #tpu.memory_space<hbm>> -> memref<32x128xf32, #tpu.memory_space<hbm>>
      tpu.wait_dma2 semaphore(%arg26 : memref<!tpu.dma_semaphore, #tpu.memory_space<semaphore_mem>>) src(%dma_wait3A_2125 : memref<32x128xf32, #tpu.memory_space<hbm>>) dst(%dma_wait3A_2123 : memref<32x128xf32, #tpu.memory_space<vmem>>)
      %dma_wait3A_2126 = arith.constant 64 : i32
      %dma_wait3A_2127 = arith.constant 0 : i32
      %dma_wait3A_2128 = tpu.memref_slice %arg20[%dma_wait3A_2126, %dma_wait3A_2127] : memref<192x128xf32, #tpu.memory_space<vmem>> -> memref<32x128xf32, #tpu.memory_space<vmem>>
      %dma_wait3A_2129 = arith.constant 0 : i32
      %dma_wait3A_2130 = tpu.memref_slice %arg9[%dma_wait3A_2129, %mul3A_1537] : memref<32x1000000xf32, #tpu.memory_space<hbm>> -> memref<32x128xf32, #tpu.memory_space<hbm>>
      %dma_wait3A_2131 = arith.constant 64 : i32
      %dma_wait3A_2132 = arith.constant 0 : i32
      %dma_wait3A_2133 = tpu.memref_slice %arg20[%dma_wait3A_2131, %dma_wait3A_2132] : memref<192x128xf32, #tpu.memory_space<vmem>> -> memref<32x128xf32, #tpu.memory_space<vmem>>
      %dma_wait3A_2134 = arith.constant 0 : i32
      %dma_wait3A_2135 = tpu.memref_slice %arg9[%dma_wait3A_2134, %mul3A_1537] : memref<32x1000000xf32, #tpu.memory_space<hbm>> -> memref<32x128xf32, #tpu.memory_space<hbm>>
      tpu.wait_dma2 semaphore(%arg26 : memref<!tpu.dma_semaphore, #tpu.memory_space<semaphore_mem>>) src(%dma_wait3A_2135 : memref<32x128xf32, #tpu.memory_space<hbm>>) dst(%dma_wait3A_2133 : memref<32x128xf32, #tpu.memory_space<vmem>>)
      %mul3A_2136 = arith.constant 0 : i32
      %mul3A_2137 = vector.broadcast %mul3A_2136 : i32 to vector<16xi32>
      %mul3A_2138 = arith.muli %iota3A, %mul3A_2137 : vector<16xi32>
      %slice3A_2139 = vector.extract_strided_slice %get3A_15 {offsets = [14], sizes = [1], strides = [1]} : vector<16xi32> to vector<1xi32>
      %squeeze3A_2140 = vector.extract %slice3A_2139[0] : i32 from vector<1xi32>
      %add3A_2141 = vector.broadcast %squeeze3A_2140 : i32 to vector<16xi32>
      %add3A_2142 = arith.addi %mul3A_2138, %add3A_2141 : vector<16xi32>
      %mul3A_2143 = arith.constant 0 : i32
      %mul3A_2144 = vector.broadcast %mul3A_2143 : i32 to vector<16xi32>
      %mul3A_2145 = arith.muli %iota3A, %mul3A_2144 : vector<16xi32>
      %slice3A_2146 = vector.extract_strided_slice %get3A_17 {offsets = [14], sizes = [1], strides = [1]} : vector<16xi32> to vector<1xi32>
      %squeeze3A_2147 = vector.extract %slice3A_2146[0] : i32 from vector<1xi32>
      %add3A_2148 = vector.broadcast %squeeze3A_2147 : i32 to vector<16xi32>
      %add3A_2149 = arith.addi %mul3A_2145, %add3A_2148 : vector<16xi32>
      %add3A_2150 = arith.constant 64 : i32
      %add3A_2151 = vector.broadcast %add3A_2150 : i32 to vector<16xi32>
      %add3A_2152 = arith.addi %iota3A, %add3A_2151 : vector<16xi32>
      %add3A_2153 = arith.constant 16 : i32
      %add3A_2154 = vector.broadcast %add3A_2153 : i32 to vector<16xi32>
      %add3A_2155 = arith.addi %add3A_2152, %add3A_2154 : vector<16xi32>
      %gather3A_2156 = tpu.vector_load_idx %arg17[%add3A_2152, %add3A_2142] : memref<192x128xf32, #tpu.memory_space<vmem>>[vector<16xi32>, vector<16xi32>], vector<16xf32>,
      %gather3A_2157 = tpu.vector_load_idx %arg17[%add3A_2155, %add3A_2142] : memref<192x128xf32, #tpu.memory_space<vmem>>[vector<16xi32>, vector<16xi32>], vector<16xf32>,
      %gather3A_2158 = tpu.vector_load_idx %arg18[%add3A_2152, %add3A_2149] : memref<192x128xf32, #tpu.memory_space<vmem>>[vector<16xi32>, vector<16xi32>], vector<16xf32>,
      %gather3A_2159 = tpu.vector_load_idx %arg18[%add3A_2155, %add3A_2149] : memref<192x128xf32, #tpu.memory_space<vmem>>[vector<16xi32>, vector<16xi32>], vector<16xf32>,
      %gather3A_2160 = tpu.vector_load_idx %arg19[%add3A_2152, %add3A_2142] : memref<192x128xf32, #tpu.memory_space<vmem>>[vector<16xi32>, vector<16xi32>], vector<16xf32>,
      %gather3A_2161 = tpu.vector_load_idx %arg19[%add3A_2155, %add3A_2142] : memref<192x128xf32, #tpu.memory_space<vmem>>[vector<16xi32>, vector<16xi32>], vector<16xf32>,
      %gather3A_2162 = tpu.vector_load_idx %arg20[%add3A_2152, %add3A_2149] : memref<192x128xf32, #tpu.memory_space<vmem>>[vector<16xi32>, vector<16xi32>], vector<16xf32>,
      %gather3A_2163 = tpu.vector_load_idx %arg20[%add3A_2155, %add3A_2149] : memref<192x128xf32, #tpu.memory_space<vmem>>[vector<16xi32>, vector<16xi32>], vector<16xf32>,
      %mul3A_2164 = arith.mulf %gather3A_2156, %gather3A_2158 : vector<16xf32>
      %swap3A_2165 = arith.constant 14 : i32
      %swap3A_2166 = arith.index_cast %swap3A_2165 : i32 to index
      %swap3A_2167 = arith.constant 0 : index
      %swap3A_2168 = tpu.vector_load %arg21[%swap3A_2166, %swap3A_2167] {strides = array<i32>} : memref<16x32xf32, #tpu.memory_space<vmem>>, vector<16xf32>,
      tpu.vector_store %arg21[%swap3A_2166, %swap3A_2167], %mul3A_2164 {strides = array<i32>} : memref<16x32xf32, #tpu.memory_space<vmem>>, vector<16xf32>,
      %mul3A_2169 = arith.mulf %gather3A_2157, %gather3A_2159 : vector<16xf32>
      %swap3A_2170 = arith.constant 14 : i32
      %swap3A_2171 = arith.index_cast %swap3A_2170 : i32 to index
      %swap3A_2172 = arith.constant 16 : index
      %swap3A_2173 = tpu.vector_load %arg21[%swap3A_2171, %swap3A_2172] {strides = array<i32>} : memref<16x32xf32, #tpu.memory_space<vmem>>, vector<16xf32>,
      tpu.vector_store %arg21[%swap3A_2171, %swap3A_2172], %mul3A_2169 {strides = array<i32>} : memref<16x32xf32, #tpu.memory_space<vmem>>, vector<16xf32>,
      %swap3A_2174 = arith.constant 14 : i32
      %swap3A_2175 = arith.index_cast %swap3A_2174 : i32 to index
      %swap3A_2176 = arith.constant 0 : index
      %swap3A_2177 = tpu.vector_load %arg22[%swap3A_2175, %swap3A_2176] {strides = array<i32>} : memref<16x32xf32, #tpu.memory_space<vmem>>, vector<16xf32>,
      tpu.vector_store %arg22[%swap3A_2175, %swap3A_2176], %gather3A_2160 {strides = array<i32>} : memref<16x32xf32, #tpu.memory_space<vmem>>, vector<16xf32>,
      %swap3A_2178 = arith.constant 14 : i32
      %swap3A_2179 = arith.index_cast %swap3A_2178 : i32 to index
      %swap3A_2180 = arith.constant 16 : index
      %swap3A_2181 = tpu.vector_load %arg22[%swap3A_2179, %swap3A_2180] {strides = array<i32>} : memref<16x32xf32, #tpu.memory_space<vmem>>, vector<16xf32>,
      tpu.vector_store %arg22[%swap3A_2179, %swap3A_2180], %gather3A_2161 {strides = array<i32>} : memref<16x32xf32, #tpu.memory_space<vmem>>, vector<16xf32>,
      %swap3A_2182 = arith.constant 14 : i32
      %swap3A_2183 = arith.index_cast %swap3A_2182 : i32 to index
      %swap3A_2184 = arith.constant 0 : index
      %swap3A_2185 = tpu.vector_load %arg23[%swap3A_2183, %swap3A_2184] {strides = array<i32>} : memref<16x32xf32, #tpu.memory_space<vmem>>, vector<16xf32>,
      tpu.vector_store %arg23[%swap3A_2183, %swap3A_2184], %gather3A_2162 {strides = array<i32>} : memref<16x32xf32, #tpu.memory_space<vmem>>, vector<16xf32>,
      %swap3A_2186 = arith.constant 14 : i32
      %swap3A_2187 = arith.index_cast %swap3A_2186 : i32 to index
      %swap3A_2188 = arith.constant 16 : index
      %swap3A_2189 = tpu.vector_load %arg23[%swap3A_2187, %swap3A_2188] {strides = array<i32>} : memref<16x32xf32, #tpu.memory_space<vmem>>, vector<16xf32>,
      tpu.vector_store %arg23[%swap3A_2187, %swap3A_2188], %gather3A_2163 {strides = array<i32>} : memref<16x32xf32, #tpu.memory_space<vmem>>, vector<16xf32>,
      %dma_wait3A_2190 = arith.constant 96 : i32
      %dma_wait3A_2191 = arith.constant 0 : i32
      %dma_wait3A_2192 = tpu.memref_slice %arg17[%dma_wait3A_2190, %dma_wait3A_2191] : memref<192x128xf32, #tpu.memory_space<vmem>> -> memref<32x128xf32, #tpu.memory_space<vmem>>
      %dma_wait3A_2193 = arith.constant 0 : i32
      %dma_wait3A_2194 = tpu.memref_slice %arg6[%dma_wait3A_2193, %mul3A_1675] : memref<32x1000000xf32, #tpu.memory_space<hbm>> -> memref<32x128xf32, #tpu.memory_space<hbm>>
      %dma_wait3A_2195 = arith.constant 96 : i32
      %dma_wait3A_2196 = arith.constant 0 : i32
      %dma_wait3A_2197 = tpu.memref_slice %arg17[%dma_wait3A_2195, %dma_wait3A_2196] : memref<192x128xf32, #tpu.memory_space<vmem>> -> memref<32x128xf32, #tpu.memory_space<vmem>>
      %dma_wait3A_2198 = arith.constant 0 : i32
      %dma_wait3A_2199 = tpu.memref_slice %arg6[%dma_wait3A_2198, %mul3A_1675] : memref<32x1000000xf32, #tpu.memory_space<hbm>> -> memref<32x128xf32, #tpu.memory_space<hbm>>
      tpu.wait_dma2 semaphore(%arg27 : memref<!tpu.dma_semaphore, #tpu.memory_space<semaphore_mem>>) src(%dma_wait3A_2199 : memref<32x128xf32, #tpu.memory_space<hbm>>) dst(%dma_wait3A_2197 : memref<32x128xf32, #tpu.memory_space<vmem>>)
      %dma_wait3A_2200 = arith.constant 96 : i32
      %dma_wait3A_2201 = arith.constant 0 : i32
      %dma_wait3A_2202 = tpu.memref_slice %arg18[%dma_wait3A_2200, %dma_wait3A_2201] : memref<192x128xf32, #tpu.memory_space<vmem>> -> memref<32x128xf32, #tpu.memory_space<vmem>>
      %dma_wait3A_2203 = arith.constant 0 : i32
      %dma_wait3A_2204 = tpu.memref_slice %arg7[%dma_wait3A_2203, %mul3A_1679] : memref<32x1000000xf32, #tpu.memory_space<hbm>> -> memref<32x128xf32, #tpu.memory_space<hbm>>
      %dma_wait3A_2205 = arith.constant 96 : i32
      %dma_wait3A_2206 = arith.constant 0 : i32
      %dma_wait3A_2207 = tpu.memref_slice %arg18[%dma_wait3A_2205, %dma_wait3A_2206] : memref<192x128xf32, #tpu.memory_space<vmem>> -> memref<32x128xf32, #tpu.memory_space<vmem>>
      %dma_wait3A_2208 = arith.constant 0 : i32
      %dma_wait3A_2209 = tpu.memref_slice %arg7[%dma_wait3A_2208, %mul3A_1679] : memref<32x1000000xf32, #tpu.memory_space<hbm>> -> memref<32x128xf32, #tpu.memory_space<hbm>>
      tpu.wait_dma2 semaphore(%arg27 : memref<!tpu.dma_semaphore, #tpu.memory_space<semaphore_mem>>) src(%dma_wait3A_2209 : memref<32x128xf32, #tpu.memory_space<hbm>>) dst(%dma_wait3A_2207 : memref<32x128xf32, #tpu.memory_space<vmem>>)
      %dma_wait3A_2210 = arith.constant 96 : i32
      %dma_wait3A_2211 = arith.constant 0 : i32
      %dma_wait3A_2212 = tpu.memref_slice %arg19[%dma_wait3A_2210, %dma_wait3A_2211] : memref<192x128xf32, #tpu.memory_space<vmem>> -> memref<32x128xf32, #tpu.memory_space<vmem>>
      %dma_wait3A_2213 = arith.constant 0 : i32
      %dma_wait3A_2214 = tpu.memref_slice %arg8[%dma_wait3A_2213, %mul3A_1675] : memref<32x1000000xf32, #tpu.memory_space<hbm>> -> memref<32x128xf32, #tpu.memory_space<hbm>>
      %dma_wait3A_2215 = arith.constant 96 : i32
      %dma_wait3A_2216 = arith.constant 0 : i32
      %dma_wait3A_2217 = tpu.memref_slice %arg19[%dma_wait3A_2215, %dma_wait3A_2216] : memref<192x128xf32, #tpu.memory_space<vmem>> -> memref<32x128xf32, #tpu.memory_space<vmem>>
      %dma_wait3A_2218 = arith.constant 0 : i32
      %dma_wait3A_2219 = tpu.memref_slice %arg8[%dma_wait3A_2218, %mul3A_1675] : memref<32x1000000xf32, #tpu.memory_space<hbm>> -> memref<32x128xf32, #tpu.memory_space<hbm>>
      tpu.wait_dma2 semaphore(%arg27 : memref<!tpu.dma_semaphore, #tpu.memory_space<semaphore_mem>>) src(%dma_wait3A_2219 : memref<32x128xf32, #tpu.memory_space<hbm>>) dst(%dma_wait3A_2217 : memref<32x128xf32, #tpu.memory_space<vmem>>)
      %dma_wait3A_2220 = arith.constant 96 : i32
      %dma_wait3A_2221 = arith.constant 0 : i32
      %dma_wait3A_2222 = tpu.memref_slice %arg20[%dma_wait3A_2220, %dma_wait3A_2221] : memref<192x128xf32, #tpu.memory_space<vmem>> -> memref<32x128xf32, #tpu.memory_space<vmem>>
      %dma_wait3A_2223 = arith.constant 0 : i32
      %dma_wait3A_2224 = tpu.memref_slice %arg9[%dma_wait3A_2223, %mul3A_1679] : memref<32x1000000xf32, #tpu.memory_space<hbm>> -> memref<32x128xf32, #tpu.memory_space<hbm>>
      %dma_wait3A_2225 = arith.constant 96 : i32
      %dma_wait3A_2226 = arith.constant 0 : i32
      %dma_wait3A_2227 = tpu.memref_slice %arg20[%dma_wait3A_2225, %dma_wait3A_2226] : memref<192x128xf32, #tpu.memory_space<vmem>> -> memref<32x128xf32, #tpu.memory_space<vmem>>
      %dma_wait3A_2228 = arith.constant 0 : i32
      %dma_wait3A_2229 = tpu.memref_slice %arg9[%dma_wait3A_2228, %mul3A_1679] : memref<32x1000000xf32, #tpu.memory_space<hbm>> -> memref<32x128xf32, #tpu.memory_space<hbm>>
      tpu.wait_dma2 semaphore(%arg27 : memref<!tpu.dma_semaphore, #tpu.memory_space<semaphore_mem>>) src(%dma_wait3A_2229 : memref<32x128xf32, #tpu.memory_space<hbm>>) dst(%dma_wait3A_2227 : memref<32x128xf32, #tpu.memory_space<vmem>>)
      %mul3A_2230 = arith.constant 0 : i32
      %mul3A_2231 = vector.broadcast %mul3A_2230 : i32 to vector<16xi32>
      %mul3A_2232 = arith.muli %iota3A, %mul3A_2231 : vector<16xi32>
      %slice3A_2233 = vector.extract_strided_slice %get3A_15 {offsets = [15], sizes = [1], strides = [1]} : vector<16xi32> to vector<1xi32>
      %squeeze3A_2234 = vector.extract %slice3A_2233[0] : i32 from vector<1xi32>
      %add3A_2235 = vector.broadcast %squeeze3A_2234 : i32 to vector<16xi32>
      %add3A_2236 = arith.addi %mul3A_2232, %add3A_2235 : vector<16xi32>
      %mul3A_2237 = arith.constant 0 : i32
      %mul3A_2238 = vector.broadcast %mul3A_2237 : i32 to vector<16xi32>
      %mul3A_2239 = arith.muli %iota3A, %mul3A_2238 : vector<16xi32>
      %slice3A_2240 = vector.extract_strided_slice %get3A_17 {offsets = [15], sizes = [1], strides = [1]} : vector<16xi32> to vector<1xi32>
      %squeeze3A_2241 = vector.extract %slice3A_2240[0] : i32 from vector<1xi32>
      %add3A_2242 = vector.broadcast %squeeze3A_2241 : i32 to vector<16xi32>
      %add3A_2243 = arith.addi %mul3A_2239, %add3A_2242 : vector<16xi32>
      %add3A_2244 = arith.constant 96 : i32
      %add3A_2245 = vector.broadcast %add3A_2244 : i32 to vector<16xi32>
      %add3A_2246 = arith.addi %iota3A, %add3A_2245 : vector<16xi32>
      %add3A_2247 = arith.constant 16 : i32
      %add3A_2248 = vector.broadcast %add3A_2247 : i32 to vector<16xi32>
      %add3A_2249 = arith.addi %add3A_2246, %add3A_2248 : vector<16xi32>
      %gather3A_2250 = tpu.vector_load_idx %arg17[%add3A_2246, %add3A_2236] : memref<192x128xf32, #tpu.memory_space<vmem>>[vector<16xi32>, vector<16xi32>], vector<16xf32>,
      %gather3A_2251 = tpu.vector_load_idx %arg17[%add3A_2249, %add3A_2236] : memref<192x128xf32, #tpu.memory_space<vmem>>[vector<16xi32>, vector<16xi32>], vector<16xf32>,
      %gather3A_2252 = tpu.vector_load_idx %arg18[%add3A_2246, %add3A_2243] : memref<192x128xf32, #tpu.memory_space<vmem>>[vector<16xi32>, vector<16xi32>], vector<16xf32>,
      %gather3A_2253 = tpu.vector_load_idx %arg18[%add3A_2249, %add3A_2243] : memref<192x128xf32, #tpu.memory_space<vmem>>[vector<16xi32>, vector<16xi32>], vector<16xf32>,
      %gather3A_2254 = tpu.vector_load_idx %arg19[%add3A_2246, %add3A_2236] : memref<192x128xf32, #tpu.memory_space<vmem>>[vector<16xi32>, vector<16xi32>], vector<16xf32>,
      %gather3A_2255 = tpu.vector_load_idx %arg19[%add3A_2249, %add3A_2236] : memref<192x128xf32, #tpu.memory_space<vmem>>[vector<16xi32>, vector<16xi32>], vector<16xf32>,
      %gather3A_2256 = tpu.vector_load_idx %arg20[%add3A_2246, %add3A_2243] : memref<192x128xf32, #tpu.memory_space<vmem>>[vector<16xi32>, vector<16xi32>], vector<16xf32>,
      %gather3A_2257 = tpu.vector_load_idx %arg20[%add3A_2249, %add3A_2243] : memref<192x128xf32, #tpu.memory_space<vmem>>[vector<16xi32>, vector<16xi32>], vector<16xf32>,
      %mul3A_2258 = arith.mulf %gather3A_2250, %gather3A_2252 : vector<16xf32>
      %swap3A_2259 = arith.constant 15 : i32
      %swap3A_2260 = arith.index_cast %swap3A_2259 : i32 to index
      %swap3A_2261 = arith.constant 0 : index
      %swap3A_2262 = tpu.vector_load %arg21[%swap3A_2260, %swap3A_2261] {strides = array<i32>} : memref<16x32xf32, #tpu.memory_space<vmem>>, vector<16xf32>,
      tpu.vector_store %arg21[%swap3A_2260, %swap3A_2261], %mul3A_2258 {strides = array<i32>} : memref<16x32xf32, #tpu.memory_space<vmem>>, vector<16xf32>,
      %mul3A_2263 = arith.mulf %gather3A_2251, %gather3A_2253 : vector<16xf32>
      %swap3A_2264 = arith.constant 15 : i32
      %swap3A_2265 = arith.index_cast %swap3A_2264 : i32 to index
      %swap3A_2266 = arith.constant 16 : index
      %swap3A_2267 = tpu.vector_load %arg21[%swap3A_2265, %swap3A_2266] {strides = array<i32>} : memref<16x32xf32, #tpu.memory_space<vmem>>, vector<16xf32>,
      tpu.vector_store %arg21[%swap3A_2265, %swap3A_2266], %mul3A_2263 {strides = array<i32>} : memref<16x32xf32, #tpu.memory_space<vmem>>, vector<16xf32>,
      %swap3A_2268 = arith.constant 15 : i32
      %swap3A_2269 = arith.index_cast %swap3A_2268 : i32 to index
      %swap3A_2270 = arith.constant 0 : index
      %swap3A_2271 = tpu.vector_load %arg22[%swap3A_2269, %swap3A_2270] {strides = array<i32>} : memref<16x32xf32, #tpu.memory_space<vmem>>, vector<16xf32>,
      tpu.vector_store %arg22[%swap3A_2269, %swap3A_2270], %gather3A_2254 {strides = array<i32>} : memref<16x32xf32, #tpu.memory_space<vmem>>, vector<16xf32>,
      %swap3A_2272 = arith.constant 15 : i32
      %swap3A_2273 = arith.index_cast %swap3A_2272 : i32 to index
      %swap3A_2274 = arith.constant 16 : index
      %swap3A_2275 = tpu.vector_load %arg22[%swap3A_2273, %swap3A_2274] {strides = array<i32>} : memref<16x32xf32, #tpu.memory_space<vmem>>, vector<16xf32>,
      tpu.vector_store %arg22[%swap3A_2273, %swap3A_2274], %gather3A_2255 {strides = array<i32>} : memref<16x32xf32, #tpu.memory_space<vmem>>, vector<16xf32>,
      %swap3A_2276 = arith.constant 15 : i32
      %swap3A_2277 = arith.index_cast %swap3A_2276 : i32 to index
      %swap3A_2278 = arith.constant 0 : index
      %swap3A_2279 = tpu.vector_load %arg23[%swap3A_2277, %swap3A_2278] {strides = array<i32>} : memref<16x32xf32, #tpu.memory_space<vmem>>, vector<16xf32>,
      tpu.vector_store %arg23[%swap3A_2277, %swap3A_2278], %gather3A_2256 {strides = array<i32>} : memref<16x32xf32, #tpu.memory_space<vmem>>, vector<16xf32>,
      %swap3A_2280 = arith.constant 15 : i32
      %swap3A_2281 = arith.index_cast %swap3A_2280 : i32 to index
      %swap3A_2282 = arith.constant 16 : index
      %swap3A_2283 = tpu.vector_load %arg23[%swap3A_2281, %swap3A_2282] {strides = array<i32>} : memref<16x32xf32, #tpu.memory_space<vmem>>, vector<16xf32>,
      tpu.vector_store %arg23[%swap3A_2281, %swap3A_2282], %gather3A_2257 {strides = array<i32>} : memref<16x32xf32, #tpu.memory_space<vmem>>, vector<16xf32>,
      %add3A_2284 = arith.addi %mul3A_2, %mul3A_10 : i32
      "tpu.region"() ({
        %run_scoped3A = tpu.sem_alloc : memref<!tpu.dma_semaphore, #tpu.memory_space<semaphore_mem>>
        %dma_start3A_2285 = arith.constant 0 : i32
        %dma_start3A_2286 = tpu.memref_slice %arg10[%add3A_2284, %dma_start3A_2285] : memref<16384x32xf32, #tpu.memory_space<hbm>> -> memref<16x32xf32, #tpu.memory_space<hbm>>
        %dma_start3A_2287 = arith.constant 0 : i32
        %dma_start3A_2288 = tpu.memref_slice %arg10[%add3A_2284, %dma_start3A_2287] : memref<16384x32xf32, #tpu.memory_space<hbm>> -> memref<16x32xf32, #tpu.memory_space<hbm>>
        tpu.enqueue_dma source(%arg21 : memref<16x32xf32, #tpu.memory_space<vmem>>) target(%dma_start3A_2288 : memref<16x32xf32, #tpu.memory_space<hbm>>) target_semaphore(%run_scoped3A : memref<!tpu.dma_semaphore, #tpu.memory_space<semaphore_mem>>)
        %dma_wait3A_2289 = arith.constant 0 : i32
        %dma_wait3A_2290 = tpu.memref_slice %arg10[%add3A_2284, %dma_wait3A_2289] : memref<16384x32xf32, #tpu.memory_space<hbm>> -> memref<16x32xf32, #tpu.memory_space<hbm>>
        %dma_wait3A_2291 = arith.constant 0 : i32
        %dma_wait3A_2292 = tpu.memref_slice %arg10[%add3A_2284, %dma_wait3A_2291] : memref<16384x32xf32, #tpu.memory_space<hbm>> -> memref<16x32xf32, #tpu.memory_space<hbm>>
        tpu.wait_dma2 semaphore(%run_scoped3A : memref<!tpu.dma_semaphore, #tpu.memory_space<semaphore_mem>>) src(%arg21 : memref<16x32xf32, #tpu.memory_space<vmem>>) dst(%dma_wait3A_2292 : memref<16x32xf32, #tpu.memory_space<hbm>>)
        tpu.yield
      }) : () -> ()
      "tpu.region"() ({
        %run_scoped3A = tpu.sem_alloc : memref<!tpu.dma_semaphore, #tpu.memory_space<semaphore_mem>>
        %dma_start3A_2285 = arith.constant 0 : i32
        %dma_start3A_2286 = tpu.memref_slice %arg11[%add3A_2284, %dma_start3A_2285] : memref<16384x32xf32, #tpu.memory_space<hbm>> -> memref<16x32xf32, #tpu.memory_space<hbm>>
        %dma_start3A_2287 = arith.constant 0 : i32
        %dma_start3A_2288 = tpu.memref_slice %arg11[%add3A_2284, %dma_start3A_2287] : memref<16384x32xf32, #tpu.memory_space<hbm>> -> memref<16x32xf32, #tpu.memory_space<hbm>>
        tpu.enqueue_dma source(%arg22 : memref<16x32xf32, #tpu.memory_space<vmem>>) target(%dma_start3A_2288 : memref<16x32xf32, #tpu.memory_space<hbm>>) target_semaphore(%run_scoped3A : memref<!tpu.dma_semaphore, #tpu.memory_space<semaphore_mem>>)
        %dma_wait3A_2289 = arith.constant 0 : i32
        %dma_wait3A_2290 = tpu.memref_slice %arg11[%add3A_2284, %dma_wait3A_2289] : memref<16384x32xf32, #tpu.memory_space<hbm>> -> memref<16x32xf32, #tpu.memory_space<hbm>>
        %dma_wait3A_2291 = arith.constant 0 : i32
        %dma_wait3A_2292 = tpu.memref_slice %arg11[%add3A_2284, %dma_wait3A_2291] : memref<16384x32xf32, #tpu.memory_space<hbm>> -> memref<16x32xf32, #tpu.memory_space<hbm>>
        tpu.wait_dma2 semaphore(%run_scoped3A : memref<!tpu.dma_semaphore, #tpu.memory_space<semaphore_mem>>) src(%arg22 : memref<16x32xf32, #tpu.memory_space<vmem>>) dst(%dma_wait3A_2292 : memref<16x32xf32, #tpu.memory_space<hbm>>)
        tpu.yield
      }) : () -> ()
      "tpu.region"() ({
        %run_scoped3A = tpu.sem_alloc : memref<!tpu.dma_semaphore, #tpu.memory_space<semaphore_mem>>
        %dma_start3A_2285 = arith.constant 0 : i32
        %dma_start3A_2286 = tpu.memref_slice %arg12[%add3A_2284, %dma_start3A_2285] : memref<16384x32xf32, #tpu.memory_space<hbm>> -> memref<16x32xf32, #tpu.memory_space<hbm>>
        %dma_start3A_2287 = arith.constant 0 : i32
        %dma_start3A_2288 = tpu.memref_slice %arg12[%add3A_2284, %dma_start3A_2287] : memref<16384x32xf32, #tpu.memory_space<hbm>> -> memref<16x32xf32, #tpu.memory_space<hbm>>
        tpu.enqueue_dma source(%arg23 : memref<16x32xf32, #tpu.memory_space<vmem>>) target(%dma_start3A_2288 : memref<16x32xf32, #tpu.memory_space<hbm>>) target_semaphore(%run_scoped3A : memref<!tpu.dma_semaphore, #tpu.memory_space<semaphore_mem>>)
        %dma_wait3A_2289 = arith.constant 0 : i32
        %dma_wait3A_2290 = tpu.memref_slice %arg12[%add3A_2284, %dma_wait3A_2289] : memref<16384x32xf32, #tpu.memory_space<hbm>> -> memref<16x32xf32, #tpu.memory_space<hbm>>
        %dma_wait3A_2291 = arith.constant 0 : i32
        %dma_wait3A_2292 = tpu.memref_slice %arg12[%add3A_2284, %dma_wait3A_2291] : memref<16384x32xf32, #tpu.memory_space<hbm>> -> memref<16x32xf32, #tpu.memory_space<hbm>>
        tpu.wait_dma2 semaphore(%run_scoped3A : memref<!tpu.dma_semaphore, #tpu.memory_space<semaphore_mem>>) src(%arg23 : memref<16x32xf32, #tpu.memory_space<vmem>>) dst(%dma_wait3A_2292 : memref<16x32xf32, #tpu.memory_space<hbm>>)
        tpu.yield
      }) : () -> ()
    }
    %scan3A_7 = arith.constant 32 : i32
    return
  }
}

module attributes {stable_mosaic.version = 14 : i64} {
  func.func @_mlp_body(%arg0: i32, %arg1: memref<1024x32xf32, #tpu.memory_space<vmem>>, %arg2: memref<1024x32xf32, #tpu.memory_space<vmem>>, %arg3: memref<1024x32xf32, #tpu.memory_space<vmem>>, %arg4: memref<1024x1xi32, #tpu.memory_space<vmem>>, %arg5: memref<64x32xf32, #tpu.memory_space<vmem>>, %arg6: memref<64x32xf32, #tpu.memory_space<vmem>>, %arg7: memref<1x64xf32, #tpu.memory_space<vmem>>, %arg8: memref<32x64xf32, #tpu.memory_space<vmem>>, %arg9: memref<1x32xf32, #tpu.memory_space<vmem>>, %arg10: memref<16x32xf32, #tpu.memory_space<vmem>>, %arg11: memref<1x16xf32, #tpu.memory_space<vmem>>, %arg12: memref<1x32xf32, #tpu.memory_space<vmem>>, %arg13: memref<1x16xf32, #tpu.memory_space<vmem>>, %arg14: memref<1x1xf32, #tpu.memory_space<vmem>>, %arg15: memref<1024x64xf32, #tpu.memory_space<vmem>>, %arg16: memref<1024x32xf32, #tpu.memory_space<vmem>>, %arg17: memref<1024x16xf32, #tpu.memory_space<vmem>>, %arg18: memref<1024x1xf32, #tpu.memory_space<vmem>>, %arg19: memref<1x1xf32, #tpu.memory_space<smem>>) attributes {dimension_semantics = [#tpu.dimension_semantics<arbitrary>], iteration_bounds = array<i64: 16>, scalar_prefetch = 0 : i64, scratch_operands = 0 : i64, tpu.core_type = #tpu.core_type<tc>, window_params = [{transform_indices = @transform_0, window_bounds = array<i64: 1024, 32>}, {transform_indices = @transform_1, window_bounds = array<i64: 1024, 32>}, {transform_indices = @transform_2, window_bounds = array<i64: 1024, 32>}, {transform_indices = @transform_3, window_bounds = array<i64: 1024, 1>}, {pipeline_mode = #tpu.pipeline_mode<synchronous>, transform_indices = @transform_4, window_bounds = array<i64: 64, 32>}, {pipeline_mode = #tpu.pipeline_mode<synchronous>, transform_indices = @transform_5, window_bounds = array<i64: 64, 32>}, {pipeline_mode = #tpu.pipeline_mode<synchronous>, transform_indices = @transform_6, window_bounds = array<i64: 1, 64>}, {pipeline_mode = #tpu.pipeline_mode<synchronous>, transform_indices = @transform_7, window_bounds = array<i64: 32, 64>}, {pipeline_mode = #tpu.pipeline_mode<synchronous>, transform_indices = @transform_8, window_bounds = array<i64: 1, 32>}, {pipeline_mode = #tpu.pipeline_mode<synchronous>, transform_indices = @transform_9, window_bounds = array<i64: 16, 32>}, {pipeline_mode = #tpu.pipeline_mode<synchronous>, transform_indices = @transform_10, window_bounds = array<i64: 1, 16>}, {pipeline_mode = #tpu.pipeline_mode<synchronous>, transform_indices = @transform_11, window_bounds = array<i64: 1, 32>}, {pipeline_mode = #tpu.pipeline_mode<synchronous>, transform_indices = @transform_12, window_bounds = array<i64: 1, 16>}, {pipeline_mode = #tpu.pipeline_mode<synchronous>, transform_indices = @transform_13, window_bounds = array<i64: 1, 1>}, {transform_indices = @transform_14, window_bounds = array<i64: 1024, 64>}, {transform_indices = @transform_15, window_bounds = array<i64: 1024, 32>}, {transform_indices = @transform_16, window_bounds = array<i64: 1024, 16>}, {transform_indices = @transform_17, window_bounds = array<i64: 1024, 1>}, {transform_indices = @transform_18, window_bounds = array<i64: 1, 1>}]} {
    %get3A = arith.constant 0 : index
    %get3A_0 = arith.constant 0 : index
    %get3A_1 = vector.load %arg2[%get3A, %get3A_0] : memref<1024x32xf32, #tpu.memory_space<vmem>>, vector<1024x32xf32>
    %get3A_2 = arith.constant 0 : index
    %get3A_3 = arith.constant 0 : index
    %get3A_4 = vector.load %arg5[%get3A_2, %get3A_3] : memref<64x32xf32, #tpu.memory_space<vmem>>, vector<64x32xf32>
    %dot_general3A = arith.constant dense<0.000000e+00> : vector<1024x64xf32>
    %dot_general3A_5 = tpu.matmul %get3A_1, %get3A_4, %dot_general3A {dimension_numbers = #tpu.dot_dimension_numbers<[1], [1], [0], [0], [0, 0, 1, 0], [], []>, transpose_lhs_hint = false} : vector<1024x32xf32>, vector<64x32xf32>, vector<1024x64xf32> -> vector<1024x64xf32>
    %get3A_6 = arith.constant 0 : index
    %get3A_7 = arith.constant 0 : index
    %get3A_8 = vector.load %arg3[%get3A_6, %get3A_7] : memref<1024x32xf32, #tpu.memory_space<vmem>>, vector<1024x32xf32>
    %get3A_9 = arith.constant 0 : index
    %get3A_10 = arith.constant 0 : index
    %get3A_11 = vector.load %arg6[%get3A_9, %get3A_10] : memref<64x32xf32, #tpu.memory_space<vmem>>, vector<64x32xf32>
    %dot_general3A_12 = arith.constant dense<0.000000e+00> : vector<1024x64xf32>
    %dot_general3A_13 = tpu.matmul %get3A_8, %get3A_11, %dot_general3A_12 {dimension_numbers = #tpu.dot_dimension_numbers<[1], [1], [0], [0], [0, 0, 1, 0], [], []>, transpose_lhs_hint = false} : vector<1024x32xf32>, vector<64x32xf32>, vector<1024x64xf32> -> vector<1024x64xf32>
    %add3A = arith.addf %dot_general3A_5, %dot_general3A_13 : vector<1024x64xf32>
    %get3A_14 = arith.constant 0 : index
    %get3A_15 = arith.constant 0 : index
    %get3A_16 = vector.load %arg7[%get3A_14, %get3A_15] : memref<1x64xf32, #tpu.memory_space<vmem>>, vector<1x64xf32>
    %add3A_17 = vector.broadcast %get3A_16 : vector<1x64xf32> to vector<1024x64xf32>
    %add3A_18 = arith.addf %add3A, %add3A_17 : vector<1024x64xf32>
    %max3A = arith.constant 0.000000e+00 : f32
    %max3A_19 = vector.broadcast %max3A : f32 to vector<1024x64xf32>
    %max3A_20 = arith.maximumf %add3A_18, %max3A_19 : vector<1024x64xf32>
    %get3A_21 = arith.constant 0 : index
    %get3A_22 = arith.constant 0 : index
    %get3A_23 = vector.load %arg8[%get3A_21, %get3A_22] : memref<32x64xf32, #tpu.memory_space<vmem>>, vector<32x64xf32>
    %dot_general3A_24 = arith.constant dense<0.000000e+00> : vector<1024x32xf32>
    %dot_general3A_25 = tpu.matmul %max3A_20, %get3A_23, %dot_general3A_24 {dimension_numbers = #tpu.dot_dimension_numbers<[1], [1], [0], [0], [0, 0, 1, 0], [], []>, transpose_lhs_hint = false} : vector<1024x64xf32>, vector<32x64xf32>, vector<1024x32xf32> -> vector<1024x32xf32>
    %get3A_26 = arith.constant 0 : index
    %get3A_27 = arith.constant 0 : index
    %get3A_28 = vector.load %arg9[%get3A_26, %get3A_27] : memref<1x32xf32, #tpu.memory_space<vmem>>, vector<1x32xf32>
    %add3A_29 = vector.broadcast %get3A_28 : vector<1x32xf32> to vector<1024x32xf32>
    %add3A_30 = arith.addf %dot_general3A_25, %add3A_29 : vector<1024x32xf32>
    %max3A_31 = arith.constant 0.000000e+00 : f32
    %max3A_32 = vector.broadcast %max3A_31 : f32 to vector<1024x32xf32>
    %max3A_33 = arith.maximumf %add3A_30, %max3A_32 : vector<1024x32xf32>
    %get3A_34 = arith.constant 0 : index
    %get3A_35 = arith.constant 0 : index
    %get3A_36 = vector.load %arg10[%get3A_34, %get3A_35] : memref<16x32xf32, #tpu.memory_space<vmem>>, vector<16x32xf32>
    %dot_general3A_37 = arith.constant dense<0.000000e+00> : vector<1024x16xf32>
    %dot_general3A_38 = tpu.matmul %max3A_33, %get3A_36, %dot_general3A_37 {dimension_numbers = #tpu.dot_dimension_numbers<[1], [1], [0], [0], [0, 0, 1, 0], [], []>, transpose_lhs_hint = false} : vector<1024x32xf32>, vector<16x32xf32>, vector<1024x16xf32> -> vector<1024x16xf32>
    %get3A_39 = arith.constant 0 : index
    %get3A_40 = arith.constant 0 : index
    %get3A_41 = vector.load %arg11[%get3A_39, %get3A_40] : memref<1x16xf32, #tpu.memory_space<vmem>>, vector<1x16xf32>
    %add3A_42 = vector.broadcast %get3A_41 : vector<1x16xf32> to vector<1024x16xf32>
    %add3A_43 = arith.addf %dot_general3A_38, %add3A_42 : vector<1024x16xf32>
    %max3A_44 = arith.constant 0.000000e+00 : f32
    %max3A_45 = vector.broadcast %max3A_44 : f32 to vector<1024x16xf32>
    %max3A_46 = arith.maximumf %add3A_43, %max3A_45 : vector<1024x16xf32>
    %get3A_47 = arith.constant 0 : index
    %get3A_48 = arith.constant 0 : index
    %get3A_49 = vector.load %arg1[%get3A_47, %get3A_48] : memref<1024x32xf32, #tpu.memory_space<vmem>>, vector<1024x32xf32>
    %get3A_50 = arith.constant 0 : index
    %get3A_51 = arith.constant 0 : index
    %get3A_52 = vector.load %arg12[%get3A_50, %get3A_51] : memref<1x32xf32, #tpu.memory_space<vmem>>, vector<1x32xf32>
    %dot_general3A_53 = arith.constant dense<0.000000e+00> : vector<1024x1xf32>
    %dot_general3A_54 = tpu.matmul %get3A_49, %get3A_52, %dot_general3A_53 {dimension_numbers = #tpu.dot_dimension_numbers<[1], [1], [0], [0], [0, 0, 1, 0], [], []>, transpose_lhs_hint = false} : vector<1024x32xf32>, vector<1x32xf32>, vector<1024x1xf32> -> vector<1024x1xf32>
    %get3A_55 = arith.constant 0 : index
    %get3A_56 = arith.constant 0 : index
    %get3A_57 = vector.load %arg13[%get3A_55, %get3A_56] : memref<1x16xf32, #tpu.memory_space<vmem>>, vector<1x16xf32>
    %dot_general3A_58 = arith.constant dense<0.000000e+00> : vector<1024x1xf32>
    %dot_general3A_59 = tpu.matmul %max3A_46, %get3A_57, %dot_general3A_58 {dimension_numbers = #tpu.dot_dimension_numbers<[1], [1], [0], [0], [0, 0, 1, 0], [], []>, transpose_lhs_hint = false} : vector<1024x16xf32>, vector<1x16xf32>, vector<1024x1xf32> -> vector<1024x1xf32>
    %add3A_60 = arith.addf %dot_general3A_54, %dot_general3A_59 : vector<1024x1xf32>
    %get3A_61 = arith.constant 0 : index
    %get3A_62 = arith.constant 0 : index
    %get3A_63 = vector.load %arg14[%get3A_61, %get3A_62] : memref<1x1xf32, #tpu.memory_space<vmem>>, vector<1x1xf32>
    %add3A_64 = vector.broadcast %get3A_63 : vector<1x1xf32> to vector<1024x1xf32>
    %add3A_65 = arith.addf %add3A_60, %add3A_64 : vector<1024x1xf32>
    %logistic3A = arith.negf %add3A_65 : vector<1024x1xf32>
    %logistic3A_66 = math.exp %logistic3A : vector<1024x1xf32>
    %logistic3A_67 = arith.constant 1.000000e+00 : f32
    %logistic3A_68 = vector.broadcast %logistic3A_67 : f32 to vector<1024x1xf32>
    %logistic3A_69 = arith.addf %logistic3A_68, %logistic3A_66 : vector<1024x1xf32>
    %logistic3A_70 = arith.divf %logistic3A_68, %logistic3A_69 : vector<1024x1xf32>
    %swap3A = arith.constant 0 : index
    %swap3A_71 = arith.constant 0 : index
    %swap3A_72 = vector.load %arg15[%swap3A, %swap3A_71] : memref<1024x64xf32, #tpu.memory_space<vmem>>, vector<1024x64xf32>
    tpu.vector_store %arg15[%swap3A, %swap3A_71], %max3A_20 {strides = array<i32>} : memref<1024x64xf32, #tpu.memory_space<vmem>>, vector<1024x64xf32>,
    %swap3A_73 = arith.constant 0 : index
    %swap3A_74 = arith.constant 0 : index
    %swap3A_75 = vector.load %arg16[%swap3A_73, %swap3A_74] : memref<1024x32xf32, #tpu.memory_space<vmem>>, vector<1024x32xf32>
    tpu.vector_store %arg16[%swap3A_73, %swap3A_74], %max3A_33 {strides = array<i32>} : memref<1024x32xf32, #tpu.memory_space<vmem>>, vector<1024x32xf32>,
    %swap3A_76 = arith.constant 0 : index
    %swap3A_77 = arith.constant 0 : index
    %swap3A_78 = vector.load %arg17[%swap3A_76, %swap3A_77] : memref<1024x16xf32, #tpu.memory_space<vmem>>, vector<1024x16xf32>
    tpu.vector_store %arg17[%swap3A_76, %swap3A_77], %max3A_46 {strides = array<i32>} : memref<1024x16xf32, #tpu.memory_space<vmem>>, vector<1024x16xf32>,
    %swap3A_79 = arith.constant 0 : index
    %swap3A_80 = arith.constant 0 : index
    %swap3A_81 = vector.load %arg18[%swap3A_79, %swap3A_80] : memref<1024x1xf32, #tpu.memory_space<vmem>>, vector<1024x1xf32>
    tpu.vector_store %arg18[%swap3A_79, %swap3A_80], %logistic3A_70 {strides = array<i32>} : memref<1024x1xf32, #tpu.memory_space<vmem>>, vector<1024x1xf32>,
    %jit3A = arith.constant 1.000000e-07 : f32
    %jit3A_82 = arith.constant 0.99999988 : f32
    %max3A_83 = vector.broadcast %jit3A : f32 to vector<1024x1xf32>
    %max3A_84 = arith.maximumf %max3A_83, %logistic3A_70 : vector<1024x1xf32>
    %min3A = vector.broadcast %jit3A_82 : f32 to vector<1024x1xf32>
    %min3A_85 = arith.minimumf %min3A, %max3A_84 : vector<1024x1xf32>
    %get3A_86 = arith.constant 0 : index
    %get3A_87 = arith.constant 0 : index
    %get3A_88 = vector.load %arg4[%get3A_86, %get3A_87] : memref<1024x1xi32, #tpu.memory_space<vmem>>, vector<1024x1xi32>
    %convert_element_type3A = arith.sitofp %get3A_88 : vector<1024x1xi32> to vector<1024x1xf32>
    %log3A = math.log %min3A_85 : vector<1024x1xf32>
    %mul3A = arith.mulf %convert_element_type3A, %log3A : vector<1024x1xf32>
    %sub3A = arith.constant 1.000000e+00 : f32
    %sub3A_89 = vector.broadcast %sub3A : f32 to vector<1024x1xf32>
    %sub3A_90 = arith.subf %sub3A_89, %convert_element_type3A : vector<1024x1xf32>
    %sub3A_91 = arith.constant 1.000000e+00 : f32
    %sub3A_92 = vector.broadcast %sub3A_91 : f32 to vector<1024x1xf32>
    %sub3A_93 = arith.subf %sub3A_92, %min3A_85 : vector<1024x1xf32>
    %log3A_94 = math.log %sub3A_93 : vector<1024x1xf32>
    %mul3A_95 = arith.mulf %sub3A_90, %log3A_94 : vector<1024x1xf32>
    %add3A_96 = arith.addf %mul3A, %mul3A_95 : vector<1024x1xf32>
    %neg3A = arith.constant 0.000000e+00 : f32
    %neg3A_97 = vector.broadcast %neg3A : f32 to vector<1024x1xf32>
    %neg3A_98 = arith.subf %neg3A_97, %add3A_96 : vector<1024x1xf32>
    %reduce_sum3A = vector.shape_cast %neg3A_98 : vector<1024x1xf32> to vector<1x1024x1xf32>
    %reduce_sum3A_99 = arith.constant dense<0.000000e+00> : vector<1xf32>
    %reduce_sum3A_100 = vector.multi_reduction <add>, %reduce_sum3A, %reduce_sum3A_99 [1, 2] : vector<1x1024x1xf32> to vector<1xf32>
    %reduce_sum3A_101 = vector.shape_cast %reduce_sum3A_100 : vector<1xf32> to vector<1x1x1xf32>
    %reduce_sum3A_102 = vector.extract %reduce_sum3A_101[0, 0, 0] : f32 from vector<1x1x1xf32>
    %eq3A = arith.constant 0 : i32
    %eq3A_103 = arith.cmpi eq, %arg0, %eq3A : i32
    %convert_element_type3A_104 = arith.extui %eq3A_103 : i1 to i32
    %cond3A = arith.constant 0 : i32
    %cond3A_105 = arith.cmpi ne, %convert_element_type3A_104, %cond3A : i32
    scf.if %cond3A_105 {
      %swap3A_115 = arith.constant 0 : index
      %swap3A_116 = arith.constant 0 : index
      %swap3A_117 = memref.load %arg19[%swap3A_115, %swap3A_116] : memref<1x1xf32, #tpu.memory_space<smem>>
      memref.store %reduce_sum3A_102, %arg19[%swap3A_115, %swap3A_116] : memref<1x1xf32, #tpu.memory_space<smem>>
    } else {
    }
    %gt3A = arith.constant 0 : i32
    %gt3A_106 = arith.cmpi sgt, %arg0, %gt3A : i32
    %convert_element_type3A_107 = arith.extui %gt3A_106 : i1 to i32
    %cond3A_108 = arith.constant 0 : i32
    %cond3A_109 = arith.cmpi ne, %convert_element_type3A_107, %cond3A_108 : i32
    scf.if %cond3A_109 {
      %get3A_115 = arith.constant 0 : index
      %get3A_116 = arith.constant 0 : index
      %get3A_117 = memref.load %arg19[%get3A_115, %get3A_116] : memref<1x1xf32, #tpu.memory_space<smem>>
      %add3A_118 = arith.addf %get3A_117, %reduce_sum3A_102 : f32
      %swap3A_119 = arith.constant 0 : index
      %swap3A_120 = arith.constant 0 : index
      %swap3A_121 = memref.load %arg19[%swap3A_119, %swap3A_120] : memref<1x1xf32, #tpu.memory_space<smem>>
      memref.store %add3A_118, %arg19[%swap3A_119, %swap3A_120] : memref<1x1xf32, #tpu.memory_space<smem>>
    } else {
    }
    %eq3A_110 = arith.constant 15 : i32
    %eq3A_111 = arith.cmpi eq, %arg0, %eq3A_110 : i32
    %convert_element_type3A_112 = arith.extui %eq3A_111 : i1 to i32
    %cond3A_113 = arith.constant 0 : i32
    %cond3A_114 = arith.cmpi ne, %convert_element_type3A_112, %cond3A_113 : i32
    scf.if %cond3A_114 {
      %get3A_115 = arith.constant 0 : index
      %get3A_116 = arith.constant 0 : index
      %get3A_117 = memref.load %arg19[%get3A_115, %get3A_116] : memref<1x1xf32, #tpu.memory_space<smem>>
      %div3A = arith.constant 1.638400e+04 : f32
      %div3A_118 = arith.divf %get3A_117, %div3A : f32
      %swap3A_119 = arith.constant 0 : index
      %swap3A_120 = arith.constant 0 : index
      %swap3A_121 = memref.load %arg19[%swap3A_119, %swap3A_120] : memref<1x1xf32, #tpu.memory_space<smem>>
      memref.store %div3A_118, %arg19[%swap3A_119, %swap3A_120] : memref<1x1xf32, #tpu.memory_space<smem>>
    } else {
    }
    return
  }
  func.func @transform_0(%arg0: i32) -> (i32, i32) {
    %c0_i32 = arith.constant 0 : i32
    %c0_i32_0 = arith.constant 0 : i32
    return %arg0, %c0_i32 : i32, i32
  }
  func.func @transform_1(%arg0: i32) -> (i32, i32) {
    %c0_i32 = arith.constant 0 : i32
    %c0_i32_0 = arith.constant 0 : i32
    return %arg0, %c0_i32 : i32, i32
  }
  func.func @transform_2(%arg0: i32) -> (i32, i32) {
    %c0_i32 = arith.constant 0 : i32
    %c0_i32_0 = arith.constant 0 : i32
    return %arg0, %c0_i32 : i32, i32
  }
  func.func @transform_3(%arg0: i32) -> (i32, i32) {
    %c0_i32 = arith.constant 0 : i32
    %c0_i32_0 = arith.constant 0 : i32
    return %arg0, %c0_i32 : i32, i32
  }
  func.func @transform_4(%arg0: i32) -> (i32, i32) {
    %c0_i32 = arith.constant 0 : i32
    %c0_i32_0 = arith.constant 0 : i32
    %c0_i32_1 = arith.constant 0 : i32
    return %c0_i32, %c0_i32_0 : i32, i32
  }
  func.func @transform_5(%arg0: i32) -> (i32, i32) {
    %c0_i32 = arith.constant 0 : i32
    %c0_i32_0 = arith.constant 0 : i32
    %c0_i32_1 = arith.constant 0 : i32
    return %c0_i32, %c0_i32_0 : i32, i32
  }
  func.func @transform_6(%arg0: i32) -> (i32, i32) {
    %c0_i32 = arith.constant 0 : i32
    %c0_i32_0 = arith.constant 0 : i32
    %c0_i32_1 = arith.constant 0 : i32
    return %c0_i32, %c0_i32_0 : i32, i32
  }
  func.func @transform_7(%arg0: i32) -> (i32, i32) {
    %c0_i32 = arith.constant 0 : i32
    %c0_i32_0 = arith.constant 0 : i32
    %c0_i32_1 = arith.constant 0 : i32
    return %c0_i32, %c0_i32_0 : i32, i32
  }
  func.func @transform_8(%arg0: i32) -> (i32, i32) {
    %c0_i32 = arith.constant 0 : i32
    %c0_i32_0 = arith.constant 0 : i32
    %c0_i32_1 = arith.constant 0 : i32
    return %c0_i32, %c0_i32_0 : i32, i32
  }
  func.func @transform_9(%arg0: i32) -> (i32, i32) {
    %c0_i32 = arith.constant 0 : i32
    %c0_i32_0 = arith.constant 0 : i32
    %c0_i32_1 = arith.constant 0 : i32
    return %c0_i32, %c0_i32_0 : i32, i32
  }
  func.func @transform_10(%arg0: i32) -> (i32, i32) {
    %c0_i32 = arith.constant 0 : i32
    %c0_i32_0 = arith.constant 0 : i32
    %c0_i32_1 = arith.constant 0 : i32
    return %c0_i32, %c0_i32_0 : i32, i32
  }
  func.func @transform_11(%arg0: i32) -> (i32, i32) {
    %c0_i32 = arith.constant 0 : i32
    %c0_i32_0 = arith.constant 0 : i32
    %c0_i32_1 = arith.constant 0 : i32
    return %c0_i32, %c0_i32_0 : i32, i32
  }
  func.func @transform_12(%arg0: i32) -> (i32, i32) {
    %c0_i32 = arith.constant 0 : i32
    %c0_i32_0 = arith.constant 0 : i32
    %c0_i32_1 = arith.constant 0 : i32
    return %c0_i32, %c0_i32_0 : i32, i32
  }
  func.func @transform_13(%arg0: i32) -> (i32, i32) {
    %c0_i32 = arith.constant 0 : i32
    %c0_i32_0 = arith.constant 0 : i32
    %c0_i32_1 = arith.constant 0 : i32
    return %c0_i32, %c0_i32_0 : i32, i32
  }
  func.func @transform_14(%arg0: i32) -> (i32, i32) {
    %c0_i32 = arith.constant 0 : i32
    %c0_i32_0 = arith.constant 0 : i32
    return %arg0, %c0_i32 : i32, i32
  }
  func.func @transform_15(%arg0: i32) -> (i32, i32) {
    %c0_i32 = arith.constant 0 : i32
    %c0_i32_0 = arith.constant 0 : i32
    return %arg0, %c0_i32 : i32, i32
  }
  func.func @transform_16(%arg0: i32) -> (i32, i32) {
    %c0_i32 = arith.constant 0 : i32
    %c0_i32_0 = arith.constant 0 : i32
    return %arg0, %c0_i32 : i32, i32
  }
  func.func @transform_17(%arg0: i32) -> (i32, i32) {
    %c0_i32 = arith.constant 0 : i32
    %c0_i32_0 = arith.constant 0 : i32
    return %arg0, %c0_i32 : i32, i32
  }
  func.func @transform_18(%arg0: i32) -> (i32, i32) {
    %c0_i32 = arith.constant 0 : i32
    %c0_i32_0 = arith.constant 0 : i32
    %c0_i32_1 = arith.constant 0 : i32
    return %c0_i32, %c0_i32_0 : i32, i32
  }
}

</mosaic_0001>

<sc_bundles>
// kernel: kernel.4.cloned.1.call-start
scs
__scs_entry_jumppad:
0x0: {  	(pc) =	sbr.rel $0x88, $3  }
0x1: {  	(tag) =	ssettag $0x0;
	lr =	simm.s32 $0x1  }
0x2: {  	[smem:$0x3F92] =	sst lr;
	_ =	strace $0xD0000000  }
0x3: {  	_ = 	snop  }
0x4: {  	_ = 	snop  }
0x5: {  	_ = 	snop  }
0x6: {  	_ = 	snop  }
0x7: {  	_ = 	snop  }
__scs_overlays_trampoline_lowered:
0x8: {  	[smem:$0x3FA1] =	sst s0  }
0x9: {  	[smem:$0x3FA2] =	sst s1  }
0xa: {  	[smem:$0x3FA3] =	sst s2  }
0xb: {  	[smem:$0x3FA4] =	sst s3  }
0xc: {  	[smem:$0x3FA5] =	sst s4  }
0xd: {  	[smem:$0x3FA6] =	sst s5  }
0xe: {  	[smem:$0x3FA7] =	sst s6  }
0xf: {  	[smem:$0x3FA8] =	sst s7  }
0x10: {  	[smem:$0x3FA9] =	sst s8  }
0x11: {  	[smem:$0x3FAA] =	sst s9;
	s0 =	simm.s32 @!p0 $0x0  }
0x12: {  	s1 =	sld [smem:$0x3F90];
	s0 =	simm.s32 @p0 $0x1  }
0x13: {  	[smem:$0x3FAB] =	sst s0;
	s0 =	simm.s32 @!p1 $0x0  }
0x14: {  	s2 =	sld [smem:$0x3F8F];
	s0 =	simm.s32 @p1 $0x1  }
0x15: {  	[smem:$0x3FAC] =	sst s0;
	s0 =	simm.s32 @!p2 $0x0  }
0x16: {  	s3 =	sld [smem:$0x3FDB];
	s0 =	simm.s32 @p2 $0x1  }
0x17: {  	s4 =	simm.s32 $0x1BF5;
	[smem:$0x3FAE] =	sst s0  }
0x18: {  	s0 =	sld [smem:$0x3F91];
	_ =	swait.ge [sflag:s4], $0x0  }
0x19: {  	s7 =	sld [smem:$0x3F92]  }
0x1a: {  	s8 =	sadd.s32 $0xFFFFE003, lr  }
0x1b: {  	s9 =	sadd.s32 $0xFFFFFEF7, lr;
	s5 =	simm.s32 $0xFFFFFFFF;
	p2 =	slt.u32 s8, $0xFFFFF086  }
0x1c: {  	p1 =	slt.u32 s9, $0xF7A;
	s5 =	simm.s32 @!p2 $0x0  }
0x1d: {  	s5 =	simm.s32 @p1 $0x1;
	p0 =	seq.s32 s7, s2  }
0x1e: {  	s7 =	smul.u32 @!p0 $0xF7A, s2;
	p2 =	seq.s32 @!p0 s5, $0x0  }
0x1f: {  	s9 =	smul.u32 $0xF7A, s1;
	s8 =	simm.s32 @!p0 $0x1BF5;
	p2 =	por !p2, p0  }
0x20: {  	[sflag:s8] =	ssyncset.s32 @!p0 $0xFFFFF086;
	s6 =	sadd.s32 @!p0 s3, s7;
	s7 =	simm.s32 @!p0 $0x108  }
0x21: {  	s3 =	sadd.s32 s3, s9;
	s6 =	sadd.s32 @!p0 $0x88, s6;
	s7 =	simm.s32 @p2 $0x1082  }
0x22: {  	[simem:s7], [sflag:s8] =	dma.local @!p0 [hbm:s6], $0xF7A  }
0x23: {  	s9 =	sor.u32 $0xD0000000, s2;
	s6 =	simm.s32 $0x108;
	_ =	swait.ge @!p0 [sflag:s8], $0x0  }
0x24: {  	s3 =	sadd.s32 $0x88, s3;
	s6 =	simm.s32 @!p1 $0x1082;
	[sflag:s4] =	ssyncset.s32 $0xFFFFF086  }
0x25: {  	[simem:s6], [sflag:s4] =	dma.local [hbm:s3], $0xF7A  }
0x26: {  	[smem:$0x3F92] =	sst s1;
	(tag) =	ssettag s2;
	_ =	strace s9  }
0x27: {  	s1 =	sld [smem:$0x3FA2]  }
0x28: {  	s2 =	sld [smem:$0x3FA3]  }
0x29: {  	s4 =	sld [smem:$0x3FA5]  }
0x2a: {  	p0 =	seq.s32 s5, $0x0;
	s5 =	sld [smem:$0x3FA6]  }
0x2b: {  	s6 =	sld [smem:$0x3FA7]  }
0x2c: {  	s7 =	sld [smem:$0x3FA8]  }
0x2d: {  	s3 =	simm.s32 $0x108;
	s8 =	sld [smem:$0x3FA9]  }
0x2e: {  	s3 =	simm.s32 @!p0 $0x1082;
	s9 =	sld [smem:$0x3FAA]  }
0x2f: {  	lr =	sadd.s32 s0, s3;
	s0 =	sld [smem:$0x3FA1]  }
0x30: {  	s3 =	sld [smem:$0x3FA4]  }
0x31: {  	[smem:$0x3FAD] =	sst s10  }
0x32: {  	s10 =	sld [smem:$0x3FAB];
	_ =	sdelay $0x3  }
0x33: {  	p0 =	seq.s32 s10, $0x1;
	s10 =	sld [smem:$0x3FAD];
	_ =	sdelay $0x3  }
0x34: {  	[smem:$0x3FAD] =	sst s10  }
0x35: {  	s10 =	sld [smem:$0x3FAC];
	_ =	sdelay $0x3  }
0x36: {  	p1 =	seq.s32 s10, $0x1;
	s10 =	sld [smem:$0x3FAD];
	_ =	sdelay $0x3  }
0x37: {  	[smem:$0x3FAD] =	sst s10  }
0x38: {  	s10 =	sld [smem:$0x3FAE]  }
0x39: {  	_ = 	snop;
	(pc) =	sbr.ind lr, $3  }
0x3a: {  	_ = 	snop  }
0x3b: {  	_ = 	snop  }
0x3c: {  	p2 =	seq.s32 s10, $0x1;
	s10 =	sld [smem:$0x3FAD]  }
0x3d: {  	_ =	shalt  }
0x3e: {  	_ =	shalt  }
0x3f: {  	_ =	shalt  }
0x40: {  	_ =	shalt  }
0x41: {  	_ =	shalt  }
0x42: {  	_ =	shalt  }
0x43: {  	_ =	shalt  }
0x44: {  	_ =	shalt  }
0x45: {  	_ =	shalt  }
0x46: {  	_ =	shalt  }
0x47: {  	_ =	shalt  }
0x48: {  	_ =	shalt  }
0x49: {  	_ =	shalt  }
0x4a: {  	_ =	shalt  }
0x4b: {  	_ =	shalt  }
0x4c: {  	_ =	shalt  }
0x4d: {  	_ =	shalt  }
0x4e: {  	_ =	shalt  }
0x4f: {  	_ =	shalt  }
0x50: {  	_ =	shalt  }
0x51: {  	_ =	shalt  }
0x52: {  	_ =	shalt  }
0x53: {  	_ =	shalt  }
0x54: {  	_ =	shalt  }
0x55: {  	_ =	shalt  }
0x56: {  	_ =	shalt  }
0x57: {  	_ =	shalt  }
0x58: {  	_ =	shalt  }
0x59: {  	_ =	shalt  }
0x5a: {  	_ =	shalt  }
0x5b: {  	_ =	shalt  }
0x5c: {  	_ =	shalt  }
0x5d: {  	_ =	shalt  }
0x5e: {  	_ =	shalt  }
0x5f: {  	_ =	shalt  }
0x60: {  	_ =	shalt  }
0x61: {  	_ =	shalt  }
0x62: {  	_ =	shalt  }
0x63: {  	_ =	shalt  }
0x64: {  	_ =	shalt  }
0x65: {  	_ =	shalt  }
0x66: {  	_ =	shalt  }
0x67: {  	_ =	shalt  }
0x68: {  	_ =	shalt  }
0x69: {  	_ =	shalt  }
0x6a: {  	_ =	shalt  }
0x6b: {  	_ =	shalt  }
0x6c: {  	_ =	shalt  }
0x6d: {  	_ =	shalt  }
0x6e: {  	_ =	shalt  }
0x6f: {  	_ =	shalt  }
0x70: {  	_ =	shalt  }
0x71: {  	_ =	shalt  }
0x72: {  	_ =	shalt  }
0x73: {  	_ =	shalt  }
0x74: {  	_ =	shalt  }
0x75: {  	_ =	shalt  }
0x76: {  	_ =	shalt  }
0x77: {  	_ =	shalt  }
0x78: {  	_ =	shalt  }
0x79: {  	_ =	shalt  }
0x7a: {  	_ =	shalt  }
0x7b: {  	_ =	shalt  }
0x7c: {  	_ =	shalt  }
0x7d: {  	_ =	shalt  }
0x7e: {  	_ =	shalt  }
0x7f: {  	_ =	shalt  }
0x80: {  	_ =	shalt  }
0x81: {  	_ =	shalt  }
0x82: {  	_ =	shalt  }
0x83: {  	_ =	shalt  }
0x84: {  	_ =	shalt  }
0x85: {  	_ =	shalt  }
0x86: {  	_ =	shalt  }
0x87: {  	_ =	shalt  }
.Lfunc_end0:
.L_simem_size_0:
called_computation_lowered:
.L_overlay_start_0:
0x88: {  	s2 =	sld [smem:$0x3FD9]  }
0x89: {  	s3 =	sld [smem:$0x3FFE];
	_ =	sdelay $0x1  }
0x8a: {  	s1 =	srdreg.scid  }
0x8b: {  	s0 =	sand.u32 $0x1, s1  }
0x8c: {  	s14 =	sshll.u32 s0, $0xA;
	s2 =	sadd.s32 s3, s2  }
0x8d: {  	s2 =	sadd.s32 s2, s14  }
0x8e: {  	[smem:$0x3FB9] =	sst s2  }
0x8f: {  	_ = 	snop  }
0x90: {  	s2 =	sld [smem:$0x3FC6]  }
0x91: {  	s15 =	sld [smem:$0x3FD0]  }
0x92: {  	s4 =	sld [smem:$0x3FC5]  }
0x93: {  	s5 =	sld [smem:$0x3FC4]  }
0x94: {  	s7 =	simm.s32 $0xA;
	s8 =	simm.s32 $0x10;
	s6 =	sld [smem:$0x3FC3]  }
0x95: {  	[smem:s8], [sflag:s7] =	dma.local [hbm:s15], $0x1  }
0x96: {  	_ =	swait.eq [sflag:s7], $0x1  }
0x97: {  	s16 =	sld [smem:$0x11]  }
0x98: {  	s17 =	sld [smem:$0x12];
	[sflag:s7] =	ssyncset.done $0x0  }
0x99: {  	s9 =	sld [smem:$0x13];
	[sflag:s7] =	ssyncadd.s32 $0xFFFFFFFF  }
0x9a: {  	s18 =	sld [smem:$0x14];
	(tm) =	ssettm $0x1  }
0x9b: {  	s10 =	sld [smem:$0x3FFB];
	_ =	sdelay $0x3  }
0x9c: {  	_ =	strace s10  }
0x9d: {  	s10 =	sld [smem:$0x3FFC];
	_ =	sdelay $0x3  }
0x9e: {  	_ =	strace s10  }
0x9f: {  	s10 =	sld [smem:$0x3FFD];
	_ =	sdelay $0x3  }
0xa0: {  	_ =	strace s10  }
0xa1: {  	_ =	strace $0x8FFFFFFF  }
0xa2: {  	s19 =	sld [smem:$0x3FDB];
	_ =	sdelay $0x1  }
0xa3: {  	s11 =	simm.s32 $_scs_section_size  }
0xa4: {  	s12 =	simm.s32 $_size__tile_overlayer_lowered;
	s13 =	simm.s32 $_tile_overlayer_lowered  }
0xa5: {  	s22 =	simm.s32 $0x1BFF;
	s21 =	sshll.u32 s13, $0x1;
	s10 =	sadd.s32 s11, s19  }
0xa6: {  	s20 =	sshll.u32 s12, $0x1;
	s14 =	simm.s32 $0x0;
	s12 =	sadd.s32 s21, s10  }
0xa7: {  	[timem:s14], [sflag:s22] =	dma.local [hbm:s12], s20  }
0xa8: {  	_ =	swait.ge [sflag:s22], s20  }
0xa9: {  	s11 =	ssub.s32 $0x0, s20;
	[sflag:s22] =	ssyncset.done $0x0  }
0xaa: {  	[sflag:s22] =	ssyncadd.s32 s11;
	_ =	sdelay $0x1  }
0xab: {  	s23 =	simm.s32 $0x1B8B  }
0xac: {  	_ =	swait.ge [sflag:s23], $0x1  }
0xad: {  	[sflag:s23] =	ssyncset.done $0x0  }
0xae: {  	s25 =	simm.s32 $0x1B8E;
	s24 =	sld [smem:$0x3FFE];
	[sflag:s23] =	ssyncadd.s32 $0xFFFFFFFF  }
0xaf: {  	s26 =	simm.s32 $execute0_lowered;
	[smem:$0x3FD2] =	sst s25  }
0xb0: {  	s12 =	sshll.u32 s26, $0x1;
	_ =	strace $0x80000046;
	[dreg:$0x1] =	wrdreg $0xFFFFFFFF  }
0xb1: {  	s28 =	simm.s32 $_size_execute0_lowered;
	s10 =	sadd.s32 s10, s12;
	[dreg:$0x0] =	wrdreg $0x0  }
0xb2: {  	s12 =	sshll.u32 s28, $0x1;
	[dreg:$0x2] =	wrdreg s10  }
0xb3: {  	[dreg:$0x3] =	wrdreg s12  }
0xb4: {  	[dreg:$0x4] =	wrdreg $0xC0  }
0xb5: {  	_ =	task [dreg:s14], $0x5FFFF  }
0xb6: {  	[dreg:$0x1] =	wrdreg $0xFFFFFFFF  }
0xb7: {  	[dreg:$0x0] =	wrdreg $0x60  }
0xb8: {  	[dreg:$0x2] =	wrdreg s17  }
0xb9: {  	[dreg:$0x3] =	wrdreg s16  }
0xba: {  	[dreg:$0x4] =	wrdreg s9  }
0xbb: {  	[dreg:$0x5] =	wrdreg s18  }
0xbc: {  	[dreg:$0x6] =	wrdreg s2  }
0xbd: {  	[dreg:$0x7] =	wrdreg s4  }
0xbe: {  	[dreg:$0x8] =	wrdreg s5  }
0xbf: {  	[dreg:$0x9] =	wrdreg s6  }
0xc0: {  	[dreg:$0xa] =	wrdreg s24  }
0xc1: {  	[dreg:$0xb] =	wrdreg $0x9  }
0xc2: {  	_ =	task.clear_ibuf [dreg:s14], $0xCFFFF;
	_ =	strace $0x90000046  }
0xc3: {  	s29 =	simm.s32 $0x9;
	_ =	strace $0x80000048  }
0xc4: {  	_ =	swait.ge [sflag:s29], $0x1  }
0xc5: {  	[sflag:s29] =	ssyncadd.s32 $0xFFFFFFFF  }
0xc6: {  	_ =	strace $0x90000048  }
0xc7: {  	_ =	sfence  }
0xc8: {  	s30 =	sld [smem:$0x0];
	_ =	sdelay $0x2  }
0xc9: {  	s31 =	sshll.u32 s1, $0xD;
	s1 =	sshrl.u32 s1, $0x2  }
0xca: {  	s3 =	sand.u32 $0x4000, s31;
	s1 =	sadd.s32 s1, s30  }
0xcb: {  	s0 =	sor.u32 s3, s0;
	s1 =	sshll.u32 s1, $0x11  }
0xcc: {  	s0 =	sor.u32 s1, s0  }
0xcd: {  	s0 =	sadd.s32 $0x8F2B, s0  }
0xce: {  	[sflag:s0] =	ssyncadd.remote.s32 $0x1  }
0xcf: {  	_ =	sfence.sel $0xFFFF  }
0xd0: {  	[dreg:$0x0] =	wrdreg $0xFFFFFFFF;
	(pc) =	sbr.abs _section_cstart, $3  }
0xd1: {  	[dreg:$0x1] =	wrdreg $0xFFFFFFFF  }
0xd2: {  	_ =	task.clear_ibuf [dreg:s14], $0x2FFFF;
	_ =	strace $0x9FFFFFFF  }
0xd3: {  	(tm) =	ssettm $0x7FFFFFFF  }
tec
execute0_lowered:
.L_overlay_start_1:
0x0: {  	(tag) =	ssettag $0x1  }
0x1: {  	s0 =	rddreg [dreg:$0x0]  }
0x2: {  	s5 =	rddreg [dreg:$0x1]  }
0x3: {  	s6 =	rddreg [dreg:$0x2]  }
0x4: {  	s7 =	rddreg [dreg:$0x3]  }
0x5: {  	s1 =	rddreg [dreg:$0x4]  }
0x6: {  	s2 =	rddreg [dreg:$0x5]  }
0x7: {  	s3 =	rddreg [dreg:$0x6]  }
0x8: {  	s4 =	rddreg [dreg:$0x7]  }
0x9: {  	s8 =	rddreg [dreg:$0x8];
	s9 =	srdreg.scid;
	s28 =	simm.s32 $0x0  }
0xa: {  	s13 =	stileid.u32;
	s29 =	simm.s32 $0x18800;
	s30 =	simm.s32 $0x19000  }
0xb: {  	s31 =	simm.s32 $0x19800;
	s14 =	simm.s32 $0x6;
	s9 =	sand.u32 $0x1, s9  }
0xc: {  	[smem:$0x7FF] =	sst s28;
	s10 =	sshll.u32 s13, $0xA;
	s17 =	sshll.u32 s13, $0xE  }
0xd: {  	s13 =	simm.s32 $0x5;
	s11 =	sshll.u32 s9, $0x9;
	_ =	strace $0x80000047  }
0xe: {  	s12 =	ssub.s32 $0x2, s9;
	s8 =	sadd.s32 s17, s8;
	[dreg:$0xa] =	wrdreg s29  }
0xf: {  	s22 =	sshll.u32 s9, $0xD;
	s17 =	simm.s32 $0x400;
	[dreg:$0xb] =	wrdreg s30  }
0x10: {  	[dreg:$0xc] =	wrdreg s31;
	s9 =	simm.s32 $0x1;
	s10 =	sor.u32 s11, s10  }
0x11: {  	s18 =	sshrl.u32 s12, $0x1;
	s11 =	simm.s32 $0x3;
	s10 =	sshrl.u32 s10, $0x3  }
0x12: {  	s19 =	ssub.s32 s12, s18;
	s12 =	simm.s32 $0x4;
	s0 =	sadd.s32 s0, s10  }
0x13: {  	s20 =	sadd.s32 s5, s10;
	s21 =	sadd.s32 s6, s10;
	[dreg:$0xd] =	wrdreg s0  }
0x14: {  	v0 =	vlaneseq.u32;
	s23 =	sadd.s32 s7, s10;
	s24 =	smax.u32 s19, $0x1;
	[dreg:$0xe] =	wrdreg s20  }
0x15: {  	v0 =	vmul.u32 $0x80, v0;
	s5 =	simm.s32 $0x7;
	s19 =	simm.s32 $0x7A1400;
	[dreg:$0xf] =	wrdreg s21  }
0x16: {  	s10 =	simm.s32 $0x2;
	[dreg:$0x10] =	wrdreg s23;
	s0 =	sadd.s32 s22, s8  }
0x17: {  	v1 =	vor.u32 $0x800, v0;
	v2 =	vor.u32 $0x1000, v0;
	[dreg:$0x11] =	wrdreg s24;
	s20 =	simm.s32 $0x800;
	s25 =	sadd.s32 $0x2400, s0  }
0x18: {  	v3 =	vor.u32 $0x1800, v0;
	v4 =	vor.u32 $0x2000, v0;
	v5 =	vor.u32 $0x2800, v0;
	s21 =	simm.s32 $0x6800;
	s26 =	sadd.s32 $0x42400, s0;
	[dreg:$0x12] =	wrdreg s25  }
0x19: {  	v6 =	vor.u32 $0x3000, v0;
	v7 =	vor.u32 $0x3800, v0;
	v8 =	vor.u32 $0x4000, v0;
	s22 =	simm.s32 $0xC800;
	s0 =	sadd.s32 $0x82400, s0;
	[dreg:$0x13] =	wrdreg s26  }
0x1a: {  	v9 =	vor.u32 $0x4800, v0;
	v10 =	vor.u32 $0x5000, v0;
	v11 =	vor.u32 $0x5800, v0;
	s23 =	simm.s32 $0x12800;
	[dreg:$0x14] =	wrdreg s0;
	s0 =	simm.s32 $0x0  }
.LBB2_1:
0x1b: {  	[dreg:$0x15] =	wrdreg s0  }
0x1c: {  	s6 =	rddreg [dreg:$0xd]  }
0x1d: {  	[tilespmem:s28], [sflag:$0x7] =	stream.linear.gather [hbm4b:s6+s28], $0x200, $0x38;
	[tilespmem:$0x1A000] =	vst v63  }
0x1e: {  	_ =	swait.ge [sflag:s5], $0x200  }
0x1f: {  	[sflag:s5] =	ssyncset.done $0x0  }
0x20: {  	s8 =	simm.s32 $0x200;
	s26 =	rddreg [dreg:$0xe];
	[sflag:s5] =	ssyncadd.s32 $0xFFFFFE00  }
0x21: {  	[tilespmem:s8], [sflag:$0x7] =	stream.linear.gather [hbm4b:s26+s28], $0x200, $0x38;
	[tilespmem:$0x1A000] =	vst v63  }
0x22: {  	_ =	swait.ge [sflag:s5], $0x200  }
0x23: {  	[sflag:s5] =	ssyncset.done $0x0  }
0x24: {  	s29 =	rddreg [dreg:$0xf];
	[sflag:s5] =	ssyncadd.s32 $0xFFFFFE00  }
0x25: {  	[tilespmem:s17], [sflag:$0x7] =	stream.linear.gather [hbm4b:s29+s28], $0x200, $0x38;
	[tilespmem:$0x1A000] =	vst v63  }
0x26: {  	_ =	swait.ge [sflag:s5], $0x200  }
0x27: {  	[sflag:s5] =	ssyncset.done $0x0  }
0x28: {  	s31 =	simm.s32 $0x600;
	s30 =	rddreg [dreg:$0x10];
	[sflag:s5] =	ssyncadd.s32 $0xFFFFFE00  }
0x29: {  	[tilespmem:s31], [sflag:$0x7] =	stream.linear.gather [hbm4b:s30+s28], $0x200, $0x38;
	[tilespmem:$0x1A000] =	vst v63  }
0x2a: {  	_ =	swait.ge [sflag:s5], $0x200  }
0x2b: {  	s8 =	rddreg [dreg:$0x14]  }
0x2c: {  	[sflag:s5] =	ssyncset.done $0x0;
	s24 =	rddreg [dreg:$0x13]  }
0x2d: {  	s25 =	simm.s32 $0x0;
	s6 =	rddreg [dreg:$0x12];
	[sflag:s5] =	ssyncadd.s32 $0xFFFFFE00  }
.LBB2_2:
0x2e: {  	s26 =	sshra.s32 s25, $0x2  }
0x2f: {  	v12 =	vld [tilespmem:s26+$0x0];
	_ =	sdelay $0x2  }
0x30: {  	v13 =	vld [tilespmem:s26+$0x400];
	_ =	sdelay $0x1  }
0x31: {  	v15 =	vshll.u32 v12, $0x7  }
0x32: {  	(v2sf) =	vpush v15, $0x0;
	_ =	sdelay $0x1  }
0x33: {  	v14 =	vshll.u32 v13, $0x7  }
0x34: {  	(v2sf) =	vpush v14, $0x0;
	_ =	sdelay $0x6  }
0x35: {  	(v2sf) =	vpush v15, $0x1;
	_ =	sdelay $0x4  }
0x36: {  	s28 =	spop (v2sf);
	(v2sf) =	vpush v14, $0x1;
	_ =	sdelay $0x2  }
0x37: {  	v12 =	vld [tilespmem:s26+$0x200];
	s28 =	sand.u32 $0x1FFFFF80, s28;
	s0 =	spop (v2sf)  }
0x38: {  	v13 =	vld [tilespmem:s26+$0x600];
	(v2sf) =	vpush v15, $0x2;
	s31 =	sadd.s32 s1, s28;
	s26 =	sand.u32 $0x1FFFFF80, s0  }
0x39: {  	[tilespmem:s20], [sflag:$0x1] =	stream.strided.gather [hbm4b:s31+s17], $0x1000, s19, s17, $0x38;
	[tilespmem:$0x1A000] =	vst v63  }
0x3a: {  	s29 =	sadd.s32 s2, s26  }
0x3b: {  	[tilespmem:s21], [sflag:$0x1] =	stream.strided.gather [hbm4b:s29+s17], $0x1000, s19, s17, $0x38;
	[tilespmem:$0x1A000] =	vst v63  }
0x3c: {  	s28 =	sadd.s32 s3, s28  }
0x3d: {  	[tilespmem:s22], [sflag:$0x1] =	stream.strided.gather [hbm4b:s28+s17], $0x1000, s19, s17, $0x38;
	[tilespmem:$0x1A000] =	vst v63  }
0x3e: {  	s5 =	spop (v2sf);
	(v2sf) =	vpush v14, $0x2;
	s26 =	sadd.s32 s4, s26  }
0x3f: {  	[tilespmem:s23], [sflag:$0x1] =	stream.strided.gather [hbm4b:s26+s17], $0x1000, s19, s17, $0x38;
	[tilespmem:$0x1A000] =	vst v63  }
0x40: {  	s26 =	sand.u32 $0x1FFFFF80, s5  }
0x41: {  	s0 =	simm.s32 $0x1800;
	s28 =	sadd.s32 s1, s26  }
0x42: {  	[tilespmem:s0], [sflag:$0x2] =	stream.strided.gather [hbm4b:s28+s17], $0x1000, s19, s17, $0x38;
	[tilespmem:$0x1A000] =	vst v63  }
0x43: {  	s28 =	spop (v2sf)  }
0x44: {  	(v2sf) =	vpush v15, $0x3;
	s28 =	sand.u32 $0x1FFFFF80, s28  }
0x45: {  	s16 =	simm.s32 $0x7800;
	s15 =	sadd.s32 s2, s28  }
0x46: {  	[tilespmem:s16], [sflag:$0x2] =	stream.strided.gather [hbm4b:s15+s17], $0x1000, s19, s17, $0x38;
	[tilespmem:$0x1A000] =	vst v63  }
0x47: {  	s5 =	simm.s32 $0xD800;
	s26 =	sadd.s32 s3, s26;
	s0 =	spop (v2sf)  }
0x48: {  	[tilespmem:s5], [sflag:$0x2] =	stream.strided.gather [hbm4b:s26+s17], $0x1000, s19, s17, $0x38;
	[tilespmem:$0x1A000] =	vst v63  }
0x49: {  	s29 =	simm.s32 $0x13800;
	(v2sf) =	vpush v14, $0x3;
	s15 =	sadd.s32 s4, s28;
	s26 =	sand.u32 $0x1FFFFF80, s0  }
0x4a: {  	[tilespmem:s29], [sflag:$0x2] =	stream.strided.gather [hbm4b:s15+s17], $0x1000, s19, s17, $0x38;
	[tilespmem:$0x1A000] =	vst v63  }
0x4b: {  	s28 =	sadd.s32 s1, s26;
	s29 =	simm.s32 $0x2800  }
0x4c: {  	[tilespmem:s29], [sflag:$0x3] =	stream.strided.gather [hbm4b:s28+s17], $0x1000, s19, s17, $0x38;
	[tilespmem:$0x1A000] =	vst v63  }
0x4d: {  	s28 =	spop (v2sf)  }
0x4e: {  	s28 =	sand.u32 $0x1FFFFF80, s28  }
0x4f: {  	s0 =	simm.s32 $0x8800;
	s29 =	sadd.s32 s2, s28  }
0x50: {  	[tilespmem:s0], [sflag:$0x3] =	stream.strided.gather [hbm4b:s29+s17], $0x1000, s19, s17, $0x38;
	[tilespmem:$0x1A000] =	vst v63  }
0x51: {  	s26 =	sadd.s32 s3, s26;
	(v2sf) =	vpush v15, $0x4;
	s29 =	simm.s32 $0xE800  }
0x52: {  	[tilespmem:s29], [sflag:$0x3] =	stream.strided.gather [hbm4b:s26+s17], $0x1000, s19, s17, $0x38;
	[tilespmem:$0x1A000] =	vst v63  }
0x53: {  	s0 =	sadd.s32 s4, s28;
	s29 =	simm.s32 $0x14800;
	s28 =	spop (v2sf)  }
0x54: {  	[tilespmem:s29], [sflag:$0x3] =	stream.strided.gather [hbm4b:s0+s17], $0x1000, s19, s17, $0x38;
	[tilespmem:$0x1A000] =	vst v63  }
0x55: {  	s26 =	sand.u32 $0x1FFFFF80, s28  }
0x56: {  	(v2sf) =	vpush v14, $0x4;
	s29 =	simm.s32 $0x3800;
	s28 =	sadd.s32 s1, s26  }
0x57: {  	[tilespmem:s29], [sflag:$0x4] =	stream.strided.gather [hbm4b:s28+s17], $0x1000, s19, s17, $0x38;
	[tilespmem:$0x1A000] =	vst v63  }
0x58: {  	s28 =	spop (v2sf)  }
0x59: {  	s28 =	sand.u32 $0x1FFFFF80, s28  }
0x5a: {  	s0 =	simm.s32 $0x9800;
	(v2sf) =	vpush v15, $0x5;
	s29 =	sadd.s32 s2, s28  }
0x5b: {  	[tilespmem:s0], [sflag:$0x4] =	stream.strided.gather [hbm4b:s29+s17], $0x1000, s19, s17, $0x38;
	[tilespmem:$0x1A000] =	vst v63  }
0x5c: {  	s26 =	sadd.s32 s3, s26;
	s29 =	simm.s32 $0xF800  }
0x5d: {  	[tilespmem:s29], [sflag:$0x4] =	stream.strided.gather [hbm4b:s26+s17], $0x1000, s19, s17, $0x38;
	[tilespmem:$0x1A000] =	vst v63  }
0x5e: {  	s0 =	sadd.s32 s4, s28;
	s29 =	simm.s32 $0x15800  }
0x5f: {  	[tilespmem:s29], [sflag:$0x4] =	stream.strided.gather [hbm4b:s0+s17], $0x1000, s19, s17, $0x38;
	[tilespmem:$0x1A000] =	vst v63  }
0x60: {  	s29 =	spop (v2sf);
	(v2sf) =	vpush v14, $0x5;
	_ =	sdelay $0x1  }
0x61: {  	s26 =	sand.u32 $0x1FFFFF80, s29  }
0x62: {  	s18 =	simm.s32 $0x4800;
	s0 =	sadd.s32 s1, s26  }
0x63: {  	[tilespmem:s18], [sflag:$0x5] =	stream.strided.gather [hbm4b:s0+s17], $0x1000, s19, s17, $0x38;
	[tilespmem:$0x1A000] =	vst v63  }
0x64: {  	s28 =	spop (v2sf)  }
0x65: {  	s28 =	sand.u32 $0x1FFFFF80, s28  }
0x66: {  	s18 =	simm.s32 $0xA800;
	s0 =	sadd.s32 s2, s28  }
0x67: {  	[tilespmem:s18], [sflag:$0x5] =	stream.strided.gather [hbm4b:s0+s17], $0x1000, s19, s17, $0x38;
	[tilespmem:$0x1A000] =	vst v63  }
0x68: {  	s7 =	simm.s32 $0x10800;
	s26 =	sadd.s32 s3, s26;
	s29 =	spop (v2sf)  }
0x69: {  	[tilespmem:s7], [sflag:$0x5] =	stream.strided.gather [hbm4b:s26+s17], $0x1000, s19, s17, $0x38;
	[tilespmem:$0x1A000] =	vst v63  }
0x6a: {  	s0 =	sadd.s32 s4, s28;
	s7 =	simm.s32 $0x16800;
	s26 =	sand.u32 $0x1FFFFF80, s29  }
0x6b: {  	[tilespmem:s7], [sflag:$0x5] =	stream.strided.gather [hbm4b:s0+s17], $0x1000, s19, s17, $0x38;
	[tilespmem:$0x1A000] =	vst v63  }
0x6c: {  	s30 =	simm.s32 $0x5800;
	s28 =	sadd.s32 s1, s26  }
0x6d: {  	[tilespmem:s30], [sflag:$0x6] =	stream.strided.gather [hbm4b:s28+s17], $0x1000, s19, s17, $0x38;
	[tilespmem:$0x1A000] =	vst v63  }
0x6e: {  	s28 =	spop (v2sf)  }
0x6f: {  	s28 =	sand.u32 $0x1FFFFF80, s28  }
0x70: {  	s30 =	simm.s32 $0xB800;
	s0 =	sadd.s32 s2, s28  }
0x71: {  	[tilespmem:s30], [sflag:$0x6] =	stream.strided.gather [hbm4b:s0+s17], $0x1000, s19, s17, $0x38;
	[tilespmem:$0x1A000] =	vst v63  }
0x72: {  	s31 =	simm.s32 $0x11800;
	s26 =	sadd.s32 s3, s26  }
0x73: {  	[tilespmem:s31], [sflag:$0x6] =	stream.strided.gather [hbm4b:s26+s17], $0x1000, s19, s17, $0x38;
	[tilespmem:$0x1A000] =	vst v63  }
0x74: {  	s0 =	sadd.s32 s4, s28;
	s31 =	simm.s32 $0x17800  }
0x75: {  	[tilespmem:s31], [sflag:$0x6] =	stream.strided.gather [hbm4b:s0+s17], $0x1000, s19, s17, $0x38;
	[tilespmem:$0x1A000] =	vst v63  }
0x76: {  	_ =	swait.ge [sflag:s9], $0x1000  }
0x77: {  	[sflag:s9] =	ssyncset.done $0x0  }
0x78: {  	[sflag:s9] =	ssyncadd.s32 $0xFFFFF000  }
0x79: {  	_ =	swait.ge [sflag:s9], $0x1000  }
0x7a: {  	[sflag:s9] =	ssyncset.done $0x0  }
0x7b: {  	[sflag:s9] =	ssyncadd.s32 $0xFFFFF000  }
0x7c: {  	v16 =	vbroadcast v12, $0x0;
	_ =	swait.ge [sflag:s9], $0x1000  }
0x7d: {  	[sflag:s9] =	ssyncset.done $0x0  }
0x7e: {  	v17 =	vbroadcast v13, $0x0;
	v18 =	vadd.s32 v0, v16;
	[sflag:s9] =	ssyncadd.s32 $0xFFFFF000  }
0x7f: {  	v16 =	vadd.s32 v1, v16;
	_ =	swait.ge [sflag:s9], $0x1000  }
0x80: {  	v19 =	vadd.s32 v0, v17;
	(v2sf) =	vpush v15, $0x6  }
0x81: {  	v17 =	vadd.s32 v1, v17;
	[sflag:s9] =	ssyncset.done $0x0  }
0x82: {  	[sflag:s9] =	ssyncadd.s32 $0xFFFFF000  }
0x83: {  	v20 =	vld.idx.msk [tilespmem:v18+s20+$0x0], $0xffff  }
0x84: {  	(v2sf) =	vpush v14, $0x6;
	v21 =	vld.idx.msk [tilespmem:v16+s20+$0x0], $0xffff  }
0x85: {  	v22 =	vld.idx.msk [tilespmem:v19+s21+$0x0], $0xffff  }
0x86: {  	v23 =	vld.idx.msk [tilespmem:v17+s21+$0x0], $0xffff  }
0x87: {  	v18 =	vld.idx.msk [tilespmem:v18+s22+$0x0], $0xffff  }
0x88: {  	v16 =	vld.idx.msk [tilespmem:v16+s22+$0x0], $0xffff  }
0x89: {  	v19 =	vld.idx.msk [tilespmem:v19+s23+$0x0], $0xffff  }
0x8a: {  	v17 =	vld.idx.msk [tilespmem:v17+s23+$0x0], $0xffff;
	_ =	sdelay $0x1  }
0x8b: {  	[tilespmem:$0x19000] =	vst v18  }
0x8c: {  	[tilespmem:$0x19010] =	vst v16  }
0x8d: {  	v20 =	vmul.f32 v22, v20;
	[tilespmem:$0x19800] =	vst v19  }
0x8e: {  	v21 =	vmul.f32 v23, v21;
	[tilespmem:$0x19810] =	vst v17;
	s29 =	spop (v2sf)  }
0x8f: {  	[tilespmem:$0x18800] =	vst v20;
	s26 =	sand.u32 $0x1FFFFF80, s29  }
0x90: {  	[tilespmem:$0x18810] =	vst v21;
	s28 =	sadd.s32 s1, s26  }
0x91: {  	[tilespmem:s20], [sflag:$0x1] =	stream.strided.gather [hbm4b:s28+s17], $0x1000, s19, s17, $0x38;
	[tilespmem:$0x1A000] =	vst v63  }
0x92: {  	s28 =	spop (v2sf)  }
0x93: {  	s28 =	sand.u32 $0x1FFFFF80, s28  }
0x94: {  	s0 =	sadd.s32 s2, s28  }
0x95: {  	[tilespmem:s21], [sflag:$0x1] =	stream.strided.gather [hbm4b:s0+s17], $0x1000, s19, s17, $0x38;
	[tilespmem:$0x1A000] =	vst v63  }
0x96: {  	s26 =	sadd.s32 s3, s26  }
0x97: {  	[tilespmem:s22], [sflag:$0x1] =	stream.strided.gather [hbm4b:s26+s17], $0x1000, s19, s17, $0x38;
	[tilespmem:$0x1A000] =	vst v63  }
0x98: {  	s29 =	sadd.s32 s4, s28  }
0x99: {  	[tilespmem:s23], [sflag:$0x1] =	stream.strided.gather [hbm4b:s29+s17], $0x1000, s19, s17, $0x38;
	[tilespmem:$0x1A000] =	vst v63  }
0x9a: {  	_ =	swait.ge [sflag:s10], $0x1000  }
0x9b: {  	[sflag:s10] =	ssyncset.done $0x0  }
0x9c: {  	[sflag:s10] =	ssyncadd.s32 $0xFFFFF000  }
0x9d: {  	_ =	swait.ge [sflag:s10], $0x1000  }
0x9e: {  	[sflag:s10] =	ssyncset.done $0x0  }
0x9f: {  	[sflag:s10] =	ssyncadd.s32 $0xFFFFF000  }
0xa0: {  	v24 =	vbroadcast v12, $0x1;
	_ =	swait.ge [sflag:s10], $0x1000  }
0xa1: {  	[sflag:s10] =	ssyncset.done $0x0  }
0xa2: {  	v25 =	vbroadcast v13, $0x1;
	v26 =	vadd.s32 v2, v24;
	[sflag:s10] =	ssyncadd.s32 $0xFFFFF000  }
0xa3: {  	v16 =	vadd.s32 v3, v24;
	_ =	swait.ge [sflag:s10], $0x1000  }
0xa4: {  	v27 =	vadd.s32 v2, v25;
	(v2sf) =	vpush v15, $0x7  }
0xa5: {  	v17 =	vadd.s32 v3, v25;
	[sflag:s10] =	ssyncset.done $0x0  }
0xa6: {  	[sflag:s10] =	ssyncadd.s32 $0xFFFFF000  }
0xa7: {  	v28 =	vld.idx.msk [tilespmem:v26+s20+$0x0], $0xffff  }
0xa8: {  	(v2sf) =	vpush v14, $0x7;
	v29 =	vld.idx.msk [tilespmem:v16+s20+$0x0], $0xffff  }
0xa9: {  	v30 =	vld.idx.msk [tilespmem:v27+s21+$0x0], $0xffff  }
0xaa: {  	v31 =	vld.idx.msk [tilespmem:v17+s21+$0x0], $0xffff  }
0xab: {  	v18 =	vld.idx.msk [tilespmem:v26+s22+$0x0], $0xffff  }
0xac: {  	v16 =	vld.idx.msk [tilespmem:v16+s22+$0x0], $0xffff  }
0xad: {  	v19 =	vld.idx.msk [tilespmem:v27+s23+$0x0], $0xffff  }
0xae: {  	v17 =	vld.idx.msk [tilespmem:v17+s23+$0x0], $0xffff;
	_ =	sdelay $0x1  }
0xaf: {  	[tilespmem:$0x19080] =	vst v18  }
0xb0: {  	[tilespmem:$0x19090] =	vst v16  }
0xb1: {  	v20 =	vmul.f32 v30, v28;
	[tilespmem:$0x19880] =	vst v19  }
0xb2: {  	v21 =	vmul.f32 v31, v29;
	[tilespmem:$0x19890] =	vst v17;
	s0 =	spop (v2sf)  }
0xb3: {  	[tilespmem:$0x18880] =	vst v20;
	s26 =	sand.u32 $0x1FFFFF80, s0  }
0xb4: {  	s29 =	simm.s32 $0x1800;
	[tilespmem:$0x18890] =	vst v21;
	s28 =	sadd.s32 s1, s26  }
0xb5: {  	[tilespmem:s29], [sflag:$0x2] =	stream.strided.gather [hbm4b:s28+s17], $0x1000, s19, s17, $0x38;
	[tilespmem:$0x1A000] =	vst v63  }
0xb6: {  	s28 =	spop (v2sf)  }
0xb7: {  	s28 =	sand.u32 $0x1FFFFF80, s28  }
0xb8: {  	s16 =	simm.s32 $0x7800;
	s0 =	sadd.s32 s2, s28  }
0xb9: {  	[tilespmem:s16], [sflag:$0x2] =	stream.strided.gather [hbm4b:s0+s17], $0x1000, s19, s17, $0x38;
	[tilespmem:$0x1A000] =	vst v63  }
0xba: {  	s5 =	simm.s32 $0xD800;
	s26 =	sadd.s32 s3, s26  }
0xbb: {  	[tilespmem:s5], [sflag:$0x2] =	stream.strided.gather [hbm4b:s26+s17], $0x1000, s19, s17, $0x38;
	[tilespmem:$0x1A000] =	vst v63  }
0xbc: {  	s15 =	simm.s32 $0x13800;
	s5 =	sadd.s32 s4, s28  }
0xbd: {  	[tilespmem:s15], [sflag:$0x2] =	stream.strided.gather [hbm4b:s5+s17], $0x1000, s19, s17, $0x38;
	[tilespmem:$0x1A000] =	vst v63  }
0xbe: {  	_ =	swait.ge [sflag:s11], $0x1000  }
0xbf: {  	[sflag:s11] =	ssyncset.done $0x0  }
0xc0: {  	[sflag:s11] =	ssyncadd.s32 $0xFFFFF000  }
0xc1: {  	_ =	swait.ge [sflag:s11], $0x1000  }
0xc2: {  	[sflag:s11] =	ssyncset.done $0x0  }
0xc3: {  	[sflag:s11] =	ssyncadd.s32 $0xFFFFF000  }
0xc4: {  	v32 =	vbroadcast v12, $0x2;
	_ =	swait.ge [sflag:s11], $0x1000  }
0xc5: {  	[sflag:s11] =	ssyncset.done $0x0  }
0xc6: {  	v33 =	vbroadcast v13, $0x2;
	v34 =	vadd.s32 v4, v32;
	[sflag:s11] =	ssyncadd.s32 $0xFFFFF000  }
0xc7: {  	v16 =	vadd.s32 v5, v32;
	_ =	swait.ge [sflag:s11], $0x1000  }
0xc8: {  	v35 =	vadd.s32 v4, v33;
	(v2sf) =	vpush v15, $0x8  }
0xc9: {  	v17 =	vadd.s32 v5, v33;
	[sflag:s11] =	ssyncset.done $0x0  }
0xca: {  	[sflag:s11] =	ssyncadd.s32 $0xFFFFF000  }
0xcb: {  	v36 =	vld.idx.msk [tilespmem:v34+s20+$0x0], $0xffff  }
0xcc: {  	(v2sf) =	vpush v14, $0x8;
	v37 =	vld.idx.msk [tilespmem:v16+s20+$0x0], $0xffff  }
0xcd: {  	v38 =	vld.idx.msk [tilespmem:v35+s21+$0x0], $0xffff  }
0xce: {  	v39 =	vld.idx.msk [tilespmem:v17+s21+$0x0], $0xffff  }
0xcf: {  	v18 =	vld.idx.msk [tilespmem:v34+s22+$0x0], $0xffff  }
0xd0: {  	v16 =	vld.idx.msk [tilespmem:v16+s22+$0x0], $0xffff  }
0xd1: {  	v19 =	vld.idx.msk [tilespmem:v35+s23+$0x0], $0xffff  }
0xd2: {  	v17 =	vld.idx.msk [tilespmem:v17+s23+$0x0], $0xffff;
	_ =	sdelay $0x1  }
0xd3: {  	[tilespmem:$0x19100] =	vst v18  }
0xd4: {  	[tilespmem:$0x19110] =	vst v16  }
0xd5: {  	v20 =	vmul.f32 v38, v36;
	[tilespmem:$0x19900] =	vst v19  }
0xd6: {  	v21 =	vmul.f32 v39, v37;
	[tilespmem:$0x19910] =	vst v17;
	s15 =	spop (v2sf)  }
0xd7: {  	[tilespmem:$0x18900] =	vst v20;
	s26 =	sand.u32 $0x1FFFFF80, s15  }
0xd8: {  	s29 =	simm.s32 $0x2800;
	[tilespmem:$0x18910] =	vst v21;
	s28 =	sadd.s32 s1, s26  }
0xd9: {  	[tilespmem:s29], [sflag:$0x3] =	stream.strided.gather [hbm4b:s28+s17], $0x1000, s19, s17, $0x38;
	[tilespmem:$0x1A000] =	vst v63  }
0xda: {  	s28 =	spop (v2sf)  }
0xdb: {  	s28 =	sand.u32 $0x1FFFFF80, s28  }
0xdc: {  	s15 =	simm.s32 $0x8800;
	s5 =	sadd.s32 s2, s28  }
0xdd: {  	[tilespmem:s15], [sflag:$0x3] =	stream.strided.gather [hbm4b:s5+s17], $0x1000, s19, s17, $0x38;
	[tilespmem:$0x1A000] =	vst v63  }
0xde: {  	s26 =	sadd.s32 s3, s26;
	s29 =	simm.s32 $0xE800  }
0xdf: {  	[tilespmem:s29], [sflag:$0x3] =	stream.strided.gather [hbm4b:s26+s17], $0x1000, s19, s17, $0x38;
	[tilespmem:$0x1A000] =	vst v63  }
0xe0: {  	s0 =	sadd.s32 s4, s28;
	s5 =	simm.s32 $0x14800  }
0xe1: {  	[tilespmem:s5], [sflag:$0x3] =	stream.strided.gather [hbm4b:s0+s17], $0x1000, s19, s17, $0x38;
	[tilespmem:$0x1A000] =	vst v63  }
0xe2: {  	_ =	swait.ge [sflag:s12], $0x1000  }
0xe3: {  	[sflag:s12] =	ssyncset.done $0x0  }
0xe4: {  	[sflag:s12] =	ssyncadd.s32 $0xFFFFF000  }
0xe5: {  	_ =	swait.ge [sflag:s12], $0x1000  }
0xe6: {  	[sflag:s12] =	ssyncset.done $0x0  }
0xe7: {  	[sflag:s12] =	ssyncadd.s32 $0xFFFFF000  }
0xe8: {  	v40 =	vbroadcast v12, $0x3;
	_ =	swait.ge [sflag:s12], $0x1000  }
0xe9: {  	[sflag:s12] =	ssyncset.done $0x0  }
0xea: {  	v41 =	vbroadcast v13, $0x3;
	v42 =	vadd.s32 v6, v40;
	[sflag:s12] =	ssyncadd.s32 $0xFFFFF000  }
0xeb: {  	v16 =	vadd.s32 v7, v40;
	_ =	swait.ge [sflag:s12], $0x1000  }
0xec: {  	v43 =	vadd.s32 v6, v41;
	(v2sf) =	vpush v15, $0x9  }
0xed: {  	v17 =	vadd.s32 v7, v41;
	[sflag:s12] =	ssyncset.done $0x0  }
0xee: {  	[sflag:s12] =	ssyncadd.s32 $0xFFFFF000  }
0xef: {  	v44 =	vld.idx.msk [tilespmem:v42+s20+$0x0], $0xffff  }
0xf0: {  	(v2sf) =	vpush v14, $0x9;
	v45 =	vld.idx.msk [tilespmem:v16+s20+$0x0], $0xffff  }
0xf1: {  	v46 =	vld.idx.msk [tilespmem:v43+s21+$0x0], $0xffff  }
0xf2: {  	v47 =	vld.idx.msk [tilespmem:v17+s21+$0x0], $0xffff  }
0xf3: {  	v18 =	vld.idx.msk [tilespmem:v42+s22+$0x0], $0xffff  }
0xf4: {  	v16 =	vld.idx.msk [tilespmem:v16+s22+$0x0], $0xffff  }
0xf5: {  	v19 =	vld.idx.msk [tilespmem:v43+s23+$0x0], $0xffff  }
0xf6: {  	v17 =	vld.idx.msk [tilespmem:v17+s23+$0x0], $0xffff;
	_ =	sdelay $0x1  }
0xf7: {  	[tilespmem:$0x19180] =	vst v18  }
0xf8: {  	[tilespmem:$0x19190] =	vst v16  }
0xf9: {  	v20 =	vmul.f32 v46, v44;
	[tilespmem:$0x19980] =	vst v19  }
0xfa: {  	v21 =	vmul.f32 v47, v45;
	[tilespmem:$0x19990] =	vst v17;
	s15 =	spop (v2sf)  }
0xfb: {  	[tilespmem:$0x18980] =	vst v20;
	s26 =	sand.u32 $0x1FFFFF80, s15  }
0xfc: {  	s29 =	simm.s32 $0x3800;
	[tilespmem:$0x18990] =	vst v21;
	s28 =	sadd.s32 s1, s26  }
0xfd: {  	[tilespmem:s29], [sflag:$0x4] =	stream.strided.gather [hbm4b:s28+s17], $0x1000, s19, s17, $0x38;
	[tilespmem:$0x1A000] =	vst v63  }
0xfe: {  	s28 =	spop (v2sf)  }
0xff: {  	s28 =	sand.u32 $0x1FFFFF80, s28  }
0x100: {  	s5 =	simm.s32 $0x9800;
	s0 =	sadd.s32 s2, s28  }
0x101: {  	[tilespmem:s5], [sflag:$0x4] =	stream.strided.gather [hbm4b:s0+s17], $0x1000, s19, s17, $0x38;
	[tilespmem:$0x1A000] =	vst v63  }
0x102: {  	s26 =	sadd.s32 s3, s26;
	s29 =	simm.s32 $0xF800  }
0x103: {  	[tilespmem:s29], [sflag:$0x4] =	stream.strided.gather [hbm4b:s26+s17], $0x1000, s19, s17, $0x38;
	[tilespmem:$0x1A000] =	vst v63  }
0x104: {  	s0 =	sadd.s32 s4, s28;
	s29 =	simm.s32 $0x15800  }
0x105: {  	[tilespmem:s29], [sflag:$0x4] =	stream.strided.gather [hbm4b:s0+s17], $0x1000, s19, s17, $0x38;
	[tilespmem:$0x1A000] =	vst v63  }
0x106: {  	_ =	swait.ge [sflag:s13], $0x1000  }
0x107: {  	[sflag:s13] =	ssyncset.done $0x0  }
0x108: {  	[sflag:s13] =	ssyncadd.s32 $0xFFFFF000  }
0x109: {  	_ =	swait.ge [sflag:s13], $0x1000  }
0x10a: {  	[sflag:s13] =	ssyncset.done $0x0  }
0x10b: {  	[sflag:s13] =	ssyncadd.s32 $0xFFFFF000  }
0x10c: {  	v48 =	vbroadcast v12, $0x4;
	_ =	swait.ge [sflag:s13], $0x1000  }
0x10d: {  	[sflag:s13] =	ssyncset.done $0x0  }
0x10e: {  	v49 =	vbroadcast v13, $0x4;
	v50 =	vadd.s32 v8, v48;
	[sflag:s13] =	ssyncadd.s32 $0xFFFFF000  }
0x10f: {  	v16 =	vadd.s32 v9, v48;
	_ =	swait.ge [sflag:s13], $0x1000  }
0x110: {  	v51 =	vadd.s32 v8, v49;
	(v2sf) =	vpush v15, $0xA  }
0x111: {  	v17 =	vadd.s32 v9, v49;
	[sflag:s13] =	ssyncset.done $0x0  }
0x112: {  	[sflag:s13] =	ssyncadd.s32 $0xFFFFF000  }
0x113: {  	v52 =	vld.idx.msk [tilespmem:v50+s20+$0x0], $0xffff  }
0x114: {  	(v2sf) =	vpush v14, $0xA;
	v53 =	vld.idx.msk [tilespmem:v16+s20+$0x0], $0xffff  }
0x115: {  	v54 =	vld.idx.msk [tilespmem:v51+s21+$0x0], $0xffff  }
0x116: {  	v55 =	vld.idx.msk [tilespmem:v17+s21+$0x0], $0xffff  }
0x117: {  	v18 =	vld.idx.msk [tilespmem:v50+s22+$0x0], $0xffff  }
0x118: {  	v16 =	vld.idx.msk [tilespmem:v16+s22+$0x0], $0xffff  }
0x119: {  	v19 =	vld.idx.msk [tilespmem:v51+s23+$0x0], $0xffff  }
0x11a: {  	v17 =	vld.idx.msk [tilespmem:v17+s23+$0x0], $0xffff;
	_ =	sdelay $0x1  }
0x11b: {  	[tilespmem:$0x19200] =	vst v18  }
0x11c: {  	[tilespmem:$0x19210] =	vst v16  }
0x11d: {  	v20 =	vmul.f32 v54, v52;
	[tilespmem:$0x19A00] =	vst v19  }
0x11e: {  	v21 =	vmul.f32 v55, v53;
	[tilespmem:$0x19A10] =	vst v17;
	s29 =	spop (v2sf)  }
0x11f: {  	[tilespmem:$0x18A00] =	vst v20;
	s26 =	sand.u32 $0x1FFFFF80, s29  }
0x120: {  	s5 =	simm.s32 $0x4800;
	[tilespmem:$0x18A10] =	vst v21;
	s28 =	sadd.s32 s1, s26  }
0x121: {  	[tilespmem:s5], [sflag:$0x5] =	stream.strided.gather [hbm4b:s28+s17], $0x1000, s19, s17, $0x38;
	[tilespmem:$0x1A000] =	vst v63  }
0x122: {  	s28 =	spop (v2sf)  }
0x123: {  	s28 =	sand.u32 $0x1FFFFF80, s28  }
0x124: {  	s0 =	sadd.s32 s2, s28  }
0x125: {  	[tilespmem:s18], [sflag:$0x5] =	stream.strided.gather [hbm4b:s0+s17], $0x1000, s19, s17, $0x38;
	[tilespmem:$0x1A000] =	vst v63  }
0x126: {  	s26 =	sadd.s32 s3, s26;
	s5 =	simm.s32 $0x10800  }
0x127: {  	[tilespmem:s5], [sflag:$0x5] =	stream.strided.gather [hbm4b:s26+s17], $0x1000, s19, s17, $0x38;
	[tilespmem:$0x1A000] =	vst v63  }
0x128: {  	s29 =	sadd.s32 s4, s28  }
0x129: {  	[tilespmem:s7], [sflag:$0x5] =	stream.strided.gather [hbm4b:s29+s17], $0x1000, s19, s17, $0x38;
	[tilespmem:$0x1A000] =	vst v63  }
0x12a: {  	_ =	swait.ge [sflag:s14], $0x1000  }
0x12b: {  	[sflag:s14] =	ssyncset.done $0x0  }
0x12c: {  	[sflag:s14] =	ssyncadd.s32 $0xFFFFF000  }
0x12d: {  	_ =	swait.ge [sflag:s14], $0x1000  }
0x12e: {  	[sflag:s14] =	ssyncset.done $0x0  }
0x12f: {  	[sflag:s14] =	ssyncadd.s32 $0xFFFFF000  }
0x130: {  	v56 =	vbroadcast v12, $0x5;
	_ =	swait.ge [sflag:s14], $0x1000  }
0x131: {  	[sflag:s14] =	ssyncset.done $0x0  }
0x132: {  	v57 =	vbroadcast v13, $0x5;
	v58 =	vadd.s32 v10, v56;
	[sflag:s14] =	ssyncadd.s32 $0xFFFFF000  }
0x133: {  	v16 =	vadd.s32 v11, v56;
	_ =	swait.ge [sflag:s14], $0x1000  }
0x134: {  	v59 =	vadd.s32 v10, v57;
	(v2sf) =	vpush v15, $0xB  }
0x135: {  	v17 =	vadd.s32 v11, v57;
	[sflag:s14] =	ssyncset.done $0x0  }
0x136: {  	[sflag:s14] =	ssyncadd.s32 $0xFFFFF000  }
0x137: {  	v60 =	vld.idx.msk [tilespmem:v58+s20+$0x0], $0xffff  }
0x138: {  	(v2sf) =	vpush v14, $0xB;
	v61 =	vld.idx.msk [tilespmem:v16+s20+$0x0], $0xffff  }
0x139: {  	v62 =	vld.idx.msk [tilespmem:v59+s21+$0x0], $0xffff  }
0x13a: {  	v63 =	vld.idx.msk [tilespmem:v17+s21+$0x0], $0xffff  }
0x13b: {  	v18 =	vld.idx.msk [tilespmem:v58+s22+$0x0], $0xffff  }
0x13c: {  	v16 =	vld.idx.msk [tilespmem:v16+s22+$0x0], $0xffff  }
0x13d: {  	v19 =	vld.idx.msk [tilespmem:v59+s23+$0x0], $0xffff  }
0x13e: {  	v17 =	vld.idx.msk [tilespmem:v17+s23+$0x0], $0xffff;
	_ =	sdelay $0x1  }
0x13f: {  	[tilespmem:$0x19280] =	vst v18  }
0x140: {  	[tilespmem:$0x19290] =	vst v16  }
0x141: {  	v20 =	vmul.f32 v62, v60;
	[tilespmem:$0x19A80] =	vst v19  }
0x142: {  	v21 =	vmul.f32 v63, v61;
	[tilespmem:$0x19A90] =	vst v17;
	s0 =	spop (v2sf)  }
0x143: {  	[tilespmem:$0x18A80] =	vst v20;
	s26 =	sand.u32 $0x1FFFFF80, s0  }
0x144: {  	s18 =	simm.s32 $0x5800;
	[tilespmem:$0x18A90] =	vst v21;
	s28 =	sadd.s32 s1, s26  }
0x145: {  	[tilespmem:s18], [sflag:$0x6] =	stream.strided.gather [hbm4b:s28+s17], $0x1000, s19, s17, $0x38;
	[tilespmem:$0x1A000] =	vst v63  }
0x146: {  	s28 =	spop (v2sf)  }
0x147: {  	s28 =	sand.u32 $0x1FFFFF80, s28  }
0x148: {  	s18 =	sadd.s32 s2, s28  }
0x149: {  	[tilespmem:s30], [sflag:$0x6] =	stream.strided.gather [hbm4b:s18+s17], $0x1000, s19, s17, $0x38;
	[tilespmem:$0x1A000] =	vst v63  }
0x14a: {  	s7 =	simm.s32 $0x11800;
	s26 =	sadd.s32 s3, s26  }
0x14b: {  	[tilespmem:s7], [sflag:$0x6] =	stream.strided.gather [hbm4b:s26+s17], $0x1000, s19, s17, $0x38;
	[tilespmem:$0x1A000] =	vst v63  }
0x14c: {  	s0 =	sadd.s32 s4, s28  }
0x14d: {  	[tilespmem:s31], [sflag:$0x6] =	stream.strided.gather [hbm4b:s0+s17], $0x1000, s19, s17, $0x38;
	[tilespmem:$0x1A000] =	vst v63  }
0x14e: {  	_ =	swait.ge [sflag:s9], $0x1000  }
0x14f: {  	[sflag:s9] =	ssyncset.done $0x0  }
0x150: {  	[sflag:s9] =	ssyncadd.s32 $0xFFFFF000  }
0x151: {  	_ =	swait.ge [sflag:s9], $0x1000  }
0x152: {  	[sflag:s9] =	ssyncset.done $0x0  }
0x153: {  	[sflag:s9] =	ssyncadd.s32 $0xFFFFF000  }
0x154: {  	v24 =	vbroadcast v12, $0x6;
	_ =	swait.ge [sflag:s9], $0x1000  }
0x155: {  	[sflag:s9] =	ssyncset.done $0x0  }
0x156: {  	v25 =	vbroadcast v13, $0x6;
	v26 =	vadd.s32 v0, v24;
	[sflag:s9] =	ssyncadd.s32 $0xFFFFF000  }
0x157: {  	v16 =	vadd.s32 v1, v24;
	_ =	swait.ge [sflag:s9], $0x1000  }
0x158: {  	v27 =	vadd.s32 v0, v25;
	(v2sf) =	vpush v15, $0xC  }
0x159: {  	v17 =	vadd.s32 v1, v25;
	[sflag:s9] =	ssyncset.done $0x0  }
0x15a: {  	[sflag:s9] =	ssyncadd.s32 $0xFFFFF000  }
0x15b: {  	v28 =	vld.idx.msk [tilespmem:v26+s20+$0x0], $0xffff  }
0x15c: {  	(v2sf) =	vpush v14, $0xC;
	v29 =	vld.idx.msk [tilespmem:v16+s20+$0x0], $0xffff  }
0x15d: {  	v30 =	vld.idx.msk [tilespmem:v27+s21+$0x0], $0xffff  }
0x15e: {  	v31 =	vld.idx.msk [tilespmem:v17+s21+$0x0], $0xffff  }
0x15f: {  	v18 =	vld.idx.msk [tilespmem:v26+s22+$0x0], $0xffff  }
0x160: {  	v16 =	vld.idx.msk [tilespmem:v16+s22+$0x0], $0xffff  }
0x161: {  	v19 =	vld.idx.msk [tilespmem:v27+s23+$0x0], $0xffff  }
0x162: {  	v17 =	vld.idx.msk [tilespmem:v17+s23+$0x0], $0xffff;
	_ =	sdelay $0x1  }
0x163: {  	[tilespmem:$0x19300] =	vst v18  }
0x164: {  	[tilespmem:$0x19310] =	vst v16  }
0x165: {  	v20 =	vmul.f32 v30, v28;
	[tilespmem:$0x19B00] =	vst v19  }
0x166: {  	v21 =	vmul.f32 v31, v29;
	[tilespmem:$0x19B10] =	vst v17;
	s7 =	spop (v2sf)  }
0x167: {  	[tilespmem:$0x18B00] =	vst v20;
	s26 =	sand.u32 $0x1FFFFF80, s7  }
0x168: {  	[tilespmem:$0x18B10] =	vst v21;
	s28 =	sadd.s32 s1, s26  }
0x169: {  	[tilespmem:s20], [sflag:$0x1] =	stream.strided.gather [hbm4b:s28+s17], $0x1000, s19, s17, $0x38;
	[tilespmem:$0x1A000] =	vst v63  }
0x16a: {  	s28 =	spop (v2sf)  }
0x16b: {  	s28 =	sand.u32 $0x1FFFFF80, s28  }
0x16c: {  	s18 =	sadd.s32 s2, s28  }
0x16d: {  	[tilespmem:s21], [sflag:$0x1] =	stream.strided.gather [hbm4b:s18+s17], $0x1000, s19, s17, $0x38;
	[tilespmem:$0x1A000] =	vst v63  }
0x16e: {  	s26 =	sadd.s32 s3, s26  }
0x16f: {  	[tilespmem:s22], [sflag:$0x1] =	stream.strided.gather [hbm4b:s26+s17], $0x1000, s19, s17, $0x38;
	[tilespmem:$0x1A000] =	vst v63  }
0x170: {  	s29 =	sadd.s32 s4, s28  }
0x171: {  	[tilespmem:s23], [sflag:$0x1] =	stream.strided.gather [hbm4b:s29+s17], $0x1000, s19, s17, $0x38;
	[tilespmem:$0x1A000] =	vst v63  }
0x172: {  	_ =	swait.ge [sflag:s10], $0x1000  }
0x173: {  	[sflag:s10] =	ssyncset.done $0x0  }
0x174: {  	[sflag:s10] =	ssyncadd.s32 $0xFFFFF000  }
0x175: {  	_ =	swait.ge [sflag:s10], $0x1000  }
0x176: {  	[sflag:s10] =	ssyncset.done $0x0  }
0x177: {  	[sflag:s10] =	ssyncadd.s32 $0xFFFFF000  }
0x178: {  	v32 =	vbroadcast v12, $0x7;
	_ =	swait.ge [sflag:s10], $0x1000  }
0x179: {  	[sflag:s10] =	ssyncset.done $0x0  }
0x17a: {  	v33 =	vbroadcast v13, $0x7;
	v34 =	vadd.s32 v2, v32;
	[sflag:s10] =	ssyncadd.s32 $0xFFFFF000  }
0x17b: {  	v16 =	vadd.s32 v3, v32;
	_ =	swait.ge [sflag:s10], $0x1000  }
0x17c: {  	v35 =	vadd.s32 v2, v33;
	(v2sf) =	vpush v15, $0xD  }
0x17d: {  	v17 =	vadd.s32 v3, v33;
	[sflag:s10] =	ssyncset.done $0x0  }
0x17e: {  	[sflag:s10] =	ssyncadd.s32 $0xFFFFF000  }
0x17f: {  	v36 =	vld.idx.msk [tilespmem:v34+s20+$0x0], $0xffff  }
0x180: {  	(v2sf) =	vpush v14, $0xD;
	v37 =	vld.idx.msk [tilespmem:v16+s20+$0x0], $0xffff  }
0x181: {  	v38 =	vld.idx.msk [tilespmem:v35+s21+$0x0], $0xffff  }
0x182: {  	v39 =	vld.idx.msk [tilespmem:v17+s21+$0x0], $0xffff  }
0x183: {  	v18 =	vld.idx.msk [tilespmem:v34+s22+$0x0], $0xffff  }
0x184: {  	v16 =	vld.idx.msk [tilespmem:v16+s22+$0x0], $0xffff  }
0x185: {  	v19 =	vld.idx.msk [tilespmem:v35+s23+$0x0], $0xffff  }
0x186: {  	v17 =	vld.idx.msk [tilespmem:v17+s23+$0x0], $0xffff;
	_ =	sdelay $0x1  }
0x187: {  	[tilespmem:$0x19380] =	vst v18  }
0x188: {  	[tilespmem:$0x19390] =	vst v16  }
0x189: {  	v20 =	vmul.f32 v38, v36;
	[tilespmem:$0x19B80] =	vst v19  }
0x18a: {  	v21 =	vmul.f32 v39, v37;
	[tilespmem:$0x19B90] =	vst v17;
	s30 =	spop (v2sf)  }
0x18b: {  	[tilespmem:$0x18B80] =	vst v20;
	s26 =	sand.u32 $0x1FFFFF80, s30  }
0x18c: {  	s31 =	simm.s32 $0x1800;
	[tilespmem:$0x18B90] =	vst v21;
	s28 =	sadd.s32 s1, s26  }
0x18d: {  	[tilespmem:s31], [sflag:$0x2] =	stream.strided.gather [hbm4b:s28+s17], $0x1000, s19, s17, $0x38;
	[tilespmem:$0x1A000] =	vst v63  }
0x18e: {  	s28 =	spop (v2sf)  }
0x18f: {  	s28 =	sand.u32 $0x1FFFFF80, s28  }
0x190: {  	s7 =	simm.s32 $0x7800;
	s0 =	sadd.s32 s2, s28  }
0x191: {  	[tilespmem:s7], [sflag:$0x2] =	stream.strided.gather [hbm4b:s0+s17], $0x1000, s19, s17, $0x38;
	[tilespmem:$0x1A000] =	vst v63  }
0x192: {  	s16 =	simm.s32 $0xD800;
	s26 =	sadd.s32 s3, s26  }
0x193: {  	[tilespmem:s16], [sflag:$0x2] =	stream.strided.gather [hbm4b:s26+s17], $0x1000, s19, s17, $0x38;
	[tilespmem:$0x1A000] =	vst v63  }
0x194: {  	s29 =	simm.s32 $0x13800;
	s18 =	sadd.s32 s4, s28  }
0x195: {  	[tilespmem:s29], [sflag:$0x2] =	stream.strided.gather [hbm4b:s18+s17], $0x1000, s19, s17, $0x38;
	[tilespmem:$0x1A000] =	vst v63  }
0x196: {  	_ =	swait.ge [sflag:s11], $0x1000  }
0x197: {  	[sflag:s11] =	ssyncset.done $0x0  }
0x198: {  	[sflag:s11] =	ssyncadd.s32 $0xFFFFF000  }
0x199: {  	_ =	swait.ge [sflag:s11], $0x1000  }
0x19a: {  	[sflag:s11] =	ssyncset.done $0x0  }
0x19b: {  	[sflag:s11] =	ssyncadd.s32 $0xFFFFF000  }
0x19c: {  	v40 =	vbroadcast v12, $0x8;
	_ =	swait.ge [sflag:s11], $0x1000  }
0x19d: {  	[sflag:s11] =	ssyncset.done $0x0  }
0x19e: {  	v41 =	vbroadcast v13, $0x8;
	v42 =	vadd.s32 v4, v40;
	[sflag:s11] =	ssyncadd.s32 $0xFFFFF000  }
0x19f: {  	v16 =	vadd.s32 v5, v40;
	_ =	swait.ge [sflag:s11], $0x1000  }
0x1a0: {  	v43 =	vadd.s32 v4, v41;
	(v2sf) =	vpush v15, $0xE  }
0x1a1: {  	v17 =	vadd.s32 v5, v41;
	[sflag:s11] =	ssyncset.done $0x0  }
0x1a2: {  	[sflag:s11] =	ssyncadd.s32 $0xFFFFF000  }
0x1a3: {  	v44 =	vld.idx.msk [tilespmem:v42+s20+$0x0], $0xffff  }
0x1a4: {  	(v2sf) =	vpush v14, $0xE;
	v45 =	vld.idx.msk [tilespmem:v16+s20+$0x0], $0xffff  }
0x1a5: {  	v46 =	vld.idx.msk [tilespmem:v43+s21+$0x0], $0xffff  }
0x1a6: {  	v47 =	vld.idx.msk [tilespmem:v17+s21+$0x0], $0xffff  }
0x1a7: {  	v18 =	vld.idx.msk [tilespmem:v42+s22+$0x0], $0xffff  }
0x1a8: {  	v16 =	vld.idx.msk [tilespmem:v16+s22+$0x0], $0xffff  }
0x1a9: {  	v19 =	vld.idx.msk [tilespmem:v43+s23+$0x0], $0xffff  }
0x1aa: {  	v17 =	vld.idx.msk [tilespmem:v17+s23+$0x0], $0xffff;
	_ =	sdelay $0x1  }
0x1ab: {  	[tilespmem:$0x19400] =	vst v18  }
0x1ac: {  	[tilespmem:$0x19410] =	vst v16  }
0x1ad: {  	v20 =	vmul.f32 v46, v44;
	[tilespmem:$0x19C00] =	vst v19  }
0x1ae: {  	v21 =	vmul.f32 v47, v45;
	[tilespmem:$0x19C10] =	vst v17;
	s30 =	spop (v2sf)  }
0x1af: {  	[tilespmem:$0x18C00] =	vst v20;
	s26 =	sand.u32 $0x1FFFFF80, s30  }
0x1b0: {  	s31 =	simm.s32 $0x2800;
	[tilespmem:$0x18C10] =	vst v21;
	s28 =	sadd.s32 s1, s26  }
0x1b1: {  	[tilespmem:s31], [sflag:$0x3] =	stream.strided.gather [hbm4b:s28+s17], $0x1000, s19, s17, $0x38;
	[tilespmem:$0x1A000] =	vst v63  }
0x1b2: {  	s28 =	spop (v2sf)  }
0x1b3: {  	s28 =	sand.u32 $0x1FFFFF80, s28  }
0x1b4: {  	s16 =	simm.s32 $0x8800;
	s7 =	sadd.s32 s2, s28  }
0x1b5: {  	[tilespmem:s16], [sflag:$0x3] =	stream.strided.gather [hbm4b:s7+s17], $0x1000, s19, s17, $0x38;
	[tilespmem:$0x1A000] =	vst v63  }
0x1b6: {  	s18 =	simm.s32 $0xE800;
	s26 =	sadd.s32 s3, s26  }
0x1b7: {  	[tilespmem:s18], [sflag:$0x3] =	stream.strided.gather [hbm4b:s26+s17], $0x1000, s19, s17, $0x38;
	[tilespmem:$0x1A000] =	vst v63  }
0x1b8: {  	s30 =	simm.s32 $0x14800;
	s29 =	sadd.s32 s4, s28  }
0x1b9: {  	[tilespmem:s30], [sflag:$0x3] =	stream.strided.gather [hbm4b:s29+s17], $0x1000, s19, s17, $0x38;
	[tilespmem:$0x1A000] =	vst v63  }
0x1ba: {  	_ =	swait.ge [sflag:s12], $0x1000  }
0x1bb: {  	[sflag:s12] =	ssyncset.done $0x0  }
0x1bc: {  	[sflag:s12] =	ssyncadd.s32 $0xFFFFF000  }
0x1bd: {  	_ =	swait.ge [sflag:s12], $0x1000  }
0x1be: {  	[sflag:s12] =	ssyncset.done $0x0  }
0x1bf: {  	[sflag:s12] =	ssyncadd.s32 $0xFFFFF000  }
0x1c0: {  	v48 =	vbroadcast v12, $0x9;
	_ =	swait.ge [sflag:s12], $0x1000  }
0x1c1: {  	[sflag:s12] =	ssyncset.done $0x0  }
0x1c2: {  	v49 =	vbroadcast v13, $0x9;
	v50 =	vadd.s32 v6, v48;
	[sflag:s12] =	ssyncadd.s32 $0xFFFFF000  }
0x1c3: {  	v16 =	vadd.s32 v7, v48;
	_ =	swait.ge [sflag:s12], $0x1000  }
0x1c4: {  	v51 =	vadd.s32 v6, v49;
	(v2sf) =	vpush v15, $0xF  }
0x1c5: {  	v52 =	vadd.s32 v7, v49;
	[sflag:s12] =	ssyncset.done $0x0  }
0x1c6: {  	[sflag:s12] =	ssyncadd.s32 $0xFFFFF000  }
0x1c7: {  	v53 =	vld.idx.msk [tilespmem:v50+s20+$0x0], $0xffff  }
0x1c8: {  	(v2sf) =	vpush v14, $0xF;
	v54 =	vld.idx.msk [tilespmem:v16+s20+$0x0], $0xffff  }
0x1c9: {  	v55 =	vld.idx.msk [tilespmem:v51+s21+$0x0], $0xffff  }
0x1ca: {  	v56 =	vld.idx.msk [tilespmem:v52+s21+$0x0], $0xffff  }
0x1cb: {  	v18 =	vld.idx.msk [tilespmem:v50+s22+$0x0], $0xffff  }
0x1cc: {  	v16 =	vld.idx.msk [tilespmem:v16+s22+$0x0], $0xffff  }
0x1cd: {  	v19 =	vld.idx.msk [tilespmem:v51+s23+$0x0], $0xffff  }
0x1ce: {  	v15 =	vld.idx.msk [tilespmem:v52+s23+$0x0], $0xffff;
	_ =	sdelay $0x1  }
0x1cf: {  	[tilespmem:$0x19480] =	vst v18  }
0x1d0: {  	[tilespmem:$0x19490] =	vst v16  }
0x1d1: {  	v14 =	vmul.f32 v55, v53;
	[tilespmem:$0x19C80] =	vst v19  }
0x1d2: {  	v57 =	vmul.f32 v56, v54;
	[tilespmem:$0x19C90] =	vst v15;
	s31 =	spop (v2sf)  }
0x1d3: {  	[tilespmem:$0x18C80] =	vst v14;
	s26 =	sand.u32 $0x1FFFFF80, s31  }
0x1d4: {  	s15 =	simm.s32 $0x3800;
	[tilespmem:$0x18C90] =	vst v57;
	s28 =	sadd.s32 s1, s26  }
0x1d5: {  	[tilespmem:s15], [sflag:$0x4] =	stream.strided.gather [hbm4b:s28+s17], $0x1000, s19, s17, $0x38;
	[tilespmem:$0x1A000] =	vst v63  }
0x1d6: {  	s28 =	spop (v2sf)  }
0x1d7: {  	s28 =	sand.u32 $0x1FFFFF80, s28  }
0x1d8: {  	s7 =	simm.s32 $0x9800;
	s0 =	sadd.s32 s2, s28  }
0x1d9: {  	[tilespmem:s7], [sflag:$0x4] =	stream.strided.gather [hbm4b:s0+s17], $0x1000, s19, s17, $0x38;
	[tilespmem:$0x1A000] =	vst v63  }
0x1da: {  	s26 =	sadd.s32 s3, s26;
	s15 =	simm.s32 $0xF800  }
0x1db: {  	[tilespmem:s15], [sflag:$0x4] =	stream.strided.gather [hbm4b:s26+s17], $0x1000, s19, s17, $0x38;
	[tilespmem:$0x1A000] =	vst v63  }
0x1dc: {  	s16 =	simm.s32 $0x15800;
	s18 =	sadd.s32 s4, s28  }
0x1dd: {  	[tilespmem:s16], [sflag:$0x4] =	stream.strided.gather [hbm4b:s18+s17], $0x1000, s19, s17, $0x38;
	[tilespmem:$0x1A000] =	vst v63  }
0x1de: {  	_ =	swait.ge [sflag:s13], $0x1000  }
0x1df: {  	[sflag:s13] =	ssyncset.done $0x0  }
0x1e0: {  	[sflag:s13] =	ssyncadd.s32 $0xFFFFF000  }
0x1e1: {  	_ =	swait.ge [sflag:s13], $0x1000  }
0x1e2: {  	[sflag:s13] =	ssyncset.done $0x0  }
0x1e3: {  	v58 =	vbroadcast v12, $0xA;
	[sflag:s13] =	ssyncadd.s32 $0xFFFFF000  }
0x1e4: {  	_ =	swait.ge [sflag:s13], $0x1000  }
0x1e5: {  	v59 =	vbroadcast v13, $0xA;
	v60 =	vadd.s32 v8, v58;
	[sflag:s13] =	ssyncset.done $0x0  }
0x1e6: {  	v14 =	vadd.s32 v9, v58;
	[sflag:s13] =	ssyncadd.s32 $0xFFFFF000  }
0x1e7: {  	v61 =	vadd.s32 v8, v59;
	_ =	swait.ge [sflag:s13], $0x1000  }
0x1e8: {  	v15 =	vadd.s32 v9, v59;
	[sflag:s13] =	ssyncset.done $0x0  }
0x1e9: {  	[sflag:s13] =	ssyncadd.s32 $0xFFFFF000  }
0x1ea: {  	v62 =	vld.idx.msk [tilespmem:v60+s20+$0x0], $0xffff  }
0x1eb: {  	v63 =	vld.idx.msk [tilespmem:v14+s20+$0x0], $0xffff  }
0x1ec: {  	v24 =	vld.idx.msk [tilespmem:v61+s21+$0x0], $0xffff  }
0x1ed: {  	v25 =	vld.idx.msk [tilespmem:v15+s21+$0x0], $0xffff  }
0x1ee: {  	v16 =	vld.idx.msk [tilespmem:v60+s22+$0x0], $0xffff  }
0x1ef: {  	v14 =	vld.idx.msk [tilespmem:v14+s22+$0x0], $0xffff  }
0x1f0: {  	v17 =	vld.idx.msk [tilespmem:v61+s23+$0x0], $0xffff  }
0x1f1: {  	v15 =	vld.idx.msk [tilespmem:v15+s23+$0x0], $0xffff;
	_ =	sdelay $0x1  }
0x1f2: {  	[tilespmem:$0x19500] =	vst v16  }
0x1f3: {  	[tilespmem:$0x19510] =	vst v14  }
0x1f4: {  	v18 =	vmul.f32 v24, v62;
	[tilespmem:$0x19D00] =	vst v17  }
0x1f5: {  	v19 =	vmul.f32 v25, v63;
	[tilespmem:$0x19D10] =	vst v15  }
0x1f6: {  	[tilespmem:$0x18D00] =	vst v18  }
0x1f7: {  	[tilespmem:$0x18D10] =	vst v19  }
0x1f8: {  	_ =	swait.ge [sflag:s14], $0x1000  }
0x1f9: {  	[sflag:s14] =	ssyncset.done $0x0  }
0x1fa: {  	[sflag:s14] =	ssyncadd.s32 $0xFFFFF000  }
0x1fb: {  	_ =	swait.ge [sflag:s14], $0x1000  }
0x1fc: {  	[sflag:s14] =	ssyncset.done $0x0  }
0x1fd: {  	v26 =	vbroadcast v12, $0xB;
	[sflag:s14] =	ssyncadd.s32 $0xFFFFF000  }
0x1fe: {  	_ =	swait.ge [sflag:s14], $0x1000  }
0x1ff: {  	v27 =	vbroadcast v13, $0xB;
	v28 =	vadd.s32 v10, v26;
	[sflag:s14] =	ssyncset.done $0x0  }
0x200: {  	v14 =	vadd.s32 v11, v26;
	[sflag:s14] =	ssyncadd.s32 $0xFFFFF000  }
0x201: {  	v29 =	vadd.s32 v10, v27;
	_ =	swait.ge [sflag:s14], $0x1000  }
0x202: {  	v15 =	vadd.s32 v11, v27;
	[sflag:s14] =	ssyncset.done $0x0  }
0x203: {  	[sflag:s14] =	ssyncadd.s32 $0xFFFFF000  }
0x204: {  	v30 =	vld.idx.msk [tilespmem:v28+s20+$0x0], $0xffff  }
0x205: {  	v31 =	vld.idx.msk [tilespmem:v14+s20+$0x0], $0xffff  }
0x206: {  	v32 =	vld.idx.msk [tilespmem:v29+s21+$0x0], $0xffff  }
0x207: {  	v33 =	vld.idx.msk [tilespmem:v15+s21+$0x0], $0xffff  }
0x208: {  	v16 =	vld.idx.msk [tilespmem:v28+s22+$0x0], $0xffff  }
0x209: {  	v14 =	vld.idx.msk [tilespmem:v14+s22+$0x0], $0xffff  }
0x20a: {  	v17 =	vld.idx.msk [tilespmem:v29+s23+$0x0], $0xffff  }
0x20b: {  	v15 =	vld.idx.msk [tilespmem:v15+s23+$0x0], $0xffff;
	_ =	sdelay $0x1  }
0x20c: {  	[tilespmem:$0x19580] =	vst v16  }
0x20d: {  	[tilespmem:$0x19590] =	vst v14  }
0x20e: {  	v18 =	vmul.f32 v32, v30;
	[tilespmem:$0x19D80] =	vst v17  }
0x20f: {  	v19 =	vmul.f32 v33, v31;
	[tilespmem:$0x19D90] =	vst v15  }
0x210: {  	[tilespmem:$0x18D80] =	vst v18  }
0x211: {  	[tilespmem:$0x18D90] =	vst v19  }
0x212: {  	_ =	swait.ge [sflag:s9], $0x1000  }
0x213: {  	[sflag:s9] =	ssyncset.done $0x0  }
0x214: {  	[sflag:s9] =	ssyncadd.s32 $0xFFFFF000  }
0x215: {  	_ =	swait.ge [sflag:s9], $0x1000  }
0x216: {  	[sflag:s9] =	ssyncset.done $0x0  }
0x217: {  	v34 =	vbroadcast v12, $0xC;
	[sflag:s9] =	ssyncadd.s32 $0xFFFFF000  }
0x218: {  	_ =	swait.ge [sflag:s9], $0x1000  }
0x219: {  	v35 =	vbroadcast v13, $0xC;
	v36 =	vadd.s32 v0, v34;
	[sflag:s9] =	ssyncset.done $0x0  }
0x21a: {  	v14 =	vadd.s32 v1, v34;
	[sflag:s9] =	ssyncadd.s32 $0xFFFFF000  }
0x21b: {  	v37 =	vadd.s32 v0, v35;
	_ =	swait.ge [sflag:s9], $0x1000  }
0x21c: {  	v15 =	vadd.s32 v1, v35;
	[sflag:s9] =	ssyncset.done $0x0  }
0x21d: {  	[sflag:s9] =	ssyncadd.s32 $0xFFFFF000  }
0x21e: {  	v38 =	vld.idx.msk [tilespmem:v36+s20+$0x0], $0xffff  }
0x21f: {  	v39 =	vld.idx.msk [tilespmem:v14+s20+$0x0], $0xffff  }
0x220: {  	v40 =	vld.idx.msk [tilespmem:v37+s21+$0x0], $0xffff  }
0x221: {  	v41 =	vld.idx.msk [tilespmem:v15+s21+$0x0], $0xffff  }
0x222: {  	v16 =	vld.idx.msk [tilespmem:v36+s22+$0x0], $0xffff  }
0x223: {  	v14 =	vld.idx.msk [tilespmem:v14+s22+$0x0], $0xffff  }
0x224: {  	v17 =	vld.idx.msk [tilespmem:v37+s23+$0x0], $0xffff  }
0x225: {  	v15 =	vld.idx.msk [tilespmem:v15+s23+$0x0], $0xffff;
	_ =	sdelay $0x1  }
0x226: {  	[tilespmem:$0x19600] =	vst v16  }
0x227: {  	[tilespmem:$0x19610] =	vst v14  }
0x228: {  	v18 =	vmul.f32 v40, v38;
	[tilespmem:$0x19E00] =	vst v17  }
0x229: {  	v19 =	vmul.f32 v41, v39;
	[tilespmem:$0x19E10] =	vst v15  }
0x22a: {  	[tilespmem:$0x18E00] =	vst v18  }
0x22b: {  	[tilespmem:$0x18E10] =	vst v19  }
0x22c: {  	_ =	swait.ge [sflag:s10], $0x1000  }
0x22d: {  	[sflag:s10] =	ssyncset.done $0x0  }
0x22e: {  	[sflag:s10] =	ssyncadd.s32 $0xFFFFF000  }
0x22f: {  	_ =	swait.ge [sflag:s10], $0x1000  }
0x230: {  	[sflag:s10] =	ssyncset.done $0x0  }
0x231: {  	v42 =	vbroadcast v12, $0xD;
	[sflag:s10] =	ssyncadd.s32 $0xFFFFF000  }
0x232: {  	_ =	swait.ge [sflag:s10], $0x1000  }
0x233: {  	v43 =	vbroadcast v13, $0xD;
	v44 =	vadd.s32 v2, v42;
	[sflag:s10] =	ssyncset.done $0x0  }
0x234: {  	v14 =	vadd.s32 v3, v42;
	[sflag:s10] =	ssyncadd.s32 $0xFFFFF000  }
0x235: {  	v45 =	vadd.s32 v2, v43;
	_ =	swait.ge [sflag:s10], $0x1000  }
0x236: {  	v15 =	vadd.s32 v3, v43;
	[sflag:s10] =	ssyncset.done $0x0  }
0x237: {  	[sflag:s10] =	ssyncadd.s32 $0xFFFFF000  }
0x238: {  	v46 =	vld.idx.msk [tilespmem:v44+s20+$0x0], $0xffff  }
0x239: {  	v47 =	vld.idx.msk [tilespmem:v14+s20+$0x0], $0xffff  }
0x23a: {  	v48 =	vld.idx.msk [tilespmem:v45+s21+$0x0], $0xffff  }
0x23b: {  	v49 =	vld.idx.msk [tilespmem:v15+s21+$0x0], $0xffff  }
0x23c: {  	v16 =	vld.idx.msk [tilespmem:v44+s22+$0x0], $0xffff  }
0x23d: {  	v14 =	vld.idx.msk [tilespmem:v14+s22+$0x0], $0xffff  }
0x23e: {  	v17 =	vld.idx.msk [tilespmem:v45+s23+$0x0], $0xffff  }
0x23f: {  	v15 =	vld.idx.msk [tilespmem:v15+s23+$0x0], $0xffff;
	_ =	sdelay $0x1  }
0x240: {  	[tilespmem:$0x19680] =	vst v16  }
0x241: {  	[tilespmem:$0x19690] =	vst v14  }
0x242: {  	v18 =	vmul.f32 v48, v46;
	[tilespmem:$0x19E80] =	vst v17  }
0x243: {  	v19 =	vmul.f32 v49, v47;
	[tilespmem:$0x19E90] =	vst v15  }
0x244: {  	[tilespmem:$0x18E80] =	vst v18  }
0x245: {  	[tilespmem:$0x18E90] =	vst v19  }
0x246: {  	_ =	swait.ge [sflag:s11], $0x1000  }
0x247: {  	[sflag:s11] =	ssyncset.done $0x0  }
0x248: {  	[sflag:s11] =	ssyncadd.s32 $0xFFFFF000  }
0x249: {  	_ =	swait.ge [sflag:s11], $0x1000  }
0x24a: {  	[sflag:s11] =	ssyncset.done $0x0  }
0x24b: {  	v50 =	vbroadcast v12, $0xE;
	[sflag:s11] =	ssyncadd.s32 $0xFFFFF000  }
0x24c: {  	_ =	swait.ge [sflag:s11], $0x1000  }
0x24d: {  	v51 =	vbroadcast v13, $0xE;
	v52 =	vadd.s32 v4, v50;
	[sflag:s11] =	ssyncset.done $0x0  }
0x24e: {  	v14 =	vadd.s32 v5, v50;
	[sflag:s11] =	ssyncadd.s32 $0xFFFFF000  }
0x24f: {  	v53 =	vadd.s32 v4, v51;
	_ =	swait.ge [sflag:s11], $0x1000  }
0x250: {  	v15 =	vadd.s32 v5, v51;
	[sflag:s11] =	ssyncset.done $0x0  }
0x251: {  	[sflag:s11] =	ssyncadd.s32 $0xFFFFF000  }
0x252: {  	v54 =	vld.idx.msk [tilespmem:v52+s20+$0x0], $0xffff  }
0x253: {  	v55 =	vld.idx.msk [tilespmem:v14+s20+$0x0], $0xffff  }
0x254: {  	v56 =	vld.idx.msk [tilespmem:v53+s21+$0x0], $0xffff  }
0x255: {  	v57 =	vld.idx.msk [tilespmem:v15+s21+$0x0], $0xffff  }
0x256: {  	v16 =	vld.idx.msk [tilespmem:v52+s22+$0x0], $0xffff  }
0x257: {  	v14 =	vld.idx.msk [tilespmem:v14+s22+$0x0], $0xffff  }
0x258: {  	v17 =	vld.idx.msk [tilespmem:v53+s23+$0x0], $0xffff  }
0x259: {  	v15 =	vld.idx.msk [tilespmem:v15+s23+$0x0], $0xffff;
	_ =	sdelay $0x1  }
0x25a: {  	[tilespmem:$0x19700] =	vst v16  }
0x25b: {  	[tilespmem:$0x19710] =	vst v14  }
0x25c: {  	v18 =	vmul.f32 v56, v54;
	[tilespmem:$0x19F00] =	vst v17  }
0x25d: {  	v19 =	vmul.f32 v57, v55;
	[tilespmem:$0x19F10] =	vst v15  }
0x25e: {  	[tilespmem:$0x18F00] =	vst v18  }
0x25f: {  	[tilespmem:$0x18F10] =	vst v19  }
0x260: {  	_ =	swait.ge [sflag:s12], $0x1000  }
0x261: {  	[sflag:s12] =	ssyncset.done $0x0  }
0x262: {  	[sflag:s12] =	ssyncadd.s32 $0xFFFFF000  }
0x263: {  	_ =	swait.ge [sflag:s12], $0x1000  }
0x264: {  	[sflag:s12] =	ssyncset.done $0x0  }
0x265: {  	v12 =	vbroadcast v12, $0xF;
	[sflag:s12] =	ssyncadd.s32 $0xFFFFF000  }
0x266: {  	_ =	swait.ge [sflag:s12], $0x1000  }
0x267: {  	v13 =	vbroadcast v13, $0xF;
	v58 =	vadd.s32 v6, v12;
	[sflag:s12] =	ssyncset.done $0x0  }
0x268: {  	v12 =	vadd.s32 v7, v12;
	[sflag:s12] =	ssyncadd.s32 $0xFFFFF000  }
0x269: {  	v59 =	vadd.s32 v6, v13;
	_ =	swait.ge [sflag:s12], $0x1000  }
0x26a: {  	v13 =	vadd.s32 v7, v13;
	[sflag:s12] =	ssyncset.done $0x0  }
0x26b: {  	[sflag:s12] =	ssyncadd.s32 $0xFFFFF000  }
0x26c: {  	v60 =	vld.idx.msk [tilespmem:v58+s20+$0x0], $0xffff  }
0x26d: {  	v61 =	vld.idx.msk [tilespmem:v12+s20+$0x0], $0xffff  }
0x26e: {  	v62 =	vld.idx.msk [tilespmem:v59+s21+$0x0], $0xffff  }
0x26f: {  	v63 =	vld.idx.msk [tilespmem:v13+s21+$0x0], $0xffff  }
0x270: {  	v14 =	vld.idx.msk [tilespmem:v58+s22+$0x0], $0xffff  }
0x271: {  	v12 =	vld.idx.msk [tilespmem:v12+s22+$0x0], $0xffff  }
0x272: {  	v15 =	vld.idx.msk [tilespmem:v59+s23+$0x0], $0xffff  }
0x273: {  	v13 =	vld.idx.msk [tilespmem:v13+s23+$0x0], $0xffff;
	_ =	sdelay $0x1  }
0x274: {  	[tilespmem:$0x19780] =	vst v14  }
0x275: {  	[tilespmem:$0x19790] =	vst v12  }
0x276: {  	v16 =	vmul.f32 v62, v60;
	[tilespmem:$0x19F80] =	vst v15  }
0x277: {  	v17 =	vmul.f32 v63, v61;
	[tilespmem:$0x19F90] =	vst v13  }
0x278: {  	[tilespmem:$0x18F80] =	vst v16  }
0x279: {  	s5 =	simm.s32 $0x7;
	s28 =	simm.s32 $0x0;
	s29 =	rddreg [dreg:$0xa];
	[tilespmem:$0x18F90] =	vst v17  }
0x27a: {  	[hbm4b:s6+s28] =	stream.linear.scatter [tilespmem:s29], [sflag:$0x7], $0x800, $0x38;
	[tilespmem:$0x1A000] =	vst v63  }
0x27b: {  	_ =	swait.ge [sflag:s5], $0x800  }
0x27c: {  	[sflag:s5] =	ssyncset.done $0x0  }
0x27d: {  	s30 =	rddreg [dreg:$0xb];
	[sflag:s5] =	ssyncadd.s32 $0xFFFFF800  }
0x27e: {  	[hbm4b:s24+s28] =	stream.linear.scatter [tilespmem:s30], [sflag:$0x7], $0x800, $0x38;
	[tilespmem:$0x1A000] =	vst v63  }
0x27f: {  	_ =	swait.ge [sflag:s5], $0x800  }
0x280: {  	p0 =	sne.s32 s25, $0x7C0;
	[sflag:s5] =	ssyncset.done $0x0  }
.Ltmp0:
0x281: {  	s31 =	rddreg [dreg:$0xc];
	[sflag:s5] =	ssyncadd.s32 $0xFFFFF800;
	(pc) =	sbr.rel @p0 .LBB2_2-.Ltmp0, $4  }
0x282: {  	[hbm4b:s8+s28] =	stream.linear.scatter [tilespmem:s31], [sflag:$0x7], $0x800, $0x38;
	[tilespmem:$0x1A000] =	vst v63  }
0x283: {  	_ =	swait.ge [sflag:s5], $0x800  }
0x284: {  	s25 =	sadd.s32 $0x40, s25;
	s6 =	sadd.s32 $0x100, s6;
	[sflag:s5] =	ssyncset.done $0x0  }
0x285: {  	s24 =	sadd.s32 $0x100, s24;
	s8 =	sadd.s32 $0x100, s8;
	[sflag:s5] =	ssyncadd.s32 $0xFFFFF800  }
0x286: {  	s0 =	rddreg [dreg:$0x15]  }
0x287: {  	s6 =	rddreg [dreg:$0x11];
	s0 =	sadd.s32 $0x1, s0  }
0x288: {  	p0 =	sne.s32 s0, s6  }
.Ltmp1:
0x289: {  	_ = 	snop;
	(pc) =	sbr.rel @p0 .LBB2_1-.Ltmp1, $1  }
0x28a: {  	_ =	sdelay $0x3  }
0x28b: {  	_ =	sfence.sel $0x180000  }
0x28c: {  	[bflag:$0x0] =	sbarrier.arrive $0xFFFF  }
0x28d: {  	_ =	strace $0x90000047  }
0x28e: {  	s0 =	stileid.u32;
	[bflag:$0x2] =	sbarrier.arrive $0xFFFF  }
0x28f: {  	p0 =	sne.s32 s0, $0x0;
	s0 =	rddreg [dreg:$0x9]  }
0x290: {  	s0 =	sadd.s32 @!p0 $0x100000, s0  }
0x291: {  	[sflag:s0] =	ssyncadd.tile.s32 @!p0 $0x1;
	_ =	shalt  }
.Lfunc_end2:
_tile_overlayer_lowered:
.L_overlay_start_2:
0x292: {  	(tag) =	ssettag $0x2  }
0x293: {  	s0 =	rddreg [dreg:$0x0];
	s2 =	stileid.u32  }
0x294: {  	s1 =	rddreg [dreg:$0x1];
	p0 =	sne.s32 s2, $0x0  }
0x295: {  	s3 =	rddreg [dreg:$0x2];
	[bflag:$0x3] =	sbarrier.arrive $0xFFFF;
	s2 =	simm.s32 @!p0 $0x1C07  }
0x296: {  	[timem:s3], [sflag:s2] =	dma.local @!p0 [hbm:s0], s1  }
0x297: {  	s0 =	simm.s32 @!p0 $0x7  }
0x298: {  	_ =	swait.ge @!p0 [sflag:s0], s1  }
0x299: {  	s1 =	ssub.s32 @!p0 $0x0, s1;
	[sflag:s0] =	ssyncset.done @!p0 $0x0  }
0x29a: {  	[sflag:s0] =	ssyncadd.s32 @!p0 s1  }
0x29b: {  	[bflag:$0x3] =	sbarrier.arrive $0xFFFF  }
0x29c: {  	_ =	shalt  }

</sc_bundles>
